<compile_context>
chip_gen: v7x
topology: tpu7x:2x2x1
jax: 0.10.2.dev20260603
libtpu: 0.0.44.dev20260713+nightly
codegen_flags: <defaults>
</compile_context>

<pallas_src>
import functools

import jax
import jax.numpy as jnp
from jax import lax
from jax.experimental import pallas as pl
from jax.experimental.pallas import tpu as pltpu
from jax.experimental.pallas import tpu_sc as plsc

B = 16384
D = 64
NC = 2
NS = 16
NW = NC * NS
BPW = B // NW
NPASS = 2
PB = BPW // NPASS
BLK = 16
NSEM = 4


def _nrsqrt(y):
    i = lax.bitcast_convert_type(y, jnp.int32)
    i = jnp.int32(0x5F3759DF) - lax.shift_right_arithmetic(i, 1)
    x = lax.bitcast_convert_type(i, jnp.float32)
    for _ in range(3):
        x = x * (1.5 - 0.5 * y * x * x)
    return x


def _gmf_body(job_hbm, geek_hbm, jemb_hbm, gemb_hbm, w_hbm, out_hbm,
              idx_j, idx_g, rows_j, rows_g, w_v, out_v, sem):
    wid = lax.axis_index("s") * NC + lax.axis_index("c")
    base = wid * BPW

    pltpu.sync_copy(w_hbm, w_v)
    pltpu.sync_copy(job_hbm.at[pl.ds(base, BPW)], idx_j)
    pltpu.sync_copy(geek_hbm.at[pl.ds(base, BPW)], idx_g)

    wv = [w_v[pl.ds(c * 16, 16)] for c in range(D // 16)]
    lane = lax.iota(jnp.int32, 16)
    perms = [jnp.bitwise_xor(lane, s) for s in (8, 4, 2, 1)]

    gdn = lax.GatherDimensionNumbers(
        offset_dims=(), collapsed_slice_dims=(0,), start_index_map=(0,))

    def lanesum(v):
        for p in perms:
            v = v + lax.gather(v, p[:, None], gdn, (1,),
                               mode=lax.GatherScatterMode.PROMISE_IN_BOUNDS)
        return v

    def one_pass(p, pcarry):
        pbase = p * PB

        @plsc.parallel_loop(0, PB // 16)
        def fire_j(g):
            row0 = g * 16
            jv = idx_j[pl.ds(pbase + row0, 16)]
            for ln in range(16):
                pltpu.make_async_copy(
                    jemb_hbm.at[jv[ln]], rows_j.at[row0 + ln],
                    sem.at[ln % NSEM]).start()

        @plsc.parallel_loop(0, PB // 16)
        def fire_g(g):
            row0 = g * 16
            gv = idx_g[pl.ds(pbase + row0, 16)]
            for ln in range(16):
                pltpu.make_async_copy(
                    gemb_hbm.at[gv[ln]], rows_g.at[row0 + ln],
                    sem.at[ln % NSEM]).start()

        for k in range(NSEM):
            pltpu.make_async_copy(
                jemb_hbm.at[pl.ds(0, 2 * PB // NSEM)],
                rows_j.at[pl.ds(0, 2 * PB // NSEM)], sem.at[k]).wait()

        def block(blk, carry):
            row0 = blk * BLK
            vx = jnp.zeros((16,), jnp.float32)
            vjj = jnp.zeros((16,), jnp.float32)
            vgg = jnp.zeros((16,), jnp.float32)
            for r in range(BLK):
                row = row0 + r
                px = jnp.zeros((16,), jnp.float32)
                pjj = jnp.zeros((16,), jnp.float32)
                pgg = jnp.zeros((16,), jnp.float32)
                for c in range(D // 16):
                    jv = rows_j[row, pl.ds(c * 16, 16)]
                    gv = rows_g[row, pl.ds(c * 16, 16)]
                    px = px + jv * gv * wv[c]
                    pjj = pjj + jv * jv
                    pgg = pgg + gv * gv
                m = lane == r
                vx = jnp.where(m, lanesum(px), vx)
                vjj = jnp.where(m, lanesum(pjj), vjj)
                vgg = jnp.where(m, lanesum(pgg), vgg)
            out_v[pl.ds(pbase + row0, BLK)] = vx * _nrsqrt(vjj * vgg)
            return carry

        lax.fori_loop(0, PB // BLK, block, 0)
        return pcarry

    lax.fori_loop(0, NPASS, one_pass, 0)
    pltpu.sync_copy(out_v, out_hbm.at[pl.ds(base, BPW)])


@functools.partial(jax.jit, static_argnums=())
def _gmf(job_f, geek_f, job_emb, geek_emb, w_f):
    mesh = plsc.VectorSubcoreMesh(core_axis_name="c", subcore_axis_name="s")
    run = functools.partial(
        pl.kernel,
        out_type=jax.ShapeDtypeStruct((B,), jnp.float32),
        mesh=mesh,
        scratch_types=[
            pltpu.VMEM((BPW,), jnp.int32),
            pltpu.VMEM((BPW,), jnp.int32),
            pltpu.VMEM((PB, D), jnp.float32),
            pltpu.VMEM((PB, D), jnp.float32),
            pltpu.VMEM((D,), jnp.float32),
            pltpu.VMEM((BPW,), jnp.float32),
            pltpu.SemaphoreType.DMA((NSEM,)),
        ],
    )(_gmf_body)
    return run(job_f, geek_f, job_emb, geek_emb, w_f)


def kernel(job, geek, job_emb, geek_emb, W):
    job_f = job.reshape(-1).astype(jnp.int32)
    geek_f = geek.reshape(-1).astype(jnp.int32)
    w_f = W.reshape(-1)
    out = _gmf(job_f, geek_f, job_emb, geek_emb, w_f)
    return out.reshape(B, 1)

# --- scband reference (transcript-rebuilt; emitter-appended) ---
"""Pipeline reference for scband-gmf-84653805404609 (READ-ONLY COPY).

The authoritative reference and input builder live on the scoring server;
editing this copy changes nothing except your own understanding.
"""

import jax, jax.numpy as jnp
import numpy as np

N_JOB = 1000000
N_GEEK = 1000000
DIM = 64
BATCH = 16384

def setup_inputs(seed: int = 0) -> dict:
    key = jax.random.key(seed)
    k1, k2, k3, k4, k5 = jax.random.split(key, 5)
    job = jax.random.randint(k1, (BATCH, 1), 0, N_JOB, dtype=jnp.int64) if jax.config.jax_enable_x64 else jax.random.randint(k1, (BATCH, 1), 0, N_JOB, dtype=jnp.int32)
    geek = jax.random.randint(k2, (BATCH, 1), 0, N_GEEK, dtype=job.dtype)
    job_emb = jax.random.normal(k3, (N_JOB, DIM), dtype=jnp.float32) * 0.05
    geek_emb = jax.random.normal(k4, (N_GEEK, DIM), dtype=jnp.float32) * 0.05
    # nn.Linear(DIM, 1, bias=False) weight: shape [1, DIM]
    W = jax.random.normal(k5, (1, DIM), dtype=jnp.float32) * (1.0 / np.sqrt(DIM))
    return {"job": job, "geek": geek, "job_emb": job_emb, "geek_emb": geek_emb, "W": W}

def reference(job, geek, job_emb, geek_emb, W):
    # embedding lookups (gather)
    j = jnp.take(job_emb, job, axis=0)   # [B, 1, D]
    g = jnp.take(geek_emb, geek, axis=0) # [B, 1, D]
    x = j * g                             # [B, 1, D]
    x = jnp.einsum('bld,od->blo', x, W)   # [B, 1, 1]
    x = jnp.squeeze(x, axis=2)            # [B, 1]
    job_l2 = jnp.linalg.norm(j, axis=2)   # [B, 1]
    geek_l2 = jnp.linalg.norm(g, axis=2)  # [B, 1]
    l2 = job_l2 * geek_l2
    x = x / l2
    return x

if __name__ == "__main__":
    import jax
    _d = setup_inputs()
    print(jax.jit(kernel)(*tuple(_d.values())))

</pallas_src>

<mosaic_0001>
#map = affine_map<(d0, d1) -> (0)>
#map1 = affine_map<(d0, d1) -> (0, 0)>
module attributes {stable_mosaic.version = 14 : i64} {
  func.func @_gmf_body(%arg0: i32, %arg1: i32, %arg2: memref<16384xi32, #tpu.memory_space<hbm>>, %arg3: memref<16384xi32, #tpu.memory_space<hbm>>, %arg4: memref<1000000x64xf32, #tpu.memory_space<hbm>>, %arg5: memref<1000000x64xf32, #tpu.memory_space<hbm>>, %arg6: memref<64xf32, #tpu.memory_space<hbm>>, %arg7: memref<16384xf32, #tpu.memory_space<hbm>>, %arg8: memref<512xi32, #tpu.memory_space<vmem>>, %arg9: memref<512xi32, #tpu.memory_space<vmem>>, %arg10: memref<256x64xf32, #tpu.memory_space<vmem>>, %arg11: memref<256x64xf32, #tpu.memory_space<vmem>>, %arg12: memref<64xf32, #tpu.memory_space<vmem>>, %arg13: memref<512xf32, #tpu.memory_space<vmem>>, %arg14: memref<4x!tpu.dma_semaphore, #tpu.memory_space<semaphore_mem>>) attributes {dimension_semantics = [#tpu.dimension_semantics<core_parallel>, #tpu.dimension_semantics<subcore_parallel>], iteration_bounds = array<i64: 2, 16>, scalar_prefetch = 0 : i64, scratch_operands = 7 : i64, tpu.core_type = #tpu.core_type<sc_vector_subcore>, window_params = [{transform_indices = #map}, {transform_indices = #map}, {transform_indices = #map1}, {transform_indices = #map1}, {transform_indices = #map}, {transform_indices = #map}]} {
    %mul3A = arith.constant 2 : i32
    %mul3A_0 = arith.muli %arg1, %mul3A : i32
    %add3A = arith.addi %mul3A_0, %arg0 : i32
    %mul3A_1 = arith.constant 512 : i32
    %mul3A_2 = arith.muli %add3A, %mul3A_1 : i32
    "tpu.region"() ({
      %run_scoped3A = tpu.sem_alloc : memref<!tpu.dma_semaphore, #tpu.memory_space<semaphore_mem>>
      tpu.enqueue_dma source(%arg6 : memref<64xf32, #tpu.memory_space<hbm>>) target(%arg12 : memref<64xf32, #tpu.memory_space<vmem>>) target_semaphore(%run_scoped3A : memref<!tpu.dma_semaphore, #tpu.memory_space<semaphore_mem>>)
      tpu.wait_dma2 semaphore(%run_scoped3A : memref<!tpu.dma_semaphore, #tpu.memory_space<semaphore_mem>>) src(%arg6 : memref<64xf32, #tpu.memory_space<hbm>>) dst(%arg12 : memref<64xf32, #tpu.memory_space<vmem>>)
      tpu.yield
    }) : () -> ()
    "tpu.region"() ({
      %run_scoped3A = tpu.sem_alloc : memref<!tpu.dma_semaphore, #tpu.memory_space<semaphore_mem>>
      %dma_start3A = tpu.memref_slice %arg2[%mul3A_2] : memref<16384xi32, #tpu.memory_space<hbm>> -> memref<512xi32, #tpu.memory_space<hbm>>
      %dma_start3A_30 = tpu.memref_slice %arg2[%mul3A_2] : memref<16384xi32, #tpu.memory_space<hbm>> -> memref<512xi32, #tpu.memory_space<hbm>>
      tpu.enqueue_dma source(%dma_start3A_30 : memref<512xi32, #tpu.memory_space<hbm>>) target(%arg8 : memref<512xi32, #tpu.memory_space<vmem>>) target_semaphore(%run_scoped3A : memref<!tpu.dma_semaphore, #tpu.memory_space<semaphore_mem>>)
      %dma_wait3A = tpu.memref_slice %arg2[%mul3A_2] : memref<16384xi32, #tpu.memory_space<hbm>> -> memref<512xi32, #tpu.memory_space<hbm>>
      %dma_wait3A_31 = tpu.memref_slice %arg2[%mul3A_2] : memref<16384xi32, #tpu.memory_space<hbm>> -> memref<512xi32, #tpu.memory_space<hbm>>
      tpu.wait_dma2 semaphore(%run_scoped3A : memref<!tpu.dma_semaphore, #tpu.memory_space<semaphore_mem>>) src(%dma_wait3A_31 : memref<512xi32, #tpu.memory_space<hbm>>) dst(%arg8 : memref<512xi32, #tpu.memory_space<vmem>>)
      tpu.yield
    }) : () -> ()
    "tpu.region"() ({
      %run_scoped3A = tpu.sem_alloc : memref<!tpu.dma_semaphore, #tpu.memory_space<semaphore_mem>>
      %dma_start3A = tpu.memref_slice %arg3[%mul3A_2] : memref<16384xi32, #tpu.memory_space<hbm>> -> memref<512xi32, #tpu.memory_space<hbm>>
      %dma_start3A_30 = tpu.memref_slice %arg3[%mul3A_2] : memref<16384xi32, #tpu.memory_space<hbm>> -> memref<512xi32, #tpu.memory_space<hbm>>
      tpu.enqueue_dma source(%dma_start3A_30 : memref<512xi32, #tpu.memory_space<hbm>>) target(%arg9 : memref<512xi32, #tpu.memory_space<vmem>>) target_semaphore(%run_scoped3A : memref<!tpu.dma_semaphore, #tpu.memory_space<semaphore_mem>>)
      %dma_wait3A = tpu.memref_slice %arg3[%mul3A_2] : memref<16384xi32, #tpu.memory_space<hbm>> -> memref<512xi32, #tpu.memory_space<hbm>>
      %dma_wait3A_31 = tpu.memref_slice %arg3[%mul3A_2] : memref<16384xi32, #tpu.memory_space<hbm>> -> memref<512xi32, #tpu.memory_space<hbm>>
      tpu.wait_dma2 semaphore(%run_scoped3A : memref<!tpu.dma_semaphore, #tpu.memory_space<semaphore_mem>>) src(%dma_wait3A_31 : memref<512xi32, #tpu.memory_space<hbm>>) dst(%arg9 : memref<512xi32, #tpu.memory_space<vmem>>)
      tpu.yield
    }) : () -> ()
    %get3A = arith.constant 0 : index
    %get3A_3 = tpu.vector_load %arg12[%get3A] {strides = array<i32>} : memref<64xf32, #tpu.memory_space<vmem>>, vector<16xf32>,
    %get3A_4 = vector.shape_cast %get3A_3 : vector<16xf32> to vector<16xf32>
    %get3A_5 = arith.constant 16 : index
    %get3A_6 = tpu.vector_load %arg12[%get3A_5] {strides = array<i32>} : memref<64xf32, #tpu.memory_space<vmem>>, vector<16xf32>,
    %get3A_7 = vector.shape_cast %get3A_6 : vector<16xf32> to vector<16xf32>
    %get3A_8 = arith.constant 32 : index
    %get3A_9 = tpu.vector_load %arg12[%get3A_8] {strides = array<i32>} : memref<64xf32, #tpu.memory_space<vmem>>, vector<16xf32>,
    %get3A_10 = vector.shape_cast %get3A_9 : vector<16xf32> to vector<16xf32>
    %get3A_11 = arith.constant 48 : index
    %get3A_12 = tpu.vector_load %arg12[%get3A_11] {strides = array<i32>} : memref<64xf32, #tpu.memory_space<vmem>>, vector<16xf32>,
    %get3A_13 = vector.shape_cast %get3A_12 : vector<16xf32> to vector<16xf32>
    %iota3A = tpu.iota {dimensions = array<i32: 0>} : vector<16xi32>
    %xor3A = arith.constant 8 : i32
    %xor3A_14 = vector.broadcast %xor3A : i32 to vector<16xi32>
    %xor3A_15 = arith.xori %iota3A, %xor3A_14 : vector<16xi32>
    %xor3A_16 = arith.constant 4 : i32
    %xor3A_17 = vector.broadcast %xor3A_16 : i32 to vector<16xi32>
    %xor3A_18 = arith.xori %iota3A, %xor3A_17 : vector<16xi32>
    %xor3A_19 = arith.constant 2 : i32
    %xor3A_20 = vector.broadcast %xor3A_19 : i32 to vector<16xi32>
    %xor3A_21 = arith.xori %iota3A, %xor3A_20 : vector<16xi32>
    %xor3A_22 = arith.constant 1 : i32
    %xor3A_23 = vector.broadcast %xor3A_22 : i32 to vector<16xi32>
    %xor3A_24 = arith.xori %iota3A, %xor3A_23 : vector<16xi32>
    %scan3A = arith.constant 0 : i32
    %scan3A_25 = arith.constant 0 : i32
    %scan3A_26 = arith.constant 2 : i32
    %scan3A_27 = arith.addi %scan3A_25, %scan3A_26 : i32
    %scan3A_28 = arith.constant 1 : i32
    scf.for %scan3A_30 = %scan3A_25 to %scan3A_27 step %scan3A_28  : i32 {
      %mul3A_31 = arith.constant 256 : i32
      %mul3A_32 = arith.muli %scan3A_30, %mul3A_31 : i32
      %parallel_loop3A = arith.constant 0 : i32
      %parallel_loop3A_33 = arith.constant 16 : i32
      %parallel_loop3A_34 = arith.constant 1 : i32
      scf.for %parallel_loop3A_103 = %parallel_loop3A to %parallel_loop3A_33 step %parallel_loop3A_34  : i32 {
        %parallel_loop3A_104 = arith.constant 16 : i32
        %parallel_loop3A_105 = arith.muli %parallel_loop3A_103, %parallel_loop3A_104 : i32
        %parallel_loop3A_106 = arith.addi %mul3A_32, %parallel_loop3A_105 : i32
        %parallel_loop3A_107 = arith.index_cast %parallel_loop3A_106 : i32 to index
        %parallel_loop3A_108 = tpu.vector_load %arg8[%parallel_loop3A_107] {strides = array<i32>} : memref<512xi32, #tpu.memory_space<vmem>>, vector<16xi32>,
        %parallel_loop3A_109 = vector.shape_cast %parallel_loop3A_108 : vector<16xi32> to vector<16xi32>
        %parallel_loop3A_110 = vector.extract_strided_slice %parallel_loop3A_109 {offsets = [0], sizes = [1], strides = [1]} : vector<16xi32> to vector<1xi32>
        %parallel_loop3A_111 = vector.extract %parallel_loop3A_110[0] : i32 from vector<1xi32>
        %parallel_loop3A_112 = arith.constant 0 : i32
        %parallel_loop3A_113 = arith.addi %parallel_loop3A_105, %parallel_loop3A_112 : i32
        %parallel_loop3A_114 = arith.constant 0 : i32
        %parallel_loop3A_115 = arith.constant 0 : i32
        %parallel_loop3A_116 = tpu.memref_slice %arg10[%parallel_loop3A_113, %parallel_loop3A_115] : memref<256x64xf32, #tpu.memory_space<vmem>> -> memref<1x64xf32, #tpu.memory_space<vmem>>
        %parallel_loop3A_117 = tpu.memref_squeeze %parallel_loop3A_116 : memref<1x64xf32, #tpu.memory_space<vmem>> -> memref<64xf32, #tpu.memory_space<vmem>>
        %parallel_loop3A_118 = arith.constant 0 : i32
        %parallel_loop3A_119 = tpu.memref_slice %arg4[%parallel_loop3A_111, %parallel_loop3A_118] : memref<1000000x64xf32, #tpu.memory_space<hbm>> -> memref<1x64xf32, #tpu.memory_space<hbm>>
        %parallel_loop3A_120 = tpu.memref_squeeze %parallel_loop3A_119 : memref<1x64xf32, #tpu.memory_space<hbm>> -> memref<64xf32, #tpu.memory_space<hbm>>
        %parallel_loop3A_121 = tpu.memref_slice %arg14[%parallel_loop3A_114] : memref<4x!tpu.dma_semaphore, #tpu.memory_space<semaphore_mem>> -> memref<1x!tpu.dma_semaphore, #tpu.memory_space<semaphore_mem>>
        %parallel_loop3A_122 = tpu.memref_squeeze %parallel_loop3A_121 : memref<1x!tpu.dma_semaphore, #tpu.memory_space<semaphore_mem>> -> memref<!tpu.dma_semaphore, #tpu.memory_space<semaphore_mem>>
        %parallel_loop3A_123 = arith.constant 0 : i32
        %parallel_loop3A_124 = tpu.memref_slice %arg10[%parallel_loop3A_113, %parallel_loop3A_123] : memref<256x64xf32, #tpu.memory_space<vmem>> -> memref<1x64xf32, #tpu.memory_space<vmem>>
        %parallel_loop3A_125 = tpu.memref_squeeze %parallel_loop3A_124 : memref<1x64xf32, #tpu.memory_space<vmem>> -> memref<64xf32, #tpu.memory_space<vmem>>
        %parallel_loop3A_126 = arith.constant 0 : i32
        %parallel_loop3A_127 = tpu.memref_slice %arg4[%parallel_loop3A_111, %parallel_loop3A_126] : memref<1000000x64xf32, #tpu.memory_space<hbm>> -> memref<1x64xf32, #tpu.memory_space<hbm>>
        %parallel_loop3A_128 = tpu.memref_squeeze %parallel_loop3A_127 : memref<1x64xf32, #tpu.memory_space<hbm>> -> memref<64xf32, #tpu.memory_space<hbm>>
        tpu.enqueue_dma source(%parallel_loop3A_128 : memref<64xf32, #tpu.memory_space<hbm>>) target(%parallel_loop3A_125 : memref<64xf32, #tpu.memory_space<vmem>>) target_semaphore(%parallel_loop3A_122 : memref<!tpu.dma_semaphore, #tpu.memory_space<semaphore_mem>>)
        %parallel_loop3A_129 = vector.extract_strided_slice %parallel_loop3A_109 {offsets = [1], sizes = [1], strides = [1]} : vector<16xi32> to vector<1xi32>
        %parallel_loop3A_130 = vector.extract %parallel_loop3A_129[0] : i32 from vector<1xi32>
        %parallel_loop3A_131 = arith.constant 1 : i32
        %parallel_loop3A_132 = arith.addi %parallel_loop3A_105, %parallel_loop3A_131 : i32
        %parallel_loop3A_133 = arith.constant 1 : i32
        %parallel_loop3A_134 = arith.constant 0 : i32
        %parallel_loop3A_135 = tpu.memref_slice %arg10[%parallel_loop3A_132, %parallel_loop3A_134] : memref<256x64xf32, #tpu.memory_space<vmem>> -> memref<1x64xf32, #tpu.memory_space<vmem>>
        %parallel_loop3A_136 = tpu.memref_squeeze %parallel_loop3A_135 : memref<1x64xf32, #tpu.memory_space<vmem>> -> memref<64xf32, #tpu.memory_space<vmem>>
        %parallel_loop3A_137 = arith.constant 0 : i32
        %parallel_loop3A_138 = tpu.memref_slice %arg4[%parallel_loop3A_130, %parallel_loop3A_137] : memref<1000000x64xf32, #tpu.memory_space<hbm>> -> memref<1x64xf32, #tpu.memory_space<hbm>>
        %parallel_loop3A_139 = tpu.memref_squeeze %parallel_loop3A_138 : memref<1x64xf32, #tpu.memory_space<hbm>> -> memref<64xf32, #tpu.memory_space<hbm>>
        %parallel_loop3A_140 = tpu.memref_slice %arg14[%parallel_loop3A_133] : memref<4x!tpu.dma_semaphore, #tpu.memory_space<semaphore_mem>> -> memref<1x!tpu.dma_semaphore, #tpu.memory_space<semaphore_mem>>
        %parallel_loop3A_141 = tpu.memref_squeeze %parallel_loop3A_140 : memref<1x!tpu.dma_semaphore, #tpu.memory_space<semaphore_mem>> -> memref<!tpu.dma_semaphore, #tpu.memory_space<semaphore_mem>>
        %parallel_loop3A_142 = arith.constant 0 : i32
        %parallel_loop3A_143 = tpu.memref_slice %arg10[%parallel_loop3A_132, %parallel_loop3A_142] : memref<256x64xf32, #tpu.memory_space<vmem>> -> memref<1x64xf32, #tpu.memory_space<vmem>>
        %parallel_loop3A_144 = tpu.memref_squeeze %parallel_loop3A_143 : memref<1x64xf32, #tpu.memory_space<vmem>> -> memref<64xf32, #tpu.memory_space<vmem>>
        %parallel_loop3A_145 = arith.constant 0 : i32
        %parallel_loop3A_146 = tpu.memref_slice %arg4[%parallel_loop3A_130, %parallel_loop3A_145] : memref<1000000x64xf32, #tpu.memory_space<hbm>> -> memref<1x64xf32, #tpu.memory_space<hbm>>
        %parallel_loop3A_147 = tpu.memref_squeeze %parallel_loop3A_146 : memref<1x64xf32, #tpu.memory_space<hbm>> -> memref<64xf32, #tpu.memory_space<hbm>>
        tpu.enqueue_dma source(%parallel_loop3A_147 : memref<64xf32, #tpu.memory_space<hbm>>) target(%parallel_loop3A_144 : memref<64xf32, #tpu.memory_space<vmem>>) target_semaphore(%parallel_loop3A_141 : memref<!tpu.dma_semaphore, #tpu.memory_space<semaphore_mem>>)
        %parallel_loop3A_148 = vector.extract_strided_slice %parallel_loop3A_109 {offsets = [2], sizes = [1], strides = [1]} : vector<16xi32> to vector<1xi32>
        %parallel_loop3A_149 = vector.extract %parallel_loop3A_148[0] : i32 from vector<1xi32>
        %parallel_loop3A_150 = arith.constant 2 : i32
        %parallel_loop3A_151 = arith.addi %parallel_loop3A_105, %parallel_loop3A_150 : i32
        %parallel_loop3A_152 = arith.constant 2 : i32
        %parallel_loop3A_153 = arith.constant 0 : i32
        %parallel_loop3A_154 = tpu.memref_slice %arg10[%parallel_loop3A_151, %parallel_loop3A_153] : memref<256x64xf32, #tpu.memory_space<vmem>> -> memref<1x64xf32, #tpu.memory_space<vmem>>
        %parallel_loop3A_155 = tpu.memref_squeeze %parallel_loop3A_154 : memref<1x64xf32, #tpu.memory_space<vmem>> -> memref<64xf32, #tpu.memory_space<vmem>>
        %parallel_loop3A_156 = arith.constant 0 : i32
        %parallel_loop3A_157 = tpu.memref_slice %arg4[%parallel_loop3A_149, %parallel_loop3A_156] : memref<1000000x64xf32, #tpu.memory_space<hbm>> -> memref<1x64xf32, #tpu.memory_space<hbm>>
        %parallel_loop3A_158 = tpu.memref_squeeze %parallel_loop3A_157 : memref<1x64xf32, #tpu.memory_space<hbm>> -> memref<64xf32, #tpu.memory_space<hbm>>
        %parallel_loop3A_159 = tpu.memref_slice %arg14[%parallel_loop3A_152] : memref<4x!tpu.dma_semaphore, #tpu.memory_space<semaphore_mem>> -> memref<1x!tpu.dma_semaphore, #tpu.memory_space<semaphore_mem>>
        %parallel_loop3A_160 = tpu.memref_squeeze %parallel_loop3A_159 : memref<1x!tpu.dma_semaphore, #tpu.memory_space<semaphore_mem>> -> memref<!tpu.dma_semaphore, #tpu.memory_space<semaphore_mem>>
        %parallel_loop3A_161 = arith.constant 0 : i32
        %parallel_loop3A_162 = tpu.memref_slice %arg10[%parallel_loop3A_151, %parallel_loop3A_161] : memref<256x64xf32, #tpu.memory_space<vmem>> -> memref<1x64xf32, #tpu.memory_space<vmem>>
        %parallel_loop3A_163 = tpu.memref_squeeze %parallel_loop3A_162 : memref<1x64xf32, #tpu.memory_space<vmem>> -> memref<64xf32, #tpu.memory_space<vmem>>
        %parallel_loop3A_164 = arith.constant 0 : i32
        %parallel_loop3A_165 = tpu.memref_slice %arg4[%parallel_loop3A_149, %parallel_loop3A_164] : memref<1000000x64xf32, #tpu.memory_space<hbm>> -> memref<1x64xf32, #tpu.memory_space<hbm>>
        %parallel_loop3A_166 = tpu.memref_squeeze %parallel_loop3A_165 : memref<1x64xf32, #tpu.memory_space<hbm>> -> memref<64xf32, #tpu.memory_space<hbm>>
        tpu.enqueue_dma source(%parallel_loop3A_166 : memref<64xf32, #tpu.memory_space<hbm>>) target(%parallel_loop3A_163 : memref<64xf32, #tpu.memory_space<vmem>>) target_semaphore(%parallel_loop3A_160 : memref<!tpu.dma_semaphore, #tpu.memory_space<semaphore_mem>>)
        %parallel_loop3A_167 = vector.extract_strided_slice %parallel_loop3A_109 {offsets = [3], sizes = [1], strides = [1]} : vector<16xi32> to vector<1xi32>
        %parallel_loop3A_168 = vector.extract %parallel_loop3A_167[0] : i32 from vector<1xi32>
        %parallel_loop3A_169 = arith.constant 3 : i32
        %parallel_loop3A_170 = arith.addi %parallel_loop3A_105, %parallel_loop3A_169 : i32
        %parallel_loop3A_171 = arith.constant 3 : i32
        %parallel_loop3A_172 = arith.constant 0 : i32
        %parallel_loop3A_173 = tpu.memref_slice %arg10[%parallel_loop3A_170, %parallel_loop3A_172] : memref<256x64xf32, #tpu.memory_space<vmem>> -> memref<1x64xf32, #tpu.memory_space<vmem>>
        %parallel_loop3A_174 = tpu.memref_squeeze %parallel_loop3A_173 : memref<1x64xf32, #tpu.memory_space<vmem>> -> memref<64xf32, #tpu.memory_space<vmem>>
        %parallel_loop3A_175 = arith.constant 0 : i32
        %parallel_loop3A_176 = tpu.memref_slice %arg4[%parallel_loop3A_168, %parallel_loop3A_175] : memref<1000000x64xf32, #tpu.memory_space<hbm>> -> memref<1x64xf32, #tpu.memory_space<hbm>>
        %parallel_loop3A_177 = tpu.memref_squeeze %parallel_loop3A_176 : memref<1x64xf32, #tpu.memory_space<hbm>> -> memref<64xf32, #tpu.memory_space<hbm>>
        %parallel_loop3A_178 = tpu.memref_slice %arg14[%parallel_loop3A_171] : memref<4x!tpu.dma_semaphore, #tpu.memory_space<semaphore_mem>> -> memref<1x!tpu.dma_semaphore, #tpu.memory_space<semaphore_mem>>
        %parallel_loop3A_179 = tpu.memref_squeeze %parallel_loop3A_178 : memref<1x!tpu.dma_semaphore, #tpu.memory_space<semaphore_mem>> -> memref<!tpu.dma_semaphore, #tpu.memory_space<semaphore_mem>>
        %parallel_loop3A_180 = arith.constant 0 : i32
        %parallel_loop3A_181 = tpu.memref_slice %arg10[%parallel_loop3A_170, %parallel_loop3A_180] : memref<256x64xf32, #tpu.memory_space<vmem>> -> memref<1x64xf32, #tpu.memory_space<vmem>>
        %parallel_loop3A_182 = tpu.memref_squeeze %parallel_loop3A_181 : memref<1x64xf32, #tpu.memory_space<vmem>> -> memref<64xf32, #tpu.memory_space<vmem>>
        %parallel_loop3A_183 = arith.constant 0 : i32
        %parallel_loop3A_184 = tpu.memref_slice %arg4[%parallel_loop3A_168, %parallel_loop3A_183] : memref<1000000x64xf32, #tpu.memory_space<hbm>> -> memref<1x64xf32, #tpu.memory_space<hbm>>
        %parallel_loop3A_185 = tpu.memref_squeeze %parallel_loop3A_184 : memref<1x64xf32, #tpu.memory_space<hbm>> -> memref<64xf32, #tpu.memory_space<hbm>>
        tpu.enqueue_dma source(%parallel_loop3A_185 : memref<64xf32, #tpu.memory_space<hbm>>) target(%parallel_loop3A_182 : memref<64xf32, #tpu.memory_space<vmem>>) target_semaphore(%parallel_loop3A_179 : memref<!tpu.dma_semaphore, #tpu.memory_space<semaphore_mem>>)
        %parallel_loop3A_186 = vector.extract_strided_slice %parallel_loop3A_109 {offsets = [4], sizes = [1], strides = [1]} : vector<16xi32> to vector<1xi32>
        %parallel_loop3A_187 = vector.extract %parallel_loop3A_186[0] : i32 from vector<1xi32>
        %parallel_loop3A_188 = arith.constant 4 : i32
        %parallel_loop3A_189 = arith.addi %parallel_loop3A_105, %parallel_loop3A_188 : i32
        %parallel_loop3A_190 = arith.constant 0 : i32
        %parallel_loop3A_191 = arith.constant 0 : i32
        %parallel_loop3A_192 = tpu.memref_slice %arg10[%parallel_loop3A_189, %parallel_loop3A_191] : memref<256x64xf32, #tpu.memory_space<vmem>> -> memref<1x64xf32, #tpu.memory_space<vmem>>
        %parallel_loop3A_193 = tpu.memref_squeeze %parallel_loop3A_192 : memref<1x64xf32, #tpu.memory_space<vmem>> -> memref<64xf32, #tpu.memory_space<vmem>>
        %parallel_loop3A_194 = arith.constant 0 : i32
        %parallel_loop3A_195 = tpu.memref_slice %arg4[%parallel_loop3A_187, %parallel_loop3A_194] : memref<1000000x64xf32, #tpu.memory_space<hbm>> -> memref<1x64xf32, #tpu.memory_space<hbm>>
        %parallel_loop3A_196 = tpu.memref_squeeze %parallel_loop3A_195 : memref<1x64xf32, #tpu.memory_space<hbm>> -> memref<64xf32, #tpu.memory_space<hbm>>
        %parallel_loop3A_197 = tpu.memref_slice %arg14[%parallel_loop3A_190] : memref<4x!tpu.dma_semaphore, #tpu.memory_space<semaphore_mem>> -> memref<1x!tpu.dma_semaphore, #tpu.memory_space<semaphore_mem>>
        %parallel_loop3A_198 = tpu.memref_squeeze %parallel_loop3A_197 : memref<1x!tpu.dma_semaphore, #tpu.memory_space<semaphore_mem>> -> memref<!tpu.dma_semaphore, #tpu.memory_space<semaphore_mem>>
        %parallel_loop3A_199 = arith.constant 0 : i32
        %parallel_loop3A_200 = tpu.memref_slice %arg10[%parallel_loop3A_189, %parallel_loop3A_199] : memref<256x64xf32, #tpu.memory_space<vmem>> -> memref<1x64xf32, #tpu.memory_space<vmem>>
        %parallel_loop3A_201 = tpu.memref_squeeze %parallel_loop3A_200 : memref<1x64xf32, #tpu.memory_space<vmem>> -> memref<64xf32, #tpu.memory_space<vmem>>
        %parallel_loop3A_202 = arith.constant 0 : i32
        %parallel_loop3A_203 = tpu.memref_slice %arg4[%parallel_loop3A_187, %parallel_loop3A_202] : memref<1000000x64xf32, #tpu.memory_space<hbm>> -> memref<1x64xf32, #tpu.memory_space<hbm>>
        %parallel_loop3A_204 = tpu.memref_squeeze %parallel_loop3A_203 : memref<1x64xf32, #tpu.memory_space<hbm>> -> memref<64xf32, #tpu.memory_space<hbm>>
        tpu.enqueue_dma source(%parallel_loop3A_204 : memref<64xf32, #tpu.memory_space<hbm>>) target(%parallel_loop3A_201 : memref<64xf32, #tpu.memory_space<vmem>>) target_semaphore(%parallel_loop3A_198 : memref<!tpu.dma_semaphore, #tpu.memory_space<semaphore_mem>>)
        %parallel_loop3A_205 = vector.extract_strided_slice %parallel_loop3A_109 {offsets = [5], sizes = [1], strides = [1]} : vector<16xi32> to vector<1xi32>
        %parallel_loop3A_206 = vector.extract %parallel_loop3A_205[0] : i32 from vector<1xi32>
        %parallel_loop3A_207 = arith.constant 5 : i32
        %parallel_loop3A_208 = arith.addi %parallel_loop3A_105, %parallel_loop3A_207 : i32
        %parallel_loop3A_209 = arith.constant 1 : i32
        %parallel_loop3A_210 = arith.constant 0 : i32
        %parallel_loop3A_211 = tpu.memref_slice %arg10[%parallel_loop3A_208, %parallel_loop3A_210] : memref<256x64xf32, #tpu.memory_space<vmem>> -> memref<1x64xf32, #tpu.memory_space<vmem>>
        %parallel_loop3A_212 = tpu.memref_squeeze %parallel_loop3A_211 : memref<1x64xf32, #tpu.memory_space<vmem>> -> memref<64xf32, #tpu.memory_space<vmem>>
        %parallel_loop3A_213 = arith.constant 0 : i32
        %parallel_loop3A_214 = tpu.memref_slice %arg4[%parallel_loop3A_206, %parallel_loop3A_213] : memref<1000000x64xf32, #tpu.memory_space<hbm>> -> memref<1x64xf32, #tpu.memory_space<hbm>>
        %parallel_loop3A_215 = tpu.memref_squeeze %parallel_loop3A_214 : memref<1x64xf32, #tpu.memory_space<hbm>> -> memref<64xf32, #tpu.memory_space<hbm>>
        %parallel_loop3A_216 = tpu.memref_slice %arg14[%parallel_loop3A_209] : memref<4x!tpu.dma_semaphore, #tpu.memory_space<semaphore_mem>> -> memref<1x!tpu.dma_semaphore, #tpu.memory_space<semaphore_mem>>
        %parallel_loop3A_217 = tpu.memref_squeeze %parallel_loop3A_216 : memref<1x!tpu.dma_semaphore, #tpu.memory_space<semaphore_mem>> -> memref<!tpu.dma_semaphore, #tpu.memory_space<semaphore_mem>>
        %parallel_loop3A_218 = arith.constant 0 : i32
        %parallel_loop3A_219 = tpu.memref_slice %arg10[%parallel_loop3A_208, %parallel_loop3A_218] : memref<256x64xf32, #tpu.memory_space<vmem>> -> memref<1x64xf32, #tpu.memory_space<vmem>>
        %parallel_loop3A_220 = tpu.memref_squeeze %parallel_loop3A_219 : memref<1x64xf32, #tpu.memory_space<vmem>> -> memref<64xf32, #tpu.memory_space<vmem>>
        %parallel_loop3A_221 = arith.constant 0 : i32
        %parallel_loop3A_222 = tpu.memref_slice %arg4[%parallel_loop3A_206, %parallel_loop3A_221] : memref<1000000x64xf32, #tpu.memory_space<hbm>> -> memref<1x64xf32, #tpu.memory_space<hbm>>
        %parallel_loop3A_223 = tpu.memref_squeeze %parallel_loop3A_222 : memref<1x64xf32, #tpu.memory_space<hbm>> -> memref<64xf32, #tpu.memory_space<hbm>>
        tpu.enqueue_dma source(%parallel_loop3A_223 : memref<64xf32, #tpu.memory_space<hbm>>) target(%parallel_loop3A_220 : memref<64xf32, #tpu.memory_space<vmem>>) target_semaphore(%parallel_loop3A_217 : memref<!tpu.dma_semaphore, #tpu.memory_space<semaphore_mem>>)
        %parallel_loop3A_224 = vector.extract_strided_slice %parallel_loop3A_109 {offsets = [6], sizes = [1], strides = [1]} : vector<16xi32> to vector<1xi32>
        %parallel_loop3A_225 = vector.extract %parallel_loop3A_224[0] : i32 from vector<1xi32>
        %parallel_loop3A_226 = arith.constant 6 : i32
        %parallel_loop3A_227 = arith.addi %parallel_loop3A_105, %parallel_loop3A_226 : i32
        %parallel_loop3A_228 = arith.constant 2 : i32
        %parallel_loop3A_229 = arith.constant 0 : i32
        %parallel_loop3A_230 = tpu.memref_slice %arg10[%parallel_loop3A_227, %parallel_loop3A_229] : memref<256x64xf32, #tpu.memory_space<vmem>> -> memref<1x64xf32, #tpu.memory_space<vmem>>
        %parallel_loop3A_231 = tpu.memref_squeeze %parallel_loop3A_230 : memref<1x64xf32, #tpu.memory_space<vmem>> -> memref<64xf32, #tpu.memory_space<vmem>>
        %parallel_loop3A_232 = arith.constant 0 : i32
        %parallel_loop3A_233 = tpu.memref_slice %arg4[%parallel_loop3A_225, %parallel_loop3A_232] : memref<1000000x64xf32, #tpu.memory_space<hbm>> -> memref<1x64xf32, #tpu.memory_space<hbm>>
        %parallel_loop3A_234 = tpu.memref_squeeze %parallel_loop3A_233 : memref<1x64xf32, #tpu.memory_space<hbm>> -> memref<64xf32, #tpu.memory_space<hbm>>
        %parallel_loop3A_235 = tpu.memref_slice %arg14[%parallel_loop3A_228] : memref<4x!tpu.dma_semaphore, #tpu.memory_space<semaphore_mem>> -> memref<1x!tpu.dma_semaphore, #tpu.memory_space<semaphore_mem>>
        %parallel_loop3A_236 = tpu.memref_squeeze %parallel_loop3A_235 : memref<1x!tpu.dma_semaphore, #tpu.memory_space<semaphore_mem>> -> memref<!tpu.dma_semaphore, #tpu.memory_space<semaphore_mem>>
        %parallel_loop3A_237 = arith.constant 0 : i32
        %parallel_loop3A_238 = tpu.memref_slice %arg10[%parallel_loop3A_227, %parallel_loop3A_237] : memref<256x64xf32, #tpu.memory_space<vmem>> -> memref<1x64xf32, #tpu.memory_space<vmem>>
        %parallel_loop3A_239 = tpu.memref_squeeze %parallel_loop3A_238 : memref<1x64xf32, #tpu.memory_space<vmem>> -> memref<64xf32, #tpu.memory_space<vmem>>
        %parallel_loop3A_240 = arith.constant 0 : i32
        %parallel_loop3A_241 = tpu.memref_slice %arg4[%parallel_loop3A_225, %parallel_loop3A_240] : memref<1000000x64xf32, #tpu.memory_space<hbm>> -> memref<1x64xf32, #tpu.memory_space<hbm>>
        %parallel_loop3A_242 = tpu.memref_squeeze %parallel_loop3A_241 : memref<1x64xf32, #tpu.memory_space<hbm>> -> memref<64xf32, #tpu.memory_space<hbm>>
        tpu.enqueue_dma source(%parallel_loop3A_242 : memref<64xf32, #tpu.memory_space<hbm>>) target(%parallel_loop3A_239 : memref<64xf32, #tpu.memory_space<vmem>>) target_semaphore(%parallel_loop3A_236 : memref<!tpu.dma_semaphore, #tpu.memory_space<semaphore_mem>>)
        %parallel_loop3A_243 = vector.extract_strided_slice %parallel_loop3A_109 {offsets = [7], sizes = [1], strides = [1]} : vector<16xi32> to vector<1xi32>
        %parallel_loop3A_244 = vector.extract %parallel_loop3A_243[0] : i32 from vector<1xi32>
        %parallel_loop3A_245 = arith.constant 7 : i32
        %parallel_loop3A_246 = arith.addi %parallel_loop3A_105, %parallel_loop3A_245 : i32
        %parallel_loop3A_247 = arith.constant 3 : i32
        %parallel_loop3A_248 = arith.constant 0 : i32
        %parallel_loop3A_249 = tpu.memref_slice %arg10[%parallel_loop3A_246, %parallel_loop3A_248] : memref<256x64xf32, #tpu.memory_space<vmem>> -> memref<1x64xf32, #tpu.memory_space<vmem>>
        %parallel_loop3A_250 = tpu.memref_squeeze %parallel_loop3A_249 : memref<1x64xf32, #tpu.memory_space<vmem>> -> memref<64xf32, #tpu.memory_space<vmem>>
        %parallel_loop3A_251 = arith.constant 0 : i32
        %parallel_loop3A_252 = tpu.memref_slice %arg4[%parallel_loop3A_244, %parallel_loop3A_251] : memref<1000000x64xf32, #tpu.memory_space<hbm>> -> memref<1x64xf32, #tpu.memory_space<hbm>>
        %parallel_loop3A_253 = tpu.memref_squeeze %parallel_loop3A_252 : memref<1x64xf32, #tpu.memory_space<hbm>> -> memref<64xf32, #tpu.memory_space<hbm>>
        %parallel_loop3A_254 = tpu.memref_slice %arg14[%parallel_loop3A_247] : memref<4x!tpu.dma_semaphore, #tpu.memory_space<semaphore_mem>> -> memref<1x!tpu.dma_semaphore, #tpu.memory_space<semaphore_mem>>
        %parallel_loop3A_255 = tpu.memref_squeeze %parallel_loop3A_254 : memref<1x!tpu.dma_semaphore, #tpu.memory_space<semaphore_mem>> -> memref<!tpu.dma_semaphore, #tpu.memory_space<semaphore_mem>>
        %parallel_loop3A_256 = arith.constant 0 : i32
        %parallel_loop3A_257 = tpu.memref_slice %arg10[%parallel_loop3A_246, %parallel_loop3A_256] : memref<256x64xf32, #tpu.memory_space<vmem>> -> memref<1x64xf32, #tpu.memory_space<vmem>>
        %parallel_loop3A_258 = tpu.memref_squeeze %parallel_loop3A_257 : memref<1x64xf32, #tpu.memory_space<vmem>> -> memref<64xf32, #tpu.memory_space<vmem>>
        %parallel_loop3A_259 = arith.constant 0 : i32
        %parallel_loop3A_260 = tpu.memref_slice %arg4[%parallel_loop3A_244, %parallel_loop3A_259] : memref<1000000x64xf32, #tpu.memory_space<hbm>> -> memref<1x64xf32, #tpu.memory_space<hbm>>
        %parallel_loop3A_261 = tpu.memref_squeeze %parallel_loop3A_260 : memref<1x64xf32, #tpu.memory_space<hbm>> -> memref<64xf32, #tpu.memory_space<hbm>>
        tpu.enqueue_dma source(%parallel_loop3A_261 : memref<64xf32, #tpu.memory_space<hbm>>) target(%parallel_loop3A_258 : memref<64xf32, #tpu.memory_space<vmem>>) target_semaphore(%parallel_loop3A_255 : memref<!tpu.dma_semaphore, #tpu.memory_space<semaphore_mem>>)
        %parallel_loop3A_262 = vector.extract_strided_slice %parallel_loop3A_109 {offsets = [8], sizes = [1], strides = [1]} : vector<16xi32> to vector<1xi32>
        %parallel_loop3A_263 = vector.extract %parallel_loop3A_262[0] : i32 from vector<1xi32>
        %parallel_loop3A_264 = arith.constant 8 : i32
        %parallel_loop3A_265 = arith.addi %parallel_loop3A_105, %parallel_loop3A_264 : i32
        %parallel_loop3A_266 = arith.constant 0 : i32
        %parallel_loop3A_267 = arith.constant 0 : i32
        %parallel_loop3A_268 = tpu.memref_slice %arg10[%parallel_loop3A_265, %parallel_loop3A_267] : memref<256x64xf32, #tpu.memory_space<vmem>> -> memref<1x64xf32, #tpu.memory_space<vmem>>
        %parallel_loop3A_269 = tpu.memref_squeeze %parallel_loop3A_268 : memref<1x64xf32, #tpu.memory_space<vmem>> -> memref<64xf32, #tpu.memory_space<vmem>>
        %parallel_loop3A_270 = arith.constant 0 : i32
        %parallel_loop3A_271 = tpu.memref_slice %arg4[%parallel_loop3A_263, %parallel_loop3A_270] : memref<1000000x64xf32, #tpu.memory_space<hbm>> -> memref<1x64xf32, #tpu.memory_space<hbm>>
        %parallel_loop3A_272 = tpu.memref_squeeze %parallel_loop3A_271 : memref<1x64xf32, #tpu.memory_space<hbm>> -> memref<64xf32, #tpu.memory_space<hbm>>
        %parallel_loop3A_273 = tpu.memref_slice %arg14[%parallel_loop3A_266] : memref<4x!tpu.dma_semaphore, #tpu.memory_space<semaphore_mem>> -> memref<1x!tpu.dma_semaphore, #tpu.memory_space<semaphore_mem>>
        %parallel_loop3A_274 = tpu.memref_squeeze %parallel_loop3A_273 : memref<1x!tpu.dma_semaphore, #tpu.memory_space<semaphore_mem>> -> memref<!tpu.dma_semaphore, #tpu.memory_space<semaphore_mem>>
        %parallel_loop3A_275 = arith.constant 0 : i32
        %parallel_loop3A_276 = tpu.memref_slice %arg10[%parallel_loop3A_265, %parallel_loop3A_275] : memref<256x64xf32, #tpu.memory_space<vmem>> -> memref<1x64xf32, #tpu.memory_space<vmem>>
        %parallel_loop3A_277 = tpu.memref_squeeze %parallel_loop3A_276 : memref<1x64xf32, #tpu.memory_space<vmem>> -> memref<64xf32, #tpu.memory_space<vmem>>
        %parallel_loop3A_278 = arith.constant 0 : i32
        %parallel_loop3A_279 = tpu.memref_slice %arg4[%parallel_loop3A_263, %parallel_loop3A_278] : memref<1000000x64xf32, #tpu.memory_space<hbm>> -> memref<1x64xf32, #tpu.memory_space<hbm>>
        %parallel_loop3A_280 = tpu.memref_squeeze %parallel_loop3A_279 : memref<1x64xf32, #tpu.memory_space<hbm>> -> memref<64xf32, #tpu.memory_space<hbm>>
        tpu.enqueue_dma source(%parallel_loop3A_280 : memref<64xf32, #tpu.memory_space<hbm>>) target(%parallel_loop3A_277 : memref<64xf32, #tpu.memory_space<vmem>>) target_semaphore(%parallel_loop3A_274 : memref<!tpu.dma_semaphore, #tpu.memory_space<semaphore_mem>>)
        %parallel_loop3A_281 = vector.extract_strided_slice %parallel_loop3A_109 {offsets = [9], sizes = [1], strides = [1]} : vector<16xi32> to vector<1xi32>
        %parallel_loop3A_282 = vector.extract %parallel_loop3A_281[0] : i32 from vector<1xi32>
        %parallel_loop3A_283 = arith.constant 9 : i32
        %parallel_loop3A_284 = arith.addi %parallel_loop3A_105, %parallel_loop3A_283 : i32
        %parallel_loop3A_285 = arith.constant 1 : i32
        %parallel_loop3A_286 = arith.constant 0 : i32
        %parallel_loop3A_287 = tpu.memref_slice %arg10[%parallel_loop3A_284, %parallel_loop3A_286] : memref<256x64xf32, #tpu.memory_space<vmem>> -> memref<1x64xf32, #tpu.memory_space<vmem>>
        %parallel_loop3A_288 = tpu.memref_squeeze %parallel_loop3A_287 : memref<1x64xf32, #tpu.memory_space<vmem>> -> memref<64xf32, #tpu.memory_space<vmem>>
        %parallel_loop3A_289 = arith.constant 0 : i32
        %parallel_loop3A_290 = tpu.memref_slice %arg4[%parallel_loop3A_282, %parallel_loop3A_289] : memref<1000000x64xf32, #tpu.memory_space<hbm>> -> memref<1x64xf32, #tpu.memory_space<hbm>>
        %parallel_loop3A_291 = tpu.memref_squeeze %parallel_loop3A_290 : memref<1x64xf32, #tpu.memory_space<hbm>> -> memref<64xf32, #tpu.memory_space<hbm>>
        %parallel_loop3A_292 = tpu.memref_slice %arg14[%parallel_loop3A_285] : memref<4x!tpu.dma_semaphore, #tpu.memory_space<semaphore_mem>> -> memref<1x!tpu.dma_semaphore, #tpu.memory_space<semaphore_mem>>
        %parallel_loop3A_293 = tpu.memref_squeeze %parallel_loop3A_292 : memref<1x!tpu.dma_semaphore, #tpu.memory_space<semaphore_mem>> -> memref<!tpu.dma_semaphore, #tpu.memory_space<semaphore_mem>>
        %parallel_loop3A_294 = arith.constant 0 : i32
        %parallel_loop3A_295 = tpu.memref_slice %arg10[%parallel_loop3A_284, %parallel_loop3A_294] : memref<256x64xf32, #tpu.memory_space<vmem>> -> memref<1x64xf32, #tpu.memory_space<vmem>>
        %parallel_loop3A_296 = tpu.memref_squeeze %parallel_loop3A_295 : memref<1x64xf32, #tpu.memory_space<vmem>> -> memref<64xf32, #tpu.memory_space<vmem>>
        %parallel_loop3A_297 = arith.constant 0 : i32
        %parallel_loop3A_298 = tpu.memref_slice %arg4[%parallel_loop3A_282, %parallel_loop3A_297] : memref<1000000x64xf32, #tpu.memory_space<hbm>> -> memref<1x64xf32, #tpu.memory_space<hbm>>
        %parallel_loop3A_299 = tpu.memref_squeeze %parallel_loop3A_298 : memref<1x64xf32, #tpu.memory_space<hbm>> -> memref<64xf32, #tpu.memory_space<hbm>>
        tpu.enqueue_dma source(%parallel_loop3A_299 : memref<64xf32, #tpu.memory_space<hbm>>) target(%parallel_loop3A_296 : memref<64xf32, #tpu.memory_space<vmem>>) target_semaphore(%parallel_loop3A_293 : memref<!tpu.dma_semaphore, #tpu.memory_space<semaphore_mem>>)
        %parallel_loop3A_300 = vector.extract_strided_slice %parallel_loop3A_109 {offsets = [10], sizes = [1], strides = [1]} : vector<16xi32> to vector<1xi32>
        %parallel_loop3A_301 = vector.extract %parallel_loop3A_300[0] : i32 from vector<1xi32>
        %parallel_loop3A_302 = arith.constant 10 : i32
        %parallel_loop3A_303 = arith.addi %parallel_loop3A_105, %parallel_loop3A_302 : i32
        %parallel_loop3A_304 = arith.constant 2 : i32
        %parallel_loop3A_305 = arith.constant 0 : i32
        %parallel_loop3A_306 = tpu.memref_slice %arg10[%parallel_loop3A_303, %parallel_loop3A_305] : memref<256x64xf32, #tpu.memory_space<vmem>> -> memref<1x64xf32, #tpu.memory_space<vmem>>
        %parallel_loop3A_307 = tpu.memref_squeeze %parallel_loop3A_306 : memref<1x64xf32, #tpu.memory_space<vmem>> -> memref<64xf32, #tpu.memory_space<vmem>>
        %parallel_loop3A_308 = arith.constant 0 : i32
        %parallel_loop3A_309 = tpu.memref_slice %arg4[%parallel_loop3A_301, %parallel_loop3A_308] : memref<1000000x64xf32, #tpu.memory_space<hbm>> -> memref<1x64xf32, #tpu.memory_space<hbm>>
        %parallel_loop3A_310 = tpu.memref_squeeze %parallel_loop3A_309 : memref<1x64xf32, #tpu.memory_space<hbm>> -> memref<64xf32, #tpu.memory_space<hbm>>
        %parallel_loop3A_311 = tpu.memref_slice %arg14[%parallel_loop3A_304] : memref<4x!tpu.dma_semaphore, #tpu.memory_space<semaphore_mem>> -> memref<1x!tpu.dma_semaphore, #tpu.memory_space<semaphore_mem>>
        %parallel_loop3A_312 = tpu.memref_squeeze %parallel_loop3A_311 : memref<1x!tpu.dma_semaphore, #tpu.memory_space<semaphore_mem>> -> memref<!tpu.dma_semaphore, #tpu.memory_space<semaphore_mem>>
        %parallel_loop3A_313 = arith.constant 0 : i32
        %parallel_loop3A_314 = tpu.memref_slice %arg10[%parallel_loop3A_303, %parallel_loop3A_313] : memref<256x64xf32, #tpu.memory_space<vmem>> -> memref<1x64xf32, #tpu.memory_space<vmem>>
        %parallel_loop3A_315 = tpu.memref_squeeze %parallel_loop3A_314 : memref<1x64xf32, #tpu.memory_space<vmem>> -> memref<64xf32, #tpu.memory_space<vmem>>
        %parallel_loop3A_316 = arith.constant 0 : i32
        %parallel_loop3A_317 = tpu.memref_slice %arg4[%parallel_loop3A_301, %parallel_loop3A_316] : memref<1000000x64xf32, #tpu.memory_space<hbm>> -> memref<1x64xf32, #tpu.memory_space<hbm>>
        %parallel_loop3A_318 = tpu.memref_squeeze %parallel_loop3A_317 : memref<1x64xf32, #tpu.memory_space<hbm>> -> memref<64xf32, #tpu.memory_space<hbm>>
        tpu.enqueue_dma source(%parallel_loop3A_318 : memref<64xf32, #tpu.memory_space<hbm>>) target(%parallel_loop3A_315 : memref<64xf32, #tpu.memory_space<vmem>>) target_semaphore(%parallel_loop3A_312 : memref<!tpu.dma_semaphore, #tpu.memory_space<semaphore_mem>>)
        %parallel_loop3A_319 = vector.extract_strided_slice %parallel_loop3A_109 {offsets = [11], sizes = [1], strides = [1]} : vector<16xi32> to vector<1xi32>
        %parallel_loop3A_320 = vector.extract %parallel_loop3A_319[0] : i32 from vector<1xi32>
        %parallel_loop3A_321 = arith.constant 11 : i32
        %parallel_loop3A_322 = arith.addi %parallel_loop3A_105, %parallel_loop3A_321 : i32
        %parallel_loop3A_323 = arith.constant 3 : i32
        %parallel_loop3A_324 = arith.constant 0 : i32
        %parallel_loop3A_325 = tpu.memref_slice %arg10[%parallel_loop3A_322, %parallel_loop3A_324] : memref<256x64xf32, #tpu.memory_space<vmem>> -> memref<1x64xf32, #tpu.memory_space<vmem>>
        %parallel_loop3A_326 = tpu.memref_squeeze %parallel_loop3A_325 : memref<1x64xf32, #tpu.memory_space<vmem>> -> memref<64xf32, #tpu.memory_space<vmem>>
        %parallel_loop3A_327 = arith.constant 0 : i32
        %parallel_loop3A_328 = tpu.memref_slice %arg4[%parallel_loop3A_320, %parallel_loop3A_327] : memref<1000000x64xf32, #tpu.memory_space<hbm>> -> memref<1x64xf32, #tpu.memory_space<hbm>>
        %parallel_loop3A_329 = tpu.memref_squeeze %parallel_loop3A_328 : memref<1x64xf32, #tpu.memory_space<hbm>> -> memref<64xf32, #tpu.memory_space<hbm>>
        %parallel_loop3A_330 = tpu.memref_slice %arg14[%parallel_loop3A_323] : memref<4x!tpu.dma_semaphore, #tpu.memory_space<semaphore_mem>> -> memref<1x!tpu.dma_semaphore, #tpu.memory_space<semaphore_mem>>
        %parallel_loop3A_331 = tpu.memref_squeeze %parallel_loop3A_330 : memref<1x!tpu.dma_semaphore, #tpu.memory_space<semaphore_mem>> -> memref<!tpu.dma_semaphore, #tpu.memory_space<semaphore_mem>>
        %parallel_loop3A_332 = arith.constant 0 : i32
        %parallel_loop3A_333 = tpu.memref_slice %arg10[%parallel_loop3A_322, %parallel_loop3A_332] : memref<256x64xf32, #tpu.memory_space<vmem>> -> memref<1x64xf32, #tpu.memory_space<vmem>>
        %parallel_loop3A_334 = tpu.memref_squeeze %parallel_loop3A_333 : memref<1x64xf32, #tpu.memory_space<vmem>> -> memref<64xf32, #tpu.memory_space<vmem>>
        %parallel_loop3A_335 = arith.constant 0 : i32
        %parallel_loop3A_336 = tpu.memref_slice %arg4[%parallel_loop3A_320, %parallel_loop3A_335] : memref<1000000x64xf32, #tpu.memory_space<hbm>> -> memref<1x64xf32, #tpu.memory_space<hbm>>
        %parallel_loop3A_337 = tpu.memref_squeeze %parallel_loop3A_336 : memref<1x64xf32, #tpu.memory_space<hbm>> -> memref<64xf32, #tpu.memory_space<hbm>>
        tpu.enqueue_dma source(%parallel_loop3A_337 : memref<64xf32, #tpu.memory_space<hbm>>) target(%parallel_loop3A_334 : memref<64xf32, #tpu.memory_space<vmem>>) target_semaphore(%parallel_loop3A_331 : memref<!tpu.dma_semaphore, #tpu.memory_space<semaphore_mem>>)
        %parallel_loop3A_338 = vector.extract_strided_slice %parallel_loop3A_109 {offsets = [12], sizes = [1], strides = [1]} : vector<16xi32> to vector<1xi32>
        %parallel_loop3A_339 = vector.extract %parallel_loop3A_338[0] : i32 from vector<1xi32>
        %parallel_loop3A_340 = arith.constant 12 : i32
        %parallel_loop3A_341 = arith.addi %parallel_loop3A_105, %parallel_loop3A_340 : i32
        %parallel_loop3A_342 = arith.constant 0 : i32
        %parallel_loop3A_343 = arith.constant 0 : i32
        %parallel_loop3A_344 = tpu.memref_slice %arg10[%parallel_loop3A_341, %parallel_loop3A_343] : memref<256x64xf32, #tpu.memory_space<vmem>> -> memref<1x64xf32, #tpu.memory_space<vmem>>
        %parallel_loop3A_345 = tpu.memref_squeeze %parallel_loop3A_344 : memref<1x64xf32, #tpu.memory_space<vmem>> -> memref<64xf32, #tpu.memory_space<vmem>>
        %parallel_loop3A_346 = arith.constant 0 : i32
        %parallel_loop3A_347 = tpu.memref_slice %arg4[%parallel_loop3A_339, %parallel_loop3A_346] : memref<1000000x64xf32, #tpu.memory_space<hbm>> -> memref<1x64xf32, #tpu.memory_space<hbm>>
        %parallel_loop3A_348 = tpu.memref_squeeze %parallel_loop3A_347 : memref<1x64xf32, #tpu.memory_space<hbm>> -> memref<64xf32, #tpu.memory_space<hbm>>
        %parallel_loop3A_349 = tpu.memref_slice %arg14[%parallel_loop3A_342] : memref<4x!tpu.dma_semaphore, #tpu.memory_space<semaphore_mem>> -> memref<1x!tpu.dma_semaphore, #tpu.memory_space<semaphore_mem>>
        %parallel_loop3A_350 = tpu.memref_squeeze %parallel_loop3A_349 : memref<1x!tpu.dma_semaphore, #tpu.memory_space<semaphore_mem>> -> memref<!tpu.dma_semaphore, #tpu.memory_space<semaphore_mem>>
        %parallel_loop3A_351 = arith.constant 0 : i32
        %parallel_loop3A_352 = tpu.memref_slice %arg10[%parallel_loop3A_341, %parallel_loop3A_351] : memref<256x64xf32, #tpu.memory_space<vmem>> -> memref<1x64xf32, #tpu.memory_space<vmem>>
        %parallel_loop3A_353 = tpu.memref_squeeze %parallel_loop3A_352 : memref<1x64xf32, #tpu.memory_space<vmem>> -> memref<64xf32, #tpu.memory_space<vmem>>
        %parallel_loop3A_354 = arith.constant 0 : i32
        %parallel_loop3A_355 = tpu.memref_slice %arg4[%parallel_loop3A_339, %parallel_loop3A_354] : memref<1000000x64xf32, #tpu.memory_space<hbm>> -> memref<1x64xf32, #tpu.memory_space<hbm>>
        %parallel_loop3A_356 = tpu.memref_squeeze %parallel_loop3A_355 : memref<1x64xf32, #tpu.memory_space<hbm>> -> memref<64xf32, #tpu.memory_space<hbm>>
        tpu.enqueue_dma source(%parallel_loop3A_356 : memref<64xf32, #tpu.memory_space<hbm>>) target(%parallel_loop3A_353 : memref<64xf32, #tpu.memory_space<vmem>>) target_semaphore(%parallel_loop3A_350 : memref<!tpu.dma_semaphore, #tpu.memory_space<semaphore_mem>>)
        %parallel_loop3A_357 = vector.extract_strided_slice %parallel_loop3A_109 {offsets = [13], sizes = [1], strides = [1]} : vector<16xi32> to vector<1xi32>
        %parallel_loop3A_358 = vector.extract %parallel_loop3A_357[0] : i32 from vector<1xi32>
        %parallel_loop3A_359 = arith.constant 13 : i32
        %parallel_loop3A_360 = arith.addi %parallel_loop3A_105, %parallel_loop3A_359 : i32
        %parallel_loop3A_361 = arith.constant 1 : i32
        %parallel_loop3A_362 = arith.constant 0 : i32
        %parallel_loop3A_363 = tpu.memref_slice %arg10[%parallel_loop3A_360, %parallel_loop3A_362] : memref<256x64xf32, #tpu.memory_space<vmem>> -> memref<1x64xf32, #tpu.memory_space<vmem>>
        %parallel_loop3A_364 = tpu.memref_squeeze %parallel_loop3A_363 : memref<1x64xf32, #tpu.memory_space<vmem>> -> memref<64xf32, #tpu.memory_space<vmem>>
        %parallel_loop3A_365 = arith.constant 0 : i32
        %parallel_loop3A_366 = tpu.memref_slice %arg4[%parallel_loop3A_358, %parallel_loop3A_365] : memref<1000000x64xf32, #tpu.memory_space<hbm>> -> memref<1x64xf32, #tpu.memory_space<hbm>>
        %parallel_loop3A_367 = tpu.memref_squeeze %parallel_loop3A_366 : memref<1x64xf32, #tpu.memory_space<hbm>> -> memref<64xf32, #tpu.memory_space<hbm>>
        %parallel_loop3A_368 = tpu.memref_slice %arg14[%parallel_loop3A_361] : memref<4x!tpu.dma_semaphore, #tpu.memory_space<semaphore_mem>> -> memref<1x!tpu.dma_semaphore, #tpu.memory_space<semaphore_mem>>
        %parallel_loop3A_369 = tpu.memref_squeeze %parallel_loop3A_368 : memref<1x!tpu.dma_semaphore, #tpu.memory_space<semaphore_mem>> -> memref<!tpu.dma_semaphore, #tpu.memory_space<semaphore_mem>>
        %parallel_loop3A_370 = arith.constant 0 : i32
        %parallel_loop3A_371 = tpu.memref_slice %arg10[%parallel_loop3A_360, %parallel_loop3A_370] : memref<256x64xf32, #tpu.memory_space<vmem>> -> memref<1x64xf32, #tpu.memory_space<vmem>>
        %parallel_loop3A_372 = tpu.memref_squeeze %parallel_loop3A_371 : memref<1x64xf32, #tpu.memory_space<vmem>> -> memref<64xf32, #tpu.memory_space<vmem>>
        %parallel_loop3A_373 = arith.constant 0 : i32
        %parallel_loop3A_374 = tpu.memref_slice %arg4[%parallel_loop3A_358, %parallel_loop3A_373] : memref<1000000x64xf32, #tpu.memory_space<hbm>> -> memref<1x64xf32, #tpu.memory_space<hbm>>
        %parallel_loop3A_375 = tpu.memref_squeeze %parallel_loop3A_374 : memref<1x64xf32, #tpu.memory_space<hbm>> -> memref<64xf32, #tpu.memory_space<hbm>>
        tpu.enqueue_dma source(%parallel_loop3A_375 : memref<64xf32, #tpu.memory_space<hbm>>) target(%parallel_loop3A_372 : memref<64xf32, #tpu.memory_space<vmem>>) target_semaphore(%parallel_loop3A_369 : memref<!tpu.dma_semaphore, #tpu.memory_space<semaphore_mem>>)
        %parallel_loop3A_376 = vector.extract_strided_slice %parallel_loop3A_109 {offsets = [14], sizes = [1], strides = [1]} : vector<16xi32> to vector<1xi32>
        %parallel_loop3A_377 = vector.extract %parallel_loop3A_376[0] : i32 from vector<1xi32>
        %parallel_loop3A_378 = arith.constant 14 : i32
        %parallel_loop3A_379 = arith.addi %parallel_loop3A_105, %parallel_loop3A_378 : i32
        %parallel_loop3A_380 = arith.constant 2 : i32
        %parallel_loop3A_381 = arith.constant 0 : i32
        %parallel_loop3A_382 = tpu.memref_slice %arg10[%parallel_loop3A_379, %parallel_loop3A_381] : memref<256x64xf32, #tpu.memory_space<vmem>> -> memref<1x64xf32, #tpu.memory_space<vmem>>
        %parallel_loop3A_383 = tpu.memref_squeeze %parallel_loop3A_382 : memref<1x64xf32, #tpu.memory_space<vmem>> -> memref<64xf32, #tpu.memory_space<vmem>>
        %parallel_loop3A_384 = arith.constant 0 : i32
        %parallel_loop3A_385 = tpu.memref_slice %arg4[%parallel_loop3A_377, %parallel_loop3A_384] : memref<1000000x64xf32, #tpu.memory_space<hbm>> -> memref<1x64xf32, #tpu.memory_space<hbm>>
        %parallel_loop3A_386 = tpu.memref_squeeze %parallel_loop3A_385 : memref<1x64xf32, #tpu.memory_space<hbm>> -> memref<64xf32, #tpu.memory_space<hbm>>
        %parallel_loop3A_387 = tpu.memref_slice %arg14[%parallel_loop3A_380] : memref<4x!tpu.dma_semaphore, #tpu.memory_space<semaphore_mem>> -> memref<1x!tpu.dma_semaphore, #tpu.memory_space<semaphore_mem>>
        %parallel_loop3A_388 = tpu.memref_squeeze %parallel_loop3A_387 : memref<1x!tpu.dma_semaphore, #tpu.memory_space<semaphore_mem>> -> memref<!tpu.dma_semaphore, #tpu.memory_space<semaphore_mem>>
        %parallel_loop3A_389 = arith.constant 0 : i32
        %parallel_loop3A_390 = tpu.memref_slice %arg10[%parallel_loop3A_379, %parallel_loop3A_389] : memref<256x64xf32, #tpu.memory_space<vmem>> -> memref<1x64xf32, #tpu.memory_space<vmem>>
        %parallel_loop3A_391 = tpu.memref_squeeze %parallel_loop3A_390 : memref<1x64xf32, #tpu.memory_space<vmem>> -> memref<64xf32, #tpu.memory_space<vmem>>
        %parallel_loop3A_392 = arith.constant 0 : i32
        %parallel_loop3A_393 = tpu.memref_slice %arg4[%parallel_loop3A_377, %parallel_loop3A_392] : memref<1000000x64xf32, #tpu.memory_space<hbm>> -> memref<1x64xf32, #tpu.memory_space<hbm>>
        %parallel_loop3A_394 = tpu.memref_squeeze %parallel_loop3A_393 : memref<1x64xf32, #tpu.memory_space<hbm>> -> memref<64xf32, #tpu.memory_space<hbm>>
        tpu.enqueue_dma source(%parallel_loop3A_394 : memref<64xf32, #tpu.memory_space<hbm>>) target(%parallel_loop3A_391 : memref<64xf32, #tpu.memory_space<vmem>>) target_semaphore(%parallel_loop3A_388 : memref<!tpu.dma_semaphore, #tpu.memory_space<semaphore_mem>>)
        %parallel_loop3A_395 = vector.extract_strided_slice %parallel_loop3A_109 {offsets = [15], sizes = [1], strides = [1]} : vector<16xi32> to vector<1xi32>
        %parallel_loop3A_396 = vector.extract %parallel_loop3A_395[0] : i32 from vector<1xi32>
        %parallel_loop3A_397 = arith.constant 15 : i32
        %parallel_loop3A_398 = arith.addi %parallel_loop3A_105, %parallel_loop3A_397 : i32
        %parallel_loop3A_399 = arith.constant 3 : i32
        %parallel_loop3A_400 = arith.constant 0 : i32
        %parallel_loop3A_401 = tpu.memref_slice %arg10[%parallel_loop3A_398, %parallel_loop3A_400] : memref<256x64xf32, #tpu.memory_space<vmem>> -> memref<1x64xf32, #tpu.memory_space<vmem>>
        %parallel_loop3A_402 = tpu.memref_squeeze %parallel_loop3A_401 : memref<1x64xf32, #tpu.memory_space<vmem>> -> memref<64xf32, #tpu.memory_space<vmem>>
        %parallel_loop3A_403 = arith.constant 0 : i32
        %parallel_loop3A_404 = tpu.memref_slice %arg4[%parallel_loop3A_396, %parallel_loop3A_403] : memref<1000000x64xf32, #tpu.memory_space<hbm>> -> memref<1x64xf32, #tpu.memory_space<hbm>>
        %parallel_loop3A_405 = tpu.memref_squeeze %parallel_loop3A_404 : memref<1x64xf32, #tpu.memory_space<hbm>> -> memref<64xf32, #tpu.memory_space<hbm>>
        %parallel_loop3A_406 = tpu.memref_slice %arg14[%parallel_loop3A_399] : memref<4x!tpu.dma_semaphore, #tpu.memory_space<semaphore_mem>> -> memref<1x!tpu.dma_semaphore, #tpu.memory_space<semaphore_mem>>
        %parallel_loop3A_407 = tpu.memref_squeeze %parallel_loop3A_406 : memref<1x!tpu.dma_semaphore, #tpu.memory_space<semaphore_mem>> -> memref<!tpu.dma_semaphore, #tpu.memory_space<semaphore_mem>>
        %parallel_loop3A_408 = arith.constant 0 : i32
        %parallel_loop3A_409 = tpu.memref_slice %arg10[%parallel_loop3A_398, %parallel_loop3A_408] : memref<256x64xf32, #tpu.memory_space<vmem>> -> memref<1x64xf32, #tpu.memory_space<vmem>>
        %parallel_loop3A_410 = tpu.memref_squeeze %parallel_loop3A_409 : memref<1x64xf32, #tpu.memory_space<vmem>> -> memref<64xf32, #tpu.memory_space<vmem>>
        %parallel_loop3A_411 = arith.constant 0 : i32
        %parallel_loop3A_412 = tpu.memref_slice %arg4[%parallel_loop3A_396, %parallel_loop3A_411] : memref<1000000x64xf32, #tpu.memory_space<hbm>> -> memref<1x64xf32, #tpu.memory_space<hbm>>
        %parallel_loop3A_413 = tpu.memref_squeeze %parallel_loop3A_412 : memref<1x64xf32, #tpu.memory_space<hbm>> -> memref<64xf32, #tpu.memory_space<hbm>>
        tpu.enqueue_dma source(%parallel_loop3A_413 : memref<64xf32, #tpu.memory_space<hbm>>) target(%parallel_loop3A_410 : memref<64xf32, #tpu.memory_space<vmem>>) target_semaphore(%parallel_loop3A_407 : memref<!tpu.dma_semaphore, #tpu.memory_space<semaphore_mem>>)
      } {sc.loop_unroll_factor = 1 : i64, sc.parallel_access}
      %parallel_loop3A_35 = arith.constant 0 : i32
      %parallel_loop3A_36 = arith.constant 16 : i32
      %parallel_loop3A_37 = arith.constant 1 : i32
      scf.for %parallel_loop3A_103 = %parallel_loop3A_35 to %parallel_loop3A_36 step %parallel_loop3A_37  : i32 {
        %parallel_loop3A_104 = arith.constant 16 : i32
        %parallel_loop3A_105 = arith.muli %parallel_loop3A_103, %parallel_loop3A_104 : i32
        %parallel_loop3A_106 = arith.addi %mul3A_32, %parallel_loop3A_105 : i32
        %parallel_loop3A_107 = arith.index_cast %parallel_loop3A_106 : i32 to index
        %parallel_loop3A_108 = tpu.vector_load %arg9[%parallel_loop3A_107] {strides = array<i32>} : memref<512xi32, #tpu.memory_space<vmem>>, vector<16xi32>,
        %parallel_loop3A_109 = vector.shape_cast %parallel_loop3A_108 : vector<16xi32> to vector<16xi32>
        %parallel_loop3A_110 = vector.extract_strided_slice %parallel_loop3A_109 {offsets = [0], sizes = [1], strides = [1]} : vector<16xi32> to vector<1xi32>
        %parallel_loop3A_111 = vector.extract %parallel_loop3A_110[0] : i32 from vector<1xi32>
        %parallel_loop3A_112 = arith.constant 0 : i32
        %parallel_loop3A_113 = arith.addi %parallel_loop3A_105, %parallel_loop3A_112 : i32
        %parallel_loop3A_114 = arith.constant 0 : i32
        %parallel_loop3A_115 = arith.constant 0 : i32
        %parallel_loop3A_116 = tpu.memref_slice %arg11[%parallel_loop3A_113, %parallel_loop3A_115] : memref<256x64xf32, #tpu.memory_space<vmem>> -> memref<1x64xf32, #tpu.memory_space<vmem>>
        %parallel_loop3A_117 = tpu.memref_squeeze %parallel_loop3A_116 : memref<1x64xf32, #tpu.memory_space<vmem>> -> memref<64xf32, #tpu.memory_space<vmem>>
        %parallel_loop3A_118 = arith.constant 0 : i32
        %parallel_loop3A_119 = tpu.memref_slice %arg5[%parallel_loop3A_111, %parallel_loop3A_118] : memref<1000000x64xf32, #tpu.memory_space<hbm>> -> memref<1x64xf32, #tpu.memory_space<hbm>>
        %parallel_loop3A_120 = tpu.memref_squeeze %parallel_loop3A_119 : memref<1x64xf32, #tpu.memory_space<hbm>> -> memref<64xf32, #tpu.memory_space<hbm>>
        %parallel_loop3A_121 = tpu.memref_slice %arg14[%parallel_loop3A_114] : memref<4x!tpu.dma_semaphore, #tpu.memory_space<semaphore_mem>> -> memref<1x!tpu.dma_semaphore, #tpu.memory_space<semaphore_mem>>
        %parallel_loop3A_122 = tpu.memref_squeeze %parallel_loop3A_121 : memref<1x!tpu.dma_semaphore, #tpu.memory_space<semaphore_mem>> -> memref<!tpu.dma_semaphore, #tpu.memory_space<semaphore_mem>>
        %parallel_loop3A_123 = arith.constant 0 : i32
        %parallel_loop3A_124 = tpu.memref_slice %arg11[%parallel_loop3A_113, %parallel_loop3A_123] : memref<256x64xf32, #tpu.memory_space<vmem>> -> memref<1x64xf32, #tpu.memory_space<vmem>>
        %parallel_loop3A_125 = tpu.memref_squeeze %parallel_loop3A_124 : memref<1x64xf32, #tpu.memory_space<vmem>> -> memref<64xf32, #tpu.memory_space<vmem>>
        %parallel_loop3A_126 = arith.constant 0 : i32
        %parallel_loop3A_127 = tpu.memref_slice %arg5[%parallel_loop3A_111, %parallel_loop3A_126] : memref<1000000x64xf32, #tpu.memory_space<hbm>> -> memref<1x64xf32, #tpu.memory_space<hbm>>
        %parallel_loop3A_128 = tpu.memref_squeeze %parallel_loop3A_127 : memref<1x64xf32, #tpu.memory_space<hbm>> -> memref<64xf32, #tpu.memory_space<hbm>>
        tpu.enqueue_dma source(%parallel_loop3A_128 : memref<64xf32, #tpu.memory_space<hbm>>) target(%parallel_loop3A_125 : memref<64xf32, #tpu.memory_space<vmem>>) target_semaphore(%parallel_loop3A_122 : memref<!tpu.dma_semaphore, #tpu.memory_space<semaphore_mem>>)
        %parallel_loop3A_129 = vector.extract_strided_slice %parallel_loop3A_109 {offsets = [1], sizes = [1], strides = [1]} : vector<16xi32> to vector<1xi32>
        %parallel_loop3A_130 = vector.extract %parallel_loop3A_129[0] : i32 from vector<1xi32>
        %parallel_loop3A_131 = arith.constant 1 : i32
        %parallel_loop3A_132 = arith.addi %parallel_loop3A_105, %parallel_loop3A_131 : i32
        %parallel_loop3A_133 = arith.constant 1 : i32
        %parallel_loop3A_134 = arith.constant 0 : i32
        %parallel_loop3A_135 = tpu.memref_slice %arg11[%parallel_loop3A_132, %parallel_loop3A_134] : memref<256x64xf32, #tpu.memory_space<vmem>> -> memref<1x64xf32, #tpu.memory_space<vmem>>
        %parallel_loop3A_136 = tpu.memref_squeeze %parallel_loop3A_135 : memref<1x64xf32, #tpu.memory_space<vmem>> -> memref<64xf32, #tpu.memory_space<vmem>>
        %parallel_loop3A_137 = arith.constant 0 : i32
        %parallel_loop3A_138 = tpu.memref_slice %arg5[%parallel_loop3A_130, %parallel_loop3A_137] : memref<1000000x64xf32, #tpu.memory_space<hbm>> -> memref<1x64xf32, #tpu.memory_space<hbm>>
        %parallel_loop3A_139 = tpu.memref_squeeze %parallel_loop3A_138 : memref<1x64xf32, #tpu.memory_space<hbm>> -> memref<64xf32, #tpu.memory_space<hbm>>
        %parallel_loop3A_140 = tpu.memref_slice %arg14[%parallel_loop3A_133] : memref<4x!tpu.dma_semaphore, #tpu.memory_space<semaphore_mem>> -> memref<1x!tpu.dma_semaphore, #tpu.memory_space<semaphore_mem>>
        %parallel_loop3A_141 = tpu.memref_squeeze %parallel_loop3A_140 : memref<1x!tpu.dma_semaphore, #tpu.memory_space<semaphore_mem>> -> memref<!tpu.dma_semaphore, #tpu.memory_space<semaphore_mem>>
        %parallel_loop3A_142 = arith.constant 0 : i32
        %parallel_loop3A_143 = tpu.memref_slice %arg11[%parallel_loop3A_132, %parallel_loop3A_142] : memref<256x64xf32, #tpu.memory_space<vmem>> -> memref<1x64xf32, #tpu.memory_space<vmem>>
        %parallel_loop3A_144 = tpu.memref_squeeze %parallel_loop3A_143 : memref<1x64xf32, #tpu.memory_space<vmem>> -> memref<64xf32, #tpu.memory_space<vmem>>
        %parallel_loop3A_145 = arith.constant 0 : i32
        %parallel_loop3A_146 = tpu.memref_slice %arg5[%parallel_loop3A_130, %parallel_loop3A_145] : memref<1000000x64xf32, #tpu.memory_space<hbm>> -> memref<1x64xf32, #tpu.memory_space<hbm>>
        %parallel_loop3A_147 = tpu.memref_squeeze %parallel_loop3A_146 : memref<1x64xf32, #tpu.memory_space<hbm>> -> memref<64xf32, #tpu.memory_space<hbm>>
        tpu.enqueue_dma source(%parallel_loop3A_147 : memref<64xf32, #tpu.memory_space<hbm>>) target(%parallel_loop3A_144 : memref<64xf32, #tpu.memory_space<vmem>>) target_semaphore(%parallel_loop3A_141 : memref<!tpu.dma_semaphore, #tpu.memory_space<semaphore_mem>>)
        %parallel_loop3A_148 = vector.extract_strided_slice %parallel_loop3A_109 {offsets = [2], sizes = [1], strides = [1]} : vector<16xi32> to vector<1xi32>
        %parallel_loop3A_149 = vector.extract %parallel_loop3A_148[0] : i32 from vector<1xi32>
        %parallel_loop3A_150 = arith.constant 2 : i32
        %parallel_loop3A_151 = arith.addi %parallel_loop3A_105, %parallel_loop3A_150 : i32
        %parallel_loop3A_152 = arith.constant 2 : i32
        %parallel_loop3A_153 = arith.constant 0 : i32
        %parallel_loop3A_154 = tpu.memref_slice %arg11[%parallel_loop3A_151, %parallel_loop3A_153] : memref<256x64xf32, #tpu.memory_space<vmem>> -> memref<1x64xf32, #tpu.memory_space<vmem>>
        %parallel_loop3A_155 = tpu.memref_squeeze %parallel_loop3A_154 : memref<1x64xf32, #tpu.memory_space<vmem>> -> memref<64xf32, #tpu.memory_space<vmem>>
        %parallel_loop3A_156 = arith.constant 0 : i32
        %parallel_loop3A_157 = tpu.memref_slice %arg5[%parallel_loop3A_149, %parallel_loop3A_156] : memref<1000000x64xf32, #tpu.memory_space<hbm>> -> memref<1x64xf32, #tpu.memory_space<hbm>>
        %parallel_loop3A_158 = tpu.memref_squeeze %parallel_loop3A_157 : memref<1x64xf32, #tpu.memory_space<hbm>> -> memref<64xf32, #tpu.memory_space<hbm>>
        %parallel_loop3A_159 = tpu.memref_slice %arg14[%parallel_loop3A_152] : memref<4x!tpu.dma_semaphore, #tpu.memory_space<semaphore_mem>> -> memref<1x!tpu.dma_semaphore, #tpu.memory_space<semaphore_mem>>
        %parallel_loop3A_160 = tpu.memref_squeeze %parallel_loop3A_159 : memref<1x!tpu.dma_semaphore, #tpu.memory_space<semaphore_mem>> -> memref<!tpu.dma_semaphore, #tpu.memory_space<semaphore_mem>>
        %parallel_loop3A_161 = arith.constant 0 : i32
        %parallel_loop3A_162 = tpu.memref_slice %arg11[%parallel_loop3A_151, %parallel_loop3A_161] : memref<256x64xf32, #tpu.memory_space<vmem>> -> memref<1x64xf32, #tpu.memory_space<vmem>>
        %parallel_loop3A_163 = tpu.memref_squeeze %parallel_loop3A_162 : memref<1x64xf32, #tpu.memory_space<vmem>> -> memref<64xf32, #tpu.memory_space<vmem>>
        %parallel_loop3A_164 = arith.constant 0 : i32
        %parallel_loop3A_165 = tpu.memref_slice %arg5[%parallel_loop3A_149, %parallel_loop3A_164] : memref<1000000x64xf32, #tpu.memory_space<hbm>> -> memref<1x64xf32, #tpu.memory_space<hbm>>
        %parallel_loop3A_166 = tpu.memref_squeeze %parallel_loop3A_165 : memref<1x64xf32, #tpu.memory_space<hbm>> -> memref<64xf32, #tpu.memory_space<hbm>>
        tpu.enqueue_dma source(%parallel_loop3A_166 : memref<64xf32, #tpu.memory_space<hbm>>) target(%parallel_loop3A_163 : memref<64xf32, #tpu.memory_space<vmem>>) target_semaphore(%parallel_loop3A_160 : memref<!tpu.dma_semaphore, #tpu.memory_space<semaphore_mem>>)
        %parallel_loop3A_167 = vector.extract_strided_slice %parallel_loop3A_109 {offsets = [3], sizes = [1], strides = [1]} : vector<16xi32> to vector<1xi32>
        %parallel_loop3A_168 = vector.extract %parallel_loop3A_167[0] : i32 from vector<1xi32>
        %parallel_loop3A_169 = arith.constant 3 : i32
        %parallel_loop3A_170 = arith.addi %parallel_loop3A_105, %parallel_loop3A_169 : i32
        %parallel_loop3A_171 = arith.constant 3 : i32
        %parallel_loop3A_172 = arith.constant 0 : i32
        %parallel_loop3A_173 = tpu.memref_slice %arg11[%parallel_loop3A_170, %parallel_loop3A_172] : memref<256x64xf32, #tpu.memory_space<vmem>> -> memref<1x64xf32, #tpu.memory_space<vmem>>
        %parallel_loop3A_174 = tpu.memref_squeeze %parallel_loop3A_173 : memref<1x64xf32, #tpu.memory_space<vmem>> -> memref<64xf32, #tpu.memory_space<vmem>>
        %parallel_loop3A_175 = arith.constant 0 : i32
        %parallel_loop3A_176 = tpu.memref_slice %arg5[%parallel_loop3A_168, %parallel_loop3A_175] : memref<1000000x64xf32, #tpu.memory_space<hbm>> -> memref<1x64xf32, #tpu.memory_space<hbm>>
        %parallel_loop3A_177 = tpu.memref_squeeze %parallel_loop3A_176 : memref<1x64xf32, #tpu.memory_space<hbm>> -> memref<64xf32, #tpu.memory_space<hbm>>
        %parallel_loop3A_178 = tpu.memref_slice %arg14[%parallel_loop3A_171] : memref<4x!tpu.dma_semaphore, #tpu.memory_space<semaphore_mem>> -> memref<1x!tpu.dma_semaphore, #tpu.memory_space<semaphore_mem>>
        %parallel_loop3A_179 = tpu.memref_squeeze %parallel_loop3A_178 : memref<1x!tpu.dma_semaphore, #tpu.memory_space<semaphore_mem>> -> memref<!tpu.dma_semaphore, #tpu.memory_space<semaphore_mem>>
        %parallel_loop3A_180 = arith.constant 0 : i32
        %parallel_loop3A_181 = tpu.memref_slice %arg11[%parallel_loop3A_170, %parallel_loop3A_180] : memref<256x64xf32, #tpu.memory_space<vmem>> -> memref<1x64xf32, #tpu.memory_space<vmem>>
        %parallel_loop3A_182 = tpu.memref_squeeze %parallel_loop3A_181 : memref<1x64xf32, #tpu.memory_space<vmem>> -> memref<64xf32, #tpu.memory_space<vmem>>
        %parallel_loop3A_183 = arith.constant 0 : i32
        %parallel_loop3A_184 = tpu.memref_slice %arg5[%parallel_loop3A_168, %parallel_loop3A_183] : memref<1000000x64xf32, #tpu.memory_space<hbm>> -> memref<1x64xf32, #tpu.memory_space<hbm>>
        %parallel_loop3A_185 = tpu.memref_squeeze %parallel_loop3A_184 : memref<1x64xf32, #tpu.memory_space<hbm>> -> memref<64xf32, #tpu.memory_space<hbm>>
        tpu.enqueue_dma source(%parallel_loop3A_185 : memref<64xf32, #tpu.memory_space<hbm>>) target(%parallel_loop3A_182 : memref<64xf32, #tpu.memory_space<vmem>>) target_semaphore(%parallel_loop3A_179 : memref<!tpu.dma_semaphore, #tpu.memory_space<semaphore_mem>>)
        %parallel_loop3A_186 = vector.extract_strided_slice %parallel_loop3A_109 {offsets = [4], sizes = [1], strides = [1]} : vector<16xi32> to vector<1xi32>
        %parallel_loop3A_187 = vector.extract %parallel_loop3A_186[0] : i32 from vector<1xi32>
        %parallel_loop3A_188 = arith.constant 4 : i32
        %parallel_loop3A_189 = arith.addi %parallel_loop3A_105, %parallel_loop3A_188 : i32
        %parallel_loop3A_190 = arith.constant 0 : i32
        %parallel_loop3A_191 = arith.constant 0 : i32
        %parallel_loop3A_192 = tpu.memref_slice %arg11[%parallel_loop3A_189, %parallel_loop3A_191] : memref<256x64xf32, #tpu.memory_space<vmem>> -> memref<1x64xf32, #tpu.memory_space<vmem>>
        %parallel_loop3A_193 = tpu.memref_squeeze %parallel_loop3A_192 : memref<1x64xf32, #tpu.memory_space<vmem>> -> memref<64xf32, #tpu.memory_space<vmem>>
        %parallel_loop3A_194 = arith.constant 0 : i32
        %parallel_loop3A_195 = tpu.memref_slice %arg5[%parallel_loop3A_187, %parallel_loop3A_194] : memref<1000000x64xf32, #tpu.memory_space<hbm>> -> memref<1x64xf32, #tpu.memory_space<hbm>>
        %parallel_loop3A_196 = tpu.memref_squeeze %parallel_loop3A_195 : memref<1x64xf32, #tpu.memory_space<hbm>> -> memref<64xf32, #tpu.memory_space<hbm>>
        %parallel_loop3A_197 = tpu.memref_slice %arg14[%parallel_loop3A_190] : memref<4x!tpu.dma_semaphore, #tpu.memory_space<semaphore_mem>> -> memref<1x!tpu.dma_semaphore, #tpu.memory_space<semaphore_mem>>
        %parallel_loop3A_198 = tpu.memref_squeeze %parallel_loop3A_197 : memref<1x!tpu.dma_semaphore, #tpu.memory_space<semaphore_mem>> -> memref<!tpu.dma_semaphore, #tpu.memory_space<semaphore_mem>>
        %parallel_loop3A_199 = arith.constant 0 : i32
        %parallel_loop3A_200 = tpu.memref_slice %arg11[%parallel_loop3A_189, %parallel_loop3A_199] : memref<256x64xf32, #tpu.memory_space<vmem>> -> memref<1x64xf32, #tpu.memory_space<vmem>>
        %parallel_loop3A_201 = tpu.memref_squeeze %parallel_loop3A_200 : memref<1x64xf32, #tpu.memory_space<vmem>> -> memref<64xf32, #tpu.memory_space<vmem>>
        %parallel_loop3A_202 = arith.constant 0 : i32
        %parallel_loop3A_203 = tpu.memref_slice %arg5[%parallel_loop3A_187, %parallel_loop3A_202] : memref<1000000x64xf32, #tpu.memory_space<hbm>> -> memref<1x64xf32, #tpu.memory_space<hbm>>
        %parallel_loop3A_204 = tpu.memref_squeeze %parallel_loop3A_203 : memref<1x64xf32, #tpu.memory_space<hbm>> -> memref<64xf32, #tpu.memory_space<hbm>>
        tpu.enqueue_dma source(%parallel_loop3A_204 : memref<64xf32, #tpu.memory_space<hbm>>) target(%parallel_loop3A_201 : memref<64xf32, #tpu.memory_space<vmem>>) target_semaphore(%parallel_loop3A_198 : memref<!tpu.dma_semaphore, #tpu.memory_space<semaphore_mem>>)
        %parallel_loop3A_205 = vector.extract_strided_slice %parallel_loop3A_109 {offsets = [5], sizes = [1], strides = [1]} : vector<16xi32> to vector<1xi32>
        %parallel_loop3A_206 = vector.extract %parallel_loop3A_205[0] : i32 from vector<1xi32>
        %parallel_loop3A_207 = arith.constant 5 : i32
        %parallel_loop3A_208 = arith.addi %parallel_loop3A_105, %parallel_loop3A_207 : i32
        %parallel_loop3A_209 = arith.constant 1 : i32
        %parallel_loop3A_210 = arith.constant 0 : i32
        %parallel_loop3A_211 = tpu.memref_slice %arg11[%parallel_loop3A_208, %parallel_loop3A_210] : memref<256x64xf32, #tpu.memory_space<vmem>> -> memref<1x64xf32, #tpu.memory_space<vmem>>
        %parallel_loop3A_212 = tpu.memref_squeeze %parallel_loop3A_211 : memref<1x64xf32, #tpu.memory_space<vmem>> -> memref<64xf32, #tpu.memory_space<vmem>>
        %parallel_loop3A_213 = arith.constant 0 : i32
        %parallel_loop3A_214 = tpu.memref_slice %arg5[%parallel_loop3A_206, %parallel_loop3A_213] : memref<1000000x64xf32, #tpu.memory_space<hbm>> -> memref<1x64xf32, #tpu.memory_space<hbm>>
        %parallel_loop3A_215 = tpu.memref_squeeze %parallel_loop3A_214 : memref<1x64xf32, #tpu.memory_space<hbm>> -> memref<64xf32, #tpu.memory_space<hbm>>
        %parallel_loop3A_216 = tpu.memref_slice %arg14[%parallel_loop3A_209] : memref<4x!tpu.dma_semaphore, #tpu.memory_space<semaphore_mem>> -> memref<1x!tpu.dma_semaphore, #tpu.memory_space<semaphore_mem>>
        %parallel_loop3A_217 = tpu.memref_squeeze %parallel_loop3A_216 : memref<1x!tpu.dma_semaphore, #tpu.memory_space<semaphore_mem>> -> memref<!tpu.dma_semaphore, #tpu.memory_space<semaphore_mem>>
        %parallel_loop3A_218 = arith.constant 0 : i32
        %parallel_loop3A_219 = tpu.memref_slice %arg11[%parallel_loop3A_208, %parallel_loop3A_218] : memref<256x64xf32, #tpu.memory_space<vmem>> -> memref<1x64xf32, #tpu.memory_space<vmem>>
        %parallel_loop3A_220 = tpu.memref_squeeze %parallel_loop3A_219 : memref<1x64xf32, #tpu.memory_space<vmem>> -> memref<64xf32, #tpu.memory_space<vmem>>
        %parallel_loop3A_221 = arith.constant 0 : i32
        %parallel_loop3A_222 = tpu.memref_slice %arg5[%parallel_loop3A_206, %parallel_loop3A_221] : memref<1000000x64xf32, #tpu.memory_space<hbm>> -> memref<1x64xf32, #tpu.memory_space<hbm>>
        %parallel_loop3A_223 = tpu.memref_squeeze %parallel_loop3A_222 : memref<1x64xf32, #tpu.memory_space<hbm>> -> memref<64xf32, #tpu.memory_space<hbm>>
        tpu.enqueue_dma source(%parallel_loop3A_223 : memref<64xf32, #tpu.memory_space<hbm>>) target(%parallel_loop3A_220 : memref<64xf32, #tpu.memory_space<vmem>>) target_semaphore(%parallel_loop3A_217 : memref<!tpu.dma_semaphore, #tpu.memory_space<semaphore_mem>>)
        %parallel_loop3A_224 = vector.extract_strided_slice %parallel_loop3A_109 {offsets = [6], sizes = [1], strides = [1]} : vector<16xi32> to vector<1xi32>
        %parallel_loop3A_225 = vector.extract %parallel_loop3A_224[0] : i32 from vector<1xi32>
        %parallel_loop3A_226 = arith.constant 6 : i32
        %parallel_loop3A_227 = arith.addi %parallel_loop3A_105, %parallel_loop3A_226 : i32
        %parallel_loop3A_228 = arith.constant 2 : i32
        %parallel_loop3A_229 = arith.constant 0 : i32
        %parallel_loop3A_230 = tpu.memref_slice %arg11[%parallel_loop3A_227, %parallel_loop3A_229] : memref<256x64xf32, #tpu.memory_space<vmem>> -> memref<1x64xf32, #tpu.memory_space<vmem>>
        %parallel_loop3A_231 = tpu.memref_squeeze %parallel_loop3A_230 : memref<1x64xf32, #tpu.memory_space<vmem>> -> memref<64xf32, #tpu.memory_space<vmem>>
        %parallel_loop3A_232 = arith.constant 0 : i32
        %parallel_loop3A_233 = tpu.memref_slice %arg5[%parallel_loop3A_225, %parallel_loop3A_232] : memref<1000000x64xf32, #tpu.memory_space<hbm>> -> memref<1x64xf32, #tpu.memory_space<hbm>>
        %parallel_loop3A_234 = tpu.memref_squeeze %parallel_loop3A_233 : memref<1x64xf32, #tpu.memory_space<hbm>> -> memref<64xf32, #tpu.memory_space<hbm>>
        %parallel_loop3A_235 = tpu.memref_slice %arg14[%parallel_loop3A_228] : memref<4x!tpu.dma_semaphore, #tpu.memory_space<semaphore_mem>> -> memref<1x!tpu.dma_semaphore, #tpu.memory_space<semaphore_mem>>
        %parallel_loop3A_236 = tpu.memref_squeeze %parallel_loop3A_235 : memref<1x!tpu.dma_semaphore, #tpu.memory_space<semaphore_mem>> -> memref<!tpu.dma_semaphore, #tpu.memory_space<semaphore_mem>>
        %parallel_loop3A_237 = arith.constant 0 : i32
        %parallel_loop3A_238 = tpu.memref_slice %arg11[%parallel_loop3A_227, %parallel_loop3A_237] : memref<256x64xf32, #tpu.memory_space<vmem>> -> memref<1x64xf32, #tpu.memory_space<vmem>>
        %parallel_loop3A_239 = tpu.memref_squeeze %parallel_loop3A_238 : memref<1x64xf32, #tpu.memory_space<vmem>> -> memref<64xf32, #tpu.memory_space<vmem>>
        %parallel_loop3A_240 = arith.constant 0 : i32
        %parallel_loop3A_241 = tpu.memref_slice %arg5[%parallel_loop3A_225, %parallel_loop3A_240] : memref<1000000x64xf32, #tpu.memory_space<hbm>> -> memref<1x64xf32, #tpu.memory_space<hbm>>
        %parallel_loop3A_242 = tpu.memref_squeeze %parallel_loop3A_241 : memref<1x64xf32, #tpu.memory_space<hbm>> -> memref<64xf32, #tpu.memory_space<hbm>>
        tpu.enqueue_dma source(%parallel_loop3A_242 : memref<64xf32, #tpu.memory_space<hbm>>) target(%parallel_loop3A_239 : memref<64xf32, #tpu.memory_space<vmem>>) target_semaphore(%parallel_loop3A_236 : memref<!tpu.dma_semaphore, #tpu.memory_space<semaphore_mem>>)
        %parallel_loop3A_243 = vector.extract_strided_slice %parallel_loop3A_109 {offsets = [7], sizes = [1], strides = [1]} : vector<16xi32> to vector<1xi32>
        %parallel_loop3A_244 = vector.extract %parallel_loop3A_243[0] : i32 from vector<1xi32>
        %parallel_loop3A_245 = arith.constant 7 : i32
        %parallel_loop3A_246 = arith.addi %parallel_loop3A_105, %parallel_loop3A_245 : i32
        %parallel_loop3A_247 = arith.constant 3 : i32
        %parallel_loop3A_248 = arith.constant 0 : i32
        %parallel_loop3A_249 = tpu.memref_slice %arg11[%parallel_loop3A_246, %parallel_loop3A_248] : memref<256x64xf32, #tpu.memory_space<vmem>> -> memref<1x64xf32, #tpu.memory_space<vmem>>
        %parallel_loop3A_250 = tpu.memref_squeeze %parallel_loop3A_249 : memref<1x64xf32, #tpu.memory_space<vmem>> -> memref<64xf32, #tpu.memory_space<vmem>>
        %parallel_loop3A_251 = arith.constant 0 : i32
        %parallel_loop3A_252 = tpu.memref_slice %arg5[%parallel_loop3A_244, %parallel_loop3A_251] : memref<1000000x64xf32, #tpu.memory_space<hbm>> -> memref<1x64xf32, #tpu.memory_space<hbm>>
        %parallel_loop3A_253 = tpu.memref_squeeze %parallel_loop3A_252 : memref<1x64xf32, #tpu.memory_space<hbm>> -> memref<64xf32, #tpu.memory_space<hbm>>
        %parallel_loop3A_254 = tpu.memref_slice %arg14[%parallel_loop3A_247] : memref<4x!tpu.dma_semaphore, #tpu.memory_space<semaphore_mem>> -> memref<1x!tpu.dma_semaphore, #tpu.memory_space<semaphore_mem>>
        %parallel_loop3A_255 = tpu.memref_squeeze %parallel_loop3A_254 : memref<1x!tpu.dma_semaphore, #tpu.memory_space<semaphore_mem>> -> memref<!tpu.dma_semaphore, #tpu.memory_space<semaphore_mem>>
        %parallel_loop3A_256 = arith.constant 0 : i32
        %parallel_loop3A_257 = tpu.memref_slice %arg11[%parallel_loop3A_246, %parallel_loop3A_256] : memref<256x64xf32, #tpu.memory_space<vmem>> -> memref<1x64xf32, #tpu.memory_space<vmem>>
        %parallel_loop3A_258 = tpu.memref_squeeze %parallel_loop3A_257 : memref<1x64xf32, #tpu.memory_space<vmem>> -> memref<64xf32, #tpu.memory_space<vmem>>
        %parallel_loop3A_259 = arith.constant 0 : i32
        %parallel_loop3A_260 = tpu.memref_slice %arg5[%parallel_loop3A_244, %parallel_loop3A_259] : memref<1000000x64xf32, #tpu.memory_space<hbm>> -> memref<1x64xf32, #tpu.memory_space<hbm>>
        %parallel_loop3A_261 = tpu.memref_squeeze %parallel_loop3A_260 : memref<1x64xf32, #tpu.memory_space<hbm>> -> memref<64xf32, #tpu.memory_space<hbm>>
        tpu.enqueue_dma source(%parallel_loop3A_261 : memref<64xf32, #tpu.memory_space<hbm>>) target(%parallel_loop3A_258 : memref<64xf32, #tpu.memory_space<vmem>>) target_semaphore(%parallel_loop3A_255 : memref<!tpu.dma_semaphore, #tpu.memory_space<semaphore_mem>>)
        %parallel_loop3A_262 = vector.extract_strided_slice %parallel_loop3A_109 {offsets = [8], sizes = [1], strides = [1]} : vector<16xi32> to vector<1xi32>
        %parallel_loop3A_263 = vector.extract %parallel_loop3A_262[0] : i32 from vector<1xi32>
        %parallel_loop3A_264 = arith.constant 8 : i32
        %parallel_loop3A_265 = arith.addi %parallel_loop3A_105, %parallel_loop3A_264 : i32
        %parallel_loop3A_266 = arith.constant 0 : i32
        %parallel_loop3A_267 = arith.constant 0 : i32
        %parallel_loop3A_268 = tpu.memref_slice %arg11[%parallel_loop3A_265, %parallel_loop3A_267] : memref<256x64xf32, #tpu.memory_space<vmem>> -> memref<1x64xf32, #tpu.memory_space<vmem>>
        %parallel_loop3A_269 = tpu.memref_squeeze %parallel_loop3A_268 : memref<1x64xf32, #tpu.memory_space<vmem>> -> memref<64xf32, #tpu.memory_space<vmem>>
        %parallel_loop3A_270 = arith.constant 0 : i32
        %parallel_loop3A_271 = tpu.memref_slice %arg5[%parallel_loop3A_263, %parallel_loop3A_270] : memref<1000000x64xf32, #tpu.memory_space<hbm>> -> memref<1x64xf32, #tpu.memory_space<hbm>>
        %parallel_loop3A_272 = tpu.memref_squeeze %parallel_loop3A_271 : memref<1x64xf32, #tpu.memory_space<hbm>> -> memref<64xf32, #tpu.memory_space<hbm>>
        %parallel_loop3A_273 = tpu.memref_slice %arg14[%parallel_loop3A_266] : memref<4x!tpu.dma_semaphore, #tpu.memory_space<semaphore_mem>> -> memref<1x!tpu.dma_semaphore, #tpu.memory_space<semaphore_mem>>
        %parallel_loop3A_274 = tpu.memref_squeeze %parallel_loop3A_273 : memref<1x!tpu.dma_semaphore, #tpu.memory_space<semaphore_mem>> -> memref<!tpu.dma_semaphore, #tpu.memory_space<semaphore_mem>>
        %parallel_loop3A_275 = arith.constant 0 : i32
        %parallel_loop3A_276 = tpu.memref_slice %arg11[%parallel_loop3A_265, %parallel_loop3A_275] : memref<256x64xf32, #tpu.memory_space<vmem>> -> memref<1x64xf32, #tpu.memory_space<vmem>>
        %parallel_loop3A_277 = tpu.memref_squeeze %parallel_loop3A_276 : memref<1x64xf32, #tpu.memory_space<vmem>> -> memref<64xf32, #tpu.memory_space<vmem>>
        %parallel_loop3A_278 = arith.constant 0 : i32
        %parallel_loop3A_279 = tpu.memref_slice %arg5[%parallel_loop3A_263, %parallel_loop3A_278] : memref<1000000x64xf32, #tpu.memory_space<hbm>> -> memref<1x64xf32, #tpu.memory_space<hbm>>
        %parallel_loop3A_280 = tpu.memref_squeeze %parallel_loop3A_279 : memref<1x64xf32, #tpu.memory_space<hbm>> -> memref<64xf32, #tpu.memory_space<hbm>>
        tpu.enqueue_dma source(%parallel_loop3A_280 : memref<64xf32, #tpu.memory_space<hbm>>) target(%parallel_loop3A_277 : memref<64xf32, #tpu.memory_space<vmem>>) target_semaphore(%parallel_loop3A_274 : memref<!tpu.dma_semaphore, #tpu.memory_space<semaphore_mem>>)
        %parallel_loop3A_281 = vector.extract_strided_slice %parallel_loop3A_109 {offsets = [9], sizes = [1], strides = [1]} : vector<16xi32> to vector<1xi32>
        %parallel_loop3A_282 = vector.extract %parallel_loop3A_281[0] : i32 from vector<1xi32>
        %parallel_loop3A_283 = arith.constant 9 : i32
        %parallel_loop3A_284 = arith.addi %parallel_loop3A_105, %parallel_loop3A_283 : i32
        %parallel_loop3A_285 = arith.constant 1 : i32
        %parallel_loop3A_286 = arith.constant 0 : i32
        %parallel_loop3A_287 = tpu.memref_slice %arg11[%parallel_loop3A_284, %parallel_loop3A_286] : memref<256x64xf32, #tpu.memory_space<vmem>> -> memref<1x64xf32, #tpu.memory_space<vmem>>
        %parallel_loop3A_288 = tpu.memref_squeeze %parallel_loop3A_287 : memref<1x64xf32, #tpu.memory_space<vmem>> -> memref<64xf32, #tpu.memory_space<vmem>>
        %parallel_loop3A_289 = arith.constant 0 : i32
        %parallel_loop3A_290 = tpu.memref_slice %arg5[%parallel_loop3A_282, %parallel_loop3A_289] : memref<1000000x64xf32, #tpu.memory_space<hbm>> -> memref<1x64xf32, #tpu.memory_space<hbm>>
        %parallel_loop3A_291 = tpu.memref_squeeze %parallel_loop3A_290 : memref<1x64xf32, #tpu.memory_space<hbm>> -> memref<64xf32, #tpu.memory_space<hbm>>
        %parallel_loop3A_292 = tpu.memref_slice %arg14[%parallel_loop3A_285] : memref<4x!tpu.dma_semaphore, #tpu.memory_space<semaphore_mem>> -> memref<1x!tpu.dma_semaphore, #tpu.memory_space<semaphore_mem>>
        %parallel_loop3A_293 = tpu.memref_squeeze %parallel_loop3A_292 : memref<1x!tpu.dma_semaphore, #tpu.memory_space<semaphore_mem>> -> memref<!tpu.dma_semaphore, #tpu.memory_space<semaphore_mem>>
        %parallel_loop3A_294 = arith.constant 0 : i32
        %parallel_loop3A_295 = tpu.memref_slice %arg11[%parallel_loop3A_284, %parallel_loop3A_294] : memref<256x64xf32, #tpu.memory_space<vmem>> -> memref<1x64xf32, #tpu.memory_space<vmem>>
        %parallel_loop3A_296 = tpu.memref_squeeze %parallel_loop3A_295 : memref<1x64xf32, #tpu.memory_space<vmem>> -> memref<64xf32, #tpu.memory_space<vmem>>
        %parallel_loop3A_297 = arith.constant 0 : i32
        %parallel_loop3A_298 = tpu.memref_slice %arg5[%parallel_loop3A_282, %parallel_loop3A_297] : memref<1000000x64xf32, #tpu.memory_space<hbm>> -> memref<1x64xf32, #tpu.memory_space<hbm>>
        %parallel_loop3A_299 = tpu.memref_squeeze %parallel_loop3A_298 : memref<1x64xf32, #tpu.memory_space<hbm>> -> memref<64xf32, #tpu.memory_space<hbm>>
        tpu.enqueue_dma source(%parallel_loop3A_299 : memref<64xf32, #tpu.memory_space<hbm>>) target(%parallel_loop3A_296 : memref<64xf32, #tpu.memory_space<vmem>>) target_semaphore(%parallel_loop3A_293 : memref<!tpu.dma_semaphore, #tpu.memory_space<semaphore_mem>>)
        %parallel_loop3A_300 = vector.extract_strided_slice %parallel_loop3A_109 {offsets = [10], sizes = [1], strides = [1]} : vector<16xi32> to vector<1xi32>
        %parallel_loop3A_301 = vector.extract %parallel_loop3A_300[0] : i32 from vector<1xi32>
        %parallel_loop3A_302 = arith.constant 10 : i32
        %parallel_loop3A_303 = arith.addi %parallel_loop3A_105, %parallel_loop3A_302 : i32
        %parallel_loop3A_304 = arith.constant 2 : i32
        %parallel_loop3A_305 = arith.constant 0 : i32
        %parallel_loop3A_306 = tpu.memref_slice %arg11[%parallel_loop3A_303, %parallel_loop3A_305] : memref<256x64xf32, #tpu.memory_space<vmem>> -> memref<1x64xf32, #tpu.memory_space<vmem>>
        %parallel_loop3A_307 = tpu.memref_squeeze %parallel_loop3A_306 : memref<1x64xf32, #tpu.memory_space<vmem>> -> memref<64xf32, #tpu.memory_space<vmem>>
        %parallel_loop3A_308 = arith.constant 0 : i32
        %parallel_loop3A_309 = tpu.memref_slice %arg5[%parallel_loop3A_301, %parallel_loop3A_308] : memref<1000000x64xf32, #tpu.memory_space<hbm>> -> memref<1x64xf32, #tpu.memory_space<hbm>>
        %parallel_loop3A_310 = tpu.memref_squeeze %parallel_loop3A_309 : memref<1x64xf32, #tpu.memory_space<hbm>> -> memref<64xf32, #tpu.memory_space<hbm>>
        %parallel_loop3A_311 = tpu.memref_slice %arg14[%parallel_loop3A_304] : memref<4x!tpu.dma_semaphore, #tpu.memory_space<semaphore_mem>> -> memref<1x!tpu.dma_semaphore, #tpu.memory_space<semaphore_mem>>
        %parallel_loop3A_312 = tpu.memref_squeeze %parallel_loop3A_311 : memref<1x!tpu.dma_semaphore, #tpu.memory_space<semaphore_mem>> -> memref<!tpu.dma_semaphore, #tpu.memory_space<semaphore_mem>>
        %parallel_loop3A_313 = arith.constant 0 : i32
        %parallel_loop3A_314 = tpu.memref_slice %arg11[%parallel_loop3A_303, %parallel_loop3A_313] : memref<256x64xf32, #tpu.memory_space<vmem>> -> memref<1x64xf32, #tpu.memory_space<vmem>>
        %parallel_loop3A_315 = tpu.memref_squeeze %parallel_loop3A_314 : memref<1x64xf32, #tpu.memory_space<vmem>> -> memref<64xf32, #tpu.memory_space<vmem>>
        %parallel_loop3A_316 = arith.constant 0 : i32
        %parallel_loop3A_317 = tpu.memref_slice %arg5[%parallel_loop3A_301, %parallel_loop3A_316] : memref<1000000x64xf32, #tpu.memory_space<hbm>> -> memref<1x64xf32, #tpu.memory_space<hbm>>
        %parallel_loop3A_318 = tpu.memref_squeeze %parallel_loop3A_317 : memref<1x64xf32, #tpu.memory_space<hbm>> -> memref<64xf32, #tpu.memory_space<hbm>>
        tpu.enqueue_dma source(%parallel_loop3A_318 : memref<64xf32, #tpu.memory_space<hbm>>) target(%parallel_loop3A_315 : memref<64xf32, #tpu.memory_space<vmem>>) target_semaphore(%parallel_loop3A_312 : memref<!tpu.dma_semaphore, #tpu.memory_space<semaphore_mem>>)
        %parallel_loop3A_319 = vector.extract_strided_slice %parallel_loop3A_109 {offsets = [11], sizes = [1], strides = [1]} : vector<16xi32> to vector<1xi32>
        %parallel_loop3A_320 = vector.extract %parallel_loop3A_319[0] : i32 from vector<1xi32>
        %parallel_loop3A_321 = arith.constant 11 : i32
        %parallel_loop3A_322 = arith.addi %parallel_loop3A_105, %parallel_loop3A_321 : i32
        %parallel_loop3A_323 = arith.constant 3 : i32
        %parallel_loop3A_324 = arith.constant 0 : i32
        %parallel_loop3A_325 = tpu.memref_slice %arg11[%parallel_loop3A_322, %parallel_loop3A_324] : memref<256x64xf32, #tpu.memory_space<vmem>> -> memref<1x64xf32, #tpu.memory_space<vmem>>
        %parallel_loop3A_326 = tpu.memref_squeeze %parallel_loop3A_325 : memref<1x64xf32, #tpu.memory_space<vmem>> -> memref<64xf32, #tpu.memory_space<vmem>>
        %parallel_loop3A_327 = arith.constant 0 : i32
        %parallel_loop3A_328 = tpu.memref_slice %arg5[%parallel_loop3A_320, %parallel_loop3A_327] : memref<1000000x64xf32, #tpu.memory_space<hbm>> -> memref<1x64xf32, #tpu.memory_space<hbm>>
        %parallel_loop3A_329 = tpu.memref_squeeze %parallel_loop3A_328 : memref<1x64xf32, #tpu.memory_space<hbm>> -> memref<64xf32, #tpu.memory_space<hbm>>
        %parallel_loop3A_330 = tpu.memref_slice %arg14[%parallel_loop3A_323] : memref<4x!tpu.dma_semaphore, #tpu.memory_space<semaphore_mem>> -> memref<1x!tpu.dma_semaphore, #tpu.memory_space<semaphore_mem>>
        %parallel_loop3A_331 = tpu.memref_squeeze %parallel_loop3A_330 : memref<1x!tpu.dma_semaphore, #tpu.memory_space<semaphore_mem>> -> memref<!tpu.dma_semaphore, #tpu.memory_space<semaphore_mem>>
        %parallel_loop3A_332 = arith.constant 0 : i32
        %parallel_loop3A_333 = tpu.memref_slice %arg11[%parallel_loop3A_322, %parallel_loop3A_332] : memref<256x64xf32, #tpu.memory_space<vmem>> -> memref<1x64xf32, #tpu.memory_space<vmem>>
        %parallel_loop3A_334 = tpu.memref_squeeze %parallel_loop3A_333 : memref<1x64xf32, #tpu.memory_space<vmem>> -> memref<64xf32, #tpu.memory_space<vmem>>
        %parallel_loop3A_335 = arith.constant 0 : i32
        %parallel_loop3A_336 = tpu.memref_slice %arg5[%parallel_loop3A_320, %parallel_loop3A_335] : memref<1000000x64xf32, #tpu.memory_space<hbm>> -> memref<1x64xf32, #tpu.memory_space<hbm>>
        %parallel_loop3A_337 = tpu.memref_squeeze %parallel_loop3A_336 : memref<1x64xf32, #tpu.memory_space<hbm>> -> memref<64xf32, #tpu.memory_space<hbm>>
        tpu.enqueue_dma source(%parallel_loop3A_337 : memref<64xf32, #tpu.memory_space<hbm>>) target(%parallel_loop3A_334 : memref<64xf32, #tpu.memory_space<vmem>>) target_semaphore(%parallel_loop3A_331 : memref<!tpu.dma_semaphore, #tpu.memory_space<semaphore_mem>>)
        %parallel_loop3A_338 = vector.extract_strided_slice %parallel_loop3A_109 {offsets = [12], sizes = [1], strides = [1]} : vector<16xi32> to vector<1xi32>
        %parallel_loop3A_339 = vector.extract %parallel_loop3A_338[0] : i32 from vector<1xi32>
        %parallel_loop3A_340 = arith.constant 12 : i32
        %parallel_loop3A_341 = arith.addi %parallel_loop3A_105, %parallel_loop3A_340 : i32
        %parallel_loop3A_342 = arith.constant 0 : i32
        %parallel_loop3A_343 = arith.constant 0 : i32
        %parallel_loop3A_344 = tpu.memref_slice %arg11[%parallel_loop3A_341, %parallel_loop3A_343] : memref<256x64xf32, #tpu.memory_space<vmem>> -> memref<1x64xf32, #tpu.memory_space<vmem>>
        %parallel_loop3A_345 = tpu.memref_squeeze %parallel_loop3A_344 : memref<1x64xf32, #tpu.memory_space<vmem>> -> memref<64xf32, #tpu.memory_space<vmem>>
        %parallel_loop3A_346 = arith.constant 0 : i32
        %parallel_loop3A_347 = tpu.memref_slice %arg5[%parallel_loop3A_339, %parallel_loop3A_346] : memref<1000000x64xf32, #tpu.memory_space<hbm>> -> memref<1x64xf32, #tpu.memory_space<hbm>>
        %parallel_loop3A_348 = tpu.memref_squeeze %parallel_loop3A_347 : memref<1x64xf32, #tpu.memory_space<hbm>> -> memref<64xf32, #tpu.memory_space<hbm>>
        %parallel_loop3A_349 = tpu.memref_slice %arg14[%parallel_loop3A_342] : memref<4x!tpu.dma_semaphore, #tpu.memory_space<semaphore_mem>> -> memref<1x!tpu.dma_semaphore, #tpu.memory_space<semaphore_mem>>
        %parallel_loop3A_350 = tpu.memref_squeeze %parallel_loop3A_349 : memref<1x!tpu.dma_semaphore, #tpu.memory_space<semaphore_mem>> -> memref<!tpu.dma_semaphore, #tpu.memory_space<semaphore_mem>>
        %parallel_loop3A_351 = arith.constant 0 : i32
        %parallel_loop3A_352 = tpu.memref_slice %arg11[%parallel_loop3A_341, %parallel_loop3A_351] : memref<256x64xf32, #tpu.memory_space<vmem>> -> memref<1x64xf32, #tpu.memory_space<vmem>>
        %parallel_loop3A_353 = tpu.memref_squeeze %parallel_loop3A_352 : memref<1x64xf32, #tpu.memory_space<vmem>> -> memref<64xf32, #tpu.memory_space<vmem>>
        %parallel_loop3A_354 = arith.constant 0 : i32
        %parallel_loop3A_355 = tpu.memref_slice %arg5[%parallel_loop3A_339, %parallel_loop3A_354] : memref<1000000x64xf32, #tpu.memory_space<hbm>> -> memref<1x64xf32, #tpu.memory_space<hbm>>
        %parallel_loop3A_356 = tpu.memref_squeeze %parallel_loop3A_355 : memref<1x64xf32, #tpu.memory_space<hbm>> -> memref<64xf32, #tpu.memory_space<hbm>>
        tpu.enqueue_dma source(%parallel_loop3A_356 : memref<64xf32, #tpu.memory_space<hbm>>) target(%parallel_loop3A_353 : memref<64xf32, #tpu.memory_space<vmem>>) target_semaphore(%parallel_loop3A_350 : memref<!tpu.dma_semaphore, #tpu.memory_space<semaphore_mem>>)
        %parallel_loop3A_357 = vector.extract_strided_slice %parallel_loop3A_109 {offsets = [13], sizes = [1], strides = [1]} : vector<16xi32> to vector<1xi32>
        %parallel_loop3A_358 = vector.extract %parallel_loop3A_357[0] : i32 from vector<1xi32>
        %parallel_loop3A_359 = arith.constant 13 : i32
        %parallel_loop3A_360 = arith.addi %parallel_loop3A_105, %parallel_loop3A_359 : i32
        %parallel_loop3A_361 = arith.constant 1 : i32
        %parallel_loop3A_362 = arith.constant 0 : i32
        %parallel_loop3A_363 = tpu.memref_slice %arg11[%parallel_loop3A_360, %parallel_loop3A_362] : memref<256x64xf32, #tpu.memory_space<vmem>> -> memref<1x64xf32, #tpu.memory_space<vmem>>
        %parallel_loop3A_364 = tpu.memref_squeeze %parallel_loop3A_363 : memref<1x64xf32, #tpu.memory_space<vmem>> -> memref<64xf32, #tpu.memory_space<vmem>>
        %parallel_loop3A_365 = arith.constant 0 : i32
        %parallel_loop3A_366 = tpu.memref_slice %arg5[%parallel_loop3A_358, %parallel_loop3A_365] : memref<1000000x64xf32, #tpu.memory_space<hbm>> -> memref<1x64xf32, #tpu.memory_space<hbm>>
        %parallel_loop3A_367 = tpu.memref_squeeze %parallel_loop3A_366 : memref<1x64xf32, #tpu.memory_space<hbm>> -> memref<64xf32, #tpu.memory_space<hbm>>
        %parallel_loop3A_368 = tpu.memref_slice %arg14[%parallel_loop3A_361] : memref<4x!tpu.dma_semaphore, #tpu.memory_space<semaphore_mem>> -> memref<1x!tpu.dma_semaphore, #tpu.memory_space<semaphore_mem>>
        %parallel_loop3A_369 = tpu.memref_squeeze %parallel_loop3A_368 : memref<1x!tpu.dma_semaphore, #tpu.memory_space<semaphore_mem>> -> memref<!tpu.dma_semaphore, #tpu.memory_space<semaphore_mem>>
        %parallel_loop3A_370 = arith.constant 0 : i32
        %parallel_loop3A_371 = tpu.memref_slice %arg11[%parallel_loop3A_360, %parallel_loop3A_370] : memref<256x64xf32, #tpu.memory_space<vmem>> -> memref<1x64xf32, #tpu.memory_space<vmem>>
        %parallel_loop3A_372 = tpu.memref_squeeze %parallel_loop3A_371 : memref<1x64xf32, #tpu.memory_space<vmem>> -> memref<64xf32, #tpu.memory_space<vmem>>
        %parallel_loop3A_373 = arith.constant 0 : i32
        %parallel_loop3A_374 = tpu.memref_slice %arg5[%parallel_loop3A_358, %parallel_loop3A_373] : memref<1000000x64xf32, #tpu.memory_space<hbm>> -> memref<1x64xf32, #tpu.memory_space<hbm>>
        %parallel_loop3A_375 = tpu.memref_squeeze %parallel_loop3A_374 : memref<1x64xf32, #tpu.memory_space<hbm>> -> memref<64xf32, #tpu.memory_space<hbm>>
        tpu.enqueue_dma source(%parallel_loop3A_375 : memref<64xf32, #tpu.memory_space<hbm>>) target(%parallel_loop3A_372 : memref<64xf32, #tpu.memory_space<vmem>>) target_semaphore(%parallel_loop3A_369 : memref<!tpu.dma_semaphore, #tpu.memory_space<semaphore_mem>>)
        %parallel_loop3A_376 = vector.extract_strided_slice %parallel_loop3A_109 {offsets = [14], sizes = [1], strides = [1]} : vector<16xi32> to vector<1xi32>
        %parallel_loop3A_377 = vector.extract %parallel_loop3A_376[0] : i32 from vector<1xi32>
        %parallel_loop3A_378 = arith.constant 14 : i32
        %parallel_loop3A_379 = arith.addi %parallel_loop3A_105, %parallel_loop3A_378 : i32
        %parallel_loop3A_380 = arith.constant 2 : i32
        %parallel_loop3A_381 = arith.constant 0 : i32
        %parallel_loop3A_382 = tpu.memref_slice %arg11[%parallel_loop3A_379, %parallel_loop3A_381] : memref<256x64xf32, #tpu.memory_space<vmem>> -> memref<1x64xf32, #tpu.memory_space<vmem>>
        %parallel_loop3A_383 = tpu.memref_squeeze %parallel_loop3A_382 : memref<1x64xf32, #tpu.memory_space<vmem>> -> memref<64xf32, #tpu.memory_space<vmem>>
        %parallel_loop3A_384 = arith.constant 0 : i32
        %parallel_loop3A_385 = tpu.memref_slice %arg5[%parallel_loop3A_377, %parallel_loop3A_384] : memref<1000000x64xf32, #tpu.memory_space<hbm>> -> memref<1x64xf32, #tpu.memory_space<hbm>>
        %parallel_loop3A_386 = tpu.memref_squeeze %parallel_loop3A_385 : memref<1x64xf32, #tpu.memory_space<hbm>> -> memref<64xf32, #tpu.memory_space<hbm>>
        %parallel_loop3A_387 = tpu.memref_slice %arg14[%parallel_loop3A_380] : memref<4x!tpu.dma_semaphore, #tpu.memory_space<semaphore_mem>> -> memref<1x!tpu.dma_semaphore, #tpu.memory_space<semaphore_mem>>
        %parallel_loop3A_388 = tpu.memref_squeeze %parallel_loop3A_387 : memref<1x!tpu.dma_semaphore, #tpu.memory_space<semaphore_mem>> -> memref<!tpu.dma_semaphore, #tpu.memory_space<semaphore_mem>>
        %parallel_loop3A_389 = arith.constant 0 : i32
        %parallel_loop3A_390 = tpu.memref_slice %arg11[%parallel_loop3A_379, %parallel_loop3A_389] : memref<256x64xf32, #tpu.memory_space<vmem>> -> memref<1x64xf32, #tpu.memory_space<vmem>>
        %parallel_loop3A_391 = tpu.memref_squeeze %parallel_loop3A_390 : memref<1x64xf32, #tpu.memory_space<vmem>> -> memref<64xf32, #tpu.memory_space<vmem>>
        %parallel_loop3A_392 = arith.constant 0 : i32
        %parallel_loop3A_393 = tpu.memref_slice %arg5[%parallel_loop3A_377, %parallel_loop3A_392] : memref<1000000x64xf32, #tpu.memory_space<hbm>> -> memref<1x64xf32, #tpu.memory_space<hbm>>
        %parallel_loop3A_394 = tpu.memref_squeeze %parallel_loop3A_393 : memref<1x64xf32, #tpu.memory_space<hbm>> -> memref<64xf32, #tpu.memory_space<hbm>>
        tpu.enqueue_dma source(%parallel_loop3A_394 : memref<64xf32, #tpu.memory_space<hbm>>) target(%parallel_loop3A_391 : memref<64xf32, #tpu.memory_space<vmem>>) target_semaphore(%parallel_loop3A_388 : memref<!tpu.dma_semaphore, #tpu.memory_space<semaphore_mem>>)
        %parallel_loop3A_395 = vector.extract_strided_slice %parallel_loop3A_109 {offsets = [15], sizes = [1], strides = [1]} : vector<16xi32> to vector<1xi32>
        %parallel_loop3A_396 = vector.extract %parallel_loop3A_395[0] : i32 from vector<1xi32>
        %parallel_loop3A_397 = arith.constant 15 : i32
        %parallel_loop3A_398 = arith.addi %parallel_loop3A_105, %parallel_loop3A_397 : i32
        %parallel_loop3A_399 = arith.constant 3 : i32
        %parallel_loop3A_400 = arith.constant 0 : i32
        %parallel_loop3A_401 = tpu.memref_slice %arg11[%parallel_loop3A_398, %parallel_loop3A_400] : memref<256x64xf32, #tpu.memory_space<vmem>> -> memref<1x64xf32, #tpu.memory_space<vmem>>
        %parallel_loop3A_402 = tpu.memref_squeeze %parallel_loop3A_401 : memref<1x64xf32, #tpu.memory_space<vmem>> -> memref<64xf32, #tpu.memory_space<vmem>>
        %parallel_loop3A_403 = arith.constant 0 : i32
        %parallel_loop3A_404 = tpu.memref_slice %arg5[%parallel_loop3A_396, %parallel_loop3A_403] : memref<1000000x64xf32, #tpu.memory_space<hbm>> -> memref<1x64xf32, #tpu.memory_space<hbm>>
        %parallel_loop3A_405 = tpu.memref_squeeze %parallel_loop3A_404 : memref<1x64xf32, #tpu.memory_space<hbm>> -> memref<64xf32, #tpu.memory_space<hbm>>
        %parallel_loop3A_406 = tpu.memref_slice %arg14[%parallel_loop3A_399] : memref<4x!tpu.dma_semaphore, #tpu.memory_space<semaphore_mem>> -> memref<1x!tpu.dma_semaphore, #tpu.memory_space<semaphore_mem>>
        %parallel_loop3A_407 = tpu.memref_squeeze %parallel_loop3A_406 : memref<1x!tpu.dma_semaphore, #tpu.memory_space<semaphore_mem>> -> memref<!tpu.dma_semaphore, #tpu.memory_space<semaphore_mem>>
        %parallel_loop3A_408 = arith.constant 0 : i32
        %parallel_loop3A_409 = tpu.memref_slice %arg11[%parallel_loop3A_398, %parallel_loop3A_408] : memref<256x64xf32, #tpu.memory_space<vmem>> -> memref<1x64xf32, #tpu.memory_space<vmem>>
        %parallel_loop3A_410 = tpu.memref_squeeze %parallel_loop3A_409 : memref<1x64xf32, #tpu.memory_space<vmem>> -> memref<64xf32, #tpu.memory_space<vmem>>
        %parallel_loop3A_411 = arith.constant 0 : i32
        %parallel_loop3A_412 = tpu.memref_slice %arg5[%parallel_loop3A_396, %parallel_loop3A_411] : memref<1000000x64xf32, #tpu.memory_space<hbm>> -> memref<1x64xf32, #tpu.memory_space<hbm>>
        %parallel_loop3A_413 = tpu.memref_squeeze %parallel_loop3A_412 : memref<1x64xf32, #tpu.memory_space<hbm>> -> memref<64xf32, #tpu.memory_space<hbm>>
        tpu.enqueue_dma source(%parallel_loop3A_413 : memref<64xf32, #tpu.memory_space<hbm>>) target(%parallel_loop3A_410 : memref<64xf32, #tpu.memory_space<vmem>>) target_semaphore(%parallel_loop3A_407 : memref<!tpu.dma_semaphore, #tpu.memory_space<semaphore_mem>>)
      } {sc.loop_unroll_factor = 1 : i64, sc.parallel_access}
      %dma_wait3A = arith.constant 0 : i32
      %dma_wait3A_38 = arith.constant 0 : i32
      %dma_wait3A_39 = arith.constant 0 : i32
      %dma_wait3A_40 = tpu.memref_slice %arg10[%dma_wait3A_38, %dma_wait3A_39] : memref<256x64xf32, #tpu.memory_space<vmem>> -> memref<128x64xf32, #tpu.memory_space<vmem>>
      %dma_wait3A_41 = arith.constant 0 : i32
      %dma_wait3A_42 = arith.constant 0 : i32
      %dma_wait3A_43 = tpu.memref_slice %arg4[%dma_wait3A_41, %dma_wait3A_42] : memref<1000000x64xf32, #tpu.memory_space<hbm>> -> memref<128x64xf32, #tpu.memory_space<hbm>>
      %dma_wait3A_44 = tpu.memref_slice %arg14[%dma_wait3A] : memref<4x!tpu.dma_semaphore, #tpu.memory_space<semaphore_mem>> -> memref<1x!tpu.dma_semaphore, #tpu.memory_space<semaphore_mem>>
      %dma_wait3A_45 = tpu.memref_squeeze %dma_wait3A_44 : memref<1x!tpu.dma_semaphore, #tpu.memory_space<semaphore_mem>> -> memref<!tpu.dma_semaphore, #tpu.memory_space<semaphore_mem>>
      %dma_wait3A_46 = arith.constant 0 : i32
      %dma_wait3A_47 = arith.constant 0 : i32
      %dma_wait3A_48 = tpu.memref_slice %arg10[%dma_wait3A_46, %dma_wait3A_47] : memref<256x64xf32, #tpu.memory_space<vmem>> -> memref<128x64xf32, #tpu.memory_space<vmem>>
      %dma_wait3A_49 = arith.constant 0 : i32
      %dma_wait3A_50 = arith.constant 0 : i32
      %dma_wait3A_51 = tpu.memref_slice %arg4[%dma_wait3A_49, %dma_wait3A_50] : memref<1000000x64xf32, #tpu.memory_space<hbm>> -> memref<128x64xf32, #tpu.memory_space<hbm>>
      tpu.wait_dma2 semaphore(%dma_wait3A_45 : memref<!tpu.dma_semaphore, #tpu.memory_space<semaphore_mem>>) src(%dma_wait3A_51 : memref<128x64xf32, #tpu.memory_space<hbm>>) dst(%dma_wait3A_48 : memref<128x64xf32, #tpu.memory_space<vmem>>)
      %dma_wait3A_52 = arith.constant 1 : i32
      %dma_wait3A_53 = arith.constant 0 : i32
      %dma_wait3A_54 = arith.constant 0 : i32
      %dma_wait3A_55 = tpu.memref_slice %arg10[%dma_wait3A_53, %dma_wait3A_54] : memref<256x64xf32, #tpu.memory_space<vmem>> -> memref<128x64xf32, #tpu.memory_space<vmem>>
      %dma_wait3A_56 = arith.constant 0 : i32
      %dma_wait3A_57 = arith.constant 0 : i32
      %dma_wait3A_58 = tpu.memref_slice %arg4[%dma_wait3A_56, %dma_wait3A_57] : memref<1000000x64xf32, #tpu.memory_space<hbm>> -> memref<128x64xf32, #tpu.memory_space<hbm>>
      %dma_wait3A_59 = tpu.memref_slice %arg14[%dma_wait3A_52] : memref<4x!tpu.dma_semaphore, #tpu.memory_space<semaphore_mem>> -> memref<1x!tpu.dma_semaphore, #tpu.memory_space<semaphore_mem>>
      %dma_wait3A_60 = tpu.memref_squeeze %dma_wait3A_59 : memref<1x!tpu.dma_semaphore, #tpu.memory_space<semaphore_mem>> -> memref<!tpu.dma_semaphore, #tpu.memory_space<semaphore_mem>>
      %dma_wait3A_61 = arith.constant 0 : i32
      %dma_wait3A_62 = arith.constant 0 : i32
      %dma_wait3A_63 = tpu.memref_slice %arg10[%dma_wait3A_61, %dma_wait3A_62] : memref<256x64xf32, #tpu.memory_space<vmem>> -> memref<128x64xf32, #tpu.memory_space<vmem>>
      %dma_wait3A_64 = arith.constant 0 : i32
      %dma_wait3A_65 = arith.constant 0 : i32
      %dma_wait3A_66 = tpu.memref_slice %arg4[%dma_wait3A_64, %dma_wait3A_65] : memref<1000000x64xf32, #tpu.memory_space<hbm>> -> memref<128x64xf32, #tpu.memory_space<hbm>>
      tpu.wait_dma2 semaphore(%dma_wait3A_60 : memref<!tpu.dma_semaphore, #tpu.memory_space<semaphore_mem>>) src(%dma_wait3A_66 : memref<128x64xf32, #tpu.memory_space<hbm>>) dst(%dma_wait3A_63 : memref<128x64xf32, #tpu.memory_space<vmem>>)
      %dma_wait3A_67 = arith.constant 2 : i32
      %dma_wait3A_68 = arith.constant 0 : i32
      %dma_wait3A_69 = arith.constant 0 : i32
      %dma_wait3A_70 = tpu.memref_slice %arg10[%dma_wait3A_68, %dma_wait3A_69] : memref<256x64xf32, #tpu.memory_space<vmem>> -> memref<128x64xf32, #tpu.memory_space<vmem>>
      %dma_wait3A_71 = arith.constant 0 : i32
      %dma_wait3A_72 = arith.constant 0 : i32
      %dma_wait3A_73 = tpu.memref_slice %arg4[%dma_wait3A_71, %dma_wait3A_72] : memref<1000000x64xf32, #tpu.memory_space<hbm>> -> memref<128x64xf32, #tpu.memory_space<hbm>>
      %dma_wait3A_74 = tpu.memref_slice %arg14[%dma_wait3A_67] : memref<4x!tpu.dma_semaphore, #tpu.memory_space<semaphore_mem>> -> memref<1x!tpu.dma_semaphore, #tpu.memory_space<semaphore_mem>>
      %dma_wait3A_75 = tpu.memref_squeeze %dma_wait3A_74 : memref<1x!tpu.dma_semaphore, #tpu.memory_space<semaphore_mem>> -> memref<!tpu.dma_semaphore, #tpu.memory_space<semaphore_mem>>
      %dma_wait3A_76 = arith.constant 0 : i32
      %dma_wait3A_77 = arith.constant 0 : i32
      %dma_wait3A_78 = tpu.memref_slice %arg10[%dma_wait3A_76, %dma_wait3A_77] : memref<256x64xf32, #tpu.memory_space<vmem>> -> memref<128x64xf32, #tpu.memory_space<vmem>>
      %dma_wait3A_79 = arith.constant 0 : i32
      %dma_wait3A_80 = arith.constant 0 : i32
      %dma_wait3A_81 = tpu.memref_slice %arg4[%dma_wait3A_79, %dma_wait3A_80] : memref<1000000x64xf32, #tpu.memory_space<hbm>> -> memref<128x64xf32, #tpu.memory_space<hbm>>
      tpu.wait_dma2 semaphore(%dma_wait3A_75 : memref<!tpu.dma_semaphore, #tpu.memory_space<semaphore_mem>>) src(%dma_wait3A_81 : memref<128x64xf32, #tpu.memory_space<hbm>>) dst(%dma_wait3A_78 : memref<128x64xf32, #tpu.memory_space<vmem>>)
      %dma_wait3A_82 = arith.constant 3 : i32
      %dma_wait3A_83 = arith.constant 0 : i32
      %dma_wait3A_84 = arith.constant 0 : i32
      %dma_wait3A_85 = tpu.memref_slice %arg10[%dma_wait3A_83, %dma_wait3A_84] : memref<256x64xf32, #tpu.memory_space<vmem>> -> memref<128x64xf32, #tpu.memory_space<vmem>>
      %dma_wait3A_86 = arith.constant 0 : i32
      %dma_wait3A_87 = arith.constant 0 : i32
      %dma_wait3A_88 = tpu.memref_slice %arg4[%dma_wait3A_86, %dma_wait3A_87] : memref<1000000x64xf32, #tpu.memory_space<hbm>> -> memref<128x64xf32, #tpu.memory_space<hbm>>
      %dma_wait3A_89 = tpu.memref_slice %arg14[%dma_wait3A_82] : memref<4x!tpu.dma_semaphore, #tpu.memory_space<semaphore_mem>> -> memref<1x!tpu.dma_semaphore, #tpu.memory_space<semaphore_mem>>
      %dma_wait3A_90 = tpu.memref_squeeze %dma_wait3A_89 : memref<1x!tpu.dma_semaphore, #tpu.memory_space<semaphore_mem>> -> memref<!tpu.dma_semaphore, #tpu.memory_space<semaphore_mem>>
      %dma_wait3A_91 = arith.constant 0 : i32
      %dma_wait3A_92 = arith.constant 0 : i32
      %dma_wait3A_93 = tpu.memref_slice %arg10[%dma_wait3A_91, %dma_wait3A_92] : memref<256x64xf32, #tpu.memory_space<vmem>> -> memref<128x64xf32, #tpu.memory_space<vmem>>
      %dma_wait3A_94 = arith.constant 0 : i32
      %dma_wait3A_95 = arith.constant 0 : i32
      %dma_wait3A_96 = tpu.memref_slice %arg4[%dma_wait3A_94, %dma_wait3A_95] : memref<1000000x64xf32, #tpu.memory_space<hbm>> -> memref<128x64xf32, #tpu.memory_space<hbm>>
      tpu.wait_dma2 semaphore(%dma_wait3A_90 : memref<!tpu.dma_semaphore, #tpu.memory_space<semaphore_mem>>) src(%dma_wait3A_96 : memref<128x64xf32, #tpu.memory_space<hbm>>) dst(%dma_wait3A_93 : memref<128x64xf32, #tpu.memory_space<vmem>>)
      %scan3A_97 = arith.constant 0 : i32
      %scan3A_98 = arith.constant 0 : i32
      %scan3A_99 = arith.constant 16 : i32
      %scan3A_100 = arith.addi %scan3A_98, %scan3A_99 : i32
      %scan3A_101 = arith.constant 1 : i32
      scf.for %scan3A_103 = %scan3A_98 to %scan3A_100 step %scan3A_101  : i32 {
        %mul3A_104 = arith.constant 16 : i32
        %mul3A_105 = arith.muli %scan3A_103, %mul3A_104 : i32
        %broadcast_in_dim3A = arith.constant 0.000000e+00 : f32
        %broadcast_in_dim3A_106 = vector.broadcast %broadcast_in_dim3A : f32 to vector<16xf32>
        %broadcast_in_dim3A_107 = arith.constant 0.000000e+00 : f32
        %broadcast_in_dim3A_108 = vector.broadcast %broadcast_in_dim3A_107 : f32 to vector<16xf32>
        %broadcast_in_dim3A_109 = arith.constant 0.000000e+00 : f32
        %broadcast_in_dim3A_110 = vector.broadcast %broadcast_in_dim3A_109 : f32 to vector<16xf32>
        %add3A_111 = arith.constant 0 : i32
        %add3A_112 = arith.addi %mul3A_105, %add3A_111 : i32
        %broadcast_in_dim3A_113 = arith.constant 0.000000e+00 : f32
        %broadcast_in_dim3A_114 = vector.broadcast %broadcast_in_dim3A_113 : f32 to vector<16xf32>
        %broadcast_in_dim3A_115 = arith.constant 0.000000e+00 : f32
        %broadcast_in_dim3A_116 = vector.broadcast %broadcast_in_dim3A_115 : f32 to vector<16xf32>
        %broadcast_in_dim3A_117 = arith.constant 0.000000e+00 : f32
        %broadcast_in_dim3A_118 = vector.broadcast %broadcast_in_dim3A_117 : f32 to vector<16xf32>
        %get3A_119 = arith.index_cast %add3A_112 : i32 to index
        %get3A_120 = arith.constant 0 : index
        %get3A_121 = tpu.vector_load %arg10[%get3A_119, %get3A_120] {strides = array<i32>} : memref<256x64xf32, #tpu.memory_space<vmem>>, vector<1x16xf32>,
        %get3A_122 = vector.shape_cast %get3A_121 : vector<1x16xf32> to vector<16xf32>
        %get3A_123 = arith.index_cast %add3A_112 : i32 to index
        %get3A_124 = arith.constant 0 : index
        %get3A_125 = tpu.vector_load %arg11[%get3A_123, %get3A_124] {strides = array<i32>} : memref<256x64xf32, #tpu.memory_space<vmem>>, vector<1x16xf32>,
        %get3A_126 = vector.shape_cast %get3A_125 : vector<1x16xf32> to vector<16xf32>
        %mul3A_127 = arith.mulf %get3A_122, %get3A_126 : vector<16xf32>
        %mul3A_128 = arith.mulf %mul3A_127, %get3A_4 : vector<16xf32>
        %add3A_129 = arith.addf %broadcast_in_dim3A_114, %mul3A_128 : vector<16xf32>
        %mul3A_130 = arith.mulf %get3A_122, %get3A_122 : vector<16xf32>
        %add3A_131 = arith.addf %broadcast_in_dim3A_116, %mul3A_130 : vector<16xf32>
        %mul3A_132 = arith.mulf %get3A_126, %get3A_126 : vector<16xf32>
        %add3A_133 = arith.addf %broadcast_in_dim3A_118, %mul3A_132 : vector<16xf32>
        %get3A_134 = arith.index_cast %add3A_112 : i32 to index
        %get3A_135 = arith.constant 16 : index
        %get3A_136 = tpu.vector_load %arg10[%get3A_134, %get3A_135] {strides = array<i32>} : memref<256x64xf32, #tpu.memory_space<vmem>>, vector<1x16xf32>,
        %get3A_137 = vector.shape_cast %get3A_136 : vector<1x16xf32> to vector<16xf32>
        %get3A_138 = arith.index_cast %add3A_112 : i32 to index
        %get3A_139 = arith.constant 16 : index
        %get3A_140 = tpu.vector_load %arg11[%get3A_138, %get3A_139] {strides = array<i32>} : memref<256x64xf32, #tpu.memory_space<vmem>>, vector<1x16xf32>,
        %get3A_141 = vector.shape_cast %get3A_140 : vector<1x16xf32> to vector<16xf32>
        %mul3A_142 = arith.mulf %get3A_137, %get3A_141 : vector<16xf32>
        %mul3A_143 = arith.mulf %mul3A_142, %get3A_7 : vector<16xf32>
        %add3A_144 = arith.addf %add3A_129, %mul3A_143 : vector<16xf32>
        %mul3A_145 = arith.mulf %get3A_137, %get3A_137 : vector<16xf32>
        %add3A_146 = arith.addf %add3A_131, %mul3A_145 : vector<16xf32>
        %mul3A_147 = arith.mulf %get3A_141, %get3A_141 : vector<16xf32>
        %add3A_148 = arith.addf %add3A_133, %mul3A_147 : vector<16xf32>
        %get3A_149 = arith.index_cast %add3A_112 : i32 to index
        %get3A_150 = arith.constant 32 : index
        %get3A_151 = tpu.vector_load %arg10[%get3A_149, %get3A_150] {strides = array<i32>} : memref<256x64xf32, #tpu.memory_space<vmem>>, vector<1x16xf32>,
        %get3A_152 = vector.shape_cast %get3A_151 : vector<1x16xf32> to vector<16xf32>
        %get3A_153 = arith.index_cast %add3A_112 : i32 to index
        %get3A_154 = arith.constant 32 : index
        %get3A_155 = tpu.vector_load %arg11[%get3A_153, %get3A_154] {strides = array<i32>} : memref<256x64xf32, #tpu.memory_space<vmem>>, vector<1x16xf32>,
        %get3A_156 = vector.shape_cast %get3A_155 : vector<1x16xf32> to vector<16xf32>
        %mul3A_157 = arith.mulf %get3A_152, %get3A_156 : vector<16xf32>
        %mul3A_158 = arith.mulf %mul3A_157, %get3A_10 : vector<16xf32>
        %add3A_159 = arith.addf %add3A_144, %mul3A_158 : vector<16xf32>
        %mul3A_160 = arith.mulf %get3A_152, %get3A_152 : vector<16xf32>
        %add3A_161 = arith.addf %add3A_146, %mul3A_160 : vector<16xf32>
        %mul3A_162 = arith.mulf %get3A_156, %get3A_156 : vector<16xf32>
        %add3A_163 = arith.addf %add3A_148, %mul3A_162 : vector<16xf32>
        %get3A_164 = arith.index_cast %add3A_112 : i32 to index
        %get3A_165 = arith.constant 48 : index
        %get3A_166 = tpu.vector_load %arg10[%get3A_164, %get3A_165] {strides = array<i32>} : memref<256x64xf32, #tpu.memory_space<vmem>>, vector<1x16xf32>,
        %get3A_167 = vector.shape_cast %get3A_166 : vector<1x16xf32> to vector<16xf32>
        %get3A_168 = arith.index_cast %add3A_112 : i32 to index
        %get3A_169 = arith.constant 48 : index
        %get3A_170 = tpu.vector_load %arg11[%get3A_168, %get3A_169] {strides = array<i32>} : memref<256x64xf32, #tpu.memory_space<vmem>>, vector<1x16xf32>,
        %get3A_171 = vector.shape_cast %get3A_170 : vector<1x16xf32> to vector<16xf32>
        %mul3A_172 = arith.mulf %get3A_167, %get3A_171 : vector<16xf32>
        %mul3A_173 = arith.mulf %mul3A_172, %get3A_13 : vector<16xf32>
        %add3A_174 = arith.addf %add3A_159, %mul3A_173 : vector<16xf32>
        %mul3A_175 = arith.mulf %get3A_167, %get3A_167 : vector<16xf32>
        %add3A_176 = arith.addf %add3A_161, %mul3A_175 : vector<16xf32>
        %mul3A_177 = arith.mulf %get3A_171, %get3A_171 : vector<16xf32>
        %add3A_178 = arith.addf %add3A_163, %mul3A_177 : vector<16xf32>
        %eq3A = arith.constant 0 : i32
        %eq3A_179 = vector.broadcast %eq3A : i32 to vector<16xi32>
        %eq3A_180 = arith.cmpi eq, %iota3A, %eq3A_179 : vector<16xi32>
        %broadcast_in_dim3A_181 = vector.shape_cast %xor3A_15 : vector<16xi32> to vector<16x1xi32>
        %gather3A = vector.shape_cast %broadcast_in_dim3A_181 : vector<16x1xi32> to vector<16xi32>
        %gather3A_182 = tpu.dynamic_gather %add3A_174[%gather3A] in [0] : vector<16xf32>, vector<16xi32> -> vector<16xf32>
        %add3A_183 = arith.addf %add3A_174, %gather3A_182 : vector<16xf32>
        %broadcast_in_dim3A_184 = vector.shape_cast %xor3A_18 : vector<16xi32> to vector<16x1xi32>
        %gather3A_185 = vector.shape_cast %broadcast_in_dim3A_184 : vector<16x1xi32> to vector<16xi32>
        %gather3A_186 = tpu.dynamic_gather %add3A_183[%gather3A_185] in [0] : vector<16xf32>, vector<16xi32> -> vector<16xf32>
        %add3A_187 = arith.addf %add3A_183, %gather3A_186 : vector<16xf32>
        %broadcast_in_dim3A_188 = vector.shape_cast %xor3A_21 : vector<16xi32> to vector<16x1xi32>
        %gather3A_189 = vector.shape_cast %broadcast_in_dim3A_188 : vector<16x1xi32> to vector<16xi32>
        %gather3A_190 = tpu.dynamic_gather %add3A_187[%gather3A_189] in [0] : vector<16xf32>, vector<16xi32> -> vector<16xf32>
        %add3A_191 = arith.addf %add3A_187, %gather3A_190 : vector<16xf32>
        %broadcast_in_dim3A_192 = vector.shape_cast %xor3A_24 : vector<16xi32> to vector<16x1xi32>
        %gather3A_193 = vector.shape_cast %broadcast_in_dim3A_192 : vector<16x1xi32> to vector<16xi32>
        %gather3A_194 = tpu.dynamic_gather %add3A_191[%gather3A_193] in [0] : vector<16xf32>, vector<16xi32> -> vector<16xf32>
        %add3A_195 = arith.addf %add3A_191, %gather3A_194 : vector<16xf32>
        %select_n3A = arith.select %eq3A_180, %add3A_195, %broadcast_in_dim3A_106 : vector<16xi1>, vector<16xf32>
        %broadcast_in_dim3A_196 = vector.shape_cast %xor3A_15 : vector<16xi32> to vector<16x1xi32>
        %gather3A_197 = vector.shape_cast %broadcast_in_dim3A_196 : vector<16x1xi32> to vector<16xi32>
        %gather3A_198 = tpu.dynamic_gather %add3A_176[%gather3A_197] in [0] : vector<16xf32>, vector<16xi32> -> vector<16xf32>
        %add3A_199 = arith.addf %add3A_176, %gather3A_198 : vector<16xf32>
        %broadcast_in_dim3A_200 = vector.shape_cast %xor3A_18 : vector<16xi32> to vector<16x1xi32>
        %gather3A_201 = vector.shape_cast %broadcast_in_dim3A_200 : vector<16x1xi32> to vector<16xi32>
        %gather3A_202 = tpu.dynamic_gather %add3A_199[%gather3A_201] in [0] : vector<16xf32>, vector<16xi32> -> vector<16xf32>
        %add3A_203 = arith.addf %add3A_199, %gather3A_202 : vector<16xf32>
        %broadcast_in_dim3A_204 = vector.shape_cast %xor3A_21 : vector<16xi32> to vector<16x1xi32>
        %gather3A_205 = vector.shape_cast %broadcast_in_dim3A_204 : vector<16x1xi32> to vector<16xi32>
        %gather3A_206 = tpu.dynamic_gather %add3A_203[%gather3A_205] in [0] : vector<16xf32>, vector<16xi32> -> vector<16xf32>
        %add3A_207 = arith.addf %add3A_203, %gather3A_206 : vector<16xf32>
        %broadcast_in_dim3A_208 = vector.shape_cast %xor3A_24 : vector<16xi32> to vector<16x1xi32>
        %gather3A_209 = vector.shape_cast %broadcast_in_dim3A_208 : vector<16x1xi32> to vector<16xi32>
        %gather3A_210 = tpu.dynamic_gather %add3A_207[%gather3A_209] in [0] : vector<16xf32>, vector<16xi32> -> vector<16xf32>
        %add3A_211 = arith.addf %add3A_207, %gather3A_210 : vector<16xf32>
        %select_n3A_212 = arith.select %eq3A_180, %add3A_211, %broadcast_in_dim3A_108 : vector<16xi1>, vector<16xf32>
        %broadcast_in_dim3A_213 = vector.shape_cast %xor3A_15 : vector<16xi32> to vector<16x1xi32>
        %gather3A_214 = vector.shape_cast %broadcast_in_dim3A_213 : vector<16x1xi32> to vector<16xi32>
        %gather3A_215 = tpu.dynamic_gather %add3A_178[%gather3A_214] in [0] : vector<16xf32>, vector<16xi32> -> vector<16xf32>
        %add3A_216 = arith.addf %add3A_178, %gather3A_215 : vector<16xf32>
        %broadcast_in_dim3A_217 = vector.shape_cast %xor3A_18 : vector<16xi32> to vector<16x1xi32>
        %gather3A_218 = vector.shape_cast %broadcast_in_dim3A_217 : vector<16x1xi32> to vector<16xi32>
        %gather3A_219 = tpu.dynamic_gather %add3A_216[%gather3A_218] in [0] : vector<16xf32>, vector<16xi32> -> vector<16xf32>
        %add3A_220 = arith.addf %add3A_216, %gather3A_219 : vector<16xf32>
        %broadcast_in_dim3A_221 = vector.shape_cast %xor3A_21 : vector<16xi32> to vector<16x1xi32>
        %gather3A_222 = vector.shape_cast %broadcast_in_dim3A_221 : vector<16x1xi32> to vector<16xi32>
        %gather3A_223 = tpu.dynamic_gather %add3A_220[%gather3A_222] in [0] : vector<16xf32>, vector<16xi32> -> vector<16xf32>
        %add3A_224 = arith.addf %add3A_220, %gather3A_223 : vector<16xf32>
        %broadcast_in_dim3A_225 = vector.shape_cast %xor3A_24 : vector<16xi32> to vector<16x1xi32>
        %gather3A_226 = vector.shape_cast %broadcast_in_dim3A_225 : vector<16x1xi32> to vector<16xi32>
        %gather3A_227 = tpu.dynamic_gather %add3A_224[%gather3A_226] in [0] : vector<16xf32>, vector<16xi32> -> vector<16xf32>
        %add3A_228 = arith.addf %add3A_224, %gather3A_227 : vector<16xf32>
        %select_n3A_229 = arith.select %eq3A_180, %add3A_228, %broadcast_in_dim3A_110 : vector<16xi1>, vector<16xf32>
        %add3A_230 = arith.constant 1 : i32
        %add3A_231 = arith.addi %mul3A_105, %add3A_230 : i32
        %broadcast_in_dim3A_232 = arith.constant 0.000000e+00 : f32
        %broadcast_in_dim3A_233 = vector.broadcast %broadcast_in_dim3A_232 : f32 to vector<16xf32>
        %broadcast_in_dim3A_234 = arith.constant 0.000000e+00 : f32
        %broadcast_in_dim3A_235 = vector.broadcast %broadcast_in_dim3A_234 : f32 to vector<16xf32>
        %broadcast_in_dim3A_236 = arith.constant 0.000000e+00 : f32
        %broadcast_in_dim3A_237 = vector.broadcast %broadcast_in_dim3A_236 : f32 to vector<16xf32>
        %get3A_238 = arith.index_cast %add3A_231 : i32 to index
        %get3A_239 = arith.constant 0 : index
        %get3A_240 = tpu.vector_load %arg10[%get3A_238, %get3A_239] {strides = array<i32>} : memref<256x64xf32, #tpu.memory_space<vmem>>, vector<1x16xf32>,
        %get3A_241 = vector.shape_cast %get3A_240 : vector<1x16xf32> to vector<16xf32>
        %get3A_242 = arith.index_cast %add3A_231 : i32 to index
        %get3A_243 = arith.constant 0 : index
        %get3A_244 = tpu.vector_load %arg11[%get3A_242, %get3A_243] {strides = array<i32>} : memref<256x64xf32, #tpu.memory_space<vmem>>, vector<1x16xf32>,
        %get3A_245 = vector.shape_cast %get3A_244 : vector<1x16xf32> to vector<16xf32>
        %mul3A_246 = arith.mulf %get3A_241, %get3A_245 : vector<16xf32>
        %mul3A_247 = arith.mulf %mul3A_246, %get3A_4 : vector<16xf32>
        %add3A_248 = arith.addf %broadcast_in_dim3A_233, %mul3A_247 : vector<16xf32>
        %mul3A_249 = arith.mulf %get3A_241, %get3A_241 : vector<16xf32>
        %add3A_250 = arith.addf %broadcast_in_dim3A_235, %mul3A_249 : vector<16xf32>
        %mul3A_251 = arith.mulf %get3A_245, %get3A_245 : vector<16xf32>
        %add3A_252 = arith.addf %broadcast_in_dim3A_237, %mul3A_251 : vector<16xf32>
        %get3A_253 = arith.index_cast %add3A_231 : i32 to index
        %get3A_254 = arith.constant 16 : index
        %get3A_255 = tpu.vector_load %arg10[%get3A_253, %get3A_254] {strides = array<i32>} : memref<256x64xf32, #tpu.memory_space<vmem>>, vector<1x16xf32>,
        %get3A_256 = vector.shape_cast %get3A_255 : vector<1x16xf32> to vector<16xf32>
        %get3A_257 = arith.index_cast %add3A_231 : i32 to index
        %get3A_258 = arith.constant 16 : index
        %get3A_259 = tpu.vector_load %arg11[%get3A_257, %get3A_258] {strides = array<i32>} : memref<256x64xf32, #tpu.memory_space<vmem>>, vector<1x16xf32>,
        %get3A_260 = vector.shape_cast %get3A_259 : vector<1x16xf32> to vector<16xf32>
        %mul3A_261 = arith.mulf %get3A_256, %get3A_260 : vector<16xf32>
        %mul3A_262 = arith.mulf %mul3A_261, %get3A_7 : vector<16xf32>
        %add3A_263 = arith.addf %add3A_248, %mul3A_262 : vector<16xf32>
        %mul3A_264 = arith.mulf %get3A_256, %get3A_256 : vector<16xf32>
        %add3A_265 = arith.addf %add3A_250, %mul3A_264 : vector<16xf32>
        %mul3A_266 = arith.mulf %get3A_260, %get3A_260 : vector<16xf32>
        %add3A_267 = arith.addf %add3A_252, %mul3A_266 : vector<16xf32>
        %get3A_268 = arith.index_cast %add3A_231 : i32 to index
        %get3A_269 = arith.constant 32 : index
        %get3A_270 = tpu.vector_load %arg10[%get3A_268, %get3A_269] {strides = array<i32>} : memref<256x64xf32, #tpu.memory_space<vmem>>, vector<1x16xf32>,
        %get3A_271 = vector.shape_cast %get3A_270 : vector<1x16xf32> to vector<16xf32>
        %get3A_272 = arith.index_cast %add3A_231 : i32 to index
        %get3A_273 = arith.constant 32 : index
        %get3A_274 = tpu.vector_load %arg11[%get3A_272, %get3A_273] {strides = array<i32>} : memref<256x64xf32, #tpu.memory_space<vmem>>, vector<1x16xf32>,
        %get3A_275 = vector.shape_cast %get3A_274 : vector<1x16xf32> to vector<16xf32>
        %mul3A_276 = arith.mulf %get3A_271, %get3A_275 : vector<16xf32>
        %mul3A_277 = arith.mulf %mul3A_276, %get3A_10 : vector<16xf32>
        %add3A_278 = arith.addf %add3A_263, %mul3A_277 : vector<16xf32>
        %mul3A_279 = arith.mulf %get3A_271, %get3A_271 : vector<16xf32>
        %add3A_280 = arith.addf %add3A_265, %mul3A_279 : vector<16xf32>
        %mul3A_281 = arith.mulf %get3A_275, %get3A_275 : vector<16xf32>
        %add3A_282 = arith.addf %add3A_267, %mul3A_281 : vector<16xf32>
        %get3A_283 = arith.index_cast %add3A_231 : i32 to index
        %get3A_284 = arith.constant 48 : index
        %get3A_285 = tpu.vector_load %arg10[%get3A_283, %get3A_284] {strides = array<i32>} : memref<256x64xf32, #tpu.memory_space<vmem>>, vector<1x16xf32>,
        %get3A_286 = vector.shape_cast %get3A_285 : vector<1x16xf32> to vector<16xf32>
        %get3A_287 = arith.index_cast %add3A_231 : i32 to index
        %get3A_288 = arith.constant 48 : index
        %get3A_289 = tpu.vector_load %arg11[%get3A_287, %get3A_288] {strides = array<i32>} : memref<256x64xf32, #tpu.memory_space<vmem>>, vector<1x16xf32>,
        %get3A_290 = vector.shape_cast %get3A_289 : vector<1x16xf32> to vector<16xf32>
        %mul3A_291 = arith.mulf %get3A_286, %get3A_290 : vector<16xf32>
        %mul3A_292 = arith.mulf %mul3A_291, %get3A_13 : vector<16xf32>
        %add3A_293 = arith.addf %add3A_278, %mul3A_292 : vector<16xf32>
        %mul3A_294 = arith.mulf %get3A_286, %get3A_286 : vector<16xf32>
        %add3A_295 = arith.addf %add3A_280, %mul3A_294 : vector<16xf32>
        %mul3A_296 = arith.mulf %get3A_290, %get3A_290 : vector<16xf32>
        %add3A_297 = arith.addf %add3A_282, %mul3A_296 : vector<16xf32>
        %eq3A_298 = arith.constant 1 : i32
        %eq3A_299 = vector.broadcast %eq3A_298 : i32 to vector<16xi32>
        %eq3A_300 = arith.cmpi eq, %iota3A, %eq3A_299 : vector<16xi32>
        %broadcast_in_dim3A_301 = vector.shape_cast %xor3A_15 : vector<16xi32> to vector<16x1xi32>
        %gather3A_302 = vector.shape_cast %broadcast_in_dim3A_301 : vector<16x1xi32> to vector<16xi32>
        %gather3A_303 = tpu.dynamic_gather %add3A_293[%gather3A_302] in [0] : vector<16xf32>, vector<16xi32> -> vector<16xf32>
        %add3A_304 = arith.addf %add3A_293, %gather3A_303 : vector<16xf32>
        %broadcast_in_dim3A_305 = vector.shape_cast %xor3A_18 : vector<16xi32> to vector<16x1xi32>
        %gather3A_306 = vector.shape_cast %broadcast_in_dim3A_305 : vector<16x1xi32> to vector<16xi32>
        %gather3A_307 = tpu.dynamic_gather %add3A_304[%gather3A_306] in [0] : vector<16xf32>, vector<16xi32> -> vector<16xf32>
        %add3A_308 = arith.addf %add3A_304, %gather3A_307 : vector<16xf32>
        %broadcast_in_dim3A_309 = vector.shape_cast %xor3A_21 : vector<16xi32> to vector<16x1xi32>
        %gather3A_310 = vector.shape_cast %broadcast_in_dim3A_309 : vector<16x1xi32> to vector<16xi32>
        %gather3A_311 = tpu.dynamic_gather %add3A_308[%gather3A_310] in [0] : vector<16xf32>, vector<16xi32> -> vector<16xf32>
        %add3A_312 = arith.addf %add3A_308, %gather3A_311 : vector<16xf32>
        %broadcast_in_dim3A_313 = vector.shape_cast %xor3A_24 : vector<16xi32> to vector<16x1xi32>
        %gather3A_314 = vector.shape_cast %broadcast_in_dim3A_313 : vector<16x1xi32> to vector<16xi32>
        %gather3A_315 = tpu.dynamic_gather %add3A_312[%gather3A_314] in [0] : vector<16xf32>, vector<16xi32> -> vector<16xf32>
        %add3A_316 = arith.addf %add3A_312, %gather3A_315 : vector<16xf32>
        %select_n3A_317 = arith.select %eq3A_300, %add3A_316, %select_n3A : vector<16xi1>, vector<16xf32>
        %broadcast_in_dim3A_318 = vector.shape_cast %xor3A_15 : vector<16xi32> to vector<16x1xi32>
        %gather3A_319 = vector.shape_cast %broadcast_in_dim3A_318 : vector<16x1xi32> to vector<16xi32>
        %gather3A_320 = tpu.dynamic_gather %add3A_295[%gather3A_319] in [0] : vector<16xf32>, vector<16xi32> -> vector<16xf32>
        %add3A_321 = arith.addf %add3A_295, %gather3A_320 : vector<16xf32>
        %broadcast_in_dim3A_322 = vector.shape_cast %xor3A_18 : vector<16xi32> to vector<16x1xi32>
        %gather3A_323 = vector.shape_cast %broadcast_in_dim3A_322 : vector<16x1xi32> to vector<16xi32>
        %gather3A_324 = tpu.dynamic_gather %add3A_321[%gather3A_323] in [0] : vector<16xf32>, vector<16xi32> -> vector<16xf32>
        %add3A_325 = arith.addf %add3A_321, %gather3A_324 : vector<16xf32>
        %broadcast_in_dim3A_326 = vector.shape_cast %xor3A_21 : vector<16xi32> to vector<16x1xi32>
        %gather3A_327 = vector.shape_cast %broadcast_in_dim3A_326 : vector<16x1xi32> to vector<16xi32>
        %gather3A_328 = tpu.dynamic_gather %add3A_325[%gather3A_327] in [0] : vector<16xf32>, vector<16xi32> -> vector<16xf32>
        %add3A_329 = arith.addf %add3A_325, %gather3A_328 : vector<16xf32>
        %broadcast_in_dim3A_330 = vector.shape_cast %xor3A_24 : vector<16xi32> to vector<16x1xi32>
        %gather3A_331 = vector.shape_cast %broadcast_in_dim3A_330 : vector<16x1xi32> to vector<16xi32>
        %gather3A_332 = tpu.dynamic_gather %add3A_329[%gather3A_331] in [0] : vector<16xf32>, vector<16xi32> -> vector<16xf32>
        %add3A_333 = arith.addf %add3A_329, %gather3A_332 : vector<16xf32>
        %select_n3A_334 = arith.select %eq3A_300, %add3A_333, %select_n3A_212 : vector<16xi1>, vector<16xf32>
        %broadcast_in_dim3A_335 = vector.shape_cast %xor3A_15 : vector<16xi32> to vector<16x1xi32>
        %gather3A_336 = vector.shape_cast %broadcast_in_dim3A_335 : vector<16x1xi32> to vector<16xi32>
        %gather3A_337 = tpu.dynamic_gather %add3A_297[%gather3A_336] in [0] : vector<16xf32>, vector<16xi32> -> vector<16xf32>
        %add3A_338 = arith.addf %add3A_297, %gather3A_337 : vector<16xf32>
        %broadcast_in_dim3A_339 = vector.shape_cast %xor3A_18 : vector<16xi32> to vector<16x1xi32>
        %gather3A_340 = vector.shape_cast %broadcast_in_dim3A_339 : vector<16x1xi32> to vector<16xi32>
        %gather3A_341 = tpu.dynamic_gather %add3A_338[%gather3A_340] in [0] : vector<16xf32>, vector<16xi32> -> vector<16xf32>
        %add3A_342 = arith.addf %add3A_338, %gather3A_341 : vector<16xf32>
        %broadcast_in_dim3A_343 = vector.shape_cast %xor3A_21 : vector<16xi32> to vector<16x1xi32>
        %gather3A_344 = vector.shape_cast %broadcast_in_dim3A_343 : vector<16x1xi32> to vector<16xi32>
        %gather3A_345 = tpu.dynamic_gather %add3A_342[%gather3A_344] in [0] : vector<16xf32>, vector<16xi32> -> vector<16xf32>
        %add3A_346 = arith.addf %add3A_342, %gather3A_345 : vector<16xf32>
        %broadcast_in_dim3A_347 = vector.shape_cast %xor3A_24 : vector<16xi32> to vector<16x1xi32>
        %gather3A_348 = vector.shape_cast %broadcast_in_dim3A_347 : vector<16x1xi32> to vector<16xi32>
        %gather3A_349 = tpu.dynamic_gather %add3A_346[%gather3A_348] in [0] : vector<16xf32>, vector<16xi32> -> vector<16xf32>
        %add3A_350 = arith.addf %add3A_346, %gather3A_349 : vector<16xf32>
        %select_n3A_351 = arith.select %eq3A_300, %add3A_350, %select_n3A_229 : vector<16xi1>, vector<16xf32>
        %add3A_352 = arith.constant 2 : i32
        %add3A_353 = arith.addi %mul3A_105, %add3A_352 : i32
        %broadcast_in_dim3A_354 = arith.constant 0.000000e+00 : f32
        %broadcast_in_dim3A_355 = vector.broadcast %broadcast_in_dim3A_354 : f32 to vector<16xf32>
        %broadcast_in_dim3A_356 = arith.constant 0.000000e+00 : f32
        %broadcast_in_dim3A_357 = vector.broadcast %broadcast_in_dim3A_356 : f32 to vector<16xf32>
        %broadcast_in_dim3A_358 = arith.constant 0.000000e+00 : f32
        %broadcast_in_dim3A_359 = vector.broadcast %broadcast_in_dim3A_358 : f32 to vector<16xf32>
        %get3A_360 = arith.index_cast %add3A_353 : i32 to index
        %get3A_361 = arith.constant 0 : index
        %get3A_362 = tpu.vector_load %arg10[%get3A_360, %get3A_361] {strides = array<i32>} : memref<256x64xf32, #tpu.memory_space<vmem>>, vector<1x16xf32>,
        %get3A_363 = vector.shape_cast %get3A_362 : vector<1x16xf32> to vector<16xf32>
        %get3A_364 = arith.index_cast %add3A_353 : i32 to index
        %get3A_365 = arith.constant 0 : index
        %get3A_366 = tpu.vector_load %arg11[%get3A_364, %get3A_365] {strides = array<i32>} : memref<256x64xf32, #tpu.memory_space<vmem>>, vector<1x16xf32>,
        %get3A_367 = vector.shape_cast %get3A_366 : vector<1x16xf32> to vector<16xf32>
        %mul3A_368 = arith.mulf %get3A_363, %get3A_367 : vector<16xf32>
        %mul3A_369 = arith.mulf %mul3A_368, %get3A_4 : vector<16xf32>
        %add3A_370 = arith.addf %broadcast_in_dim3A_355, %mul3A_369 : vector<16xf32>
        %mul3A_371 = arith.mulf %get3A_363, %get3A_363 : vector<16xf32>
        %add3A_372 = arith.addf %broadcast_in_dim3A_357, %mul3A_371 : vector<16xf32>
        %mul3A_373 = arith.mulf %get3A_367, %get3A_367 : vector<16xf32>
        %add3A_374 = arith.addf %broadcast_in_dim3A_359, %mul3A_373 : vector<16xf32>
        %get3A_375 = arith.index_cast %add3A_353 : i32 to index
        %get3A_376 = arith.constant 16 : index
        %get3A_377 = tpu.vector_load %arg10[%get3A_375, %get3A_376] {strides = array<i32>} : memref<256x64xf32, #tpu.memory_space<vmem>>, vector<1x16xf32>,
        %get3A_378 = vector.shape_cast %get3A_377 : vector<1x16xf32> to vector<16xf32>
        %get3A_379 = arith.index_cast %add3A_353 : i32 to index
        %get3A_380 = arith.constant 16 : index
        %get3A_381 = tpu.vector_load %arg11[%get3A_379, %get3A_380] {strides = array<i32>} : memref<256x64xf32, #tpu.memory_space<vmem>>, vector<1x16xf32>,
        %get3A_382 = vector.shape_cast %get3A_381 : vector<1x16xf32> to vector<16xf32>
        %mul3A_383 = arith.mulf %get3A_378, %get3A_382 : vector<16xf32>
        %mul3A_384 = arith.mulf %mul3A_383, %get3A_7 : vector<16xf32>
        %add3A_385 = arith.addf %add3A_370, %mul3A_384 : vector<16xf32>
        %mul3A_386 = arith.mulf %get3A_378, %get3A_378 : vector<16xf32>
        %add3A_387 = arith.addf %add3A_372, %mul3A_386 : vector<16xf32>
        %mul3A_388 = arith.mulf %get3A_382, %get3A_382 : vector<16xf32>
        %add3A_389 = arith.addf %add3A_374, %mul3A_388 : vector<16xf32>
        %get3A_390 = arith.index_cast %add3A_353 : i32 to index
        %get3A_391 = arith.constant 32 : index
        %get3A_392 = tpu.vector_load %arg10[%get3A_390, %get3A_391] {strides = array<i32>} : memref<256x64xf32, #tpu.memory_space<vmem>>, vector<1x16xf32>,
        %get3A_393 = vector.shape_cast %get3A_392 : vector<1x16xf32> to vector<16xf32>
        %get3A_394 = arith.index_cast %add3A_353 : i32 to index
        %get3A_395 = arith.constant 32 : index
        %get3A_396 = tpu.vector_load %arg11[%get3A_394, %get3A_395] {strides = array<i32>} : memref<256x64xf32, #tpu.memory_space<vmem>>, vector<1x16xf32>,
        %get3A_397 = vector.shape_cast %get3A_396 : vector<1x16xf32> to vector<16xf32>
        %mul3A_398 = arith.mulf %get3A_393, %get3A_397 : vector<16xf32>
        %mul3A_399 = arith.mulf %mul3A_398, %get3A_10 : vector<16xf32>
        %add3A_400 = arith.addf %add3A_385, %mul3A_399 : vector<16xf32>
        %mul3A_401 = arith.mulf %get3A_393, %get3A_393 : vector<16xf32>
        %add3A_402 = arith.addf %add3A_387, %mul3A_401 : vector<16xf32>
        %mul3A_403 = arith.mulf %get3A_397, %get3A_397 : vector<16xf32>
        %add3A_404 = arith.addf %add3A_389, %mul3A_403 : vector<16xf32>
        %get3A_405 = arith.index_cast %add3A_353 : i32 to index
        %get3A_406 = arith.constant 48 : index
        %get3A_407 = tpu.vector_load %arg10[%get3A_405, %get3A_406] {strides = array<i32>} : memref<256x64xf32, #tpu.memory_space<vmem>>, vector<1x16xf32>,
        %get3A_408 = vector.shape_cast %get3A_407 : vector<1x16xf32> to vector<16xf32>
        %get3A_409 = arith.index_cast %add3A_353 : i32 to index
        %get3A_410 = arith.constant 48 : index
        %get3A_411 = tpu.vector_load %arg11[%get3A_409, %get3A_410] {strides = array<i32>} : memref<256x64xf32, #tpu.memory_space<vmem>>, vector<1x16xf32>,
        %get3A_412 = vector.shape_cast %get3A_411 : vector<1x16xf32> to vector<16xf32>
        %mul3A_413 = arith.mulf %get3A_408, %get3A_412 : vector<16xf32>
        %mul3A_414 = arith.mulf %mul3A_413, %get3A_13 : vector<16xf32>
        %add3A_415 = arith.addf %add3A_400, %mul3A_414 : vector<16xf32>
        %mul3A_416 = arith.mulf %get3A_408, %get3A_408 : vector<16xf32>
        %add3A_417 = arith.addf %add3A_402, %mul3A_416 : vector<16xf32>
        %mul3A_418 = arith.mulf %get3A_412, %get3A_412 : vector<16xf32>
        %add3A_419 = arith.addf %add3A_404, %mul3A_418 : vector<16xf32>
        %eq3A_420 = arith.constant 2 : i32
        %eq3A_421 = vector.broadcast %eq3A_420 : i32 to vector<16xi32>
        %eq3A_422 = arith.cmpi eq, %iota3A, %eq3A_421 : vector<16xi32>
        %broadcast_in_dim3A_423 = vector.shape_cast %xor3A_15 : vector<16xi32> to vector<16x1xi32>
        %gather3A_424 = vector.shape_cast %broadcast_in_dim3A_423 : vector<16x1xi32> to vector<16xi32>
        %gather3A_425 = tpu.dynamic_gather %add3A_415[%gather3A_424] in [0] : vector<16xf32>, vector<16xi32> -> vector<16xf32>
        %add3A_426 = arith.addf %add3A_415, %gather3A_425 : vector<16xf32>
        %broadcast_in_dim3A_427 = vector.shape_cast %xor3A_18 : vector<16xi32> to vector<16x1xi32>
        %gather3A_428 = vector.shape_cast %broadcast_in_dim3A_427 : vector<16x1xi32> to vector<16xi32>
        %gather3A_429 = tpu.dynamic_gather %add3A_426[%gather3A_428] in [0] : vector<16xf32>, vector<16xi32> -> vector<16xf32>
        %add3A_430 = arith.addf %add3A_426, %gather3A_429 : vector<16xf32>
        %broadcast_in_dim3A_431 = vector.shape_cast %xor3A_21 : vector<16xi32> to vector<16x1xi32>
        %gather3A_432 = vector.shape_cast %broadcast_in_dim3A_431 : vector<16x1xi32> to vector<16xi32>
        %gather3A_433 = tpu.dynamic_gather %add3A_430[%gather3A_432] in [0] : vector<16xf32>, vector<16xi32> -> vector<16xf32>
        %add3A_434 = arith.addf %add3A_430, %gather3A_433 : vector<16xf32>
        %broadcast_in_dim3A_435 = vector.shape_cast %xor3A_24 : vector<16xi32> to vector<16x1xi32>
        %gather3A_436 = vector.shape_cast %broadcast_in_dim3A_435 : vector<16x1xi32> to vector<16xi32>
        %gather3A_437 = tpu.dynamic_gather %add3A_434[%gather3A_436] in [0] : vector<16xf32>, vector<16xi32> -> vector<16xf32>
        %add3A_438 = arith.addf %add3A_434, %gather3A_437 : vector<16xf32>
        %select_n3A_439 = arith.select %eq3A_422, %add3A_438, %select_n3A_317 : vector<16xi1>, vector<16xf32>
        %broadcast_in_dim3A_440 = vector.shape_cast %xor3A_15 : vector<16xi32> to vector<16x1xi32>
        %gather3A_441 = vector.shape_cast %broadcast_in_dim3A_440 : vector<16x1xi32> to vector<16xi32>
        %gather3A_442 = tpu.dynamic_gather %add3A_417[%gather3A_441] in [0] : vector<16xf32>, vector<16xi32> -> vector<16xf32>
        %add3A_443 = arith.addf %add3A_417, %gather3A_442 : vector<16xf32>
        %broadcast_in_dim3A_444 = vector.shape_cast %xor3A_18 : vector<16xi32> to vector<16x1xi32>
        %gather3A_445 = vector.shape_cast %broadcast_in_dim3A_444 : vector<16x1xi32> to vector<16xi32>
        %gather3A_446 = tpu.dynamic_gather %add3A_443[%gather3A_445] in [0] : vector<16xf32>, vector<16xi32> -> vector<16xf32>
        %add3A_447 = arith.addf %add3A_443, %gather3A_446 : vector<16xf32>
        %broadcast_in_dim3A_448 = vector.shape_cast %xor3A_21 : vector<16xi32> to vector<16x1xi32>
        %gather3A_449 = vector.shape_cast %broadcast_in_dim3A_448 : vector<16x1xi32> to vector<16xi32>
        %gather3A_450 = tpu.dynamic_gather %add3A_447[%gather3A_449] in [0] : vector<16xf32>, vector<16xi32> -> vector<16xf32>
        %add3A_451 = arith.addf %add3A_447, %gather3A_450 : vector<16xf32>
        %broadcast_in_dim3A_452 = vector.shape_cast %xor3A_24 : vector<16xi32> to vector<16x1xi32>
        %gather3A_453 = vector.shape_cast %broadcast_in_dim3A_452 : vector<16x1xi32> to vector<16xi32>
        %gather3A_454 = tpu.dynamic_gather %add3A_451[%gather3A_453] in [0] : vector<16xf32>, vector<16xi32> -> vector<16xf32>
        %add3A_455 = arith.addf %add3A_451, %gather3A_454 : vector<16xf32>
        %select_n3A_456 = arith.select %eq3A_422, %add3A_455, %select_n3A_334 : vector<16xi1>, vector<16xf32>
        %broadcast_in_dim3A_457 = vector.shape_cast %xor3A_15 : vector<16xi32> to vector<16x1xi32>
        %gather3A_458 = vector.shape_cast %broadcast_in_dim3A_457 : vector<16x1xi32> to vector<16xi32>
        %gather3A_459 = tpu.dynamic_gather %add3A_419[%gather3A_458] in [0] : vector<16xf32>, vector<16xi32> -> vector<16xf32>
        %add3A_460 = arith.addf %add3A_419, %gather3A_459 : vector<16xf32>
        %broadcast_in_dim3A_461 = vector.shape_cast %xor3A_18 : vector<16xi32> to vector<16x1xi32>
        %gather3A_462 = vector.shape_cast %broadcast_in_dim3A_461 : vector<16x1xi32> to vector<16xi32>
        %gather3A_463 = tpu.dynamic_gather %add3A_460[%gather3A_462] in [0] : vector<16xf32>, vector<16xi32> -> vector<16xf32>
        %add3A_464 = arith.addf %add3A_460, %gather3A_463 : vector<16xf32>
        %broadcast_in_dim3A_465 = vector.shape_cast %xor3A_21 : vector<16xi32> to vector<16x1xi32>
        %gather3A_466 = vector.shape_cast %broadcast_in_dim3A_465 : vector<16x1xi32> to vector<16xi32>
        %gather3A_467 = tpu.dynamic_gather %add3A_464[%gather3A_466] in [0] : vector<16xf32>, vector<16xi32> -> vector<16xf32>
        %add3A_468 = arith.addf %add3A_464, %gather3A_467 : vector<16xf32>
        %broadcast_in_dim3A_469 = vector.shape_cast %xor3A_24 : vector<16xi32> to vector<16x1xi32>
        %gather3A_470 = vector.shape_cast %broadcast_in_dim3A_469 : vector<16x1xi32> to vector<16xi32>
        %gather3A_471 = tpu.dynamic_gather %add3A_468[%gather3A_470] in [0] : vector<16xf32>, vector<16xi32> -> vector<16xf32>
        %add3A_472 = arith.addf %add3A_468, %gather3A_471 : vector<16xf32>
        %select_n3A_473 = arith.select %eq3A_422, %add3A_472, %select_n3A_351 : vector<16xi1>, vector<16xf32>
        %add3A_474 = arith.constant 3 : i32
        %add3A_475 = arith.addi %mul3A_105, %add3A_474 : i32
        %broadcast_in_dim3A_476 = arith.constant 0.000000e+00 : f32
        %broadcast_in_dim3A_477 = vector.broadcast %broadcast_in_dim3A_476 : f32 to vector<16xf32>
        %broadcast_in_dim3A_478 = arith.constant 0.000000e+00 : f32
        %broadcast_in_dim3A_479 = vector.broadcast %broadcast_in_dim3A_478 : f32 to vector<16xf32>
        %broadcast_in_dim3A_480 = arith.constant 0.000000e+00 : f32
        %broadcast_in_dim3A_481 = vector.broadcast %broadcast_in_dim3A_480 : f32 to vector<16xf32>
        %get3A_482 = arith.index_cast %add3A_475 : i32 to index
        %get3A_483 = arith.constant 0 : index
        %get3A_484 = tpu.vector_load %arg10[%get3A_482, %get3A_483] {strides = array<i32>} : memref<256x64xf32, #tpu.memory_space<vmem>>, vector<1x16xf32>,
        %get3A_485 = vector.shape_cast %get3A_484 : vector<1x16xf32> to vector<16xf32>
        %get3A_486 = arith.index_cast %add3A_475 : i32 to index
        %get3A_487 = arith.constant 0 : index
        %get3A_488 = tpu.vector_load %arg11[%get3A_486, %get3A_487] {strides = array<i32>} : memref<256x64xf32, #tpu.memory_space<vmem>>, vector<1x16xf32>,
        %get3A_489 = vector.shape_cast %get3A_488 : vector<1x16xf32> to vector<16xf32>
        %mul3A_490 = arith.mulf %get3A_485, %get3A_489 : vector<16xf32>
        %mul3A_491 = arith.mulf %mul3A_490, %get3A_4 : vector<16xf32>
        %add3A_492 = arith.addf %broadcast_in_dim3A_477, %mul3A_491 : vector<16xf32>
        %mul3A_493 = arith.mulf %get3A_485, %get3A_485 : vector<16xf32>
        %add3A_494 = arith.addf %broadcast_in_dim3A_479, %mul3A_493 : vector<16xf32>
        %mul3A_495 = arith.mulf %get3A_489, %get3A_489 : vector<16xf32>
        %add3A_496 = arith.addf %broadcast_in_dim3A_481, %mul3A_495 : vector<16xf32>
        %get3A_497 = arith.index_cast %add3A_475 : i32 to index
        %get3A_498 = arith.constant 16 : index
        %get3A_499 = tpu.vector_load %arg10[%get3A_497, %get3A_498] {strides = array<i32>} : memref<256x64xf32, #tpu.memory_space<vmem>>, vector<1x16xf32>,
        %get3A_500 = vector.shape_cast %get3A_499 : vector<1x16xf32> to vector<16xf32>
        %get3A_501 = arith.index_cast %add3A_475 : i32 to index
        %get3A_502 = arith.constant 16 : index
        %get3A_503 = tpu.vector_load %arg11[%get3A_501, %get3A_502] {strides = array<i32>} : memref<256x64xf32, #tpu.memory_space<vmem>>, vector<1x16xf32>,
        %get3A_504 = vector.shape_cast %get3A_503 : vector<1x16xf32> to vector<16xf32>
        %mul3A_505 = arith.mulf %get3A_500, %get3A_504 : vector<16xf32>
        %mul3A_506 = arith.mulf %mul3A_505, %get3A_7 : vector<16xf32>
        %add3A_507 = arith.addf %add3A_492, %mul3A_506 : vector<16xf32>
        %mul3A_508 = arith.mulf %get3A_500, %get3A_500 : vector<16xf32>
        %add3A_509 = arith.addf %add3A_494, %mul3A_508 : vector<16xf32>
        %mul3A_510 = arith.mulf %get3A_504, %get3A_504 : vector<16xf32>
        %add3A_511 = arith.addf %add3A_496, %mul3A_510 : vector<16xf32>
        %get3A_512 = arith.index_cast %add3A_475 : i32 to index
        %get3A_513 = arith.constant 32 : index
        %get3A_514 = tpu.vector_load %arg10[%get3A_512, %get3A_513] {strides = array<i32>} : memref<256x64xf32, #tpu.memory_space<vmem>>, vector<1x16xf32>,
        %get3A_515 = vector.shape_cast %get3A_514 : vector<1x16xf32> to vector<16xf32>
        %get3A_516 = arith.index_cast %add3A_475 : i32 to index
        %get3A_517 = arith.constant 32 : index
        %get3A_518 = tpu.vector_load %arg11[%get3A_516, %get3A_517] {strides = array<i32>} : memref<256x64xf32, #tpu.memory_space<vmem>>, vector<1x16xf32>,
        %get3A_519 = vector.shape_cast %get3A_518 : vector<1x16xf32> to vector<16xf32>
        %mul3A_520 = arith.mulf %get3A_515, %get3A_519 : vector<16xf32>
        %mul3A_521 = arith.mulf %mul3A_520, %get3A_10 : vector<16xf32>
        %add3A_522 = arith.addf %add3A_507, %mul3A_521 : vector<16xf32>
        %mul3A_523 = arith.mulf %get3A_515, %get3A_515 : vector<16xf32>
        %add3A_524 = arith.addf %add3A_509, %mul3A_523 : vector<16xf32>
        %mul3A_525 = arith.mulf %get3A_519, %get3A_519 : vector<16xf32>
        %add3A_526 = arith.addf %add3A_511, %mul3A_525 : vector<16xf32>
        %get3A_527 = arith.index_cast %add3A_475 : i32 to index
        %get3A_528 = arith.constant 48 : index
        %get3A_529 = tpu.vector_load %arg10[%get3A_527, %get3A_528] {strides = array<i32>} : memref<256x64xf32, #tpu.memory_space<vmem>>, vector<1x16xf32>,
        %get3A_530 = vector.shape_cast %get3A_529 : vector<1x16xf32> to vector<16xf32>
        %get3A_531 = arith.index_cast %add3A_475 : i32 to index
        %get3A_532 = arith.constant 48 : index
        %get3A_533 = tpu.vector_load %arg11[%get3A_531, %get3A_532] {strides = array<i32>} : memref<256x64xf32, #tpu.memory_space<vmem>>, vector<1x16xf32>,
        %get3A_534 = vector.shape_cast %get3A_533 : vector<1x16xf32> to vector<16xf32>
        %mul3A_535 = arith.mulf %get3A_530, %get3A_534 : vector<16xf32>
        %mul3A_536 = arith.mulf %mul3A_535, %get3A_13 : vector<16xf32>
        %add3A_537 = arith.addf %add3A_522, %mul3A_536 : vector<16xf32>
        %mul3A_538 = arith.mulf %get3A_530, %get3A_530 : vector<16xf32>
        %add3A_539 = arith.addf %add3A_524, %mul3A_538 : vector<16xf32>
        %mul3A_540 = arith.mulf %get3A_534, %get3A_534 : vector<16xf32>
        %add3A_541 = arith.addf %add3A_526, %mul3A_540 : vector<16xf32>
        %eq3A_542 = arith.constant 3 : i32
        %eq3A_543 = vector.broadcast %eq3A_542 : i32 to vector<16xi32>
        %eq3A_544 = arith.cmpi eq, %iota3A, %eq3A_543 : vector<16xi32>
        %broadcast_in_dim3A_545 = vector.shape_cast %xor3A_15 : vector<16xi32> to vector<16x1xi32>
        %gather3A_546 = vector.shape_cast %broadcast_in_dim3A_545 : vector<16x1xi32> to vector<16xi32>
        %gather3A_547 = tpu.dynamic_gather %add3A_537[%gather3A_546] in [0] : vector<16xf32>, vector<16xi32> -> vector<16xf32>
        %add3A_548 = arith.addf %add3A_537, %gather3A_547 : vector<16xf32>
        %broadcast_in_dim3A_549 = vector.shape_cast %xor3A_18 : vector<16xi32> to vector<16x1xi32>
        %gather3A_550 = vector.shape_cast %broadcast_in_dim3A_549 : vector<16x1xi32> to vector<16xi32>
        %gather3A_551 = tpu.dynamic_gather %add3A_548[%gather3A_550] in [0] : vector<16xf32>, vector<16xi32> -> vector<16xf32>
        %add3A_552 = arith.addf %add3A_548, %gather3A_551 : vector<16xf32>
        %broadcast_in_dim3A_553 = vector.shape_cast %xor3A_21 : vector<16xi32> to vector<16x1xi32>
        %gather3A_554 = vector.shape_cast %broadcast_in_dim3A_553 : vector<16x1xi32> to vector<16xi32>
        %gather3A_555 = tpu.dynamic_gather %add3A_552[%gather3A_554] in [0] : vector<16xf32>, vector<16xi32> -> vector<16xf32>
        %add3A_556 = arith.addf %add3A_552, %gather3A_555 : vector<16xf32>
        %broadcast_in_dim3A_557 = vector.shape_cast %xor3A_24 : vector<16xi32> to vector<16x1xi32>
        %gather3A_558 = vector.shape_cast %broadcast_in_dim3A_557 : vector<16x1xi32> to vector<16xi32>
        %gather3A_559 = tpu.dynamic_gather %add3A_556[%gather3A_558] in [0] : vector<16xf32>, vector<16xi32> -> vector<16xf32>
        %add3A_560 = arith.addf %add3A_556, %gather3A_559 : vector<16xf32>
        %select_n3A_561 = arith.select %eq3A_544, %add3A_560, %select_n3A_439 : vector<16xi1>, vector<16xf32>
        %broadcast_in_dim3A_562 = vector.shape_cast %xor3A_15 : vector<16xi32> to vector<16x1xi32>
        %gather3A_563 = vector.shape_cast %broadcast_in_dim3A_562 : vector<16x1xi32> to vector<16xi32>
        %gather3A_564 = tpu.dynamic_gather %add3A_539[%gather3A_563] in [0] : vector<16xf32>, vector<16xi32> -> vector<16xf32>
        %add3A_565 = arith.addf %add3A_539, %gather3A_564 : vector<16xf32>
        %broadcast_in_dim3A_566 = vector.shape_cast %xor3A_18 : vector<16xi32> to vector<16x1xi32>
        %gather3A_567 = vector.shape_cast %broadcast_in_dim3A_566 : vector<16x1xi32> to vector<16xi32>
        %gather3A_568 = tpu.dynamic_gather %add3A_565[%gather3A_567] in [0] : vector<16xf32>, vector<16xi32> -> vector<16xf32>
        %add3A_569 = arith.addf %add3A_565, %gather3A_568 : vector<16xf32>
        %broadcast_in_dim3A_570 = vector.shape_cast %xor3A_21 : vector<16xi32> to vector<16x1xi32>
        %gather3A_571 = vector.shape_cast %broadcast_in_dim3A_570 : vector<16x1xi32> to vector<16xi32>
        %gather3A_572 = tpu.dynamic_gather %add3A_569[%gather3A_571] in [0] : vector<16xf32>, vector<16xi32> -> vector<16xf32>
        %add3A_573 = arith.addf %add3A_569, %gather3A_572 : vector<16xf32>
        %broadcast_in_dim3A_574 = vector.shape_cast %xor3A_24 : vector<16xi32> to vector<16x1xi32>
        %gather3A_575 = vector.shape_cast %broadcast_in_dim3A_574 : vector<16x1xi32> to vector<16xi32>
        %gather3A_576 = tpu.dynamic_gather %add3A_573[%gather3A_575] in [0] : vector<16xf32>, vector<16xi32> -> vector<16xf32>
        %add3A_577 = arith.addf %add3A_573, %gather3A_576 : vector<16xf32>
        %select_n3A_578 = arith.select %eq3A_544, %add3A_577, %select_n3A_456 : vector<16xi1>, vector<16xf32>
        %broadcast_in_dim3A_579 = vector.shape_cast %xor3A_15 : vector<16xi32> to vector<16x1xi32>
        %gather3A_580 = vector.shape_cast %broadcast_in_dim3A_579 : vector<16x1xi32> to vector<16xi32>
        %gather3A_581 = tpu.dynamic_gather %add3A_541[%gather3A_580] in [0] : vector<16xf32>, vector<16xi32> -> vector<16xf32>
        %add3A_582 = arith.addf %add3A_541, %gather3A_581 : vector<16xf32>
        %broadcast_in_dim3A_583 = vector.shape_cast %xor3A_18 : vector<16xi32> to vector<16x1xi32>
        %gather3A_584 = vector.shape_cast %broadcast_in_dim3A_583 : vector<16x1xi32> to vector<16xi32>
        %gather3A_585 = tpu.dynamic_gather %add3A_582[%gather3A_584] in [0] : vector<16xf32>, vector<16xi32> -> vector<16xf32>
        %add3A_586 = arith.addf %add3A_582, %gather3A_585 : vector<16xf32>
        %broadcast_in_dim3A_587 = vector.shape_cast %xor3A_21 : vector<16xi32> to vector<16x1xi32>
        %gather3A_588 = vector.shape_cast %broadcast_in_dim3A_587 : vector<16x1xi32> to vector<16xi32>
        %gather3A_589 = tpu.dynamic_gather %add3A_586[%gather3A_588] in [0] : vector<16xf32>, vector<16xi32> -> vector<16xf32>
        %add3A_590 = arith.addf %add3A_586, %gather3A_589 : vector<16xf32>
        %broadcast_in_dim3A_591 = vector.shape_cast %xor3A_24 : vector<16xi32> to vector<16x1xi32>
        %gather3A_592 = vector.shape_cast %broadcast_in_dim3A_591 : vector<16x1xi32> to vector<16xi32>
        %gather3A_593 = tpu.dynamic_gather %add3A_590[%gather3A_592] in [0] : vector<16xf32>, vector<16xi32> -> vector<16xf32>
        %add3A_594 = arith.addf %add3A_590, %gather3A_593 : vector<16xf32>
        %select_n3A_595 = arith.select %eq3A_544, %add3A_594, %select_n3A_473 : vector<16xi1>, vector<16xf32>
        %add3A_596 = arith.constant 4 : i32
        %add3A_597 = arith.addi %mul3A_105, %add3A_596 : i32
        %broadcast_in_dim3A_598 = arith.constant 0.000000e+00 : f32
        %broadcast_in_dim3A_599 = vector.broadcast %broadcast_in_dim3A_598 : f32 to vector<16xf32>
        %broadcast_in_dim3A_600 = arith.constant 0.000000e+00 : f32
        %broadcast_in_dim3A_601 = vector.broadcast %broadcast_in_dim3A_600 : f32 to vector<16xf32>
        %broadcast_in_dim3A_602 = arith.constant 0.000000e+00 : f32
        %broadcast_in_dim3A_603 = vector.broadcast %broadcast_in_dim3A_602 : f32 to vector<16xf32>
        %get3A_604 = arith.index_cast %add3A_597 : i32 to index
        %get3A_605 = arith.constant 0 : index
        %get3A_606 = tpu.vector_load %arg10[%get3A_604, %get3A_605] {strides = array<i32>} : memref<256x64xf32, #tpu.memory_space<vmem>>, vector<1x16xf32>,
        %get3A_607 = vector.shape_cast %get3A_606 : vector<1x16xf32> to vector<16xf32>
        %get3A_608 = arith.index_cast %add3A_597 : i32 to index
        %get3A_609 = arith.constant 0 : index
        %get3A_610 = tpu.vector_load %arg11[%get3A_608, %get3A_609] {strides = array<i32>} : memref<256x64xf32, #tpu.memory_space<vmem>>, vector<1x16xf32>,
        %get3A_611 = vector.shape_cast %get3A_610 : vector<1x16xf32> to vector<16xf32>
        %mul3A_612 = arith.mulf %get3A_607, %get3A_611 : vector<16xf32>
        %mul3A_613 = arith.mulf %mul3A_612, %get3A_4 : vector<16xf32>
        %add3A_614 = arith.addf %broadcast_in_dim3A_599, %mul3A_613 : vector<16xf32>
        %mul3A_615 = arith.mulf %get3A_607, %get3A_607 : vector<16xf32>
        %add3A_616 = arith.addf %broadcast_in_dim3A_601, %mul3A_615 : vector<16xf32>
        %mul3A_617 = arith.mulf %get3A_611, %get3A_611 : vector<16xf32>
        %add3A_618 = arith.addf %broadcast_in_dim3A_603, %mul3A_617 : vector<16xf32>
        %get3A_619 = arith.index_cast %add3A_597 : i32 to index
        %get3A_620 = arith.constant 16 : index
        %get3A_621 = tpu.vector_load %arg10[%get3A_619, %get3A_620] {strides = array<i32>} : memref<256x64xf32, #tpu.memory_space<vmem>>, vector<1x16xf32>,
        %get3A_622 = vector.shape_cast %get3A_621 : vector<1x16xf32> to vector<16xf32>
        %get3A_623 = arith.index_cast %add3A_597 : i32 to index
        %get3A_624 = arith.constant 16 : index
        %get3A_625 = tpu.vector_load %arg11[%get3A_623, %get3A_624] {strides = array<i32>} : memref<256x64xf32, #tpu.memory_space<vmem>>, vector<1x16xf32>,
        %get3A_626 = vector.shape_cast %get3A_625 : vector<1x16xf32> to vector<16xf32>
        %mul3A_627 = arith.mulf %get3A_622, %get3A_626 : vector<16xf32>
        %mul3A_628 = arith.mulf %mul3A_627, %get3A_7 : vector<16xf32>
        %add3A_629 = arith.addf %add3A_614, %mul3A_628 : vector<16xf32>
        %mul3A_630 = arith.mulf %get3A_622, %get3A_622 : vector<16xf32>
        %add3A_631 = arith.addf %add3A_616, %mul3A_630 : vector<16xf32>
        %mul3A_632 = arith.mulf %get3A_626, %get3A_626 : vector<16xf32>
        %add3A_633 = arith.addf %add3A_618, %mul3A_632 : vector<16xf32>
        %get3A_634 = arith.index_cast %add3A_597 : i32 to index
        %get3A_635 = arith.constant 32 : index
        %get3A_636 = tpu.vector_load %arg10[%get3A_634, %get3A_635] {strides = array<i32>} : memref<256x64xf32, #tpu.memory_space<vmem>>, vector<1x16xf32>,
        %get3A_637 = vector.shape_cast %get3A_636 : vector<1x16xf32> to vector<16xf32>
        %get3A_638 = arith.index_cast %add3A_597 : i32 to index
        %get3A_639 = arith.constant 32 : index
        %get3A_640 = tpu.vector_load %arg11[%get3A_638, %get3A_639] {strides = array<i32>} : memref<256x64xf32, #tpu.memory_space<vmem>>, vector<1x16xf32>,
        %get3A_641 = vector.shape_cast %get3A_640 : vector<1x16xf32> to vector<16xf32>
        %mul3A_642 = arith.mulf %get3A_637, %get3A_641 : vector<16xf32>
        %mul3A_643 = arith.mulf %mul3A_642, %get3A_10 : vector<16xf32>
        %add3A_644 = arith.addf %add3A_629, %mul3A_643 : vector<16xf32>
        %mul3A_645 = arith.mulf %get3A_637, %get3A_637 : vector<16xf32>
        %add3A_646 = arith.addf %add3A_631, %mul3A_645 : vector<16xf32>
        %mul3A_647 = arith.mulf %get3A_641, %get3A_641 : vector<16xf32>
        %add3A_648 = arith.addf %add3A_633, %mul3A_647 : vector<16xf32>
        %get3A_649 = arith.index_cast %add3A_597 : i32 to index
        %get3A_650 = arith.constant 48 : index
        %get3A_651 = tpu.vector_load %arg10[%get3A_649, %get3A_650] {strides = array<i32>} : memref<256x64xf32, #tpu.memory_space<vmem>>, vector<1x16xf32>,
        %get3A_652 = vector.shape_cast %get3A_651 : vector<1x16xf32> to vector<16xf32>
        %get3A_653 = arith.index_cast %add3A_597 : i32 to index
        %get3A_654 = arith.constant 48 : index
        %get3A_655 = tpu.vector_load %arg11[%get3A_653, %get3A_654] {strides = array<i32>} : memref<256x64xf32, #tpu.memory_space<vmem>>, vector<1x16xf32>,
        %get3A_656 = vector.shape_cast %get3A_655 : vector<1x16xf32> to vector<16xf32>
        %mul3A_657 = arith.mulf %get3A_652, %get3A_656 : vector<16xf32>
        %mul3A_658 = arith.mulf %mul3A_657, %get3A_13 : vector<16xf32>
        %add3A_659 = arith.addf %add3A_644, %mul3A_658 : vector<16xf32>
        %mul3A_660 = arith.mulf %get3A_652, %get3A_652 : vector<16xf32>
        %add3A_661 = arith.addf %add3A_646, %mul3A_660 : vector<16xf32>
        %mul3A_662 = arith.mulf %get3A_656, %get3A_656 : vector<16xf32>
        %add3A_663 = arith.addf %add3A_648, %mul3A_662 : vector<16xf32>
        %eq3A_664 = arith.constant 4 : i32
        %eq3A_665 = vector.broadcast %eq3A_664 : i32 to vector<16xi32>
        %eq3A_666 = arith.cmpi eq, %iota3A, %eq3A_665 : vector<16xi32>
        %broadcast_in_dim3A_667 = vector.shape_cast %xor3A_15 : vector<16xi32> to vector<16x1xi32>
        %gather3A_668 = vector.shape_cast %broadcast_in_dim3A_667 : vector<16x1xi32> to vector<16xi32>
        %gather3A_669 = tpu.dynamic_gather %add3A_659[%gather3A_668] in [0] : vector<16xf32>, vector<16xi32> -> vector<16xf32>
        %add3A_670 = arith.addf %add3A_659, %gather3A_669 : vector<16xf32>
        %broadcast_in_dim3A_671 = vector.shape_cast %xor3A_18 : vector<16xi32> to vector<16x1xi32>
        %gather3A_672 = vector.shape_cast %broadcast_in_dim3A_671 : vector<16x1xi32> to vector<16xi32>
        %gather3A_673 = tpu.dynamic_gather %add3A_670[%gather3A_672] in [0] : vector<16xf32>, vector<16xi32> -> vector<16xf32>
        %add3A_674 = arith.addf %add3A_670, %gather3A_673 : vector<16xf32>
        %broadcast_in_dim3A_675 = vector.shape_cast %xor3A_21 : vector<16xi32> to vector<16x1xi32>
        %gather3A_676 = vector.shape_cast %broadcast_in_dim3A_675 : vector<16x1xi32> to vector<16xi32>
        %gather3A_677 = tpu.dynamic_gather %add3A_674[%gather3A_676] in [0] : vector<16xf32>, vector<16xi32> -> vector<16xf32>
        %add3A_678 = arith.addf %add3A_674, %gather3A_677 : vector<16xf32>
        %broadcast_in_dim3A_679 = vector.shape_cast %xor3A_24 : vector<16xi32> to vector<16x1xi32>
        %gather3A_680 = vector.shape_cast %broadcast_in_dim3A_679 : vector<16x1xi32> to vector<16xi32>
        %gather3A_681 = tpu.dynamic_gather %add3A_678[%gather3A_680] in [0] : vector<16xf32>, vector<16xi32> -> vector<16xf32>
        %add3A_682 = arith.addf %add3A_678, %gather3A_681 : vector<16xf32>
        %select_n3A_683 = arith.select %eq3A_666, %add3A_682, %select_n3A_561 : vector<16xi1>, vector<16xf32>
        %broadcast_in_dim3A_684 = vector.shape_cast %xor3A_15 : vector<16xi32> to vector<16x1xi32>
        %gather3A_685 = vector.shape_cast %broadcast_in_dim3A_684 : vector<16x1xi32> to vector<16xi32>
        %gather3A_686 = tpu.dynamic_gather %add3A_661[%gather3A_685] in [0] : vector<16xf32>, vector<16xi32> -> vector<16xf32>
        %add3A_687 = arith.addf %add3A_661, %gather3A_686 : vector<16xf32>
        %broadcast_in_dim3A_688 = vector.shape_cast %xor3A_18 : vector<16xi32> to vector<16x1xi32>
        %gather3A_689 = vector.shape_cast %broadcast_in_dim3A_688 : vector<16x1xi32> to vector<16xi32>
        %gather3A_690 = tpu.dynamic_gather %add3A_687[%gather3A_689] in [0] : vector<16xf32>, vector<16xi32> -> vector<16xf32>
        %add3A_691 = arith.addf %add3A_687, %gather3A_690 : vector<16xf32>
        %broadcast_in_dim3A_692 = vector.shape_cast %xor3A_21 : vector<16xi32> to vector<16x1xi32>
        %gather3A_693 = vector.shape_cast %broadcast_in_dim3A_692 : vector<16x1xi32> to vector<16xi32>
        %gather3A_694 = tpu.dynamic_gather %add3A_691[%gather3A_693] in [0] : vector<16xf32>, vector<16xi32> -> vector<16xf32>
        %add3A_695 = arith.addf %add3A_691, %gather3A_694 : vector<16xf32>
        %broadcast_in_dim3A_696 = vector.shape_cast %xor3A_24 : vector<16xi32> to vector<16x1xi32>
        %gather3A_697 = vector.shape_cast %broadcast_in_dim3A_696 : vector<16x1xi32> to vector<16xi32>
        %gather3A_698 = tpu.dynamic_gather %add3A_695[%gather3A_697] in [0] : vector<16xf32>, vector<16xi32> -> vector<16xf32>
        %add3A_699 = arith.addf %add3A_695, %gather3A_698 : vector<16xf32>
        %select_n3A_700 = arith.select %eq3A_666, %add3A_699, %select_n3A_578 : vector<16xi1>, vector<16xf32>
        %broadcast_in_dim3A_701 = vector.shape_cast %xor3A_15 : vector<16xi32> to vector<16x1xi32>
        %gather3A_702 = vector.shape_cast %broadcast_in_dim3A_701 : vector<16x1xi32> to vector<16xi32>
        %gather3A_703 = tpu.dynamic_gather %add3A_663[%gather3A_702] in [0] : vector<16xf32>, vector<16xi32> -> vector<16xf32>
        %add3A_704 = arith.addf %add3A_663, %gather3A_703 : vector<16xf32>
        %broadcast_in_dim3A_705 = vector.shape_cast %xor3A_18 : vector<16xi32> to vector<16x1xi32>
        %gather3A_706 = vector.shape_cast %broadcast_in_dim3A_705 : vector<16x1xi32> to vector<16xi32>
        %gather3A_707 = tpu.dynamic_gather %add3A_704[%gather3A_706] in [0] : vector<16xf32>, vector<16xi32> -> vector<16xf32>
        %add3A_708 = arith.addf %add3A_704, %gather3A_707 : vector<16xf32>
        %broadcast_in_dim3A_709 = vector.shape_cast %xor3A_21 : vector<16xi32> to vector<16x1xi32>
        %gather3A_710 = vector.shape_cast %broadcast_in_dim3A_709 : vector<16x1xi32> to vector<16xi32>
        %gather3A_711 = tpu.dynamic_gather %add3A_708[%gather3A_710] in [0] : vector<16xf32>, vector<16xi32> -> vector<16xf32>
        %add3A_712 = arith.addf %add3A_708, %gather3A_711 : vector<16xf32>
        %broadcast_in_dim3A_713 = vector.shape_cast %xor3A_24 : vector<16xi32> to vector<16x1xi32>
        %gather3A_714 = vector.shape_cast %broadcast_in_dim3A_713 : vector<16x1xi32> to vector<16xi32>
        %gather3A_715 = tpu.dynamic_gather %add3A_712[%gather3A_714] in [0] : vector<16xf32>, vector<16xi32> -> vector<16xf32>
        %add3A_716 = arith.addf %add3A_712, %gather3A_715 : vector<16xf32>
        %select_n3A_717 = arith.select %eq3A_666, %add3A_716, %select_n3A_595 : vector<16xi1>, vector<16xf32>
        %add3A_718 = arith.constant 5 : i32
        %add3A_719 = arith.addi %mul3A_105, %add3A_718 : i32
        %broadcast_in_dim3A_720 = arith.constant 0.000000e+00 : f32
        %broadcast_in_dim3A_721 = vector.broadcast %broadcast_in_dim3A_720 : f32 to vector<16xf32>
        %broadcast_in_dim3A_722 = arith.constant 0.000000e+00 : f32
        %broadcast_in_dim3A_723 = vector.broadcast %broadcast_in_dim3A_722 : f32 to vector<16xf32>
        %broadcast_in_dim3A_724 = arith.constant 0.000000e+00 : f32
        %broadcast_in_dim3A_725 = vector.broadcast %broadcast_in_dim3A_724 : f32 to vector<16xf32>
        %get3A_726 = arith.index_cast %add3A_719 : i32 to index
        %get3A_727 = arith.constant 0 : index
        %get3A_728 = tpu.vector_load %arg10[%get3A_726, %get3A_727] {strides = array<i32>} : memref<256x64xf32, #tpu.memory_space<vmem>>, vector<1x16xf32>,
        %get3A_729 = vector.shape_cast %get3A_728 : vector<1x16xf32> to vector<16xf32>
        %get3A_730 = arith.index_cast %add3A_719 : i32 to index
        %get3A_731 = arith.constant 0 : index
        %get3A_732 = tpu.vector_load %arg11[%get3A_730, %get3A_731] {strides = array<i32>} : memref<256x64xf32, #tpu.memory_space<vmem>>, vector<1x16xf32>,
        %get3A_733 = vector.shape_cast %get3A_732 : vector<1x16xf32> to vector<16xf32>
        %mul3A_734 = arith.mulf %get3A_729, %get3A_733 : vector<16xf32>
        %mul3A_735 = arith.mulf %mul3A_734, %get3A_4 : vector<16xf32>
        %add3A_736 = arith.addf %broadcast_in_dim3A_721, %mul3A_735 : vector<16xf32>
        %mul3A_737 = arith.mulf %get3A_729, %get3A_729 : vector<16xf32>
        %add3A_738 = arith.addf %broadcast_in_dim3A_723, %mul3A_737 : vector<16xf32>
        %mul3A_739 = arith.mulf %get3A_733, %get3A_733 : vector<16xf32>
        %add3A_740 = arith.addf %broadcast_in_dim3A_725, %mul3A_739 : vector<16xf32>
        %get3A_741 = arith.index_cast %add3A_719 : i32 to index
        %get3A_742 = arith.constant 16 : index
        %get3A_743 = tpu.vector_load %arg10[%get3A_741, %get3A_742] {strides = array<i32>} : memref<256x64xf32, #tpu.memory_space<vmem>>, vector<1x16xf32>,
        %get3A_744 = vector.shape_cast %get3A_743 : vector<1x16xf32> to vector<16xf32>
        %get3A_745 = arith.index_cast %add3A_719 : i32 to index
        %get3A_746 = arith.constant 16 : index
        %get3A_747 = tpu.vector_load %arg11[%get3A_745, %get3A_746] {strides = array<i32>} : memref<256x64xf32, #tpu.memory_space<vmem>>, vector<1x16xf32>,
        %get3A_748 = vector.shape_cast %get3A_747 : vector<1x16xf32> to vector<16xf32>
        %mul3A_749 = arith.mulf %get3A_744, %get3A_748 : vector<16xf32>
        %mul3A_750 = arith.mulf %mul3A_749, %get3A_7 : vector<16xf32>
        %add3A_751 = arith.addf %add3A_736, %mul3A_750 : vector<16xf32>
        %mul3A_752 = arith.mulf %get3A_744, %get3A_744 : vector<16xf32>
        %add3A_753 = arith.addf %add3A_738, %mul3A_752 : vector<16xf32>
        %mul3A_754 = arith.mulf %get3A_748, %get3A_748 : vector<16xf32>
        %add3A_755 = arith.addf %add3A_740, %mul3A_754 : vector<16xf32>
        %get3A_756 = arith.index_cast %add3A_719 : i32 to index
        %get3A_757 = arith.constant 32 : index
        %get3A_758 = tpu.vector_load %arg10[%get3A_756, %get3A_757] {strides = array<i32>} : memref<256x64xf32, #tpu.memory_space<vmem>>, vector<1x16xf32>,
        %get3A_759 = vector.shape_cast %get3A_758 : vector<1x16xf32> to vector<16xf32>
        %get3A_760 = arith.index_cast %add3A_719 : i32 to index
        %get3A_761 = arith.constant 32 : index
        %get3A_762 = tpu.vector_load %arg11[%get3A_760, %get3A_761] {strides = array<i32>} : memref<256x64xf32, #tpu.memory_space<vmem>>, vector<1x16xf32>,
        %get3A_763 = vector.shape_cast %get3A_762 : vector<1x16xf32> to vector<16xf32>
        %mul3A_764 = arith.mulf %get3A_759, %get3A_763 : vector<16xf32>
        %mul3A_765 = arith.mulf %mul3A_764, %get3A_10 : vector<16xf32>
        %add3A_766 = arith.addf %add3A_751, %mul3A_765 : vector<16xf32>
        %mul3A_767 = arith.mulf %get3A_759, %get3A_759 : vector<16xf32>
        %add3A_768 = arith.addf %add3A_753, %mul3A_767 : vector<16xf32>
        %mul3A_769 = arith.mulf %get3A_763, %get3A_763 : vector<16xf32>
        %add3A_770 = arith.addf %add3A_755, %mul3A_769 : vector<16xf32>
        %get3A_771 = arith.index_cast %add3A_719 : i32 to index
        %get3A_772 = arith.constant 48 : index
        %get3A_773 = tpu.vector_load %arg10[%get3A_771, %get3A_772] {strides = array<i32>} : memref<256x64xf32, #tpu.memory_space<vmem>>, vector<1x16xf32>,
        %get3A_774 = vector.shape_cast %get3A_773 : vector<1x16xf32> to vector<16xf32>
        %get3A_775 = arith.index_cast %add3A_719 : i32 to index
        %get3A_776 = arith.constant 48 : index
        %get3A_777 = tpu.vector_load %arg11[%get3A_775, %get3A_776] {strides = array<i32>} : memref<256x64xf32, #tpu.memory_space<vmem>>, vector<1x16xf32>,
        %get3A_778 = vector.shape_cast %get3A_777 : vector<1x16xf32> to vector<16xf32>
        %mul3A_779 = arith.mulf %get3A_774, %get3A_778 : vector<16xf32>
        %mul3A_780 = arith.mulf %mul3A_779, %get3A_13 : vector<16xf32>
        %add3A_781 = arith.addf %add3A_766, %mul3A_780 : vector<16xf32>
        %mul3A_782 = arith.mulf %get3A_774, %get3A_774 : vector<16xf32>
        %add3A_783 = arith.addf %add3A_768, %mul3A_782 : vector<16xf32>
        %mul3A_784 = arith.mulf %get3A_778, %get3A_778 : vector<16xf32>
        %add3A_785 = arith.addf %add3A_770, %mul3A_784 : vector<16xf32>
        %eq3A_786 = arith.constant 5 : i32
        %eq3A_787 = vector.broadcast %eq3A_786 : i32 to vector<16xi32>
        %eq3A_788 = arith.cmpi eq, %iota3A, %eq3A_787 : vector<16xi32>
        %broadcast_in_dim3A_789 = vector.shape_cast %xor3A_15 : vector<16xi32> to vector<16x1xi32>
        %gather3A_790 = vector.shape_cast %broadcast_in_dim3A_789 : vector<16x1xi32> to vector<16xi32>
        %gather3A_791 = tpu.dynamic_gather %add3A_781[%gather3A_790] in [0] : vector<16xf32>, vector<16xi32> -> vector<16xf32>
        %add3A_792 = arith.addf %add3A_781, %gather3A_791 : vector<16xf32>
        %broadcast_in_dim3A_793 = vector.shape_cast %xor3A_18 : vector<16xi32> to vector<16x1xi32>
        %gather3A_794 = vector.shape_cast %broadcast_in_dim3A_793 : vector<16x1xi32> to vector<16xi32>
        %gather3A_795 = tpu.dynamic_gather %add3A_792[%gather3A_794] in [0] : vector<16xf32>, vector<16xi32> -> vector<16xf32>
        %add3A_796 = arith.addf %add3A_792, %gather3A_795 : vector<16xf32>
        %broadcast_in_dim3A_797 = vector.shape_cast %xor3A_21 : vector<16xi32> to vector<16x1xi32>
        %gather3A_798 = vector.shape_cast %broadcast_in_dim3A_797 : vector<16x1xi32> to vector<16xi32>
        %gather3A_799 = tpu.dynamic_gather %add3A_796[%gather3A_798] in [0] : vector<16xf32>, vector<16xi32> -> vector<16xf32>
        %add3A_800 = arith.addf %add3A_796, %gather3A_799 : vector<16xf32>
        %broadcast_in_dim3A_801 = vector.shape_cast %xor3A_24 : vector<16xi32> to vector<16x1xi32>
        %gather3A_802 = vector.shape_cast %broadcast_in_dim3A_801 : vector<16x1xi32> to vector<16xi32>
        %gather3A_803 = tpu.dynamic_gather %add3A_800[%gather3A_802] in [0] : vector<16xf32>, vector<16xi32> -> vector<16xf32>
        %add3A_804 = arith.addf %add3A_800, %gather3A_803 : vector<16xf32>
        %select_n3A_805 = arith.select %eq3A_788, %add3A_804, %select_n3A_683 : vector<16xi1>, vector<16xf32>
        %broadcast_in_dim3A_806 = vector.shape_cast %xor3A_15 : vector<16xi32> to vector<16x1xi32>
        %gather3A_807 = vector.shape_cast %broadcast_in_dim3A_806 : vector<16x1xi32> to vector<16xi32>
        %gather3A_808 = tpu.dynamic_gather %add3A_783[%gather3A_807] in [0] : vector<16xf32>, vector<16xi32> -> vector<16xf32>
        %add3A_809 = arith.addf %add3A_783, %gather3A_808 : vector<16xf32>
        %broadcast_in_dim3A_810 = vector.shape_cast %xor3A_18 : vector<16xi32> to vector<16x1xi32>
        %gather3A_811 = vector.shape_cast %broadcast_in_dim3A_810 : vector<16x1xi32> to vector<16xi32>
        %gather3A_812 = tpu.dynamic_gather %add3A_809[%gather3A_811] in [0] : vector<16xf32>, vector<16xi32> -> vector<16xf32>
        %add3A_813 = arith.addf %add3A_809, %gather3A_812 : vector<16xf32>
        %broadcast_in_dim3A_814 = vector.shape_cast %xor3A_21 : vector<16xi32> to vector<16x1xi32>
        %gather3A_815 = vector.shape_cast %broadcast_in_dim3A_814 : vector<16x1xi32> to vector<16xi32>
        %gather3A_816 = tpu.dynamic_gather %add3A_813[%gather3A_815] in [0] : vector<16xf32>, vector<16xi32> -> vector<16xf32>
        %add3A_817 = arith.addf %add3A_813, %gather3A_816 : vector<16xf32>
        %broadcast_in_dim3A_818 = vector.shape_cast %xor3A_24 : vector<16xi32> to vector<16x1xi32>
        %gather3A_819 = vector.shape_cast %broadcast_in_dim3A_818 : vector<16x1xi32> to vector<16xi32>
        %gather3A_820 = tpu.dynamic_gather %add3A_817[%gather3A_819] in [0] : vector<16xf32>, vector<16xi32> -> vector<16xf32>
        %add3A_821 = arith.addf %add3A_817, %gather3A_820 : vector<16xf32>
        %select_n3A_822 = arith.select %eq3A_788, %add3A_821, %select_n3A_700 : vector<16xi1>, vector<16xf32>
        %broadcast_in_dim3A_823 = vector.shape_cast %xor3A_15 : vector<16xi32> to vector<16x1xi32>
        %gather3A_824 = vector.shape_cast %broadcast_in_dim3A_823 : vector<16x1xi32> to vector<16xi32>
        %gather3A_825 = tpu.dynamic_gather %add3A_785[%gather3A_824] in [0] : vector<16xf32>, vector<16xi32> -> vector<16xf32>
        %add3A_826 = arith.addf %add3A_785, %gather3A_825 : vector<16xf32>
        %broadcast_in_dim3A_827 = vector.shape_cast %xor3A_18 : vector<16xi32> to vector<16x1xi32>
        %gather3A_828 = vector.shape_cast %broadcast_in_dim3A_827 : vector<16x1xi32> to vector<16xi32>
        %gather3A_829 = tpu.dynamic_gather %add3A_826[%gather3A_828] in [0] : vector<16xf32>, vector<16xi32> -> vector<16xf32>
        %add3A_830 = arith.addf %add3A_826, %gather3A_829 : vector<16xf32>
        %broadcast_in_dim3A_831 = vector.shape_cast %xor3A_21 : vector<16xi32> to vector<16x1xi32>
        %gather3A_832 = vector.shape_cast %broadcast_in_dim3A_831 : vector<16x1xi32> to vector<16xi32>
        %gather3A_833 = tpu.dynamic_gather %add3A_830[%gather3A_832] in [0] : vector<16xf32>, vector<16xi32> -> vector<16xf32>
        %add3A_834 = arith.addf %add3A_830, %gather3A_833 : vector<16xf32>
        %broadcast_in_dim3A_835 = vector.shape_cast %xor3A_24 : vector<16xi32> to vector<16x1xi32>
        %gather3A_836 = vector.shape_cast %broadcast_in_dim3A_835 : vector<16x1xi32> to vector<16xi32>
        %gather3A_837 = tpu.dynamic_gather %add3A_834[%gather3A_836] in [0] : vector<16xf32>, vector<16xi32> -> vector<16xf32>
        %add3A_838 = arith.addf %add3A_834, %gather3A_837 : vector<16xf32>
        %select_n3A_839 = arith.select %eq3A_788, %add3A_838, %select_n3A_717 : vector<16xi1>, vector<16xf32>
        %add3A_840 = arith.constant 6 : i32
        %add3A_841 = arith.addi %mul3A_105, %add3A_840 : i32
        %broadcast_in_dim3A_842 = arith.constant 0.000000e+00 : f32
        %broadcast_in_dim3A_843 = vector.broadcast %broadcast_in_dim3A_842 : f32 to vector<16xf32>
        %broadcast_in_dim3A_844 = arith.constant 0.000000e+00 : f32
        %broadcast_in_dim3A_845 = vector.broadcast %broadcast_in_dim3A_844 : f32 to vector<16xf32>
        %broadcast_in_dim3A_846 = arith.constant 0.000000e+00 : f32
        %broadcast_in_dim3A_847 = vector.broadcast %broadcast_in_dim3A_846 : f32 to vector<16xf32>
        %get3A_848 = arith.index_cast %add3A_841 : i32 to index
        %get3A_849 = arith.constant 0 : index
        %get3A_850 = tpu.vector_load %arg10[%get3A_848, %get3A_849] {strides = array<i32>} : memref<256x64xf32, #tpu.memory_space<vmem>>, vector<1x16xf32>,
        %get3A_851 = vector.shape_cast %get3A_850 : vector<1x16xf32> to vector<16xf32>
        %get3A_852 = arith.index_cast %add3A_841 : i32 to index
        %get3A_853 = arith.constant 0 : index
        %get3A_854 = tpu.vector_load %arg11[%get3A_852, %get3A_853] {strides = array<i32>} : memref<256x64xf32, #tpu.memory_space<vmem>>, vector<1x16xf32>,
        %get3A_855 = vector.shape_cast %get3A_854 : vector<1x16xf32> to vector<16xf32>
        %mul3A_856 = arith.mulf %get3A_851, %get3A_855 : vector<16xf32>
        %mul3A_857 = arith.mulf %mul3A_856, %get3A_4 : vector<16xf32>
        %add3A_858 = arith.addf %broadcast_in_dim3A_843, %mul3A_857 : vector<16xf32>
        %mul3A_859 = arith.mulf %get3A_851, %get3A_851 : vector<16xf32>
        %add3A_860 = arith.addf %broadcast_in_dim3A_845, %mul3A_859 : vector<16xf32>
        %mul3A_861 = arith.mulf %get3A_855, %get3A_855 : vector<16xf32>
        %add3A_862 = arith.addf %broadcast_in_dim3A_847, %mul3A_861 : vector<16xf32>
        %get3A_863 = arith.index_cast %add3A_841 : i32 to index
        %get3A_864 = arith.constant 16 : index
        %get3A_865 = tpu.vector_load %arg10[%get3A_863, %get3A_864] {strides = array<i32>} : memref<256x64xf32, #tpu.memory_space<vmem>>, vector<1x16xf32>,
        %get3A_866 = vector.shape_cast %get3A_865 : vector<1x16xf32> to vector<16xf32>
        %get3A_867 = arith.index_cast %add3A_841 : i32 to index
        %get3A_868 = arith.constant 16 : index
        %get3A_869 = tpu.vector_load %arg11[%get3A_867, %get3A_868] {strides = array<i32>} : memref<256x64xf32, #tpu.memory_space<vmem>>, vector<1x16xf32>,
        %get3A_870 = vector.shape_cast %get3A_869 : vector<1x16xf32> to vector<16xf32>
        %mul3A_871 = arith.mulf %get3A_866, %get3A_870 : vector<16xf32>
        %mul3A_872 = arith.mulf %mul3A_871, %get3A_7 : vector<16xf32>
        %add3A_873 = arith.addf %add3A_858, %mul3A_872 : vector<16xf32>
        %mul3A_874 = arith.mulf %get3A_866, %get3A_866 : vector<16xf32>
        %add3A_875 = arith.addf %add3A_860, %mul3A_874 : vector<16xf32>
        %mul3A_876 = arith.mulf %get3A_870, %get3A_870 : vector<16xf32>
        %add3A_877 = arith.addf %add3A_862, %mul3A_876 : vector<16xf32>
        %get3A_878 = arith.index_cast %add3A_841 : i32 to index
        %get3A_879 = arith.constant 32 : index
        %get3A_880 = tpu.vector_load %arg10[%get3A_878, %get3A_879] {strides = array<i32>} : memref<256x64xf32, #tpu.memory_space<vmem>>, vector<1x16xf32>,
        %get3A_881 = vector.shape_cast %get3A_880 : vector<1x16xf32> to vector<16xf32>
        %get3A_882 = arith.index_cast %add3A_841 : i32 to index
        %get3A_883 = arith.constant 32 : index
        %get3A_884 = tpu.vector_load %arg11[%get3A_882, %get3A_883] {strides = array<i32>} : memref<256x64xf32, #tpu.memory_space<vmem>>, vector<1x16xf32>,
        %get3A_885 = vector.shape_cast %get3A_884 : vector<1x16xf32> to vector<16xf32>
        %mul3A_886 = arith.mulf %get3A_881, %get3A_885 : vector<16xf32>
        %mul3A_887 = arith.mulf %mul3A_886, %get3A_10 : vector<16xf32>
        %add3A_888 = arith.addf %add3A_873, %mul3A_887 : vector<16xf32>
        %mul3A_889 = arith.mulf %get3A_881, %get3A_881 : vector<16xf32>
        %add3A_890 = arith.addf %add3A_875, %mul3A_889 : vector<16xf32>
        %mul3A_891 = arith.mulf %get3A_885, %get3A_885 : vector<16xf32>
        %add3A_892 = arith.addf %add3A_877, %mul3A_891 : vector<16xf32>
        %get3A_893 = arith.index_cast %add3A_841 : i32 to index
        %get3A_894 = arith.constant 48 : index
        %get3A_895 = tpu.vector_load %arg10[%get3A_893, %get3A_894] {strides = array<i32>} : memref<256x64xf32, #tpu.memory_space<vmem>>, vector<1x16xf32>,
        %get3A_896 = vector.shape_cast %get3A_895 : vector<1x16xf32> to vector<16xf32>
        %get3A_897 = arith.index_cast %add3A_841 : i32 to index
        %get3A_898 = arith.constant 48 : index
        %get3A_899 = tpu.vector_load %arg11[%get3A_897, %get3A_898] {strides = array<i32>} : memref<256x64xf32, #tpu.memory_space<vmem>>, vector<1x16xf32>,
        %get3A_900 = vector.shape_cast %get3A_899 : vector<1x16xf32> to vector<16xf32>
        %mul3A_901 = arith.mulf %get3A_896, %get3A_900 : vector<16xf32>
        %mul3A_902 = arith.mulf %mul3A_901, %get3A_13 : vector<16xf32>
        %add3A_903 = arith.addf %add3A_888, %mul3A_902 : vector<16xf32>
        %mul3A_904 = arith.mulf %get3A_896, %get3A_896 : vector<16xf32>
        %add3A_905 = arith.addf %add3A_890, %mul3A_904 : vector<16xf32>
        %mul3A_906 = arith.mulf %get3A_900, %get3A_900 : vector<16xf32>
        %add3A_907 = arith.addf %add3A_892, %mul3A_906 : vector<16xf32>
        %eq3A_908 = arith.constant 6 : i32
        %eq3A_909 = vector.broadcast %eq3A_908 : i32 to vector<16xi32>
        %eq3A_910 = arith.cmpi eq, %iota3A, %eq3A_909 : vector<16xi32>
        %broadcast_in_dim3A_911 = vector.shape_cast %xor3A_15 : vector<16xi32> to vector<16x1xi32>
        %gather3A_912 = vector.shape_cast %broadcast_in_dim3A_911 : vector<16x1xi32> to vector<16xi32>
        %gather3A_913 = tpu.dynamic_gather %add3A_903[%gather3A_912] in [0] : vector<16xf32>, vector<16xi32> -> vector<16xf32>
        %add3A_914 = arith.addf %add3A_903, %gather3A_913 : vector<16xf32>
        %broadcast_in_dim3A_915 = vector.shape_cast %xor3A_18 : vector<16xi32> to vector<16x1xi32>
        %gather3A_916 = vector.shape_cast %broadcast_in_dim3A_915 : vector<16x1xi32> to vector<16xi32>
        %gather3A_917 = tpu.dynamic_gather %add3A_914[%gather3A_916] in [0] : vector<16xf32>, vector<16xi32> -> vector<16xf32>
        %add3A_918 = arith.addf %add3A_914, %gather3A_917 : vector<16xf32>
        %broadcast_in_dim3A_919 = vector.shape_cast %xor3A_21 : vector<16xi32> to vector<16x1xi32>
        %gather3A_920 = vector.shape_cast %broadcast_in_dim3A_919 : vector<16x1xi32> to vector<16xi32>
        %gather3A_921 = tpu.dynamic_gather %add3A_918[%gather3A_920] in [0] : vector<16xf32>, vector<16xi32> -> vector<16xf32>
        %add3A_922 = arith.addf %add3A_918, %gather3A_921 : vector<16xf32>
        %broadcast_in_dim3A_923 = vector.shape_cast %xor3A_24 : vector<16xi32> to vector<16x1xi32>
        %gather3A_924 = vector.shape_cast %broadcast_in_dim3A_923 : vector<16x1xi32> to vector<16xi32>
        %gather3A_925 = tpu.dynamic_gather %add3A_922[%gather3A_924] in [0] : vector<16xf32>, vector<16xi32> -> vector<16xf32>
        %add3A_926 = arith.addf %add3A_922, %gather3A_925 : vector<16xf32>
        %select_n3A_927 = arith.select %eq3A_910, %add3A_926, %select_n3A_805 : vector<16xi1>, vector<16xf32>
        %broadcast_in_dim3A_928 = vector.shape_cast %xor3A_15 : vector<16xi32> to vector<16x1xi32>
        %gather3A_929 = vector.shape_cast %broadcast_in_dim3A_928 : vector<16x1xi32> to vector<16xi32>
        %gather3A_930 = tpu.dynamic_gather %add3A_905[%gather3A_929] in [0] : vector<16xf32>, vector<16xi32> -> vector<16xf32>
        %add3A_931 = arith.addf %add3A_905, %gather3A_930 : vector<16xf32>
        %broadcast_in_dim3A_932 = vector.shape_cast %xor3A_18 : vector<16xi32> to vector<16x1xi32>
        %gather3A_933 = vector.shape_cast %broadcast_in_dim3A_932 : vector<16x1xi32> to vector<16xi32>
        %gather3A_934 = tpu.dynamic_gather %add3A_931[%gather3A_933] in [0] : vector<16xf32>, vector<16xi32> -> vector<16xf32>
        %add3A_935 = arith.addf %add3A_931, %gather3A_934 : vector<16xf32>
        %broadcast_in_dim3A_936 = vector.shape_cast %xor3A_21 : vector<16xi32> to vector<16x1xi32>
        %gather3A_937 = vector.shape_cast %broadcast_in_dim3A_936 : vector<16x1xi32> to vector<16xi32>
        %gather3A_938 = tpu.dynamic_gather %add3A_935[%gather3A_937] in [0] : vector<16xf32>, vector<16xi32> -> vector<16xf32>
        %add3A_939 = arith.addf %add3A_935, %gather3A_938 : vector<16xf32>
        %broadcast_in_dim3A_940 = vector.shape_cast %xor3A_24 : vector<16xi32> to vector<16x1xi32>
        %gather3A_941 = vector.shape_cast %broadcast_in_dim3A_940 : vector<16x1xi32> to vector<16xi32>
        %gather3A_942 = tpu.dynamic_gather %add3A_939[%gather3A_941] in [0] : vector<16xf32>, vector<16xi32> -> vector<16xf32>
        %add3A_943 = arith.addf %add3A_939, %gather3A_942 : vector<16xf32>
        %select_n3A_944 = arith.select %eq3A_910, %add3A_943, %select_n3A_822 : vector<16xi1>, vector<16xf32>
        %broadcast_in_dim3A_945 = vector.shape_cast %xor3A_15 : vector<16xi32> to vector<16x1xi32>
        %gather3A_946 = vector.shape_cast %broadcast_in_dim3A_945 : vector<16x1xi32> to vector<16xi32>
        %gather3A_947 = tpu.dynamic_gather %add3A_907[%gather3A_946] in [0] : vector<16xf32>, vector<16xi32> -> vector<16xf32>
        %add3A_948 = arith.addf %add3A_907, %gather3A_947 : vector<16xf32>
        %broadcast_in_dim3A_949 = vector.shape_cast %xor3A_18 : vector<16xi32> to vector<16x1xi32>
        %gather3A_950 = vector.shape_cast %broadcast_in_dim3A_949 : vector<16x1xi32> to vector<16xi32>
        %gather3A_951 = tpu.dynamic_gather %add3A_948[%gather3A_950] in [0] : vector<16xf32>, vector<16xi32> -> vector<16xf32>
        %add3A_952 = arith.addf %add3A_948, %gather3A_951 : vector<16xf32>
        %broadcast_in_dim3A_953 = vector.shape_cast %xor3A_21 : vector<16xi32> to vector<16x1xi32>
        %gather3A_954 = vector.shape_cast %broadcast_in_dim3A_953 : vector<16x1xi32> to vector<16xi32>
        %gather3A_955 = tpu.dynamic_gather %add3A_952[%gather3A_954] in [0] : vector<16xf32>, vector<16xi32> -> vector<16xf32>
        %add3A_956 = arith.addf %add3A_952, %gather3A_955 : vector<16xf32>
        %broadcast_in_dim3A_957 = vector.shape_cast %xor3A_24 : vector<16xi32> to vector<16x1xi32>
        %gather3A_958 = vector.shape_cast %broadcast_in_dim3A_957 : vector<16x1xi32> to vector<16xi32>
        %gather3A_959 = tpu.dynamic_gather %add3A_956[%gather3A_958] in [0] : vector<16xf32>, vector<16xi32> -> vector<16xf32>
        %add3A_960 = arith.addf %add3A_956, %gather3A_959 : vector<16xf32>
        %select_n3A_961 = arith.select %eq3A_910, %add3A_960, %select_n3A_839 : vector<16xi1>, vector<16xf32>
        %add3A_962 = arith.constant 7 : i32
        %add3A_963 = arith.addi %mul3A_105, %add3A_962 : i32
        %broadcast_in_dim3A_964 = arith.constant 0.000000e+00 : f32
        %broadcast_in_dim3A_965 = vector.broadcast %broadcast_in_dim3A_964 : f32 to vector<16xf32>
        %broadcast_in_dim3A_966 = arith.constant 0.000000e+00 : f32
        %broadcast_in_dim3A_967 = vector.broadcast %broadcast_in_dim3A_966 : f32 to vector<16xf32>
        %broadcast_in_dim3A_968 = arith.constant 0.000000e+00 : f32
        %broadcast_in_dim3A_969 = vector.broadcast %broadcast_in_dim3A_968 : f32 to vector<16xf32>
        %get3A_970 = arith.index_cast %add3A_963 : i32 to index
        %get3A_971 = arith.constant 0 : index
        %get3A_972 = tpu.vector_load %arg10[%get3A_970, %get3A_971] {strides = array<i32>} : memref<256x64xf32, #tpu.memory_space<vmem>>, vector<1x16xf32>,
        %get3A_973 = vector.shape_cast %get3A_972 : vector<1x16xf32> to vector<16xf32>
        %get3A_974 = arith.index_cast %add3A_963 : i32 to index
        %get3A_975 = arith.constant 0 : index
        %get3A_976 = tpu.vector_load %arg11[%get3A_974, %get3A_975] {strides = array<i32>} : memref<256x64xf32, #tpu.memory_space<vmem>>, vector<1x16xf32>,
        %get3A_977 = vector.shape_cast %get3A_976 : vector<1x16xf32> to vector<16xf32>
        %mul3A_978 = arith.mulf %get3A_973, %get3A_977 : vector<16xf32>
        %mul3A_979 = arith.mulf %mul3A_978, %get3A_4 : vector<16xf32>
        %add3A_980 = arith.addf %broadcast_in_dim3A_965, %mul3A_979 : vector<16xf32>
        %mul3A_981 = arith.mulf %get3A_973, %get3A_973 : vector<16xf32>
        %add3A_982 = arith.addf %broadcast_in_dim3A_967, %mul3A_981 : vector<16xf32>
        %mul3A_983 = arith.mulf %get3A_977, %get3A_977 : vector<16xf32>
        %add3A_984 = arith.addf %broadcast_in_dim3A_969, %mul3A_983 : vector<16xf32>
        %get3A_985 = arith.index_cast %add3A_963 : i32 to index
        %get3A_986 = arith.constant 16 : index
        %get3A_987 = tpu.vector_load %arg10[%get3A_985, %get3A_986] {strides = array<i32>} : memref<256x64xf32, #tpu.memory_space<vmem>>, vector<1x16xf32>,
        %get3A_988 = vector.shape_cast %get3A_987 : vector<1x16xf32> to vector<16xf32>
        %get3A_989 = arith.index_cast %add3A_963 : i32 to index
        %get3A_990 = arith.constant 16 : index
        %get3A_991 = tpu.vector_load %arg11[%get3A_989, %get3A_990] {strides = array<i32>} : memref<256x64xf32, #tpu.memory_space<vmem>>, vector<1x16xf32>,
        %get3A_992 = vector.shape_cast %get3A_991 : vector<1x16xf32> to vector<16xf32>
        %mul3A_993 = arith.mulf %get3A_988, %get3A_992 : vector<16xf32>
        %mul3A_994 = arith.mulf %mul3A_993, %get3A_7 : vector<16xf32>
        %add3A_995 = arith.addf %add3A_980, %mul3A_994 : vector<16xf32>
        %mul3A_996 = arith.mulf %get3A_988, %get3A_988 : vector<16xf32>
        %add3A_997 = arith.addf %add3A_982, %mul3A_996 : vector<16xf32>
        %mul3A_998 = arith.mulf %get3A_992, %get3A_992 : vector<16xf32>
        %add3A_999 = arith.addf %add3A_984, %mul3A_998 : vector<16xf32>
        %get3A_1000 = arith.index_cast %add3A_963 : i32 to index
        %get3A_1001 = arith.constant 32 : index
        %get3A_1002 = tpu.vector_load %arg10[%get3A_1000, %get3A_1001] {strides = array<i32>} : memref<256x64xf32, #tpu.memory_space<vmem>>, vector<1x16xf32>,
        %get3A_1003 = vector.shape_cast %get3A_1002 : vector<1x16xf32> to vector<16xf32>
        %get3A_1004 = arith.index_cast %add3A_963 : i32 to index
        %get3A_1005 = arith.constant 32 : index
        %get3A_1006 = tpu.vector_load %arg11[%get3A_1004, %get3A_1005] {strides = array<i32>} : memref<256x64xf32, #tpu.memory_space<vmem>>, vector<1x16xf32>,
        %get3A_1007 = vector.shape_cast %get3A_1006 : vector<1x16xf32> to vector<16xf32>
        %mul3A_1008 = arith.mulf %get3A_1003, %get3A_1007 : vector<16xf32>
        %mul3A_1009 = arith.mulf %mul3A_1008, %get3A_10 : vector<16xf32>
        %add3A_1010 = arith.addf %add3A_995, %mul3A_1009 : vector<16xf32>
        %mul3A_1011 = arith.mulf %get3A_1003, %get3A_1003 : vector<16xf32>
        %add3A_1012 = arith.addf %add3A_997, %mul3A_1011 : vector<16xf32>
        %mul3A_1013 = arith.mulf %get3A_1007, %get3A_1007 : vector<16xf32>
        %add3A_1014 = arith.addf %add3A_999, %mul3A_1013 : vector<16xf32>
        %get3A_1015 = arith.index_cast %add3A_963 : i32 to index
        %get3A_1016 = arith.constant 48 : index
        %get3A_1017 = tpu.vector_load %arg10[%get3A_1015, %get3A_1016] {strides = array<i32>} : memref<256x64xf32, #tpu.memory_space<vmem>>, vector<1x16xf32>,
        %get3A_1018 = vector.shape_cast %get3A_1017 : vector<1x16xf32> to vector<16xf32>
        %get3A_1019 = arith.index_cast %add3A_963 : i32 to index
        %get3A_1020 = arith.constant 48 : index
        %get3A_1021 = tpu.vector_load %arg11[%get3A_1019, %get3A_1020] {strides = array<i32>} : memref<256x64xf32, #tpu.memory_space<vmem>>, vector<1x16xf32>,
        %get3A_1022 = vector.shape_cast %get3A_1021 : vector<1x16xf32> to vector<16xf32>
        %mul3A_1023 = arith.mulf %get3A_1018, %get3A_1022 : vector<16xf32>
        %mul3A_1024 = arith.mulf %mul3A_1023, %get3A_13 : vector<16xf32>
        %add3A_1025 = arith.addf %add3A_1010, %mul3A_1024 : vector<16xf32>
        %mul3A_1026 = arith.mulf %get3A_1018, %get3A_1018 : vector<16xf32>
        %add3A_1027 = arith.addf %add3A_1012, %mul3A_1026 : vector<16xf32>
        %mul3A_1028 = arith.mulf %get3A_1022, %get3A_1022 : vector<16xf32>
        %add3A_1029 = arith.addf %add3A_1014, %mul3A_1028 : vector<16xf32>
        %eq3A_1030 = arith.constant 7 : i32
        %eq3A_1031 = vector.broadcast %eq3A_1030 : i32 to vector<16xi32>
        %eq3A_1032 = arith.cmpi eq, %iota3A, %eq3A_1031 : vector<16xi32>
        %broadcast_in_dim3A_1033 = vector.shape_cast %xor3A_15 : vector<16xi32> to vector<16x1xi32>
        %gather3A_1034 = vector.shape_cast %broadcast_in_dim3A_1033 : vector<16x1xi32> to vector<16xi32>
        %gather3A_1035 = tpu.dynamic_gather %add3A_1025[%gather3A_1034] in [0] : vector<16xf32>, vector<16xi32> -> vector<16xf32>
        %add3A_1036 = arith.addf %add3A_1025, %gather3A_1035 : vector<16xf32>
        %broadcast_in_dim3A_1037 = vector.shape_cast %xor3A_18 : vector<16xi32> to vector<16x1xi32>
        %gather3A_1038 = vector.shape_cast %broadcast_in_dim3A_1037 : vector<16x1xi32> to vector<16xi32>
        %gather3A_1039 = tpu.dynamic_gather %add3A_1036[%gather3A_1038] in [0] : vector<16xf32>, vector<16xi32> -> vector<16xf32>
        %add3A_1040 = arith.addf %add3A_1036, %gather3A_1039 : vector<16xf32>
        %broadcast_in_dim3A_1041 = vector.shape_cast %xor3A_21 : vector<16xi32> to vector<16x1xi32>
        %gather3A_1042 = vector.shape_cast %broadcast_in_dim3A_1041 : vector<16x1xi32> to vector<16xi32>
        %gather3A_1043 = tpu.dynamic_gather %add3A_1040[%gather3A_1042] in [0] : vector<16xf32>, vector<16xi32> -> vector<16xf32>
        %add3A_1044 = arith.addf %add3A_1040, %gather3A_1043 : vector<16xf32>
        %broadcast_in_dim3A_1045 = vector.shape_cast %xor3A_24 : vector<16xi32> to vector<16x1xi32>
        %gather3A_1046 = vector.shape_cast %broadcast_in_dim3A_1045 : vector<16x1xi32> to vector<16xi32>
        %gather3A_1047 = tpu.dynamic_gather %add3A_1044[%gather3A_1046] in [0] : vector<16xf32>, vector<16xi32> -> vector<16xf32>
        %add3A_1048 = arith.addf %add3A_1044, %gather3A_1047 : vector<16xf32>
        %select_n3A_1049 = arith.select %eq3A_1032, %add3A_1048, %select_n3A_927 : vector<16xi1>, vector<16xf32>
        %broadcast_in_dim3A_1050 = vector.shape_cast %xor3A_15 : vector<16xi32> to vector<16x1xi32>
        %gather3A_1051 = vector.shape_cast %broadcast_in_dim3A_1050 : vector<16x1xi32> to vector<16xi32>
        %gather3A_1052 = tpu.dynamic_gather %add3A_1027[%gather3A_1051] in [0] : vector<16xf32>, vector<16xi32> -> vector<16xf32>
        %add3A_1053 = arith.addf %add3A_1027, %gather3A_1052 : vector<16xf32>
        %broadcast_in_dim3A_1054 = vector.shape_cast %xor3A_18 : vector<16xi32> to vector<16x1xi32>
        %gather3A_1055 = vector.shape_cast %broadcast_in_dim3A_1054 : vector<16x1xi32> to vector<16xi32>
        %gather3A_1056 = tpu.dynamic_gather %add3A_1053[%gather3A_1055] in [0] : vector<16xf32>, vector<16xi32> -> vector<16xf32>
        %add3A_1057 = arith.addf %add3A_1053, %gather3A_1056 : vector<16xf32>
        %broadcast_in_dim3A_1058 = vector.shape_cast %xor3A_21 : vector<16xi32> to vector<16x1xi32>
        %gather3A_1059 = vector.shape_cast %broadcast_in_dim3A_1058 : vector<16x1xi32> to vector<16xi32>
        %gather3A_1060 = tpu.dynamic_gather %add3A_1057[%gather3A_1059] in [0] : vector<16xf32>, vector<16xi32> -> vector<16xf32>
        %add3A_1061 = arith.addf %add3A_1057, %gather3A_1060 : vector<16xf32>
        %broadcast_in_dim3A_1062 = vector.shape_cast %xor3A_24 : vector<16xi32> to vector<16x1xi32>
        %gather3A_1063 = vector.shape_cast %broadcast_in_dim3A_1062 : vector<16x1xi32> to vector<16xi32>
        %gather3A_1064 = tpu.dynamic_gather %add3A_1061[%gather3A_1063] in [0] : vector<16xf32>, vector<16xi32> -> vector<16xf32>
        %add3A_1065 = arith.addf %add3A_1061, %gather3A_1064 : vector<16xf32>
        %select_n3A_1066 = arith.select %eq3A_1032, %add3A_1065, %select_n3A_944 : vector<16xi1>, vector<16xf32>
        %broadcast_in_dim3A_1067 = vector.shape_cast %xor3A_15 : vector<16xi32> to vector<16x1xi32>
        %gather3A_1068 = vector.shape_cast %broadcast_in_dim3A_1067 : vector<16x1xi32> to vector<16xi32>
        %gather3A_1069 = tpu.dynamic_gather %add3A_1029[%gather3A_1068] in [0] : vector<16xf32>, vector<16xi32> -> vector<16xf32>
        %add3A_1070 = arith.addf %add3A_1029, %gather3A_1069 : vector<16xf32>
        %broadcast_in_dim3A_1071 = vector.shape_cast %xor3A_18 : vector<16xi32> to vector<16x1xi32>
        %gather3A_1072 = vector.shape_cast %broadcast_in_dim3A_1071 : vector<16x1xi32> to vector<16xi32>
        %gather3A_1073 = tpu.dynamic_gather %add3A_1070[%gather3A_1072] in [0] : vector<16xf32>, vector<16xi32> -> vector<16xf32>
        %add3A_1074 = arith.addf %add3A_1070, %gather3A_1073 : vector<16xf32>
        %broadcast_in_dim3A_1075 = vector.shape_cast %xor3A_21 : vector<16xi32> to vector<16x1xi32>
        %gather3A_1076 = vector.shape_cast %broadcast_in_dim3A_1075 : vector<16x1xi32> to vector<16xi32>
        %gather3A_1077 = tpu.dynamic_gather %add3A_1074[%gather3A_1076] in [0] : vector<16xf32>, vector<16xi32> -> vector<16xf32>
        %add3A_1078 = arith.addf %add3A_1074, %gather3A_1077 : vector<16xf32>
        %broadcast_in_dim3A_1079 = vector.shape_cast %xor3A_24 : vector<16xi32> to vector<16x1xi32>
        %gather3A_1080 = vector.shape_cast %broadcast_in_dim3A_1079 : vector<16x1xi32> to vector<16xi32>
        %gather3A_1081 = tpu.dynamic_gather %add3A_1078[%gather3A_1080] in [0] : vector<16xf32>, vector<16xi32> -> vector<16xf32>
        %add3A_1082 = arith.addf %add3A_1078, %gather3A_1081 : vector<16xf32>
        %select_n3A_1083 = arith.select %eq3A_1032, %add3A_1082, %select_n3A_961 : vector<16xi1>, vector<16xf32>
        %add3A_1084 = arith.constant 8 : i32
        %add3A_1085 = arith.addi %mul3A_105, %add3A_1084 : i32
        %broadcast_in_dim3A_1086 = arith.constant 0.000000e+00 : f32
        %broadcast_in_dim3A_1087 = vector.broadcast %broadcast_in_dim3A_1086 : f32 to vector<16xf32>
        %broadcast_in_dim3A_1088 = arith.constant 0.000000e+00 : f32
        %broadcast_in_dim3A_1089 = vector.broadcast %broadcast_in_dim3A_1088 : f32 to vector<16xf32>
        %broadcast_in_dim3A_1090 = arith.constant 0.000000e+00 : f32
        %broadcast_in_dim3A_1091 = vector.broadcast %broadcast_in_dim3A_1090 : f32 to vector<16xf32>
        %get3A_1092 = arith.index_cast %add3A_1085 : i32 to index
        %get3A_1093 = arith.constant 0 : index
        %get3A_1094 = tpu.vector_load %arg10[%get3A_1092, %get3A_1093] {strides = array<i32>} : memref<256x64xf32, #tpu.memory_space<vmem>>, vector<1x16xf32>,
        %get3A_1095 = vector.shape_cast %get3A_1094 : vector<1x16xf32> to vector<16xf32>
        %get3A_1096 = arith.index_cast %add3A_1085 : i32 to index
        %get3A_1097 = arith.constant 0 : index
        %get3A_1098 = tpu.vector_load %arg11[%get3A_1096, %get3A_1097] {strides = array<i32>} : memref<256x64xf32, #tpu.memory_space<vmem>>, vector<1x16xf32>,
        %get3A_1099 = vector.shape_cast %get3A_1098 : vector<1x16xf32> to vector<16xf32>
        %mul3A_1100 = arith.mulf %get3A_1095, %get3A_1099 : vector<16xf32>
        %mul3A_1101 = arith.mulf %mul3A_1100, %get3A_4 : vector<16xf32>
        %add3A_1102 = arith.addf %broadcast_in_dim3A_1087, %mul3A_1101 : vector<16xf32>
        %mul3A_1103 = arith.mulf %get3A_1095, %get3A_1095 : vector<16xf32>
        %add3A_1104 = arith.addf %broadcast_in_dim3A_1089, %mul3A_1103 : vector<16xf32>
        %mul3A_1105 = arith.mulf %get3A_1099, %get3A_1099 : vector<16xf32>
        %add3A_1106 = arith.addf %broadcast_in_dim3A_1091, %mul3A_1105 : vector<16xf32>
        %get3A_1107 = arith.index_cast %add3A_1085 : i32 to index
        %get3A_1108 = arith.constant 16 : index
        %get3A_1109 = tpu.vector_load %arg10[%get3A_1107, %get3A_1108] {strides = array<i32>} : memref<256x64xf32, #tpu.memory_space<vmem>>, vector<1x16xf32>,
        %get3A_1110 = vector.shape_cast %get3A_1109 : vector<1x16xf32> to vector<16xf32>
        %get3A_1111 = arith.index_cast %add3A_1085 : i32 to index
        %get3A_1112 = arith.constant 16 : index
        %get3A_1113 = tpu.vector_load %arg11[%get3A_1111, %get3A_1112] {strides = array<i32>} : memref<256x64xf32, #tpu.memory_space<vmem>>, vector<1x16xf32>,
        %get3A_1114 = vector.shape_cast %get3A_1113 : vector<1x16xf32> to vector<16xf32>
        %mul3A_1115 = arith.mulf %get3A_1110, %get3A_1114 : vector<16xf32>
        %mul3A_1116 = arith.mulf %mul3A_1115, %get3A_7 : vector<16xf32>
        %add3A_1117 = arith.addf %add3A_1102, %mul3A_1116 : vector<16xf32>
        %mul3A_1118 = arith.mulf %get3A_1110, %get3A_1110 : vector<16xf32>
        %add3A_1119 = arith.addf %add3A_1104, %mul3A_1118 : vector<16xf32>
        %mul3A_1120 = arith.mulf %get3A_1114, %get3A_1114 : vector<16xf32>
        %add3A_1121 = arith.addf %add3A_1106, %mul3A_1120 : vector<16xf32>
        %get3A_1122 = arith.index_cast %add3A_1085 : i32 to index
        %get3A_1123 = arith.constant 32 : index
        %get3A_1124 = tpu.vector_load %arg10[%get3A_1122, %get3A_1123] {strides = array<i32>} : memref<256x64xf32, #tpu.memory_space<vmem>>, vector<1x16xf32>,
        %get3A_1125 = vector.shape_cast %get3A_1124 : vector<1x16xf32> to vector<16xf32>
        %get3A_1126 = arith.index_cast %add3A_1085 : i32 to index
        %get3A_1127 = arith.constant 32 : index
        %get3A_1128 = tpu.vector_load %arg11[%get3A_1126, %get3A_1127] {strides = array<i32>} : memref<256x64xf32, #tpu.memory_space<vmem>>, vector<1x16xf32>,
        %get3A_1129 = vector.shape_cast %get3A_1128 : vector<1x16xf32> to vector<16xf32>
        %mul3A_1130 = arith.mulf %get3A_1125, %get3A_1129 : vector<16xf32>
        %mul3A_1131 = arith.mulf %mul3A_1130, %get3A_10 : vector<16xf32>
        %add3A_1132 = arith.addf %add3A_1117, %mul3A_1131 : vector<16xf32>
        %mul3A_1133 = arith.mulf %get3A_1125, %get3A_1125 : vector<16xf32>
        %add3A_1134 = arith.addf %add3A_1119, %mul3A_1133 : vector<16xf32>
        %mul3A_1135 = arith.mulf %get3A_1129, %get3A_1129 : vector<16xf32>
        %add3A_1136 = arith.addf %add3A_1121, %mul3A_1135 : vector<16xf32>
        %get3A_1137 = arith.index_cast %add3A_1085 : i32 to index
        %get3A_1138 = arith.constant 48 : index
        %get3A_1139 = tpu.vector_load %arg10[%get3A_1137, %get3A_1138] {strides = array<i32>} : memref<256x64xf32, #tpu.memory_space<vmem>>, vector<1x16xf32>,
        %get3A_1140 = vector.shape_cast %get3A_1139 : vector<1x16xf32> to vector<16xf32>
        %get3A_1141 = arith.index_cast %add3A_1085 : i32 to index
        %get3A_1142 = arith.constant 48 : index
        %get3A_1143 = tpu.vector_load %arg11[%get3A_1141, %get3A_1142] {strides = array<i32>} : memref<256x64xf32, #tpu.memory_space<vmem>>, vector<1x16xf32>,
        %get3A_1144 = vector.shape_cast %get3A_1143 : vector<1x16xf32> to vector<16xf32>
        %mul3A_1145 = arith.mulf %get3A_1140, %get3A_1144 : vector<16xf32>
        %mul3A_1146 = arith.mulf %mul3A_1145, %get3A_13 : vector<16xf32>
        %add3A_1147 = arith.addf %add3A_1132, %mul3A_1146 : vector<16xf32>
        %mul3A_1148 = arith.mulf %get3A_1140, %get3A_1140 : vector<16xf32>
        %add3A_1149 = arith.addf %add3A_1134, %mul3A_1148 : vector<16xf32>
        %mul3A_1150 = arith.mulf %get3A_1144, %get3A_1144 : vector<16xf32>
        %add3A_1151 = arith.addf %add3A_1136, %mul3A_1150 : vector<16xf32>
        %eq3A_1152 = arith.constant 8 : i32
        %eq3A_1153 = vector.broadcast %eq3A_1152 : i32 to vector<16xi32>
        %eq3A_1154 = arith.cmpi eq, %iota3A, %eq3A_1153 : vector<16xi32>
        %broadcast_in_dim3A_1155 = vector.shape_cast %xor3A_15 : vector<16xi32> to vector<16x1xi32>
        %gather3A_1156 = vector.shape_cast %broadcast_in_dim3A_1155 : vector<16x1xi32> to vector<16xi32>
        %gather3A_1157 = tpu.dynamic_gather %add3A_1147[%gather3A_1156] in [0] : vector<16xf32>, vector<16xi32> -> vector<16xf32>
        %add3A_1158 = arith.addf %add3A_1147, %gather3A_1157 : vector<16xf32>
        %broadcast_in_dim3A_1159 = vector.shape_cast %xor3A_18 : vector<16xi32> to vector<16x1xi32>
        %gather3A_1160 = vector.shape_cast %broadcast_in_dim3A_1159 : vector<16x1xi32> to vector<16xi32>
        %gather3A_1161 = tpu.dynamic_gather %add3A_1158[%gather3A_1160] in [0] : vector<16xf32>, vector<16xi32> -> vector<16xf32>
        %add3A_1162 = arith.addf %add3A_1158, %gather3A_1161 : vector<16xf32>
        %broadcast_in_dim3A_1163 = vector.shape_cast %xor3A_21 : vector<16xi32> to vector<16x1xi32>
        %gather3A_1164 = vector.shape_cast %broadcast_in_dim3A_1163 : vector<16x1xi32> to vector<16xi32>
        %gather3A_1165 = tpu.dynamic_gather %add3A_1162[%gather3A_1164] in [0] : vector<16xf32>, vector<16xi32> -> vector<16xf32>
        %add3A_1166 = arith.addf %add3A_1162, %gather3A_1165 : vector<16xf32>
        %broadcast_in_dim3A_1167 = vector.shape_cast %xor3A_24 : vector<16xi32> to vector<16x1xi32>
        %gather3A_1168 = vector.shape_cast %broadcast_in_dim3A_1167 : vector<16x1xi32> to vector<16xi32>
        %gather3A_1169 = tpu.dynamic_gather %add3A_1166[%gather3A_1168] in [0] : vector<16xf32>, vector<16xi32> -> vector<16xf32>
        %add3A_1170 = arith.addf %add3A_1166, %gather3A_1169 : vector<16xf32>
        %select_n3A_1171 = arith.select %eq3A_1154, %add3A_1170, %select_n3A_1049 : vector<16xi1>, vector<16xf32>
        %broadcast_in_dim3A_1172 = vector.shape_cast %xor3A_15 : vector<16xi32> to vector<16x1xi32>
        %gather3A_1173 = vector.shape_cast %broadcast_in_dim3A_1172 : vector<16x1xi32> to vector<16xi32>
        %gather3A_1174 = tpu.dynamic_gather %add3A_1149[%gather3A_1173] in [0] : vector<16xf32>, vector<16xi32> -> vector<16xf32>
        %add3A_1175 = arith.addf %add3A_1149, %gather3A_1174 : vector<16xf32>
        %broadcast_in_dim3A_1176 = vector.shape_cast %xor3A_18 : vector<16xi32> to vector<16x1xi32>
        %gather3A_1177 = vector.shape_cast %broadcast_in_dim3A_1176 : vector<16x1xi32> to vector<16xi32>
        %gather3A_1178 = tpu.dynamic_gather %add3A_1175[%gather3A_1177] in [0] : vector<16xf32>, vector<16xi32> -> vector<16xf32>
        %add3A_1179 = arith.addf %add3A_1175, %gather3A_1178 : vector<16xf32>
        %broadcast_in_dim3A_1180 = vector.shape_cast %xor3A_21 : vector<16xi32> to vector<16x1xi32>
        %gather3A_1181 = vector.shape_cast %broadcast_in_dim3A_1180 : vector<16x1xi32> to vector<16xi32>
        %gather3A_1182 = tpu.dynamic_gather %add3A_1179[%gather3A_1181] in [0] : vector<16xf32>, vector<16xi32> -> vector<16xf32>
        %add3A_1183 = arith.addf %add3A_1179, %gather3A_1182 : vector<16xf32>
        %broadcast_in_dim3A_1184 = vector.shape_cast %xor3A_24 : vector<16xi32> to vector<16x1xi32>
        %gather3A_1185 = vector.shape_cast %broadcast_in_dim3A_1184 : vector<16x1xi32> to vector<16xi32>
        %gather3A_1186 = tpu.dynamic_gather %add3A_1183[%gather3A_1185] in [0] : vector<16xf32>, vector<16xi32> -> vector<16xf32>
        %add3A_1187 = arith.addf %add3A_1183, %gather3A_1186 : vector<16xf32>
        %select_n3A_1188 = arith.select %eq3A_1154, %add3A_1187, %select_n3A_1066 : vector<16xi1>, vector<16xf32>
        %broadcast_in_dim3A_1189 = vector.shape_cast %xor3A_15 : vector<16xi32> to vector<16x1xi32>
        %gather3A_1190 = vector.shape_cast %broadcast_in_dim3A_1189 : vector<16x1xi32> to vector<16xi32>
        %gather3A_1191 = tpu.dynamic_gather %add3A_1151[%gather3A_1190] in [0] : vector<16xf32>, vector<16xi32> -> vector<16xf32>
        %add3A_1192 = arith.addf %add3A_1151, %gather3A_1191 : vector<16xf32>
        %broadcast_in_dim3A_1193 = vector.shape_cast %xor3A_18 : vector<16xi32> to vector<16x1xi32>
        %gather3A_1194 = vector.shape_cast %broadcast_in_dim3A_1193 : vector<16x1xi32> to vector<16xi32>
        %gather3A_1195 = tpu.dynamic_gather %add3A_1192[%gather3A_1194] in [0] : vector<16xf32>, vector<16xi32> -> vector<16xf32>
        %add3A_1196 = arith.addf %add3A_1192, %gather3A_1195 : vector<16xf32>
        %broadcast_in_dim3A_1197 = vector.shape_cast %xor3A_21 : vector<16xi32> to vector<16x1xi32>
        %gather3A_1198 = vector.shape_cast %broadcast_in_dim3A_1197 : vector<16x1xi32> to vector<16xi32>
        %gather3A_1199 = tpu.dynamic_gather %add3A_1196[%gather3A_1198] in [0] : vector<16xf32>, vector<16xi32> -> vector<16xf32>
        %add3A_1200 = arith.addf %add3A_1196, %gather3A_1199 : vector<16xf32>
        %broadcast_in_dim3A_1201 = vector.shape_cast %xor3A_24 : vector<16xi32> to vector<16x1xi32>
        %gather3A_1202 = vector.shape_cast %broadcast_in_dim3A_1201 : vector<16x1xi32> to vector<16xi32>
        %gather3A_1203 = tpu.dynamic_gather %add3A_1200[%gather3A_1202] in [0] : vector<16xf32>, vector<16xi32> -> vector<16xf32>
        %add3A_1204 = arith.addf %add3A_1200, %gather3A_1203 : vector<16xf32>
        %select_n3A_1205 = arith.select %eq3A_1154, %add3A_1204, %select_n3A_1083 : vector<16xi1>, vector<16xf32>
        %add3A_1206 = arith.constant 9 : i32
        %add3A_1207 = arith.addi %mul3A_105, %add3A_1206 : i32
        %broadcast_in_dim3A_1208 = arith.constant 0.000000e+00 : f32
        %broadcast_in_dim3A_1209 = vector.broadcast %broadcast_in_dim3A_1208 : f32 to vector<16xf32>
        %broadcast_in_dim3A_1210 = arith.constant 0.000000e+00 : f32
        %broadcast_in_dim3A_1211 = vector.broadcast %broadcast_in_dim3A_1210 : f32 to vector<16xf32>
        %broadcast_in_dim3A_1212 = arith.constant 0.000000e+00 : f32
        %broadcast_in_dim3A_1213 = vector.broadcast %broadcast_in_dim3A_1212 : f32 to vector<16xf32>
        %get3A_1214 = arith.index_cast %add3A_1207 : i32 to index
        %get3A_1215 = arith.constant 0 : index
        %get3A_1216 = tpu.vector_load %arg10[%get3A_1214, %get3A_1215] {strides = array<i32>} : memref<256x64xf32, #tpu.memory_space<vmem>>, vector<1x16xf32>,
        %get3A_1217 = vector.shape_cast %get3A_1216 : vector<1x16xf32> to vector<16xf32>
        %get3A_1218 = arith.index_cast %add3A_1207 : i32 to index
        %get3A_1219 = arith.constant 0 : index
        %get3A_1220 = tpu.vector_load %arg11[%get3A_1218, %get3A_1219] {strides = array<i32>} : memref<256x64xf32, #tpu.memory_space<vmem>>, vector<1x16xf32>,
        %get3A_1221 = vector.shape_cast %get3A_1220 : vector<1x16xf32> to vector<16xf32>
        %mul3A_1222 = arith.mulf %get3A_1217, %get3A_1221 : vector<16xf32>
        %mul3A_1223 = arith.mulf %mul3A_1222, %get3A_4 : vector<16xf32>
        %add3A_1224 = arith.addf %broadcast_in_dim3A_1209, %mul3A_1223 : vector<16xf32>
        %mul3A_1225 = arith.mulf %get3A_1217, %get3A_1217 : vector<16xf32>
        %add3A_1226 = arith.addf %broadcast_in_dim3A_1211, %mul3A_1225 : vector<16xf32>
        %mul3A_1227 = arith.mulf %get3A_1221, %get3A_1221 : vector<16xf32>
        %add3A_1228 = arith.addf %broadcast_in_dim3A_1213, %mul3A_1227 : vector<16xf32>
        %get3A_1229 = arith.index_cast %add3A_1207 : i32 to index
        %get3A_1230 = arith.constant 16 : index
        %get3A_1231 = tpu.vector_load %arg10[%get3A_1229, %get3A_1230] {strides = array<i32>} : memref<256x64xf32, #tpu.memory_space<vmem>>, vector<1x16xf32>,
        %get3A_1232 = vector.shape_cast %get3A_1231 : vector<1x16xf32> to vector<16xf32>
        %get3A_1233 = arith.index_cast %add3A_1207 : i32 to index
        %get3A_1234 = arith.constant 16 : index
        %get3A_1235 = tpu.vector_load %arg11[%get3A_1233, %get3A_1234] {strides = array<i32>} : memref<256x64xf32, #tpu.memory_space<vmem>>, vector<1x16xf32>,
        %get3A_1236 = vector.shape_cast %get3A_1235 : vector<1x16xf32> to vector<16xf32>
        %mul3A_1237 = arith.mulf %get3A_1232, %get3A_1236 : vector<16xf32>
        %mul3A_1238 = arith.mulf %mul3A_1237, %get3A_7 : vector<16xf32>
        %add3A_1239 = arith.addf %add3A_1224, %mul3A_1238 : vector<16xf32>
        %mul3A_1240 = arith.mulf %get3A_1232, %get3A_1232 : vector<16xf32>
        %add3A_1241 = arith.addf %add3A_1226, %mul3A_1240 : vector<16xf32>
        %mul3A_1242 = arith.mulf %get3A_1236, %get3A_1236 : vector<16xf32>
        %add3A_1243 = arith.addf %add3A_1228, %mul3A_1242 : vector<16xf32>
        %get3A_1244 = arith.index_cast %add3A_1207 : i32 to index
        %get3A_1245 = arith.constant 32 : index
        %get3A_1246 = tpu.vector_load %arg10[%get3A_1244, %get3A_1245] {strides = array<i32>} : memref<256x64xf32, #tpu.memory_space<vmem>>, vector<1x16xf32>,
        %get3A_1247 = vector.shape_cast %get3A_1246 : vector<1x16xf32> to vector<16xf32>
        %get3A_1248 = arith.index_cast %add3A_1207 : i32 to index
        %get3A_1249 = arith.constant 32 : index
        %get3A_1250 = tpu.vector_load %arg11[%get3A_1248, %get3A_1249] {strides = array<i32>} : memref<256x64xf32, #tpu.memory_space<vmem>>, vector<1x16xf32>,
        %get3A_1251 = vector.shape_cast %get3A_1250 : vector<1x16xf32> to vector<16xf32>
        %mul3A_1252 = arith.mulf %get3A_1247, %get3A_1251 : vector<16xf32>
        %mul3A_1253 = arith.mulf %mul3A_1252, %get3A_10 : vector<16xf32>
        %add3A_1254 = arith.addf %add3A_1239, %mul3A_1253 : vector<16xf32>
        %mul3A_1255 = arith.mulf %get3A_1247, %get3A_1247 : vector<16xf32>
        %add3A_1256 = arith.addf %add3A_1241, %mul3A_1255 : vector<16xf32>
        %mul3A_1257 = arith.mulf %get3A_1251, %get3A_1251 : vector<16xf32>
        %add3A_1258 = arith.addf %add3A_1243, %mul3A_1257 : vector<16xf32>
        %get3A_1259 = arith.index_cast %add3A_1207 : i32 to index
        %get3A_1260 = arith.constant 48 : index
        %get3A_1261 = tpu.vector_load %arg10[%get3A_1259, %get3A_1260] {strides = array<i32>} : memref<256x64xf32, #tpu.memory_space<vmem>>, vector<1x16xf32>,
        %get3A_1262 = vector.shape_cast %get3A_1261 : vector<1x16xf32> to vector<16xf32>
        %get3A_1263 = arith.index_cast %add3A_1207 : i32 to index
        %get3A_1264 = arith.constant 48 : index
        %get3A_1265 = tpu.vector_load %arg11[%get3A_1263, %get3A_1264] {strides = array<i32>} : memref<256x64xf32, #tpu.memory_space<vmem>>, vector<1x16xf32>,
        %get3A_1266 = vector.shape_cast %get3A_1265 : vector<1x16xf32> to vector<16xf32>
        %mul3A_1267 = arith.mulf %get3A_1262, %get3A_1266 : vector<16xf32>
        %mul3A_1268 = arith.mulf %mul3A_1267, %get3A_13 : vector<16xf32>
        %add3A_1269 = arith.addf %add3A_1254, %mul3A_1268 : vector<16xf32>
        %mul3A_1270 = arith.mulf %get3A_1262, %get3A_1262 : vector<16xf32>
        %add3A_1271 = arith.addf %add3A_1256, %mul3A_1270 : vector<16xf32>
        %mul3A_1272 = arith.mulf %get3A_1266, %get3A_1266 : vector<16xf32>
        %add3A_1273 = arith.addf %add3A_1258, %mul3A_1272 : vector<16xf32>
        %eq3A_1274 = arith.constant 9 : i32
        %eq3A_1275 = vector.broadcast %eq3A_1274 : i32 to vector<16xi32>
        %eq3A_1276 = arith.cmpi eq, %iota3A, %eq3A_1275 : vector<16xi32>
        %broadcast_in_dim3A_1277 = vector.shape_cast %xor3A_15 : vector<16xi32> to vector<16x1xi32>
        %gather3A_1278 = vector.shape_cast %broadcast_in_dim3A_1277 : vector<16x1xi32> to vector<16xi32>
        %gather3A_1279 = tpu.dynamic_gather %add3A_1269[%gather3A_1278] in [0] : vector<16xf32>, vector<16xi32> -> vector<16xf32>
        %add3A_1280 = arith.addf %add3A_1269, %gather3A_1279 : vector<16xf32>
        %broadcast_in_dim3A_1281 = vector.shape_cast %xor3A_18 : vector<16xi32> to vector<16x1xi32>
        %gather3A_1282 = vector.shape_cast %broadcast_in_dim3A_1281 : vector<16x1xi32> to vector<16xi32>
        %gather3A_1283 = tpu.dynamic_gather %add3A_1280[%gather3A_1282] in [0] : vector<16xf32>, vector<16xi32> -> vector<16xf32>
        %add3A_1284 = arith.addf %add3A_1280, %gather3A_1283 : vector<16xf32>
        %broadcast_in_dim3A_1285 = vector.shape_cast %xor3A_21 : vector<16xi32> to vector<16x1xi32>
        %gather3A_1286 = vector.shape_cast %broadcast_in_dim3A_1285 : vector<16x1xi32> to vector<16xi32>
        %gather3A_1287 = tpu.dynamic_gather %add3A_1284[%gather3A_1286] in [0] : vector<16xf32>, vector<16xi32> -> vector<16xf32>
        %add3A_1288 = arith.addf %add3A_1284, %gather3A_1287 : vector<16xf32>
        %broadcast_in_dim3A_1289 = vector.shape_cast %xor3A_24 : vector<16xi32> to vector<16x1xi32>
        %gather3A_1290 = vector.shape_cast %broadcast_in_dim3A_1289 : vector<16x1xi32> to vector<16xi32>
        %gather3A_1291 = tpu.dynamic_gather %add3A_1288[%gather3A_1290] in [0] : vector<16xf32>, vector<16xi32> -> vector<16xf32>
        %add3A_1292 = arith.addf %add3A_1288, %gather3A_1291 : vector<16xf32>
        %select_n3A_1293 = arith.select %eq3A_1276, %add3A_1292, %select_n3A_1171 : vector<16xi1>, vector<16xf32>
        %broadcast_in_dim3A_1294 = vector.shape_cast %xor3A_15 : vector<16xi32> to vector<16x1xi32>
        %gather3A_1295 = vector.shape_cast %broadcast_in_dim3A_1294 : vector<16x1xi32> to vector<16xi32>
        %gather3A_1296 = tpu.dynamic_gather %add3A_1271[%gather3A_1295] in [0] : vector<16xf32>, vector<16xi32> -> vector<16xf32>
        %add3A_1297 = arith.addf %add3A_1271, %gather3A_1296 : vector<16xf32>
        %broadcast_in_dim3A_1298 = vector.shape_cast %xor3A_18 : vector<16xi32> to vector<16x1xi32>
        %gather3A_1299 = vector.shape_cast %broadcast_in_dim3A_1298 : vector<16x1xi32> to vector<16xi32>
        %gather3A_1300 = tpu.dynamic_gather %add3A_1297[%gather3A_1299] in [0] : vector<16xf32>, vector<16xi32> -> vector<16xf32>
        %add3A_1301 = arith.addf %add3A_1297, %gather3A_1300 : vector<16xf32>
        %broadcast_in_dim3A_1302 = vector.shape_cast %xor3A_21 : vector<16xi32> to vector<16x1xi32>
        %gather3A_1303 = vector.shape_cast %broadcast_in_dim3A_1302 : vector<16x1xi32> to vector<16xi32>
        %gather3A_1304 = tpu.dynamic_gather %add3A_1301[%gather3A_1303] in [0] : vector<16xf32>, vector<16xi32> -> vector<16xf32>
        %add3A_1305 = arith.addf %add3A_1301, %gather3A_1304 : vector<16xf32>
        %broadcast_in_dim3A_1306 = vector.shape_cast %xor3A_24 : vector<16xi32> to vector<16x1xi32>
        %gather3A_1307 = vector.shape_cast %broadcast_in_dim3A_1306 : vector<16x1xi32> to vector<16xi32>
        %gather3A_1308 = tpu.dynamic_gather %add3A_1305[%gather3A_1307] in [0] : vector<16xf32>, vector<16xi32> -> vector<16xf32>
        %add3A_1309 = arith.addf %add3A_1305, %gather3A_1308 : vector<16xf32>
        %select_n3A_1310 = arith.select %eq3A_1276, %add3A_1309, %select_n3A_1188 : vector<16xi1>, vector<16xf32>
        %broadcast_in_dim3A_1311 = vector.shape_cast %xor3A_15 : vector<16xi32> to vector<16x1xi32>
        %gather3A_1312 = vector.shape_cast %broadcast_in_dim3A_1311 : vector<16x1xi32> to vector<16xi32>
        %gather3A_1313 = tpu.dynamic_gather %add3A_1273[%gather3A_1312] in [0] : vector<16xf32>, vector<16xi32> -> vector<16xf32>
        %add3A_1314 = arith.addf %add3A_1273, %gather3A_1313 : vector<16xf32>
        %broadcast_in_dim3A_1315 = vector.shape_cast %xor3A_18 : vector<16xi32> to vector<16x1xi32>
        %gather3A_1316 = vector.shape_cast %broadcast_in_dim3A_1315 : vector<16x1xi32> to vector<16xi32>
        %gather3A_1317 = tpu.dynamic_gather %add3A_1314[%gather3A_1316] in [0] : vector<16xf32>, vector<16xi32> -> vector<16xf32>
        %add3A_1318 = arith.addf %add3A_1314, %gather3A_1317 : vector<16xf32>
        %broadcast_in_dim3A_1319 = vector.shape_cast %xor3A_21 : vector<16xi32> to vector<16x1xi32>
        %gather3A_1320 = vector.shape_cast %broadcast_in_dim3A_1319 : vector<16x1xi32> to vector<16xi32>
        %gather3A_1321 = tpu.dynamic_gather %add3A_1318[%gather3A_1320] in [0] : vector<16xf32>, vector<16xi32> -> vector<16xf32>
        %add3A_1322 = arith.addf %add3A_1318, %gather3A_1321 : vector<16xf32>
        %broadcast_in_dim3A_1323 = vector.shape_cast %xor3A_24 : vector<16xi32> to vector<16x1xi32>
        %gather3A_1324 = vector.shape_cast %broadcast_in_dim3A_1323 : vector<16x1xi32> to vector<16xi32>
        %gather3A_1325 = tpu.dynamic_gather %add3A_1322[%gather3A_1324] in [0] : vector<16xf32>, vector<16xi32> -> vector<16xf32>
        %add3A_1326 = arith.addf %add3A_1322, %gather3A_1325 : vector<16xf32>
        %select_n3A_1327 = arith.select %eq3A_1276, %add3A_1326, %select_n3A_1205 : vector<16xi1>, vector<16xf32>
        %add3A_1328 = arith.constant 10 : i32
        %add3A_1329 = arith.addi %mul3A_105, %add3A_1328 : i32
        %broadcast_in_dim3A_1330 = arith.constant 0.000000e+00 : f32
        %broadcast_in_dim3A_1331 = vector.broadcast %broadcast_in_dim3A_1330 : f32 to vector<16xf32>
        %broadcast_in_dim3A_1332 = arith.constant 0.000000e+00 : f32
        %broadcast_in_dim3A_1333 = vector.broadcast %broadcast_in_dim3A_1332 : f32 to vector<16xf32>
        %broadcast_in_dim3A_1334 = arith.constant 0.000000e+00 : f32
        %broadcast_in_dim3A_1335 = vector.broadcast %broadcast_in_dim3A_1334 : f32 to vector<16xf32>
        %get3A_1336 = arith.index_cast %add3A_1329 : i32 to index
        %get3A_1337 = arith.constant 0 : index
        %get3A_1338 = tpu.vector_load %arg10[%get3A_1336, %get3A_1337] {strides = array<i32>} : memref<256x64xf32, #tpu.memory_space<vmem>>, vector<1x16xf32>,
        %get3A_1339 = vector.shape_cast %get3A_1338 : vector<1x16xf32> to vector<16xf32>
        %get3A_1340 = arith.index_cast %add3A_1329 : i32 to index
        %get3A_1341 = arith.constant 0 : index
        %get3A_1342 = tpu.vector_load %arg11[%get3A_1340, %get3A_1341] {strides = array<i32>} : memref<256x64xf32, #tpu.memory_space<vmem>>, vector<1x16xf32>,
        %get3A_1343 = vector.shape_cast %get3A_1342 : vector<1x16xf32> to vector<16xf32>
        %mul3A_1344 = arith.mulf %get3A_1339, %get3A_1343 : vector<16xf32>
        %mul3A_1345 = arith.mulf %mul3A_1344, %get3A_4 : vector<16xf32>
        %add3A_1346 = arith.addf %broadcast_in_dim3A_1331, %mul3A_1345 : vector<16xf32>
        %mul3A_1347 = arith.mulf %get3A_1339, %get3A_1339 : vector<16xf32>
        %add3A_1348 = arith.addf %broadcast_in_dim3A_1333, %mul3A_1347 : vector<16xf32>
        %mul3A_1349 = arith.mulf %get3A_1343, %get3A_1343 : vector<16xf32>
        %add3A_1350 = arith.addf %broadcast_in_dim3A_1335, %mul3A_1349 : vector<16xf32>
        %get3A_1351 = arith.index_cast %add3A_1329 : i32 to index
        %get3A_1352 = arith.constant 16 : index
        %get3A_1353 = tpu.vector_load %arg10[%get3A_1351, %get3A_1352] {strides = array<i32>} : memref<256x64xf32, #tpu.memory_space<vmem>>, vector<1x16xf32>,
        %get3A_1354 = vector.shape_cast %get3A_1353 : vector<1x16xf32> to vector<16xf32>
        %get3A_1355 = arith.index_cast %add3A_1329 : i32 to index
        %get3A_1356 = arith.constant 16 : index
        %get3A_1357 = tpu.vector_load %arg11[%get3A_1355, %get3A_1356] {strides = array<i32>} : memref<256x64xf32, #tpu.memory_space<vmem>>, vector<1x16xf32>,
        %get3A_1358 = vector.shape_cast %get3A_1357 : vector<1x16xf32> to vector<16xf32>
        %mul3A_1359 = arith.mulf %get3A_1354, %get3A_1358 : vector<16xf32>
        %mul3A_1360 = arith.mulf %mul3A_1359, %get3A_7 : vector<16xf32>
        %add3A_1361 = arith.addf %add3A_1346, %mul3A_1360 : vector<16xf32>
        %mul3A_1362 = arith.mulf %get3A_1354, %get3A_1354 : vector<16xf32>
        %add3A_1363 = arith.addf %add3A_1348, %mul3A_1362 : vector<16xf32>
        %mul3A_1364 = arith.mulf %get3A_1358, %get3A_1358 : vector<16xf32>
        %add3A_1365 = arith.addf %add3A_1350, %mul3A_1364 : vector<16xf32>
        %get3A_1366 = arith.index_cast %add3A_1329 : i32 to index
        %get3A_1367 = arith.constant 32 : index
        %get3A_1368 = tpu.vector_load %arg10[%get3A_1366, %get3A_1367] {strides = array<i32>} : memref<256x64xf32, #tpu.memory_space<vmem>>, vector<1x16xf32>,
        %get3A_1369 = vector.shape_cast %get3A_1368 : vector<1x16xf32> to vector<16xf32>
        %get3A_1370 = arith.index_cast %add3A_1329 : i32 to index
        %get3A_1371 = arith.constant 32 : index
        %get3A_1372 = tpu.vector_load %arg11[%get3A_1370, %get3A_1371] {strides = array<i32>} : memref<256x64xf32, #tpu.memory_space<vmem>>, vector<1x16xf32>,
        %get3A_1373 = vector.shape_cast %get3A_1372 : vector<1x16xf32> to vector<16xf32>
        %mul3A_1374 = arith.mulf %get3A_1369, %get3A_1373 : vector<16xf32>
        %mul3A_1375 = arith.mulf %mul3A_1374, %get3A_10 : vector<16xf32>
        %add3A_1376 = arith.addf %add3A_1361, %mul3A_1375 : vector<16xf32>
        %mul3A_1377 = arith.mulf %get3A_1369, %get3A_1369 : vector<16xf32>
        %add3A_1378 = arith.addf %add3A_1363, %mul3A_1377 : vector<16xf32>
        %mul3A_1379 = arith.mulf %get3A_1373, %get3A_1373 : vector<16xf32>
        %add3A_1380 = arith.addf %add3A_1365, %mul3A_1379 : vector<16xf32>
        %get3A_1381 = arith.index_cast %add3A_1329 : i32 to index
        %get3A_1382 = arith.constant 48 : index
        %get3A_1383 = tpu.vector_load %arg10[%get3A_1381, %get3A_1382] {strides = array<i32>} : memref<256x64xf32, #tpu.memory_space<vmem>>, vector<1x16xf32>,
        %get3A_1384 = vector.shape_cast %get3A_1383 : vector<1x16xf32> to vector<16xf32>
        %get3A_1385 = arith.index_cast %add3A_1329 : i32 to index
        %get3A_1386 = arith.constant 48 : index
        %get3A_1387 = tpu.vector_load %arg11[%get3A_1385, %get3A_1386] {strides = array<i32>} : memref<256x64xf32, #tpu.memory_space<vmem>>, vector<1x16xf32>,
        %get3A_1388 = vector.shape_cast %get3A_1387 : vector<1x16xf32> to vector<16xf32>
        %mul3A_1389 = arith.mulf %get3A_1384, %get3A_1388 : vector<16xf32>
        %mul3A_1390 = arith.mulf %mul3A_1389, %get3A_13 : vector<16xf32>
        %add3A_1391 = arith.addf %add3A_1376, %mul3A_1390 : vector<16xf32>
        %mul3A_1392 = arith.mulf %get3A_1384, %get3A_1384 : vector<16xf32>
        %add3A_1393 = arith.addf %add3A_1378, %mul3A_1392 : vector<16xf32>
        %mul3A_1394 = arith.mulf %get3A_1388, %get3A_1388 : vector<16xf32>
        %add3A_1395 = arith.addf %add3A_1380, %mul3A_1394 : vector<16xf32>
        %eq3A_1396 = arith.constant 10 : i32
        %eq3A_1397 = vector.broadcast %eq3A_1396 : i32 to vector<16xi32>
        %eq3A_1398 = arith.cmpi eq, %iota3A, %eq3A_1397 : vector<16xi32>
        %broadcast_in_dim3A_1399 = vector.shape_cast %xor3A_15 : vector<16xi32> to vector<16x1xi32>
        %gather3A_1400 = vector.shape_cast %broadcast_in_dim3A_1399 : vector<16x1xi32> to vector<16xi32>
        %gather3A_1401 = tpu.dynamic_gather %add3A_1391[%gather3A_1400] in [0] : vector<16xf32>, vector<16xi32> -> vector<16xf32>
        %add3A_1402 = arith.addf %add3A_1391, %gather3A_1401 : vector<16xf32>
        %broadcast_in_dim3A_1403 = vector.shape_cast %xor3A_18 : vector<16xi32> to vector<16x1xi32>
        %gather3A_1404 = vector.shape_cast %broadcast_in_dim3A_1403 : vector<16x1xi32> to vector<16xi32>
        %gather3A_1405 = tpu.dynamic_gather %add3A_1402[%gather3A_1404] in [0] : vector<16xf32>, vector<16xi32> -> vector<16xf32>
        %add3A_1406 = arith.addf %add3A_1402, %gather3A_1405 : vector<16xf32>
        %broadcast_in_dim3A_1407 = vector.shape_cast %xor3A_21 : vector<16xi32> to vector<16x1xi32>
        %gather3A_1408 = vector.shape_cast %broadcast_in_dim3A_1407 : vector<16x1xi32> to vector<16xi32>
        %gather3A_1409 = tpu.dynamic_gather %add3A_1406[%gather3A_1408] in [0] : vector<16xf32>, vector<16xi32> -> vector<16xf32>
        %add3A_1410 = arith.addf %add3A_1406, %gather3A_1409 : vector<16xf32>
        %broadcast_in_dim3A_1411 = vector.shape_cast %xor3A_24 : vector<16xi32> to vector<16x1xi32>
        %gather3A_1412 = vector.shape_cast %broadcast_in_dim3A_1411 : vector<16x1xi32> to vector<16xi32>
        %gather3A_1413 = tpu.dynamic_gather %add3A_1410[%gather3A_1412] in [0] : vector<16xf32>, vector<16xi32> -> vector<16xf32>
        %add3A_1414 = arith.addf %add3A_1410, %gather3A_1413 : vector<16xf32>
        %select_n3A_1415 = arith.select %eq3A_1398, %add3A_1414, %select_n3A_1293 : vector<16xi1>, vector<16xf32>
        %broadcast_in_dim3A_1416 = vector.shape_cast %xor3A_15 : vector<16xi32> to vector<16x1xi32>
        %gather3A_1417 = vector.shape_cast %broadcast_in_dim3A_1416 : vector<16x1xi32> to vector<16xi32>
        %gather3A_1418 = tpu.dynamic_gather %add3A_1393[%gather3A_1417] in [0] : vector<16xf32>, vector<16xi32> -> vector<16xf32>
        %add3A_1419 = arith.addf %add3A_1393, %gather3A_1418 : vector<16xf32>
        %broadcast_in_dim3A_1420 = vector.shape_cast %xor3A_18 : vector<16xi32> to vector<16x1xi32>
        %gather3A_1421 = vector.shape_cast %broadcast_in_dim3A_1420 : vector<16x1xi32> to vector<16xi32>
        %gather3A_1422 = tpu.dynamic_gather %add3A_1419[%gather3A_1421] in [0] : vector<16xf32>, vector<16xi32> -> vector<16xf32>
        %add3A_1423 = arith.addf %add3A_1419, %gather3A_1422 : vector<16xf32>
        %broadcast_in_dim3A_1424 = vector.shape_cast %xor3A_21 : vector<16xi32> to vector<16x1xi32>
        %gather3A_1425 = vector.shape_cast %broadcast_in_dim3A_1424 : vector<16x1xi32> to vector<16xi32>
        %gather3A_1426 = tpu.dynamic_gather %add3A_1423[%gather3A_1425] in [0] : vector<16xf32>, vector<16xi32> -> vector<16xf32>
        %add3A_1427 = arith.addf %add3A_1423, %gather3A_1426 : vector<16xf32>
        %broadcast_in_dim3A_1428 = vector.shape_cast %xor3A_24 : vector<16xi32> to vector<16x1xi32>
        %gather3A_1429 = vector.shape_cast %broadcast_in_dim3A_1428 : vector<16x1xi32> to vector<16xi32>
        %gather3A_1430 = tpu.dynamic_gather %add3A_1427[%gather3A_1429] in [0] : vector<16xf32>, vector<16xi32> -> vector<16xf32>
        %add3A_1431 = arith.addf %add3A_1427, %gather3A_1430 : vector<16xf32>
        %select_n3A_1432 = arith.select %eq3A_1398, %add3A_1431, %select_n3A_1310 : vector<16xi1>, vector<16xf32>
        %broadcast_in_dim3A_1433 = vector.shape_cast %xor3A_15 : vector<16xi32> to vector<16x1xi32>
        %gather3A_1434 = vector.shape_cast %broadcast_in_dim3A_1433 : vector<16x1xi32> to vector<16xi32>
        %gather3A_1435 = tpu.dynamic_gather %add3A_1395[%gather3A_1434] in [0] : vector<16xf32>, vector<16xi32> -> vector<16xf32>
        %add3A_1436 = arith.addf %add3A_1395, %gather3A_1435 : vector<16xf32>
        %broadcast_in_dim3A_1437 = vector.shape_cast %xor3A_18 : vector<16xi32> to vector<16x1xi32>
        %gather3A_1438 = vector.shape_cast %broadcast_in_dim3A_1437 : vector<16x1xi32> to vector<16xi32>
        %gather3A_1439 = tpu.dynamic_gather %add3A_1436[%gather3A_1438] in [0] : vector<16xf32>, vector<16xi32> -> vector<16xf32>
        %add3A_1440 = arith.addf %add3A_1436, %gather3A_1439 : vector<16xf32>
        %broadcast_in_dim3A_1441 = vector.shape_cast %xor3A_21 : vector<16xi32> to vector<16x1xi32>
        %gather3A_1442 = vector.shape_cast %broadcast_in_dim3A_1441 : vector<16x1xi32> to vector<16xi32>
        %gather3A_1443 = tpu.dynamic_gather %add3A_1440[%gather3A_1442] in [0] : vector<16xf32>, vector<16xi32> -> vector<16xf32>
        %add3A_1444 = arith.addf %add3A_1440, %gather3A_1443 : vector<16xf32>
        %broadcast_in_dim3A_1445 = vector.shape_cast %xor3A_24 : vector<16xi32> to vector<16x1xi32>
        %gather3A_1446 = vector.shape_cast %broadcast_in_dim3A_1445 : vector<16x1xi32> to vector<16xi32>
        %gather3A_1447 = tpu.dynamic_gather %add3A_1444[%gather3A_1446] in [0] : vector<16xf32>, vector<16xi32> -> vector<16xf32>
        %add3A_1448 = arith.addf %add3A_1444, %gather3A_1447 : vector<16xf32>
        %select_n3A_1449 = arith.select %eq3A_1398, %add3A_1448, %select_n3A_1327 : vector<16xi1>, vector<16xf32>
        %add3A_1450 = arith.constant 11 : i32
        %add3A_1451 = arith.addi %mul3A_105, %add3A_1450 : i32
        %broadcast_in_dim3A_1452 = arith.constant 0.000000e+00 : f32
        %broadcast_in_dim3A_1453 = vector.broadcast %broadcast_in_dim3A_1452 : f32 to vector<16xf32>
        %broadcast_in_dim3A_1454 = arith.constant 0.000000e+00 : f32
        %broadcast_in_dim3A_1455 = vector.broadcast %broadcast_in_dim3A_1454 : f32 to vector<16xf32>
        %broadcast_in_dim3A_1456 = arith.constant 0.000000e+00 : f32
        %broadcast_in_dim3A_1457 = vector.broadcast %broadcast_in_dim3A_1456 : f32 to vector<16xf32>
        %get3A_1458 = arith.index_cast %add3A_1451 : i32 to index
        %get3A_1459 = arith.constant 0 : index
        %get3A_1460 = tpu.vector_load %arg10[%get3A_1458, %get3A_1459] {strides = array<i32>} : memref<256x64xf32, #tpu.memory_space<vmem>>, vector<1x16xf32>,
        %get3A_1461 = vector.shape_cast %get3A_1460 : vector<1x16xf32> to vector<16xf32>
        %get3A_1462 = arith.index_cast %add3A_1451 : i32 to index
        %get3A_1463 = arith.constant 0 : index
        %get3A_1464 = tpu.vector_load %arg11[%get3A_1462, %get3A_1463] {strides = array<i32>} : memref<256x64xf32, #tpu.memory_space<vmem>>, vector<1x16xf32>,
        %get3A_1465 = vector.shape_cast %get3A_1464 : vector<1x16xf32> to vector<16xf32>
        %mul3A_1466 = arith.mulf %get3A_1461, %get3A_1465 : vector<16xf32>
        %mul3A_1467 = arith.mulf %mul3A_1466, %get3A_4 : vector<16xf32>
        %add3A_1468 = arith.addf %broadcast_in_dim3A_1453, %mul3A_1467 : vector<16xf32>
        %mul3A_1469 = arith.mulf %get3A_1461, %get3A_1461 : vector<16xf32>
        %add3A_1470 = arith.addf %broadcast_in_dim3A_1455, %mul3A_1469 : vector<16xf32>
        %mul3A_1471 = arith.mulf %get3A_1465, %get3A_1465 : vector<16xf32>
        %add3A_1472 = arith.addf %broadcast_in_dim3A_1457, %mul3A_1471 : vector<16xf32>
        %get3A_1473 = arith.index_cast %add3A_1451 : i32 to index
        %get3A_1474 = arith.constant 16 : index
        %get3A_1475 = tpu.vector_load %arg10[%get3A_1473, %get3A_1474] {strides = array<i32>} : memref<256x64xf32, #tpu.memory_space<vmem>>, vector<1x16xf32>,
        %get3A_1476 = vector.shape_cast %get3A_1475 : vector<1x16xf32> to vector<16xf32>
        %get3A_1477 = arith.index_cast %add3A_1451 : i32 to index
        %get3A_1478 = arith.constant 16 : index
        %get3A_1479 = tpu.vector_load %arg11[%get3A_1477, %get3A_1478] {strides = array<i32>} : memref<256x64xf32, #tpu.memory_space<vmem>>, vector<1x16xf32>,
        %get3A_1480 = vector.shape_cast %get3A_1479 : vector<1x16xf32> to vector<16xf32>
        %mul3A_1481 = arith.mulf %get3A_1476, %get3A_1480 : vector<16xf32>
        %mul3A_1482 = arith.mulf %mul3A_1481, %get3A_7 : vector<16xf32>
        %add3A_1483 = arith.addf %add3A_1468, %mul3A_1482 : vector<16xf32>
        %mul3A_1484 = arith.mulf %get3A_1476, %get3A_1476 : vector<16xf32>
        %add3A_1485 = arith.addf %add3A_1470, %mul3A_1484 : vector<16xf32>
        %mul3A_1486 = arith.mulf %get3A_1480, %get3A_1480 : vector<16xf32>
        %add3A_1487 = arith.addf %add3A_1472, %mul3A_1486 : vector<16xf32>
        %get3A_1488 = arith.index_cast %add3A_1451 : i32 to index
        %get3A_1489 = arith.constant 32 : index
        %get3A_1490 = tpu.vector_load %arg10[%get3A_1488, %get3A_1489] {strides = array<i32>} : memref<256x64xf32, #tpu.memory_space<vmem>>, vector<1x16xf32>,
        %get3A_1491 = vector.shape_cast %get3A_1490 : vector<1x16xf32> to vector<16xf32>
        %get3A_1492 = arith.index_cast %add3A_1451 : i32 to index
        %get3A_1493 = arith.constant 32 : index
        %get3A_1494 = tpu.vector_load %arg11[%get3A_1492, %get3A_1493] {strides = array<i32>} : memref<256x64xf32, #tpu.memory_space<vmem>>, vector<1x16xf32>,
        %get3A_1495 = vector.shape_cast %get3A_1494 : vector<1x16xf32> to vector<16xf32>
        %mul3A_1496 = arith.mulf %get3A_1491, %get3A_1495 : vector<16xf32>
        %mul3A_1497 = arith.mulf %mul3A_1496, %get3A_10 : vector<16xf32>
        %add3A_1498 = arith.addf %add3A_1483, %mul3A_1497 : vector<16xf32>
        %mul3A_1499 = arith.mulf %get3A_1491, %get3A_1491 : vector<16xf32>
        %add3A_1500 = arith.addf %add3A_1485, %mul3A_1499 : vector<16xf32>
        %mul3A_1501 = arith.mulf %get3A_1495, %get3A_1495 : vector<16xf32>
        %add3A_1502 = arith.addf %add3A_1487, %mul3A_1501 : vector<16xf32>
        %get3A_1503 = arith.index_cast %add3A_1451 : i32 to index
        %get3A_1504 = arith.constant 48 : index
        %get3A_1505 = tpu.vector_load %arg10[%get3A_1503, %get3A_1504] {strides = array<i32>} : memref<256x64xf32, #tpu.memory_space<vmem>>, vector<1x16xf32>,
        %get3A_1506 = vector.shape_cast %get3A_1505 : vector<1x16xf32> to vector<16xf32>
        %get3A_1507 = arith.index_cast %add3A_1451 : i32 to index
        %get3A_1508 = arith.constant 48 : index
        %get3A_1509 = tpu.vector_load %arg11[%get3A_1507, %get3A_1508] {strides = array<i32>} : memref<256x64xf32, #tpu.memory_space<vmem>>, vector<1x16xf32>,
        %get3A_1510 = vector.shape_cast %get3A_1509 : vector<1x16xf32> to vector<16xf32>
        %mul3A_1511 = arith.mulf %get3A_1506, %get3A_1510 : vector<16xf32>
        %mul3A_1512 = arith.mulf %mul3A_1511, %get3A_13 : vector<16xf32>
        %add3A_1513 = arith.addf %add3A_1498, %mul3A_1512 : vector<16xf32>
        %mul3A_1514 = arith.mulf %get3A_1506, %get3A_1506 : vector<16xf32>
        %add3A_1515 = arith.addf %add3A_1500, %mul3A_1514 : vector<16xf32>
        %mul3A_1516 = arith.mulf %get3A_1510, %get3A_1510 : vector<16xf32>
        %add3A_1517 = arith.addf %add3A_1502, %mul3A_1516 : vector<16xf32>
        %eq3A_1518 = arith.constant 11 : i32
        %eq3A_1519 = vector.broadcast %eq3A_1518 : i32 to vector<16xi32>
        %eq3A_1520 = arith.cmpi eq, %iota3A, %eq3A_1519 : vector<16xi32>
        %broadcast_in_dim3A_1521 = vector.shape_cast %xor3A_15 : vector<16xi32> to vector<16x1xi32>
        %gather3A_1522 = vector.shape_cast %broadcast_in_dim3A_1521 : vector<16x1xi32> to vector<16xi32>
        %gather3A_1523 = tpu.dynamic_gather %add3A_1513[%gather3A_1522] in [0] : vector<16xf32>, vector<16xi32> -> vector<16xf32>
        %add3A_1524 = arith.addf %add3A_1513, %gather3A_1523 : vector<16xf32>
        %broadcast_in_dim3A_1525 = vector.shape_cast %xor3A_18 : vector<16xi32> to vector<16x1xi32>
        %gather3A_1526 = vector.shape_cast %broadcast_in_dim3A_1525 : vector<16x1xi32> to vector<16xi32>
        %gather3A_1527 = tpu.dynamic_gather %add3A_1524[%gather3A_1526] in [0] : vector<16xf32>, vector<16xi32> -> vector<16xf32>
        %add3A_1528 = arith.addf %add3A_1524, %gather3A_1527 : vector<16xf32>
        %broadcast_in_dim3A_1529 = vector.shape_cast %xor3A_21 : vector<16xi32> to vector<16x1xi32>
        %gather3A_1530 = vector.shape_cast %broadcast_in_dim3A_1529 : vector<16x1xi32> to vector<16xi32>
        %gather3A_1531 = tpu.dynamic_gather %add3A_1528[%gather3A_1530] in [0] : vector<16xf32>, vector<16xi32> -> vector<16xf32>
        %add3A_1532 = arith.addf %add3A_1528, %gather3A_1531 : vector<16xf32>
        %broadcast_in_dim3A_1533 = vector.shape_cast %xor3A_24 : vector<16xi32> to vector<16x1xi32>
        %gather3A_1534 = vector.shape_cast %broadcast_in_dim3A_1533 : vector<16x1xi32> to vector<16xi32>
        %gather3A_1535 = tpu.dynamic_gather %add3A_1532[%gather3A_1534] in [0] : vector<16xf32>, vector<16xi32> -> vector<16xf32>
        %add3A_1536 = arith.addf %add3A_1532, %gather3A_1535 : vector<16xf32>
        %select_n3A_1537 = arith.select %eq3A_1520, %add3A_1536, %select_n3A_1415 : vector<16xi1>, vector<16xf32>
        %broadcast_in_dim3A_1538 = vector.shape_cast %xor3A_15 : vector<16xi32> to vector<16x1xi32>
        %gather3A_1539 = vector.shape_cast %broadcast_in_dim3A_1538 : vector<16x1xi32> to vector<16xi32>
        %gather3A_1540 = tpu.dynamic_gather %add3A_1515[%gather3A_1539] in [0] : vector<16xf32>, vector<16xi32> -> vector<16xf32>
        %add3A_1541 = arith.addf %add3A_1515, %gather3A_1540 : vector<16xf32>
        %broadcast_in_dim3A_1542 = vector.shape_cast %xor3A_18 : vector<16xi32> to vector<16x1xi32>
        %gather3A_1543 = vector.shape_cast %broadcast_in_dim3A_1542 : vector<16x1xi32> to vector<16xi32>
        %gather3A_1544 = tpu.dynamic_gather %add3A_1541[%gather3A_1543] in [0] : vector<16xf32>, vector<16xi32> -> vector<16xf32>
        %add3A_1545 = arith.addf %add3A_1541, %gather3A_1544 : vector<16xf32>
        %broadcast_in_dim3A_1546 = vector.shape_cast %xor3A_21 : vector<16xi32> to vector<16x1xi32>
        %gather3A_1547 = vector.shape_cast %broadcast_in_dim3A_1546 : vector<16x1xi32> to vector<16xi32>
        %gather3A_1548 = tpu.dynamic_gather %add3A_1545[%gather3A_1547] in [0] : vector<16xf32>, vector<16xi32> -> vector<16xf32>
        %add3A_1549 = arith.addf %add3A_1545, %gather3A_1548 : vector<16xf32>
        %broadcast_in_dim3A_1550 = vector.shape_cast %xor3A_24 : vector<16xi32> to vector<16x1xi32>
        %gather3A_1551 = vector.shape_cast %broadcast_in_dim3A_1550 : vector<16x1xi32> to vector<16xi32>
        %gather3A_1552 = tpu.dynamic_gather %add3A_1549[%gather3A_1551] in [0] : vector<16xf32>, vector<16xi32> -> vector<16xf32>
        %add3A_1553 = arith.addf %add3A_1549, %gather3A_1552 : vector<16xf32>
        %select_n3A_1554 = arith.select %eq3A_1520, %add3A_1553, %select_n3A_1432 : vector<16xi1>, vector<16xf32>
        %broadcast_in_dim3A_1555 = vector.shape_cast %xor3A_15 : vector<16xi32> to vector<16x1xi32>
        %gather3A_1556 = vector.shape_cast %broadcast_in_dim3A_1555 : vector<16x1xi32> to vector<16xi32>
        %gather3A_1557 = tpu.dynamic_gather %add3A_1517[%gather3A_1556] in [0] : vector<16xf32>, vector<16xi32> -> vector<16xf32>
        %add3A_1558 = arith.addf %add3A_1517, %gather3A_1557 : vector<16xf32>
        %broadcast_in_dim3A_1559 = vector.shape_cast %xor3A_18 : vector<16xi32> to vector<16x1xi32>
        %gather3A_1560 = vector.shape_cast %broadcast_in_dim3A_1559 : vector<16x1xi32> to vector<16xi32>
        %gather3A_1561 = tpu.dynamic_gather %add3A_1558[%gather3A_1560] in [0] : vector<16xf32>, vector<16xi32> -> vector<16xf32>
        %add3A_1562 = arith.addf %add3A_1558, %gather3A_1561 : vector<16xf32>
        %broadcast_in_dim3A_1563 = vector.shape_cast %xor3A_21 : vector<16xi32> to vector<16x1xi32>
        %gather3A_1564 = vector.shape_cast %broadcast_in_dim3A_1563 : vector<16x1xi32> to vector<16xi32>
        %gather3A_1565 = tpu.dynamic_gather %add3A_1562[%gather3A_1564] in [0] : vector<16xf32>, vector<16xi32> -> vector<16xf32>
        %add3A_1566 = arith.addf %add3A_1562, %gather3A_1565 : vector<16xf32>
        %broadcast_in_dim3A_1567 = vector.shape_cast %xor3A_24 : vector<16xi32> to vector<16x1xi32>
        %gather3A_1568 = vector.shape_cast %broadcast_in_dim3A_1567 : vector<16x1xi32> to vector<16xi32>
        %gather3A_1569 = tpu.dynamic_gather %add3A_1566[%gather3A_1568] in [0] : vector<16xf32>, vector<16xi32> -> vector<16xf32>
        %add3A_1570 = arith.addf %add3A_1566, %gather3A_1569 : vector<16xf32>
        %select_n3A_1571 = arith.select %eq3A_1520, %add3A_1570, %select_n3A_1449 : vector<16xi1>, vector<16xf32>
        %add3A_1572 = arith.constant 12 : i32
        %add3A_1573 = arith.addi %mul3A_105, %add3A_1572 : i32
        %broadcast_in_dim3A_1574 = arith.constant 0.000000e+00 : f32
        %broadcast_in_dim3A_1575 = vector.broadcast %broadcast_in_dim3A_1574 : f32 to vector<16xf32>
        %broadcast_in_dim3A_1576 = arith.constant 0.000000e+00 : f32
        %broadcast_in_dim3A_1577 = vector.broadcast %broadcast_in_dim3A_1576 : f32 to vector<16xf32>
        %broadcast_in_dim3A_1578 = arith.constant 0.000000e+00 : f32
        %broadcast_in_dim3A_1579 = vector.broadcast %broadcast_in_dim3A_1578 : f32 to vector<16xf32>
        %get3A_1580 = arith.index_cast %add3A_1573 : i32 to index
        %get3A_1581 = arith.constant 0 : index
        %get3A_1582 = tpu.vector_load %arg10[%get3A_1580, %get3A_1581] {strides = array<i32>} : memref<256x64xf32, #tpu.memory_space<vmem>>, vector<1x16xf32>,
        %get3A_1583 = vector.shape_cast %get3A_1582 : vector<1x16xf32> to vector<16xf32>
        %get3A_1584 = arith.index_cast %add3A_1573 : i32 to index
        %get3A_1585 = arith.constant 0 : index
        %get3A_1586 = tpu.vector_load %arg11[%get3A_1584, %get3A_1585] {strides = array<i32>} : memref<256x64xf32, #tpu.memory_space<vmem>>, vector<1x16xf32>,
        %get3A_1587 = vector.shape_cast %get3A_1586 : vector<1x16xf32> to vector<16xf32>
        %mul3A_1588 = arith.mulf %get3A_1583, %get3A_1587 : vector<16xf32>
        %mul3A_1589 = arith.mulf %mul3A_1588, %get3A_4 : vector<16xf32>
        %add3A_1590 = arith.addf %broadcast_in_dim3A_1575, %mul3A_1589 : vector<16xf32>
        %mul3A_1591 = arith.mulf %get3A_1583, %get3A_1583 : vector<16xf32>
        %add3A_1592 = arith.addf %broadcast_in_dim3A_1577, %mul3A_1591 : vector<16xf32>
        %mul3A_1593 = arith.mulf %get3A_1587, %get3A_1587 : vector<16xf32>
        %add3A_1594 = arith.addf %broadcast_in_dim3A_1579, %mul3A_1593 : vector<16xf32>
        %get3A_1595 = arith.index_cast %add3A_1573 : i32 to index
        %get3A_1596 = arith.constant 16 : index
        %get3A_1597 = tpu.vector_load %arg10[%get3A_1595, %get3A_1596] {strides = array<i32>} : memref<256x64xf32, #tpu.memory_space<vmem>>, vector<1x16xf32>,
        %get3A_1598 = vector.shape_cast %get3A_1597 : vector<1x16xf32> to vector<16xf32>
        %get3A_1599 = arith.index_cast %add3A_1573 : i32 to index
        %get3A_1600 = arith.constant 16 : index
        %get3A_1601 = tpu.vector_load %arg11[%get3A_1599, %get3A_1600] {strides = array<i32>} : memref<256x64xf32, #tpu.memory_space<vmem>>, vector<1x16xf32>,
        %get3A_1602 = vector.shape_cast %get3A_1601 : vector<1x16xf32> to vector<16xf32>
        %mul3A_1603 = arith.mulf %get3A_1598, %get3A_1602 : vector<16xf32>
        %mul3A_1604 = arith.mulf %mul3A_1603, %get3A_7 : vector<16xf32>
        %add3A_1605 = arith.addf %add3A_1590, %mul3A_1604 : vector<16xf32>
        %mul3A_1606 = arith.mulf %get3A_1598, %get3A_1598 : vector<16xf32>
        %add3A_1607 = arith.addf %add3A_1592, %mul3A_1606 : vector<16xf32>
        %mul3A_1608 = arith.mulf %get3A_1602, %get3A_1602 : vector<16xf32>
        %add3A_1609 = arith.addf %add3A_1594, %mul3A_1608 : vector<16xf32>
        %get3A_1610 = arith.index_cast %add3A_1573 : i32 to index
        %get3A_1611 = arith.constant 32 : index
        %get3A_1612 = tpu.vector_load %arg10[%get3A_1610, %get3A_1611] {strides = array<i32>} : memref<256x64xf32, #tpu.memory_space<vmem>>, vector<1x16xf32>,
        %get3A_1613 = vector.shape_cast %get3A_1612 : vector<1x16xf32> to vector<16xf32>
        %get3A_1614 = arith.index_cast %add3A_1573 : i32 to index
        %get3A_1615 = arith.constant 32 : index
        %get3A_1616 = tpu.vector_load %arg11[%get3A_1614, %get3A_1615] {strides = array<i32>} : memref<256x64xf32, #tpu.memory_space<vmem>>, vector<1x16xf32>,
        %get3A_1617 = vector.shape_cast %get3A_1616 : vector<1x16xf32> to vector<16xf32>
        %mul3A_1618 = arith.mulf %get3A_1613, %get3A_1617 : vector<16xf32>
        %mul3A_1619 = arith.mulf %mul3A_1618, %get3A_10 : vector<16xf32>
        %add3A_1620 = arith.addf %add3A_1605, %mul3A_1619 : vector<16xf32>
        %mul3A_1621 = arith.mulf %get3A_1613, %get3A_1613 : vector<16xf32>
        %add3A_1622 = arith.addf %add3A_1607, %mul3A_1621 : vector<16xf32>
        %mul3A_1623 = arith.mulf %get3A_1617, %get3A_1617 : vector<16xf32>
        %add3A_1624 = arith.addf %add3A_1609, %mul3A_1623 : vector<16xf32>
        %get3A_1625 = arith.index_cast %add3A_1573 : i32 to index
        %get3A_1626 = arith.constant 48 : index
        %get3A_1627 = tpu.vector_load %arg10[%get3A_1625, %get3A_1626] {strides = array<i32>} : memref<256x64xf32, #tpu.memory_space<vmem>>, vector<1x16xf32>,
        %get3A_1628 = vector.shape_cast %get3A_1627 : vector<1x16xf32> to vector<16xf32>
        %get3A_1629 = arith.index_cast %add3A_1573 : i32 to index
        %get3A_1630 = arith.constant 48 : index
        %get3A_1631 = tpu.vector_load %arg11[%get3A_1629, %get3A_1630] {strides = array<i32>} : memref<256x64xf32, #tpu.memory_space<vmem>>, vector<1x16xf32>,
        %get3A_1632 = vector.shape_cast %get3A_1631 : vector<1x16xf32> to vector<16xf32>
        %mul3A_1633 = arith.mulf %get3A_1628, %get3A_1632 : vector<16xf32>
        %mul3A_1634 = arith.mulf %mul3A_1633, %get3A_13 : vector<16xf32>
        %add3A_1635 = arith.addf %add3A_1620, %mul3A_1634 : vector<16xf32>
        %mul3A_1636 = arith.mulf %get3A_1628, %get3A_1628 : vector<16xf32>
        %add3A_1637 = arith.addf %add3A_1622, %mul3A_1636 : vector<16xf32>
        %mul3A_1638 = arith.mulf %get3A_1632, %get3A_1632 : vector<16xf32>
        %add3A_1639 = arith.addf %add3A_1624, %mul3A_1638 : vector<16xf32>
        %eq3A_1640 = arith.constant 12 : i32
        %eq3A_1641 = vector.broadcast %eq3A_1640 : i32 to vector<16xi32>
        %eq3A_1642 = arith.cmpi eq, %iota3A, %eq3A_1641 : vector<16xi32>
        %broadcast_in_dim3A_1643 = vector.shape_cast %xor3A_15 : vector<16xi32> to vector<16x1xi32>
        %gather3A_1644 = vector.shape_cast %broadcast_in_dim3A_1643 : vector<16x1xi32> to vector<16xi32>
        %gather3A_1645 = tpu.dynamic_gather %add3A_1635[%gather3A_1644] in [0] : vector<16xf32>, vector<16xi32> -> vector<16xf32>
        %add3A_1646 = arith.addf %add3A_1635, %gather3A_1645 : vector<16xf32>
        %broadcast_in_dim3A_1647 = vector.shape_cast %xor3A_18 : vector<16xi32> to vector<16x1xi32>
        %gather3A_1648 = vector.shape_cast %broadcast_in_dim3A_1647 : vector<16x1xi32> to vector<16xi32>
        %gather3A_1649 = tpu.dynamic_gather %add3A_1646[%gather3A_1648] in [0] : vector<16xf32>, vector<16xi32> -> vector<16xf32>
        %add3A_1650 = arith.addf %add3A_1646, %gather3A_1649 : vector<16xf32>
        %broadcast_in_dim3A_1651 = vector.shape_cast %xor3A_21 : vector<16xi32> to vector<16x1xi32>
        %gather3A_1652 = vector.shape_cast %broadcast_in_dim3A_1651 : vector<16x1xi32> to vector<16xi32>
        %gather3A_1653 = tpu.dynamic_gather %add3A_1650[%gather3A_1652] in [0] : vector<16xf32>, vector<16xi32> -> vector<16xf32>
        %add3A_1654 = arith.addf %add3A_1650, %gather3A_1653 : vector<16xf32>
        %broadcast_in_dim3A_1655 = vector.shape_cast %xor3A_24 : vector<16xi32> to vector<16x1xi32>
        %gather3A_1656 = vector.shape_cast %broadcast_in_dim3A_1655 : vector<16x1xi32> to vector<16xi32>
        %gather3A_1657 = tpu.dynamic_gather %add3A_1654[%gather3A_1656] in [0] : vector<16xf32>, vector<16xi32> -> vector<16xf32>
        %add3A_1658 = arith.addf %add3A_1654, %gather3A_1657 : vector<16xf32>
        %select_n3A_1659 = arith.select %eq3A_1642, %add3A_1658, %select_n3A_1537 : vector<16xi1>, vector<16xf32>
        %broadcast_in_dim3A_1660 = vector.shape_cast %xor3A_15 : vector<16xi32> to vector<16x1xi32>
        %gather3A_1661 = vector.shape_cast %broadcast_in_dim3A_1660 : vector<16x1xi32> to vector<16xi32>
        %gather3A_1662 = tpu.dynamic_gather %add3A_1637[%gather3A_1661] in [0] : vector<16xf32>, vector<16xi32> -> vector<16xf32>
        %add3A_1663 = arith.addf %add3A_1637, %gather3A_1662 : vector<16xf32>
        %broadcast_in_dim3A_1664 = vector.shape_cast %xor3A_18 : vector<16xi32> to vector<16x1xi32>
        %gather3A_1665 = vector.shape_cast %broadcast_in_dim3A_1664 : vector<16x1xi32> to vector<16xi32>
        %gather3A_1666 = tpu.dynamic_gather %add3A_1663[%gather3A_1665] in [0] : vector<16xf32>, vector<16xi32> -> vector<16xf32>
        %add3A_1667 = arith.addf %add3A_1663, %gather3A_1666 : vector<16xf32>
        %broadcast_in_dim3A_1668 = vector.shape_cast %xor3A_21 : vector<16xi32> to vector<16x1xi32>
        %gather3A_1669 = vector.shape_cast %broadcast_in_dim3A_1668 : vector<16x1xi32> to vector<16xi32>
        %gather3A_1670 = tpu.dynamic_gather %add3A_1667[%gather3A_1669] in [0] : vector<16xf32>, vector<16xi32> -> vector<16xf32>
        %add3A_1671 = arith.addf %add3A_1667, %gather3A_1670 : vector<16xf32>
        %broadcast_in_dim3A_1672 = vector.shape_cast %xor3A_24 : vector<16xi32> to vector<16x1xi32>
        %gather3A_1673 = vector.shape_cast %broadcast_in_dim3A_1672 : vector<16x1xi32> to vector<16xi32>
        %gather3A_1674 = tpu.dynamic_gather %add3A_1671[%gather3A_1673] in [0] : vector<16xf32>, vector<16xi32> -> vector<16xf32>
        %add3A_1675 = arith.addf %add3A_1671, %gather3A_1674 : vector<16xf32>
        %select_n3A_1676 = arith.select %eq3A_1642, %add3A_1675, %select_n3A_1554 : vector<16xi1>, vector<16xf32>
        %broadcast_in_dim3A_1677 = vector.shape_cast %xor3A_15 : vector<16xi32> to vector<16x1xi32>
        %gather3A_1678 = vector.shape_cast %broadcast_in_dim3A_1677 : vector<16x1xi32> to vector<16xi32>
        %gather3A_1679 = tpu.dynamic_gather %add3A_1639[%gather3A_1678] in [0] : vector<16xf32>, vector<16xi32> -> vector<16xf32>
        %add3A_1680 = arith.addf %add3A_1639, %gather3A_1679 : vector<16xf32>
        %broadcast_in_dim3A_1681 = vector.shape_cast %xor3A_18 : vector<16xi32> to vector<16x1xi32>
        %gather3A_1682 = vector.shape_cast %broadcast_in_dim3A_1681 : vector<16x1xi32> to vector<16xi32>
        %gather3A_1683 = tpu.dynamic_gather %add3A_1680[%gather3A_1682] in [0] : vector<16xf32>, vector<16xi32> -> vector<16xf32>
        %add3A_1684 = arith.addf %add3A_1680, %gather3A_1683 : vector<16xf32>
        %broadcast_in_dim3A_1685 = vector.shape_cast %xor3A_21 : vector<16xi32> to vector<16x1xi32>
        %gather3A_1686 = vector.shape_cast %broadcast_in_dim3A_1685 : vector<16x1xi32> to vector<16xi32>
        %gather3A_1687 = tpu.dynamic_gather %add3A_1684[%gather3A_1686] in [0] : vector<16xf32>, vector<16xi32> -> vector<16xf32>
        %add3A_1688 = arith.addf %add3A_1684, %gather3A_1687 : vector<16xf32>
        %broadcast_in_dim3A_1689 = vector.shape_cast %xor3A_24 : vector<16xi32> to vector<16x1xi32>
        %gather3A_1690 = vector.shape_cast %broadcast_in_dim3A_1689 : vector<16x1xi32> to vector<16xi32>
        %gather3A_1691 = tpu.dynamic_gather %add3A_1688[%gather3A_1690] in [0] : vector<16xf32>, vector<16xi32> -> vector<16xf32>
        %add3A_1692 = arith.addf %add3A_1688, %gather3A_1691 : vector<16xf32>
        %select_n3A_1693 = arith.select %eq3A_1642, %add3A_1692, %select_n3A_1571 : vector<16xi1>, vector<16xf32>
        %add3A_1694 = arith.constant 13 : i32
        %add3A_1695 = arith.addi %mul3A_105, %add3A_1694 : i32
        %broadcast_in_dim3A_1696 = arith.constant 0.000000e+00 : f32
        %broadcast_in_dim3A_1697 = vector.broadcast %broadcast_in_dim3A_1696 : f32 to vector<16xf32>
        %broadcast_in_dim3A_1698 = arith.constant 0.000000e+00 : f32
        %broadcast_in_dim3A_1699 = vector.broadcast %broadcast_in_dim3A_1698 : f32 to vector<16xf32>
        %broadcast_in_dim3A_1700 = arith.constant 0.000000e+00 : f32
        %broadcast_in_dim3A_1701 = vector.broadcast %broadcast_in_dim3A_1700 : f32 to vector<16xf32>
        %get3A_1702 = arith.index_cast %add3A_1695 : i32 to index
        %get3A_1703 = arith.constant 0 : index
        %get3A_1704 = tpu.vector_load %arg10[%get3A_1702, %get3A_1703] {strides = array<i32>} : memref<256x64xf32, #tpu.memory_space<vmem>>, vector<1x16xf32>,
        %get3A_1705 = vector.shape_cast %get3A_1704 : vector<1x16xf32> to vector<16xf32>
        %get3A_1706 = arith.index_cast %add3A_1695 : i32 to index
        %get3A_1707 = arith.constant 0 : index
        %get3A_1708 = tpu.vector_load %arg11[%get3A_1706, %get3A_1707] {strides = array<i32>} : memref<256x64xf32, #tpu.memory_space<vmem>>, vector<1x16xf32>,
        %get3A_1709 = vector.shape_cast %get3A_1708 : vector<1x16xf32> to vector<16xf32>
        %mul3A_1710 = arith.mulf %get3A_1705, %get3A_1709 : vector<16xf32>
        %mul3A_1711 = arith.mulf %mul3A_1710, %get3A_4 : vector<16xf32>
        %add3A_1712 = arith.addf %broadcast_in_dim3A_1697, %mul3A_1711 : vector<16xf32>
        %mul3A_1713 = arith.mulf %get3A_1705, %get3A_1705 : vector<16xf32>
        %add3A_1714 = arith.addf %broadcast_in_dim3A_1699, %mul3A_1713 : vector<16xf32>
        %mul3A_1715 = arith.mulf %get3A_1709, %get3A_1709 : vector<16xf32>
        %add3A_1716 = arith.addf %broadcast_in_dim3A_1701, %mul3A_1715 : vector<16xf32>
        %get3A_1717 = arith.index_cast %add3A_1695 : i32 to index
        %get3A_1718 = arith.constant 16 : index
        %get3A_1719 = tpu.vector_load %arg10[%get3A_1717, %get3A_1718] {strides = array<i32>} : memref<256x64xf32, #tpu.memory_space<vmem>>, vector<1x16xf32>,
        %get3A_1720 = vector.shape_cast %get3A_1719 : vector<1x16xf32> to vector<16xf32>
        %get3A_1721 = arith.index_cast %add3A_1695 : i32 to index
        %get3A_1722 = arith.constant 16 : index
        %get3A_1723 = tpu.vector_load %arg11[%get3A_1721, %get3A_1722] {strides = array<i32>} : memref<256x64xf32, #tpu.memory_space<vmem>>, vector<1x16xf32>,
        %get3A_1724 = vector.shape_cast %get3A_1723 : vector<1x16xf32> to vector<16xf32>
        %mul3A_1725 = arith.mulf %get3A_1720, %get3A_1724 : vector<16xf32>
        %mul3A_1726 = arith.mulf %mul3A_1725, %get3A_7 : vector<16xf32>
        %add3A_1727 = arith.addf %add3A_1712, %mul3A_1726 : vector<16xf32>
        %mul3A_1728 = arith.mulf %get3A_1720, %get3A_1720 : vector<16xf32>
        %add3A_1729 = arith.addf %add3A_1714, %mul3A_1728 : vector<16xf32>
        %mul3A_1730 = arith.mulf %get3A_1724, %get3A_1724 : vector<16xf32>
        %add3A_1731 = arith.addf %add3A_1716, %mul3A_1730 : vector<16xf32>
        %get3A_1732 = arith.index_cast %add3A_1695 : i32 to index
        %get3A_1733 = arith.constant 32 : index
        %get3A_1734 = tpu.vector_load %arg10[%get3A_1732, %get3A_1733] {strides = array<i32>} : memref<256x64xf32, #tpu.memory_space<vmem>>, vector<1x16xf32>,
        %get3A_1735 = vector.shape_cast %get3A_1734 : vector<1x16xf32> to vector<16xf32>
        %get3A_1736 = arith.index_cast %add3A_1695 : i32 to index
        %get3A_1737 = arith.constant 32 : index
        %get3A_1738 = tpu.vector_load %arg11[%get3A_1736, %get3A_1737] {strides = array<i32>} : memref<256x64xf32, #tpu.memory_space<vmem>>, vector<1x16xf32>,
        %get3A_1739 = vector.shape_cast %get3A_1738 : vector<1x16xf32> to vector<16xf32>
        %mul3A_1740 = arith.mulf %get3A_1735, %get3A_1739 : vector<16xf32>
        %mul3A_1741 = arith.mulf %mul3A_1740, %get3A_10 : vector<16xf32>
        %add3A_1742 = arith.addf %add3A_1727, %mul3A_1741 : vector<16xf32>
        %mul3A_1743 = arith.mulf %get3A_1735, %get3A_1735 : vector<16xf32>
        %add3A_1744 = arith.addf %add3A_1729, %mul3A_1743 : vector<16xf32>
        %mul3A_1745 = arith.mulf %get3A_1739, %get3A_1739 : vector<16xf32>
        %add3A_1746 = arith.addf %add3A_1731, %mul3A_1745 : vector<16xf32>
        %get3A_1747 = arith.index_cast %add3A_1695 : i32 to index
        %get3A_1748 = arith.constant 48 : index
        %get3A_1749 = tpu.vector_load %arg10[%get3A_1747, %get3A_1748] {strides = array<i32>} : memref<256x64xf32, #tpu.memory_space<vmem>>, vector<1x16xf32>,
        %get3A_1750 = vector.shape_cast %get3A_1749 : vector<1x16xf32> to vector<16xf32>
        %get3A_1751 = arith.index_cast %add3A_1695 : i32 to index
        %get3A_1752 = arith.constant 48 : index
        %get3A_1753 = tpu.vector_load %arg11[%get3A_1751, %get3A_1752] {strides = array<i32>} : memref<256x64xf32, #tpu.memory_space<vmem>>, vector<1x16xf32>,
        %get3A_1754 = vector.shape_cast %get3A_1753 : vector<1x16xf32> to vector<16xf32>
        %mul3A_1755 = arith.mulf %get3A_1750, %get3A_1754 : vector<16xf32>
        %mul3A_1756 = arith.mulf %mul3A_1755, %get3A_13 : vector<16xf32>
        %add3A_1757 = arith.addf %add3A_1742, %mul3A_1756 : vector<16xf32>
        %mul3A_1758 = arith.mulf %get3A_1750, %get3A_1750 : vector<16xf32>
        %add3A_1759 = arith.addf %add3A_1744, %mul3A_1758 : vector<16xf32>
        %mul3A_1760 = arith.mulf %get3A_1754, %get3A_1754 : vector<16xf32>
        %add3A_1761 = arith.addf %add3A_1746, %mul3A_1760 : vector<16xf32>
        %eq3A_1762 = arith.constant 13 : i32
        %eq3A_1763 = vector.broadcast %eq3A_1762 : i32 to vector<16xi32>
        %eq3A_1764 = arith.cmpi eq, %iota3A, %eq3A_1763 : vector<16xi32>
        %broadcast_in_dim3A_1765 = vector.shape_cast %xor3A_15 : vector<16xi32> to vector<16x1xi32>
        %gather3A_1766 = vector.shape_cast %broadcast_in_dim3A_1765 : vector<16x1xi32> to vector<16xi32>
        %gather3A_1767 = tpu.dynamic_gather %add3A_1757[%gather3A_1766] in [0] : vector<16xf32>, vector<16xi32> -> vector<16xf32>
        %add3A_1768 = arith.addf %add3A_1757, %gather3A_1767 : vector<16xf32>
        %broadcast_in_dim3A_1769 = vector.shape_cast %xor3A_18 : vector<16xi32> to vector<16x1xi32>
        %gather3A_1770 = vector.shape_cast %broadcast_in_dim3A_1769 : vector<16x1xi32> to vector<16xi32>
        %gather3A_1771 = tpu.dynamic_gather %add3A_1768[%gather3A_1770] in [0] : vector<16xf32>, vector<16xi32> -> vector<16xf32>
        %add3A_1772 = arith.addf %add3A_1768, %gather3A_1771 : vector<16xf32>
        %broadcast_in_dim3A_1773 = vector.shape_cast %xor3A_21 : vector<16xi32> to vector<16x1xi32>
        %gather3A_1774 = vector.shape_cast %broadcast_in_dim3A_1773 : vector<16x1xi32> to vector<16xi32>
        %gather3A_1775 = tpu.dynamic_gather %add3A_1772[%gather3A_1774] in [0] : vector<16xf32>, vector<16xi32> -> vector<16xf32>
        %add3A_1776 = arith.addf %add3A_1772, %gather3A_1775 : vector<16xf32>
        %broadcast_in_dim3A_1777 = vector.shape_cast %xor3A_24 : vector<16xi32> to vector<16x1xi32>
        %gather3A_1778 = vector.shape_cast %broadcast_in_dim3A_1777 : vector<16x1xi32> to vector<16xi32>
        %gather3A_1779 = tpu.dynamic_gather %add3A_1776[%gather3A_1778] in [0] : vector<16xf32>, vector<16xi32> -> vector<16xf32>
        %add3A_1780 = arith.addf %add3A_1776, %gather3A_1779 : vector<16xf32>
        %select_n3A_1781 = arith.select %eq3A_1764, %add3A_1780, %select_n3A_1659 : vector<16xi1>, vector<16xf32>
        %broadcast_in_dim3A_1782 = vector.shape_cast %xor3A_15 : vector<16xi32> to vector<16x1xi32>
        %gather3A_1783 = vector.shape_cast %broadcast_in_dim3A_1782 : vector<16x1xi32> to vector<16xi32>
        %gather3A_1784 = tpu.dynamic_gather %add3A_1759[%gather3A_1783] in [0] : vector<16xf32>, vector<16xi32> -> vector<16xf32>
        %add3A_1785 = arith.addf %add3A_1759, %gather3A_1784 : vector<16xf32>
        %broadcast_in_dim3A_1786 = vector.shape_cast %xor3A_18 : vector<16xi32> to vector<16x1xi32>
        %gather3A_1787 = vector.shape_cast %broadcast_in_dim3A_1786 : vector<16x1xi32> to vector<16xi32>
        %gather3A_1788 = tpu.dynamic_gather %add3A_1785[%gather3A_1787] in [0] : vector<16xf32>, vector<16xi32> -> vector<16xf32>
        %add3A_1789 = arith.addf %add3A_1785, %gather3A_1788 : vector<16xf32>
        %broadcast_in_dim3A_1790 = vector.shape_cast %xor3A_21 : vector<16xi32> to vector<16x1xi32>
        %gather3A_1791 = vector.shape_cast %broadcast_in_dim3A_1790 : vector<16x1xi32> to vector<16xi32>
        %gather3A_1792 = tpu.dynamic_gather %add3A_1789[%gather3A_1791] in [0] : vector<16xf32>, vector<16xi32> -> vector<16xf32>
        %add3A_1793 = arith.addf %add3A_1789, %gather3A_1792 : vector<16xf32>
        %broadcast_in_dim3A_1794 = vector.shape_cast %xor3A_24 : vector<16xi32> to vector<16x1xi32>
        %gather3A_1795 = vector.shape_cast %broadcast_in_dim3A_1794 : vector<16x1xi32> to vector<16xi32>
        %gather3A_1796 = tpu.dynamic_gather %add3A_1793[%gather3A_1795] in [0] : vector<16xf32>, vector<16xi32> -> vector<16xf32>
        %add3A_1797 = arith.addf %add3A_1793, %gather3A_1796 : vector<16xf32>
        %select_n3A_1798 = arith.select %eq3A_1764, %add3A_1797, %select_n3A_1676 : vector<16xi1>, vector<16xf32>
        %broadcast_in_dim3A_1799 = vector.shape_cast %xor3A_15 : vector<16xi32> to vector<16x1xi32>
        %gather3A_1800 = vector.shape_cast %broadcast_in_dim3A_1799 : vector<16x1xi32> to vector<16xi32>
        %gather3A_1801 = tpu.dynamic_gather %add3A_1761[%gather3A_1800] in [0] : vector<16xf32>, vector<16xi32> -> vector<16xf32>
        %add3A_1802 = arith.addf %add3A_1761, %gather3A_1801 : vector<16xf32>
        %broadcast_in_dim3A_1803 = vector.shape_cast %xor3A_18 : vector<16xi32> to vector<16x1xi32>
        %gather3A_1804 = vector.shape_cast %broadcast_in_dim3A_1803 : vector<16x1xi32> to vector<16xi32>
        %gather3A_1805 = tpu.dynamic_gather %add3A_1802[%gather3A_1804] in [0] : vector<16xf32>, vector<16xi32> -> vector<16xf32>
        %add3A_1806 = arith.addf %add3A_1802, %gather3A_1805 : vector<16xf32>
        %broadcast_in_dim3A_1807 = vector.shape_cast %xor3A_21 : vector<16xi32> to vector<16x1xi32>
        %gather3A_1808 = vector.shape_cast %broadcast_in_dim3A_1807 : vector<16x1xi32> to vector<16xi32>
        %gather3A_1809 = tpu.dynamic_gather %add3A_1806[%gather3A_1808] in [0] : vector<16xf32>, vector<16xi32> -> vector<16xf32>
        %add3A_1810 = arith.addf %add3A_1806, %gather3A_1809 : vector<16xf32>
        %broadcast_in_dim3A_1811 = vector.shape_cast %xor3A_24 : vector<16xi32> to vector<16x1xi32>
        %gather3A_1812 = vector.shape_cast %broadcast_in_dim3A_1811 : vector<16x1xi32> to vector<16xi32>
        %gather3A_1813 = tpu.dynamic_gather %add3A_1810[%gather3A_1812] in [0] : vector<16xf32>, vector<16xi32> -> vector<16xf32>
        %add3A_1814 = arith.addf %add3A_1810, %gather3A_1813 : vector<16xf32>
        %select_n3A_1815 = arith.select %eq3A_1764, %add3A_1814, %select_n3A_1693 : vector<16xi1>, vector<16xf32>
        %add3A_1816 = arith.constant 14 : i32
        %add3A_1817 = arith.addi %mul3A_105, %add3A_1816 : i32
        %broadcast_in_dim3A_1818 = arith.constant 0.000000e+00 : f32
        %broadcast_in_dim3A_1819 = vector.broadcast %broadcast_in_dim3A_1818 : f32 to vector<16xf32>
        %broadcast_in_dim3A_1820 = arith.constant 0.000000e+00 : f32
        %broadcast_in_dim3A_1821 = vector.broadcast %broadcast_in_dim3A_1820 : f32 to vector<16xf32>
        %broadcast_in_dim3A_1822 = arith.constant 0.000000e+00 : f32
        %broadcast_in_dim3A_1823 = vector.broadcast %broadcast_in_dim3A_1822 : f32 to vector<16xf32>
        %get3A_1824 = arith.index_cast %add3A_1817 : i32 to index
        %get3A_1825 = arith.constant 0 : index
        %get3A_1826 = tpu.vector_load %arg10[%get3A_1824, %get3A_1825] {strides = array<i32>} : memref<256x64xf32, #tpu.memory_space<vmem>>, vector<1x16xf32>,
        %get3A_1827 = vector.shape_cast %get3A_1826 : vector<1x16xf32> to vector<16xf32>
        %get3A_1828 = arith.index_cast %add3A_1817 : i32 to index
        %get3A_1829 = arith.constant 0 : index
        %get3A_1830 = tpu.vector_load %arg11[%get3A_1828, %get3A_1829] {strides = array<i32>} : memref<256x64xf32, #tpu.memory_space<vmem>>, vector<1x16xf32>,
        %get3A_1831 = vector.shape_cast %get3A_1830 : vector<1x16xf32> to vector<16xf32>
        %mul3A_1832 = arith.mulf %get3A_1827, %get3A_1831 : vector<16xf32>
        %mul3A_1833 = arith.mulf %mul3A_1832, %get3A_4 : vector<16xf32>
        %add3A_1834 = arith.addf %broadcast_in_dim3A_1819, %mul3A_1833 : vector<16xf32>
        %mul3A_1835 = arith.mulf %get3A_1827, %get3A_1827 : vector<16xf32>
        %add3A_1836 = arith.addf %broadcast_in_dim3A_1821, %mul3A_1835 : vector<16xf32>
        %mul3A_1837 = arith.mulf %get3A_1831, %get3A_1831 : vector<16xf32>
        %add3A_1838 = arith.addf %broadcast_in_dim3A_1823, %mul3A_1837 : vector<16xf32>
        %get3A_1839 = arith.index_cast %add3A_1817 : i32 to index
        %get3A_1840 = arith.constant 16 : index
        %get3A_1841 = tpu.vector_load %arg10[%get3A_1839, %get3A_1840] {strides = array<i32>} : memref<256x64xf32, #tpu.memory_space<vmem>>, vector<1x16xf32>,
        %get3A_1842 = vector.shape_cast %get3A_1841 : vector<1x16xf32> to vector<16xf32>
        %get3A_1843 = arith.index_cast %add3A_1817 : i32 to index
        %get3A_1844 = arith.constant 16 : index
        %get3A_1845 = tpu.vector_load %arg11[%get3A_1843, %get3A_1844] {strides = array<i32>} : memref<256x64xf32, #tpu.memory_space<vmem>>, vector<1x16xf32>,
        %get3A_1846 = vector.shape_cast %get3A_1845 : vector<1x16xf32> to vector<16xf32>
        %mul3A_1847 = arith.mulf %get3A_1842, %get3A_1846 : vector<16xf32>
        %mul3A_1848 = arith.mulf %mul3A_1847, %get3A_7 : vector<16xf32>
        %add3A_1849 = arith.addf %add3A_1834, %mul3A_1848 : vector<16xf32>
        %mul3A_1850 = arith.mulf %get3A_1842, %get3A_1842 : vector<16xf32>
        %add3A_1851 = arith.addf %add3A_1836, %mul3A_1850 : vector<16xf32>
        %mul3A_1852 = arith.mulf %get3A_1846, %get3A_1846 : vector<16xf32>
        %add3A_1853 = arith.addf %add3A_1838, %mul3A_1852 : vector<16xf32>
        %get3A_1854 = arith.index_cast %add3A_1817 : i32 to index
        %get3A_1855 = arith.constant 32 : index
        %get3A_1856 = tpu.vector_load %arg10[%get3A_1854, %get3A_1855] {strides = array<i32>} : memref<256x64xf32, #tpu.memory_space<vmem>>, vector<1x16xf32>,
        %get3A_1857 = vector.shape_cast %get3A_1856 : vector<1x16xf32> to vector<16xf32>
        %get3A_1858 = arith.index_cast %add3A_1817 : i32 to index
        %get3A_1859 = arith.constant 32 : index
        %get3A_1860 = tpu.vector_load %arg11[%get3A_1858, %get3A_1859] {strides = array<i32>} : memref<256x64xf32, #tpu.memory_space<vmem>>, vector<1x16xf32>,
        %get3A_1861 = vector.shape_cast %get3A_1860 : vector<1x16xf32> to vector<16xf32>
        %mul3A_1862 = arith.mulf %get3A_1857, %get3A_1861 : vector<16xf32>
        %mul3A_1863 = arith.mulf %mul3A_1862, %get3A_10 : vector<16xf32>
        %add3A_1864 = arith.addf %add3A_1849, %mul3A_1863 : vector<16xf32>
        %mul3A_1865 = arith.mulf %get3A_1857, %get3A_1857 : vector<16xf32>
        %add3A_1866 = arith.addf %add3A_1851, %mul3A_1865 : vector<16xf32>
        %mul3A_1867 = arith.mulf %get3A_1861, %get3A_1861 : vector<16xf32>
        %add3A_1868 = arith.addf %add3A_1853, %mul3A_1867 : vector<16xf32>
        %get3A_1869 = arith.index_cast %add3A_1817 : i32 to index
        %get3A_1870 = arith.constant 48 : index
        %get3A_1871 = tpu.vector_load %arg10[%get3A_1869, %get3A_1870] {strides = array<i32>} : memref<256x64xf32, #tpu.memory_space<vmem>>, vector<1x16xf32>,
        %get3A_1872 = vector.shape_cast %get3A_1871 : vector<1x16xf32> to vector<16xf32>
        %get3A_1873 = arith.index_cast %add3A_1817 : i32 to index
        %get3A_1874 = arith.constant 48 : index
        %get3A_1875 = tpu.vector_load %arg11[%get3A_1873, %get3A_1874] {strides = array<i32>} : memref<256x64xf32, #tpu.memory_space<vmem>>, vector<1x16xf32>,
        %get3A_1876 = vector.shape_cast %get3A_1875 : vector<1x16xf32> to vector<16xf32>
        %mul3A_1877 = arith.mulf %get3A_1872, %get3A_1876 : vector<16xf32>
        %mul3A_1878 = arith.mulf %mul3A_1877, %get3A_13 : vector<16xf32>
        %add3A_1879 = arith.addf %add3A_1864, %mul3A_1878 : vector<16xf32>
        %mul3A_1880 = arith.mulf %get3A_1872, %get3A_1872 : vector<16xf32>
        %add3A_1881 = arith.addf %add3A_1866, %mul3A_1880 : vector<16xf32>
        %mul3A_1882 = arith.mulf %get3A_1876, %get3A_1876 : vector<16xf32>
        %add3A_1883 = arith.addf %add3A_1868, %mul3A_1882 : vector<16xf32>
        %eq3A_1884 = arith.constant 14 : i32
        %eq3A_1885 = vector.broadcast %eq3A_1884 : i32 to vector<16xi32>
        %eq3A_1886 = arith.cmpi eq, %iota3A, %eq3A_1885 : vector<16xi32>
        %broadcast_in_dim3A_1887 = vector.shape_cast %xor3A_15 : vector<16xi32> to vector<16x1xi32>
        %gather3A_1888 = vector.shape_cast %broadcast_in_dim3A_1887 : vector<16x1xi32> to vector<16xi32>
        %gather3A_1889 = tpu.dynamic_gather %add3A_1879[%gather3A_1888] in [0] : vector<16xf32>, vector<16xi32> -> vector<16xf32>
        %add3A_1890 = arith.addf %add3A_1879, %gather3A_1889 : vector<16xf32>
        %broadcast_in_dim3A_1891 = vector.shape_cast %xor3A_18 : vector<16xi32> to vector<16x1xi32>
        %gather3A_1892 = vector.shape_cast %broadcast_in_dim3A_1891 : vector<16x1xi32> to vector<16xi32>
        %gather3A_1893 = tpu.dynamic_gather %add3A_1890[%gather3A_1892] in [0] : vector<16xf32>, vector<16xi32> -> vector<16xf32>
        %add3A_1894 = arith.addf %add3A_1890, %gather3A_1893 : vector<16xf32>
        %broadcast_in_dim3A_1895 = vector.shape_cast %xor3A_21 : vector<16xi32> to vector<16x1xi32>
        %gather3A_1896 = vector.shape_cast %broadcast_in_dim3A_1895 : vector<16x1xi32> to vector<16xi32>
        %gather3A_1897 = tpu.dynamic_gather %add3A_1894[%gather3A_1896] in [0] : vector<16xf32>, vector<16xi32> -> vector<16xf32>
        %add3A_1898 = arith.addf %add3A_1894, %gather3A_1897 : vector<16xf32>
        %broadcast_in_dim3A_1899 = vector.shape_cast %xor3A_24 : vector<16xi32> to vector<16x1xi32>
        %gather3A_1900 = vector.shape_cast %broadcast_in_dim3A_1899 : vector<16x1xi32> to vector<16xi32>
        %gather3A_1901 = tpu.dynamic_gather %add3A_1898[%gather3A_1900] in [0] : vector<16xf32>, vector<16xi32> -> vector<16xf32>
        %add3A_1902 = arith.addf %add3A_1898, %gather3A_1901 : vector<16xf32>
        %select_n3A_1903 = arith.select %eq3A_1886, %add3A_1902, %select_n3A_1781 : vector<16xi1>, vector<16xf32>
        %broadcast_in_dim3A_1904 = vector.shape_cast %xor3A_15 : vector<16xi32> to vector<16x1xi32>
        %gather3A_1905 = vector.shape_cast %broadcast_in_dim3A_1904 : vector<16x1xi32> to vector<16xi32>
        %gather3A_1906 = tpu.dynamic_gather %add3A_1881[%gather3A_1905] in [0] : vector<16xf32>, vector<16xi32> -> vector<16xf32>
        %add3A_1907 = arith.addf %add3A_1881, %gather3A_1906 : vector<16xf32>
        %broadcast_in_dim3A_1908 = vector.shape_cast %xor3A_18 : vector<16xi32> to vector<16x1xi32>
        %gather3A_1909 = vector.shape_cast %broadcast_in_dim3A_1908 : vector<16x1xi32> to vector<16xi32>
        %gather3A_1910 = tpu.dynamic_gather %add3A_1907[%gather3A_1909] in [0] : vector<16xf32>, vector<16xi32> -> vector<16xf32>
        %add3A_1911 = arith.addf %add3A_1907, %gather3A_1910 : vector<16xf32>
        %broadcast_in_dim3A_1912 = vector.shape_cast %xor3A_21 : vector<16xi32> to vector<16x1xi32>
        %gather3A_1913 = vector.shape_cast %broadcast_in_dim3A_1912 : vector<16x1xi32> to vector<16xi32>
        %gather3A_1914 = tpu.dynamic_gather %add3A_1911[%gather3A_1913] in [0] : vector<16xf32>, vector<16xi32> -> vector<16xf32>
        %add3A_1915 = arith.addf %add3A_1911, %gather3A_1914 : vector<16xf32>
        %broadcast_in_dim3A_1916 = vector.shape_cast %xor3A_24 : vector<16xi32> to vector<16x1xi32>
        %gather3A_1917 = vector.shape_cast %broadcast_in_dim3A_1916 : vector<16x1xi32> to vector<16xi32>
        %gather3A_1918 = tpu.dynamic_gather %add3A_1915[%gather3A_1917] in [0] : vector<16xf32>, vector<16xi32> -> vector<16xf32>
        %add3A_1919 = arith.addf %add3A_1915, %gather3A_1918 : vector<16xf32>
        %select_n3A_1920 = arith.select %eq3A_1886, %add3A_1919, %select_n3A_1798 : vector<16xi1>, vector<16xf32>
        %broadcast_in_dim3A_1921 = vector.shape_cast %xor3A_15 : vector<16xi32> to vector<16x1xi32>
        %gather3A_1922 = vector.shape_cast %broadcast_in_dim3A_1921 : vector<16x1xi32> to vector<16xi32>
        %gather3A_1923 = tpu.dynamic_gather %add3A_1883[%gather3A_1922] in [0] : vector<16xf32>, vector<16xi32> -> vector<16xf32>
        %add3A_1924 = arith.addf %add3A_1883, %gather3A_1923 : vector<16xf32>
        %broadcast_in_dim3A_1925 = vector.shape_cast %xor3A_18 : vector<16xi32> to vector<16x1xi32>
        %gather3A_1926 = vector.shape_cast %broadcast_in_dim3A_1925 : vector<16x1xi32> to vector<16xi32>
        %gather3A_1927 = tpu.dynamic_gather %add3A_1924[%gather3A_1926] in [0] : vector<16xf32>, vector<16xi32> -> vector<16xf32>
        %add3A_1928 = arith.addf %add3A_1924, %gather3A_1927 : vector<16xf32>
        %broadcast_in_dim3A_1929 = vector.shape_cast %xor3A_21 : vector<16xi32> to vector<16x1xi32>
        %gather3A_1930 = vector.shape_cast %broadcast_in_dim3A_1929 : vector<16x1xi32> to vector<16xi32>
        %gather3A_1931 = tpu.dynamic_gather %add3A_1928[%gather3A_1930] in [0] : vector<16xf32>, vector<16xi32> -> vector<16xf32>
        %add3A_1932 = arith.addf %add3A_1928, %gather3A_1931 : vector<16xf32>
        %broadcast_in_dim3A_1933 = vector.shape_cast %xor3A_24 : vector<16xi32> to vector<16x1xi32>
        %gather3A_1934 = vector.shape_cast %broadcast_in_dim3A_1933 : vector<16x1xi32> to vector<16xi32>
        %gather3A_1935 = tpu.dynamic_gather %add3A_1932[%gather3A_1934] in [0] : vector<16xf32>, vector<16xi32> -> vector<16xf32>
        %add3A_1936 = arith.addf %add3A_1932, %gather3A_1935 : vector<16xf32>
        %select_n3A_1937 = arith.select %eq3A_1886, %add3A_1936, %select_n3A_1815 : vector<16xi1>, vector<16xf32>
        %add3A_1938 = arith.constant 15 : i32
        %add3A_1939 = arith.addi %mul3A_105, %add3A_1938 : i32
        %broadcast_in_dim3A_1940 = arith.constant 0.000000e+00 : f32
        %broadcast_in_dim3A_1941 = vector.broadcast %broadcast_in_dim3A_1940 : f32 to vector<16xf32>
        %broadcast_in_dim3A_1942 = arith.constant 0.000000e+00 : f32
        %broadcast_in_dim3A_1943 = vector.broadcast %broadcast_in_dim3A_1942 : f32 to vector<16xf32>
        %broadcast_in_dim3A_1944 = arith.constant 0.000000e+00 : f32
        %broadcast_in_dim3A_1945 = vector.broadcast %broadcast_in_dim3A_1944 : f32 to vector<16xf32>
        %get3A_1946 = arith.index_cast %add3A_1939 : i32 to index
        %get3A_1947 = arith.constant 0 : index
        %get3A_1948 = tpu.vector_load %arg10[%get3A_1946, %get3A_1947] {strides = array<i32>} : memref<256x64xf32, #tpu.memory_space<vmem>>, vector<1x16xf32>,
        %get3A_1949 = vector.shape_cast %get3A_1948 : vector<1x16xf32> to vector<16xf32>
        %get3A_1950 = arith.index_cast %add3A_1939 : i32 to index
        %get3A_1951 = arith.constant 0 : index
        %get3A_1952 = tpu.vector_load %arg11[%get3A_1950, %get3A_1951] {strides = array<i32>} : memref<256x64xf32, #tpu.memory_space<vmem>>, vector<1x16xf32>,
        %get3A_1953 = vector.shape_cast %get3A_1952 : vector<1x16xf32> to vector<16xf32>
        %mul3A_1954 = arith.mulf %get3A_1949, %get3A_1953 : vector<16xf32>
        %mul3A_1955 = arith.mulf %mul3A_1954, %get3A_4 : vector<16xf32>
        %add3A_1956 = arith.addf %broadcast_in_dim3A_1941, %mul3A_1955 : vector<16xf32>
        %mul3A_1957 = arith.mulf %get3A_1949, %get3A_1949 : vector<16xf32>
        %add3A_1958 = arith.addf %broadcast_in_dim3A_1943, %mul3A_1957 : vector<16xf32>
        %mul3A_1959 = arith.mulf %get3A_1953, %get3A_1953 : vector<16xf32>
        %add3A_1960 = arith.addf %broadcast_in_dim3A_1945, %mul3A_1959 : vector<16xf32>
        %get3A_1961 = arith.index_cast %add3A_1939 : i32 to index
        %get3A_1962 = arith.constant 16 : index
        %get3A_1963 = tpu.vector_load %arg10[%get3A_1961, %get3A_1962] {strides = array<i32>} : memref<256x64xf32, #tpu.memory_space<vmem>>, vector<1x16xf32>,
        %get3A_1964 = vector.shape_cast %get3A_1963 : vector<1x16xf32> to vector<16xf32>
        %get3A_1965 = arith.index_cast %add3A_1939 : i32 to index
        %get3A_1966 = arith.constant 16 : index
        %get3A_1967 = tpu.vector_load %arg11[%get3A_1965, %get3A_1966] {strides = array<i32>} : memref<256x64xf32, #tpu.memory_space<vmem>>, vector<1x16xf32>,
        %get3A_1968 = vector.shape_cast %get3A_1967 : vector<1x16xf32> to vector<16xf32>
        %mul3A_1969 = arith.mulf %get3A_1964, %get3A_1968 : vector<16xf32>
        %mul3A_1970 = arith.mulf %mul3A_1969, %get3A_7 : vector<16xf32>
        %add3A_1971 = arith.addf %add3A_1956, %mul3A_1970 : vector<16xf32>
        %mul3A_1972 = arith.mulf %get3A_1964, %get3A_1964 : vector<16xf32>
        %add3A_1973 = arith.addf %add3A_1958, %mul3A_1972 : vector<16xf32>
        %mul3A_1974 = arith.mulf %get3A_1968, %get3A_1968 : vector<16xf32>
        %add3A_1975 = arith.addf %add3A_1960, %mul3A_1974 : vector<16xf32>
        %get3A_1976 = arith.index_cast %add3A_1939 : i32 to index
        %get3A_1977 = arith.constant 32 : index
        %get3A_1978 = tpu.vector_load %arg10[%get3A_1976, %get3A_1977] {strides = array<i32>} : memref<256x64xf32, #tpu.memory_space<vmem>>, vector<1x16xf32>,
        %get3A_1979 = vector.shape_cast %get3A_1978 : vector<1x16xf32> to vector<16xf32>
        %get3A_1980 = arith.index_cast %add3A_1939 : i32 to index
        %get3A_1981 = arith.constant 32 : index
        %get3A_1982 = tpu.vector_load %arg11[%get3A_1980, %get3A_1981] {strides = array<i32>} : memref<256x64xf32, #tpu.memory_space<vmem>>, vector<1x16xf32>,
        %get3A_1983 = vector.shape_cast %get3A_1982 : vector<1x16xf32> to vector<16xf32>
        %mul3A_1984 = arith.mulf %get3A_1979, %get3A_1983 : vector<16xf32>
        %mul3A_1985 = arith.mulf %mul3A_1984, %get3A_10 : vector<16xf32>
        %add3A_1986 = arith.addf %add3A_1971, %mul3A_1985 : vector<16xf32>
        %mul3A_1987 = arith.mulf %get3A_1979, %get3A_1979 : vector<16xf32>
        %add3A_1988 = arith.addf %add3A_1973, %mul3A_1987 : vector<16xf32>
        %mul3A_1989 = arith.mulf %get3A_1983, %get3A_1983 : vector<16xf32>
        %add3A_1990 = arith.addf %add3A_1975, %mul3A_1989 : vector<16xf32>
        %get3A_1991 = arith.index_cast %add3A_1939 : i32 to index
        %get3A_1992 = arith.constant 48 : index
        %get3A_1993 = tpu.vector_load %arg10[%get3A_1991, %get3A_1992] {strides = array<i32>} : memref<256x64xf32, #tpu.memory_space<vmem>>, vector<1x16xf32>,
        %get3A_1994 = vector.shape_cast %get3A_1993 : vector<1x16xf32> to vector<16xf32>
        %get3A_1995 = arith.index_cast %add3A_1939 : i32 to index
        %get3A_1996 = arith.constant 48 : index
        %get3A_1997 = tpu.vector_load %arg11[%get3A_1995, %get3A_1996] {strides = array<i32>} : memref<256x64xf32, #tpu.memory_space<vmem>>, vector<1x16xf32>,
        %get3A_1998 = vector.shape_cast %get3A_1997 : vector<1x16xf32> to vector<16xf32>
        %mul3A_1999 = arith.mulf %get3A_1994, %get3A_1998 : vector<16xf32>
        %mul3A_2000 = arith.mulf %mul3A_1999, %get3A_13 : vector<16xf32>
        %add3A_2001 = arith.addf %add3A_1986, %mul3A_2000 : vector<16xf32>
        %mul3A_2002 = arith.mulf %get3A_1994, %get3A_1994 : vector<16xf32>
        %add3A_2003 = arith.addf %add3A_1988, %mul3A_2002 : vector<16xf32>
        %mul3A_2004 = arith.mulf %get3A_1998, %get3A_1998 : vector<16xf32>
        %add3A_2005 = arith.addf %add3A_1990, %mul3A_2004 : vector<16xf32>
        %eq3A_2006 = arith.constant 15 : i32
        %eq3A_2007 = vector.broadcast %eq3A_2006 : i32 to vector<16xi32>
        %eq3A_2008 = arith.cmpi eq, %iota3A, %eq3A_2007 : vector<16xi32>
        %broadcast_in_dim3A_2009 = vector.shape_cast %xor3A_15 : vector<16xi32> to vector<16x1xi32>
        %gather3A_2010 = vector.shape_cast %broadcast_in_dim3A_2009 : vector<16x1xi32> to vector<16xi32>
        %gather3A_2011 = tpu.dynamic_gather %add3A_2001[%gather3A_2010] in [0] : vector<16xf32>, vector<16xi32> -> vector<16xf32>
        %add3A_2012 = arith.addf %add3A_2001, %gather3A_2011 : vector<16xf32>
        %broadcast_in_dim3A_2013 = vector.shape_cast %xor3A_18 : vector<16xi32> to vector<16x1xi32>
        %gather3A_2014 = vector.shape_cast %broadcast_in_dim3A_2013 : vector<16x1xi32> to vector<16xi32>
        %gather3A_2015 = tpu.dynamic_gather %add3A_2012[%gather3A_2014] in [0] : vector<16xf32>, vector<16xi32> -> vector<16xf32>
        %add3A_2016 = arith.addf %add3A_2012, %gather3A_2015 : vector<16xf32>
        %broadcast_in_dim3A_2017 = vector.shape_cast %xor3A_21 : vector<16xi32> to vector<16x1xi32>
        %gather3A_2018 = vector.shape_cast %broadcast_in_dim3A_2017 : vector<16x1xi32> to vector<16xi32>
        %gather3A_2019 = tpu.dynamic_gather %add3A_2016[%gather3A_2018] in [0] : vector<16xf32>, vector<16xi32> -> vector<16xf32>
        %add3A_2020 = arith.addf %add3A_2016, %gather3A_2019 : vector<16xf32>
        %broadcast_in_dim3A_2021 = vector.shape_cast %xor3A_24 : vector<16xi32> to vector<16x1xi32>
        %gather3A_2022 = vector.shape_cast %broadcast_in_dim3A_2021 : vector<16x1xi32> to vector<16xi32>
        %gather3A_2023 = tpu.dynamic_gather %add3A_2020[%gather3A_2022] in [0] : vector<16xf32>, vector<16xi32> -> vector<16xf32>
        %add3A_2024 = arith.addf %add3A_2020, %gather3A_2023 : vector<16xf32>
        %select_n3A_2025 = arith.select %eq3A_2008, %add3A_2024, %select_n3A_1903 : vector<16xi1>, vector<16xf32>
        %broadcast_in_dim3A_2026 = vector.shape_cast %xor3A_15 : vector<16xi32> to vector<16x1xi32>
        %gather3A_2027 = vector.shape_cast %broadcast_in_dim3A_2026 : vector<16x1xi32> to vector<16xi32>
        %gather3A_2028 = tpu.dynamic_gather %add3A_2003[%gather3A_2027] in [0] : vector<16xf32>, vector<16xi32> -> vector<16xf32>
        %add3A_2029 = arith.addf %add3A_2003, %gather3A_2028 : vector<16xf32>
        %broadcast_in_dim3A_2030 = vector.shape_cast %xor3A_18 : vector<16xi32> to vector<16x1xi32>
        %gather3A_2031 = vector.shape_cast %broadcast_in_dim3A_2030 : vector<16x1xi32> to vector<16xi32>
        %gather3A_2032 = tpu.dynamic_gather %add3A_2029[%gather3A_2031] in [0] : vector<16xf32>, vector<16xi32> -> vector<16xf32>
        %add3A_2033 = arith.addf %add3A_2029, %gather3A_2032 : vector<16xf32>
        %broadcast_in_dim3A_2034 = vector.shape_cast %xor3A_21 : vector<16xi32> to vector<16x1xi32>
        %gather3A_2035 = vector.shape_cast %broadcast_in_dim3A_2034 : vector<16x1xi32> to vector<16xi32>
        %gather3A_2036 = tpu.dynamic_gather %add3A_2033[%gather3A_2035] in [0] : vector<16xf32>, vector<16xi32> -> vector<16xf32>
        %add3A_2037 = arith.addf %add3A_2033, %gather3A_2036 : vector<16xf32>
        %broadcast_in_dim3A_2038 = vector.shape_cast %xor3A_24 : vector<16xi32> to vector<16x1xi32>
        %gather3A_2039 = vector.shape_cast %broadcast_in_dim3A_2038 : vector<16x1xi32> to vector<16xi32>
        %gather3A_2040 = tpu.dynamic_gather %add3A_2037[%gather3A_2039] in [0] : vector<16xf32>, vector<16xi32> -> vector<16xf32>
        %add3A_2041 = arith.addf %add3A_2037, %gather3A_2040 : vector<16xf32>
        %select_n3A_2042 = arith.select %eq3A_2008, %add3A_2041, %select_n3A_1920 : vector<16xi1>, vector<16xf32>
        %broadcast_in_dim3A_2043 = vector.shape_cast %xor3A_15 : vector<16xi32> to vector<16x1xi32>
        %gather3A_2044 = vector.shape_cast %broadcast_in_dim3A_2043 : vector<16x1xi32> to vector<16xi32>
        %gather3A_2045 = tpu.dynamic_gather %add3A_2005[%gather3A_2044] in [0] : vector<16xf32>, vector<16xi32> -> vector<16xf32>
        %add3A_2046 = arith.addf %add3A_2005, %gather3A_2045 : vector<16xf32>
        %broadcast_in_dim3A_2047 = vector.shape_cast %xor3A_18 : vector<16xi32> to vector<16x1xi32>
        %gather3A_2048 = vector.shape_cast %broadcast_in_dim3A_2047 : vector<16x1xi32> to vector<16xi32>
        %gather3A_2049 = tpu.dynamic_gather %add3A_2046[%gather3A_2048] in [0] : vector<16xf32>, vector<16xi32> -> vector<16xf32>
        %add3A_2050 = arith.addf %add3A_2046, %gather3A_2049 : vector<16xf32>
        %broadcast_in_dim3A_2051 = vector.shape_cast %xor3A_21 : vector<16xi32> to vector<16x1xi32>
        %gather3A_2052 = vector.shape_cast %broadcast_in_dim3A_2051 : vector<16x1xi32> to vector<16xi32>
        %gather3A_2053 = tpu.dynamic_gather %add3A_2050[%gather3A_2052] in [0] : vector<16xf32>, vector<16xi32> -> vector<16xf32>
        %add3A_2054 = arith.addf %add3A_2050, %gather3A_2053 : vector<16xf32>
        %broadcast_in_dim3A_2055 = vector.shape_cast %xor3A_24 : vector<16xi32> to vector<16x1xi32>
        %gather3A_2056 = vector.shape_cast %broadcast_in_dim3A_2055 : vector<16x1xi32> to vector<16xi32>
        %gather3A_2057 = tpu.dynamic_gather %add3A_2054[%gather3A_2056] in [0] : vector<16xf32>, vector<16xi32> -> vector<16xf32>
        %add3A_2058 = arith.addf %add3A_2054, %gather3A_2057 : vector<16xf32>
        %select_n3A_2059 = arith.select %eq3A_2008, %add3A_2058, %select_n3A_1937 : vector<16xi1>, vector<16xf32>
        %mul3A_2060 = arith.mulf %select_n3A_2042, %select_n3A_2059 : vector<16xf32>
        %bitcast_convert_type3A = tpu.bitcast %mul3A_2060 : vector<16xf32> -> vector<16xi32>
        %shift_right_arithmetic3A = arith.constant 1 : i32
        %shift_right_arithmetic3A_2061 = vector.broadcast %shift_right_arithmetic3A : i32 to vector<16xi32>
        %shift_right_arithmetic3A_2062 = arith.shrsi %bitcast_convert_type3A, %shift_right_arithmetic3A_2061 : vector<16xi32>
        %sub3A = arith.constant 1597463007 : i32
        %sub3A_2063 = vector.broadcast %sub3A : i32 to vector<16xi32>
        %sub3A_2064 = arith.subi %sub3A_2063, %shift_right_arithmetic3A_2062 : vector<16xi32>
        %bitcast_convert_type3A_2065 = tpu.bitcast %sub3A_2064 : vector<16xi32> -> vector<16xf32>
        %mul3A_2066 = arith.constant 5.000000e-01 : f32
        %mul3A_2067 = vector.broadcast %mul3A_2066 : f32 to vector<16xf32>
        %mul3A_2068 = arith.mulf %mul3A_2067, %mul3A_2060 : vector<16xf32>
        %mul3A_2069 = arith.mulf %mul3A_2068, %bitcast_convert_type3A_2065 : vector<16xf32>
        %mul3A_2070 = arith.mulf %mul3A_2069, %bitcast_convert_type3A_2065 : vector<16xf32>
        %sub3A_2071 = arith.constant 1.500000e+00 : f32
        %sub3A_2072 = vector.broadcast %sub3A_2071 : f32 to vector<16xf32>
        %sub3A_2073 = arith.subf %sub3A_2072, %mul3A_2070 : vector<16xf32>
        %mul3A_2074 = arith.mulf %bitcast_convert_type3A_2065, %sub3A_2073 : vector<16xf32>
        %mul3A_2075 = arith.constant 5.000000e-01 : f32
        %mul3A_2076 = vector.broadcast %mul3A_2075 : f32 to vector<16xf32>
        %mul3A_2077 = arith.mulf %mul3A_2076, %mul3A_2060 : vector<16xf32>
        %mul3A_2078 = arith.mulf %mul3A_2077, %mul3A_2074 : vector<16xf32>
        %mul3A_2079 = arith.mulf %mul3A_2078, %mul3A_2074 : vector<16xf32>
        %sub3A_2080 = arith.constant 1.500000e+00 : f32
        %sub3A_2081 = vector.broadcast %sub3A_2080 : f32 to vector<16xf32>
        %sub3A_2082 = arith.subf %sub3A_2081, %mul3A_2079 : vector<16xf32>
        %mul3A_2083 = arith.mulf %mul3A_2074, %sub3A_2082 : vector<16xf32>
        %mul3A_2084 = arith.constant 5.000000e-01 : f32
        %mul3A_2085 = vector.broadcast %mul3A_2084 : f32 to vector<16xf32>
        %mul3A_2086 = arith.mulf %mul3A_2085, %mul3A_2060 : vector<16xf32>
        %mul3A_2087 = arith.mulf %mul3A_2086, %mul3A_2083 : vector<16xf32>
        %mul3A_2088 = arith.mulf %mul3A_2087, %mul3A_2083 : vector<16xf32>
        %sub3A_2089 = arith.constant 1.500000e+00 : f32
        %sub3A_2090 = vector.broadcast %sub3A_2089 : f32 to vector<16xf32>
        %sub3A_2091 = arith.subf %sub3A_2090, %mul3A_2088 : vector<16xf32>
        %mul3A_2092 = arith.mulf %mul3A_2083, %sub3A_2091 : vector<16xf32>
        %mul3A_2093 = arith.mulf %select_n3A_2025, %mul3A_2092 : vector<16xf32>
        %add3A_2094 = arith.addi %mul3A_32, %mul3A_105 : i32
        %swap3A = arith.index_cast %add3A_2094 : i32 to index
        %swap3A_2095 = tpu.vector_load %arg13[%swap3A] {strides = array<i32>} : memref<512xf32, #tpu.memory_space<vmem>>, vector<16xf32>,
        %swap3A_2096 = vector.shape_cast %swap3A_2095 : vector<16xf32> to vector<16xf32>
        %swap3A_2097 = vector.shape_cast %mul3A_2093 : vector<16xf32> to vector<16xf32>
        tpu.vector_store %arg13[%swap3A], %swap3A_2097 {strides = array<i32>} : memref<512xf32, #tpu.memory_space<vmem>>, vector<16xf32>,
      }
      %scan3A_102 = arith.constant 16 : i32
    }
    %scan3A_29 = arith.constant 2 : i32
    "tpu.region"() ({
      %run_scoped3A = tpu.sem_alloc : memref<!tpu.dma_semaphore, #tpu.memory_space<semaphore_mem>>
      %dma_start3A = tpu.memref_slice %arg7[%mul3A_2] : memref<16384xf32, #tpu.memory_space<hbm>> -> memref<512xf32, #tpu.memory_space<hbm>>
      %dma_start3A_30 = tpu.memref_slice %arg7[%mul3A_2] : memref<16384xf32, #tpu.memory_space<hbm>> -> memref<512xf32, #tpu.memory_space<hbm>>
      tpu.enqueue_dma source(%arg13 : memref<512xf32, #tpu.memory_space<vmem>>) target(%dma_start3A_30 : memref<512xf32, #tpu.memory_space<hbm>>) target_semaphore(%run_scoped3A : memref<!tpu.dma_semaphore, #tpu.memory_space<semaphore_mem>>)
      %dma_wait3A = tpu.memref_slice %arg7[%mul3A_2] : memref<16384xf32, #tpu.memory_space<hbm>> -> memref<512xf32, #tpu.memory_space<hbm>>
      %dma_wait3A_31 = tpu.memref_slice %arg7[%mul3A_2] : memref<16384xf32, #tpu.memory_space<hbm>> -> memref<512xf32, #tpu.memory_space<hbm>>
      tpu.wait_dma2 semaphore(%run_scoped3A : memref<!tpu.dma_semaphore, #tpu.memory_space<semaphore_mem>>) src(%arg13 : memref<512xf32, #tpu.memory_space<vmem>>) dst(%dma_wait3A_31 : memref<512xf32, #tpu.memory_space<hbm>>)
      tpu.yield
    }) : () -> ()
    return
  }
}

</mosaic_0001>

<sc_bundles>
// kernel: _gmf.3.cloned.1.call-start
scs
__scs_entry_jumppad:
0x0: {  	(pc) =	sbr.rel $0x88, $3  }
0x1: {  	(tag) =	ssettag $0x0;
	lr =	simm.s32 $0x1  }
0x2: {  	[smem:$0x3F9C] =	sst lr;
	_ =	strace $0xD0000000  }
0x3: {  	_ = 	snop  }
0x4: {  	_ = 	snop  }
0x5: {  	_ = 	snop  }
0x6: {  	_ = 	snop  }
0x7: {  	_ = 	snop  }
__scs_overlays_trampoline_lowered:
0x8: {  	[smem:$0x3FAB] =	sst s0  }
0x9: {  	[smem:$0x3FAC] =	sst s1  }
0xa: {  	[smem:$0x3FAD] =	sst s2  }
0xb: {  	[smem:$0x3FAE] =	sst s3  }
0xc: {  	[smem:$0x3FAF] =	sst s4  }
0xd: {  	[smem:$0x3FB0] =	sst s5  }
0xe: {  	[smem:$0x3FB1] =	sst s6  }
0xf: {  	[smem:$0x3FB2] =	sst s7  }
0x10: {  	[smem:$0x3FB3] =	sst s8  }
0x11: {  	[smem:$0x3FB4] =	sst s9;
	s0 =	simm.s32 @!p0 $0x0  }
0x12: {  	s1 =	sld [smem:$0x3F9A];
	s0 =	simm.s32 @p0 $0x1  }
0x13: {  	[smem:$0x3FB5] =	sst s0;
	s0 =	simm.s32 @!p1 $0x0  }
0x14: {  	s2 =	sld [smem:$0x3F99];
	s0 =	simm.s32 @p1 $0x1  }
0x15: {  	[smem:$0x3FB6] =	sst s0;
	s0 =	simm.s32 @!p2 $0x0  }
0x16: {  	s3 =	sld [smem:$0x3FDB];
	s0 =	simm.s32 @p2 $0x1  }
0x17: {  	s4 =	simm.s32 $0x1BF5;
	[smem:$0x3FB8] =	sst s0  }
0x18: {  	s0 =	sld [smem:$0x3F9B];
	_ =	swait.ge [sflag:s4], $0x0  }
0x19: {  	s7 =	sld [smem:$0x3F9C]  }
0x1a: {  	s8 =	sadd.s32 $0xFFFFE003, lr  }
0x1b: {  	s9 =	sadd.s32 $0xFFFFFEF7, lr;
	s5 =	simm.s32 $0xFFFFFFFF;
	p2 =	slt.u32 s8, $0xFFFFF086  }
0x1c: {  	p1 =	slt.u32 s9, $0xF7A;
	s5 =	simm.s32 @!p2 $0x0  }
0x1d: {  	s5 =	simm.s32 @p1 $0x1;
	p0 =	seq.s32 s7, s2  }
0x1e: {  	s7 =	smul.u32 @!p0 $0xF7A, s2;
	p2 =	seq.s32 @!p0 s5, $0x0  }
0x1f: {  	s9 =	smul.u32 $0xF7A, s1;
	s8 =	simm.s32 @!p0 $0x1BF5;
	p2 =	por !p2, p0  }
0x20: {  	[sflag:s8] =	ssyncset.s32 @!p0 $0xFFFFF086;
	s6 =	sadd.s32 @!p0 s3, s7;
	s7 =	simm.s32 @!p0 $0x108  }
0x21: {  	s3 =	sadd.s32 s3, s9;
	s6 =	sadd.s32 @!p0 $0x88, s6;
	s7 =	simm.s32 @p2 $0x1082  }
0x22: {  	[simem:s7], [sflag:s8] =	dma.local @!p0 [hbm:s6], $0xF7A  }
0x23: {  	s9 =	sor.u32 $0xD0000000, s2;
	s6 =	simm.s32 $0x108;
	_ =	swait.ge @!p0 [sflag:s8], $0x0  }
0x24: {  	s3 =	sadd.s32 $0x88, s3;
	s6 =	simm.s32 @!p1 $0x1082;
	[sflag:s4] =	ssyncset.s32 $0xFFFFF086  }
0x25: {  	[simem:s6], [sflag:s4] =	dma.local [hbm:s3], $0xF7A  }
0x26: {  	[smem:$0x3F9C] =	sst s1;
	(tag) =	ssettag s2;
	_ =	strace s9  }
0x27: {  	s1 =	sld [smem:$0x3FAC]  }
0x28: {  	s2 =	sld [smem:$0x3FAD]  }
0x29: {  	s4 =	sld [smem:$0x3FAF]  }
0x2a: {  	p0 =	seq.s32 s5, $0x0;
	s5 =	sld [smem:$0x3FB0]  }
0x2b: {  	s6 =	sld [smem:$0x3FB1]  }
0x2c: {  	s7 =	sld [smem:$0x3FB2]  }
0x2d: {  	s3 =	simm.s32 $0x108;
	s8 =	sld [smem:$0x3FB3]  }
0x2e: {  	s3 =	simm.s32 @!p0 $0x1082;
	s9 =	sld [smem:$0x3FB4]  }
0x2f: {  	lr =	sadd.s32 s0, s3;
	s0 =	sld [smem:$0x3FAB]  }
0x30: {  	s3 =	sld [smem:$0x3FAE]  }
0x31: {  	[smem:$0x3FB7] =	sst s10  }
0x32: {  	s10 =	sld [smem:$0x3FB5];
	_ =	sdelay $0x3  }
0x33: {  	p0 =	seq.s32 s10, $0x1;
	s10 =	sld [smem:$0x3FB7];
	_ =	sdelay $0x3  }
0x34: {  	[smem:$0x3FB7] =	sst s10  }
0x35: {  	s10 =	sld [smem:$0x3FB6];
	_ =	sdelay $0x3  }
0x36: {  	p1 =	seq.s32 s10, $0x1;
	s10 =	sld [smem:$0x3FB7];
	_ =	sdelay $0x3  }
0x37: {  	[smem:$0x3FB7] =	sst s10  }
0x38: {  	s10 =	sld [smem:$0x3FB8]  }
0x39: {  	_ = 	snop;
	(pc) =	sbr.ind lr, $3  }
0x3a: {  	_ = 	snop  }
0x3b: {  	_ = 	snop  }
0x3c: {  	p2 =	seq.s32 s10, $0x1;
	s10 =	sld [smem:$0x3FB7]  }
0x3d: {  	_ =	shalt  }
0x3e: {  	_ =	shalt  }
0x3f: {  	_ =	shalt  }
0x40: {  	_ =	shalt  }
0x41: {  	_ =	shalt  }
0x42: {  	_ =	shalt  }
0x43: {  	_ =	shalt  }
0x44: {  	_ =	shalt  }
0x45: {  	_ =	shalt  }
0x46: {  	_ =	shalt  }
0x47: {  	_ =	shalt  }
0x48: {  	_ =	shalt  }
0x49: {  	_ =	shalt  }
0x4a: {  	_ =	shalt  }
0x4b: {  	_ =	shalt  }
0x4c: {  	_ =	shalt  }
0x4d: {  	_ =	shalt  }
0x4e: {  	_ =	shalt  }
0x4f: {  	_ =	shalt  }
0x50: {  	_ =	shalt  }
0x51: {  	_ =	shalt  }
0x52: {  	_ =	shalt  }
0x53: {  	_ =	shalt  }
0x54: {  	_ =	shalt  }
0x55: {  	_ =	shalt  }
0x56: {  	_ =	shalt  }
0x57: {  	_ =	shalt  }
0x58: {  	_ =	shalt  }
0x59: {  	_ =	shalt  }
0x5a: {  	_ =	shalt  }
0x5b: {  	_ =	shalt  }
0x5c: {  	_ =	shalt  }
0x5d: {  	_ =	shalt  }
0x5e: {  	_ =	shalt  }
0x5f: {  	_ =	shalt  }
0x60: {  	_ =	shalt  }
0x61: {  	_ =	shalt  }
0x62: {  	_ =	shalt  }
0x63: {  	_ =	shalt  }
0x64: {  	_ =	shalt  }
0x65: {  	_ =	shalt  }
0x66: {  	_ =	shalt  }
0x67: {  	_ =	shalt  }
0x68: {  	_ =	shalt  }
0x69: {  	_ =	shalt  }
0x6a: {  	_ =	shalt  }
0x6b: {  	_ =	shalt  }
0x6c: {  	_ =	shalt  }
0x6d: {  	_ =	shalt  }
0x6e: {  	_ =	shalt  }
0x6f: {  	_ =	shalt  }
0x70: {  	_ =	shalt  }
0x71: {  	_ =	shalt  }
0x72: {  	_ =	shalt  }
0x73: {  	_ =	shalt  }
0x74: {  	_ =	shalt  }
0x75: {  	_ =	shalt  }
0x76: {  	_ =	shalt  }
0x77: {  	_ =	shalt  }
0x78: {  	_ =	shalt  }
0x79: {  	_ =	shalt  }
0x7a: {  	_ =	shalt  }
0x7b: {  	_ =	shalt  }
0x7c: {  	_ =	shalt  }
0x7d: {  	_ =	shalt  }
0x7e: {  	_ =	shalt  }
0x7f: {  	_ =	shalt  }
0x80: {  	_ =	shalt  }
0x81: {  	_ =	shalt  }
0x82: {  	_ =	shalt  }
0x83: {  	_ =	shalt  }
0x84: {  	_ =	shalt  }
0x85: {  	_ =	shalt  }
0x86: {  	_ =	shalt  }
0x87: {  	_ =	shalt  }
.Lfunc_end0:
.L_simem_size_0:
called_computation_lowered:
.L_overlay_start_0:
0x88: {  	s2 =	sld [smem:$0x3FD9]  }
0x89: {  	s3 =	sld [smem:$0x3FFE];
	_ =	sdelay $0x1  }
0x8a: {  	s1 =	srdreg.scid  }
0x8b: {  	s0 =	sand.u32 $0x1, s1  }
0x8c: {  	s17 =	sshll.u32 s0, $0xA;
	s2 =	sadd.s32 s3, s2  }
0x8d: {  	s2 =	sadd.s32 s2, s17  }
0x8e: {  	[smem:$0x3FC3] =	sst s2  }
0x8f: {  	_ = 	snop  }
0x90: {  	s2 =	sld [smem:$0x3FC9]  }
0x91: {  	s18 =	sld [smem:$0x3FC8]  }
0x92: {  	s4 =	sld [smem:$0x3FC5]  }
0x93: {  	s5 =	sld [smem:$0x3FD0];
	(tm) =	ssettm $0x1  }
0x94: {  	s6 =	sld [smem:$0x3FFB];
	_ =	sdelay $0x3  }
0x95: {  	_ =	strace s6  }
0x96: {  	s6 =	sld [smem:$0x3FFC];
	_ =	sdelay $0x3  }
0x97: {  	_ =	strace s6  }
0x98: {  	s6 =	sld [smem:$0x3FFD];
	_ =	sdelay $0x3  }
0x99: {  	_ =	strace s6  }
0x9a: {  	_ =	strace $0x8FFFFFFF  }
0x9b: {  	s19 =	sld [smem:$0x3FDB];
	_ =	sdelay $0x1  }
0x9c: {  	s7 =	simm.s32 $_scs_section_size  }
0x9d: {  	s8 =	simm.s32 $_size__tile_overlayer_lowered;
	s9 =	simm.s32 $_tile_overlayer_lowered  }
0x9e: {  	s22 =	simm.s32 $0x1BFF;
	s21 =	sshll.u32 s9, $0x1;
	s6 =	sadd.s32 s7, s19  }
0x9f: {  	s10 =	simm.s32 $0x0;
	s20 =	sshll.u32 s8, $0x1;
	s8 =	sadd.s32 s21, s6  }
0xa0: {  	[timem:s10], [sflag:s22] =	dma.local [hbm:s8], s20  }
0xa1: {  	_ =	swait.ge [sflag:s22], s20  }
0xa2: {  	s7 =	ssub.s32 $0x0, s20;
	[sflag:s22] =	ssyncset.done $0x0  }
0xa3: {  	[sflag:s22] =	ssyncadd.s32 s7;
	_ =	sdelay $0x1  }
0xa4: {  	s23 =	simm.s32 $0x1B8B  }
0xa5: {  	_ =	swait.ge [sflag:s23], $0x1  }
0xa6: {  	[sflag:s23] =	ssyncset.done $0x0  }
0xa7: {  	s25 =	simm.s32 $0x1B8E;
	s24 =	sld [smem:$0x3FFE];
	[sflag:s23] =	ssyncadd.s32 $0xFFFFFFFF  }
0xa8: {  	s26 =	simm.s32 $execute0_lowered;
	[smem:$0x3FD2] =	sst s25  }
0xa9: {  	s8 =	sshll.u32 s26, $0x1;
	_ =	strace $0x80000046;
	[dreg:$0x1] =	wrdreg $0xFFFFFFFF  }
0xaa: {  	s28 =	simm.s32 $_size_execute0_lowered;
	s6 =	sadd.s32 s6, s8;
	[dreg:$0x0] =	wrdreg $0x0  }
0xab: {  	s8 =	sshll.u32 s28, $0x1;
	[dreg:$0x2] =	wrdreg s6  }
0xac: {  	[dreg:$0x3] =	wrdreg s8  }
0xad: {  	[dreg:$0x4] =	wrdreg $0xC0  }
0xae: {  	_ =	task [dreg:s10], $0x5FFFF  }
0xaf: {  	[dreg:$0x1] =	wrdreg $0xFFFFFFFF  }
0xb0: {  	[dreg:$0x0] =	wrdreg $0x60  }
0xb1: {  	[dreg:$0x2] =	wrdreg s2  }
0xb2: {  	[dreg:$0x3] =	wrdreg s18  }
0xb3: {  	[dreg:$0x4] =	wrdreg s24  }
0xb4: {  	[dreg:$0x5] =	wrdreg s4  }
0xb5: {  	[dreg:$0x6] =	wrdreg s5  }
0xb6: {  	[dreg:$0x7] =	wrdreg $0x9  }
0xb7: {  	_ =	task.clear_ibuf [dreg:s10], $0x8FFFF;
	_ =	strace $0x90000046  }
0xb8: {  	s29 =	simm.s32 $0x9;
	_ =	strace $0x80000048  }
0xb9: {  	_ =	swait.ge [sflag:s29], $0x1  }
0xba: {  	[sflag:s29] =	ssyncadd.s32 $0xFFFFFFFF  }
0xbb: {  	_ =	strace $0x90000048  }
0xbc: {  	_ =	sfence  }
0xbd: {  	s30 =	sld [smem:$0x0];
	_ =	sdelay $0x2  }
0xbe: {  	s31 =	sshll.u32 s1, $0xD;
	s1 =	sshrl.u32 s1, $0x2  }
0xbf: {  	s3 =	sand.u32 $0x4000, s31;
	s1 =	sadd.s32 s1, s30  }
0xc0: {  	s0 =	sor.u32 s3, s0;
	s1 =	sshll.u32 s1, $0x11  }
0xc1: {  	s0 =	sor.u32 s1, s0  }
0xc2: {  	s0 =	sadd.s32 $0x8F2B, s0  }
0xc3: {  	[sflag:s0] =	ssyncadd.remote.s32 $0x1  }
0xc4: {  	_ =	sfence.sel $0xFFFF  }
0xc5: {  	[dreg:$0x0] =	wrdreg $0xFFFFFFFF;
	(pc) =	sbr.abs _section_cstart, $3  }
0xc6: {  	[dreg:$0x1] =	wrdreg $0xFFFFFFFF  }
0xc7: {  	_ =	task.clear_ibuf [dreg:s10], $0x2FFFF;
	_ =	strace $0x9FFFFFFF  }
0xc8: {  	(tm) =	ssettm $0x7FFFFFFF  }
0xc9: {  	_ =	shalt  }
tec
execute0_lowered:
.L_overlay_start_1:
0x0: {  	(tag) =	ssettag $0x1  }
0x1: {  	v0 =	vimm.s32 $0xFEDCBA98;
	v1 =	vimm.s32 $0x76543210  }
0x2: {  	v2 =	vimm.s32 $0xBA98FEDC;
	v3 =	vimm.s32 $0x32107654;
	v4 =	vimm.s32 $0xDCFE98BA  }
0x3: {  	v5 =	vimm.s32 $0x54761032;
	v6 =	vimm.s32 $0xEFCDAB89;
	v7 =	vimm.s32 $0x67452301  }
0x4: {  	s0 =	rddreg [dreg:$0x0];
	vm0 =	vmmov $0x1;
	vm1 =	vmmov $0x3;
	vm2 =	vmmov $0x7  }
0x5: {  	s1 =	rddreg [dreg:$0x1];
	vm3 =	vmmov $0xf;
	vm4 =	vmmov $0x1f;
	vm5 =	vmmov $0x3f  }
0x6: {  	s3 =	rddreg [dreg:$0x2];
	vm6 =	vmmov $0x7f;
	vm7 =	vmmov $0xff;
	vm8 =	vmmov $0x1ff  }
0x7: {  	s8 =	rddreg [dreg:$0x4];
	s2 =	simm.s32 $0x0;
	vm9 =	vmmov $0x3ff;
	vm10 =	vmmov $0x7ff;
	vm11 =	vmmov $0xfff  }
0x8: {  	s4 =	srdreg.scid;
	s5 =	stileid.u32;
	s13 =	simm.s32 $0x1;
	v0 =	vunpack.c.l.s4.s8 v0;
	v1 =	vunpack.c.l.s4.s8 v1;
	v2 =	vunpack.c.l.s4.s8 v2  }
0x9: {  	s14 =	simm.s32 $0x2;
	s15 =	simm.s32 $0x3;
	v3 =	vunpack.c.l.s4.s8 v3;
	v4 =	vunpack.c.l.s4.s8 v4;
	v5 =	vunpack.c.l.s4.s8 v5;
	s4 =	sand.u32 $0x1, s4  }
0xa: {  	v6 =	vunpack.c.l.s4.s8 v6;
	v7 =	vunpack.c.l.s4.s8 v7;
	[smem:$0x7FF] =	sst s2;
	s5 =	sshll.u32 s5, $0x7;
	s7 =	sshll.u32 s4, $0x6;
	v0 =	vunpack.c.0.s8.s32 v0  }
0xb: {  	s16 =	simm.s32 $0x4;
	_ =	strace $0x80000047;
	v2 =	vunpack.c.0.s8.s32 v2;
	v3 =	vunpack.c.0.s8.s32 v3;
	v4 =	vunpack.c.0.s8.s32 v4;
	s10 =	sor.u32 s7, s5  }
0xc: {  	s6 =	ssub.s32 $0x2, s4;
	s4 =	sadd.s32 $0x400, s3;
	v5 =	vunpack.c.0.s8.s32 v5;
	v6 =	vunpack.c.0.s8.s32 v6;
	v7 =	vunpack.c.0.s8.s32 v7;
	s0 =	sadd.s32 s0, s10  }
0xd: {  	vm12 =	vmmov $0x1fff;
	v1 =	vunpack.c.0.s8.s32 v1;
	s9 =	sshrl.u32 s6, $0x1;
	s29 =	sadd.s32 s1, s10;
	v2 =	vcombine.low v3, v2;
	[dreg:$0x7] =	wrdreg s0  }
0xe: {  	s28 =	ssub.s32 s6, s9;
	s30 =	sadd.s32 s8, s10;
	v3 =	vcombine.low v5, v4;
	v4 =	vcombine.low v7, v6;
	v0 =	vand.u32 $0xF, v0;
	[dreg:$0x8] =	wrdreg s29  }
0xf: {  	vm13 =	vmmov $0x3fff;
	vm14 =	vmmov $0x7fff;
	s5 =	sadd.s32 $0xF42800, s3;
	[dreg:$0x9] =	wrdreg s30;
	s31 =	smax.u32 s28, $0x1;
	v0 =	vcombine.low v0, v1  }
0x10: {  	s3 =	simm.s32 $0x5;
	s1 =	simm.s32 $0x0;
	[dreg:$0xa] =	wrdreg s31;
	v1 =	vand.u32 $0xF, v2;
	v2 =	vand.u32 $0xF, v3;
	v3 =	vand.u32 $0xF, v4  }
.LBB2_1:
0x11: {  	[dreg:$0xb] =	wrdreg s1  }
0x12: {  	s0 =	rddreg [dreg:$0x3];
	s28 =	simm.s32 $0x10400  }
0x13: {  	[tilespmem:s28], [sflag:$0x5] =	stream.linear.gather [hbm4b:s0+s2], $0x80, $0x38;
	[tilespmem:$0x10680] =	vst v63  }
0x14: {  	_ =	swait.ge [sflag:s3], $0x80  }
0x15: {  	[sflag:s3] =	ssyncset.done $0x0  }
0x16: {  	s29 =	rddreg [dreg:$0x7];
	[sflag:s3] =	ssyncadd.s32 $0xFFFFFF80  }
0x17: {  	[tilespmem:s2], [sflag:$0x5] =	stream.linear.gather [hbm4b:s29+s2], $0x200, $0x38;
	[tilespmem:$0x10680] =	vst v63  }
0x18: {  	_ =	swait.ge [sflag:s3], $0x200  }
0x19: {  	[sflag:s3] =	ssyncset.done $0x0  }
0x1a: {  	s31 =	simm.s32 $0x200;
	s30 =	rddreg [dreg:$0x8];
	[sflag:s3] =	ssyncadd.s32 $0xFFFFFE00  }
0x1b: {  	[tilespmem:s31], [sflag:$0x5] =	stream.linear.gather [hbm4b:s30+s2], $0x200, $0x38;
	[tilespmem:$0x10680] =	vst v63  }
0x1c: {  	_ =	swait.ge [sflag:s3], $0x200  }
0x1d: {  	[sflag:s3] =	ssyncset.done $0x0  }
0x1e: {  	[sflag:s3] =	ssyncadd.s32 $0xFFFFFE00  }
0x1f: {  	v4 =	vld [tilespmem:$0x10400]  }
0x20: {  	v5 =	vld [tilespmem:$0x10410]  }
0x21: {  	v6 =	vld [tilespmem:$0x10420]  }
0x22: {  	v7 =	vld [tilespmem:$0x10430];
	_ =	sdelay $0x1  }
0x23: {  	[tilespmem:$0x1FFC0] =	vst v4  }
0x24: {  	[tilespmem:$0x1FFD0] =	vst v5  }
0x25: {  	[tilespmem:$0x1FFE0] =	vst v6  }
0x26: {  	p1 =	por $0x1, $0x1;
	s21 =	simm.s32 $0x0;
	[tilespmem:$0x1FFF0] =	vst v7  }
.LBB2_2:
0x27: {  	s0 =	simm.s32 $0x0  }
0x28: {  	s1 =	sand.u32 $0x80, s0  }
0x29: {  	s0 =	sand.u32 $0x70, s0;
	s1 =	sadd.s32 s1, s21  }
0x2a: {  	s0 =	sadd.s32 s0, s1  }
0x2b: {  	v8 =	vld [tilespmem:s0+$0x0];
	_ =	sdelay $0x4  }
0x2c: {  	v8 =	vshll.u32 v8, $0x4  }
0x2d: {  	(v2sf) =	vpush v8, $0x0  }
0x2e: {  	(v2sf) =	vpush v8, $0x1  }
0x2f: {  	(v2sf) =	vpush v8, $0x2;
	_ =	sdelay $0x1  }
0x30: {  	(v2sf) =	vpush v8, $0x3  }
0x31: {  	(v2sf) =	vpush v8, $0x4;
	_ =	sdelay $0x1  }
0x32: {  	(v2sf) =	vpush v8, $0x5  }
0x33: {  	(v2sf) =	vpush v8, $0x6;
	_ =	sdelay $0x4  }
0x34: {  	p0 =	por p1, p1;
	s19 =	simm.s32 $0x2000;
	s20 =	simm.s32 $0x0  }
0x35: {  	s23 =	simm.s32 $0xA00;
	s22 =	simm.s32 $0xA80;
	s24 =	simm.s32 $0x10  }
0x36: {  	s28 =	simm.s32 $0x880;
	s26 =	simm.s32 $0x900;
	s30 =	spop (v2sf)  }
0x37: {  	s25 =	simm.s32 $0x980;
	s30 =	sand.u32 $0x1FFFFFF0, s30;
	s12 =	spop (v2sf)  }
0x38: {  	s31 =	simm.s32 $0x400;
	(v2sf) =	vpush v8, $0x7;
	s30 =	sadd.s32 s4, s30;
	s17 =	spop (v2sf)  }
0x39: {  	[tilespmem:s31], [sflag:$0x1] =	stream.linear.gather [hbm4b:s30+s2], $0x80, $0x38;
	[tilespmem:$0x10680] =	vst v63  }
0x3a: {  	s18 =	simm.s32 $0x580;
	s12 =	sand.u32 $0x1FFFFFF0, s12;
	s30 =	spop (v2sf)  }
0x3b: {  	s10 =	simm.s32 $0x480;
	(v2sf) =	vpush v8, $0x8;
	s12 =	sadd.s32 s4, s12;
	s7 =	spop (v2sf)  }
0x3c: {  	[tilespmem:s10], [sflag:$0x2] =	stream.linear.gather [hbm4b:s12+s2], $0x80, $0x38;
	[tilespmem:$0x10680] =	vst v63  }
0x3d: {  	s3 =	simm.s32 $0x680;
	s6 =	sand.u32 $0x1FFFFFF0, s30;
	s11 =	spop (v2sf)  }
0x3e: {  	s17 =	sand.u32 $0x1FFFFFF0, s17;
	s8 =	sadd.s32 s4, s6;
	s6 =	spop (v2sf);
	(v2sf) =	vpush v8, $0x9  }
0x3f: {  	s29 =	simm.s32 $0x500;
	s1 =	simm.s32 $0x600;
	s31 =	sadd.s32 s4, s17;
	(v2sf) =	vpush v8, $0xA  }
0x40: {  	[tilespmem:s29], [sflag:$0x3] =	stream.linear.gather [hbm4b:s31+s2], $0x80, $0x38;
	[tilespmem:$0x10680] =	vst v63  }
0x41: {  	s17 =	simm.s32 $0x780;
	s30 =	simm.s32 $0x800;
	s9 =	sand.u32 $0x1FFFFFF0, s7;
	(v2sf) =	vpush v8, $0xB  }
0x42: {  	[tilespmem:s18], [sflag:$0x4] =	stream.linear.gather [hbm4b:s8+s2], $0x80, $0x38;
	[tilespmem:$0x10680] =	vst v63  }
0x43: {  	s31 =	sand.u32 $0x1FFFFFF0, s11;
	s11 =	simm.s32 $0x700;
	s18 =	sadd.s32 s4, s9;
	(v2sf) =	vpush v8, $0xC  }
0x44: {  	[tilespmem:s1], [sflag:$0x1] =	stream.linear.gather [hbm4b:s18+s2], $0x80, $0x38;
	[tilespmem:$0x10680] =	vst v63  }
0x45: {  	s29 =	simm.s32 $0x4000;
	s7 =	sadd.s32 s4, s31;
	s8 =	sand.u32 $0x1FFFFFF0, s6;
	(v2sf) =	vpush v8, $0xD  }
0x46: {  	[tilespmem:s3], [sflag:$0x2] =	stream.linear.gather [hbm4b:s7+s2], $0x80, $0x38;
	[tilespmem:$0x10680] =	vst v63  }
0x47: {  	s9 =	spop (v2sf);
	s1 =	sadd.s32 s4, s8;
	s18 =	sand.u32 $0x80, s24;
	(v2sf) =	vpush v8, $0xE  }
0x48: {  	[tilespmem:s11], [sflag:$0x3] =	stream.linear.gather [hbm4b:s1+s2], $0x80, $0x38;
	[tilespmem:$0x10680] =	vst v63  }
0x49: {  	s31 =	sand.u32 $0x70, s24;
	s12 =	sand.u32 $0x1FFFFFF0, s9;
	(v2sf) =	vpush v8, $0xF;
	s1 =	sadd.s32 s18, s21  }
0x4a: {  	s3 =	sadd.s32 s4, s12;
	s0 =	sadd.s32 s31, s1;
	s1 =	spop (v2sf)  }
0x4b: {  	[tilespmem:s17], [sflag:$0x4] =	stream.linear.gather [hbm4b:s3+s2], $0x80, $0x38;
	[tilespmem:$0x10680] =	vst v63  }
.LBB2_3:
0x4c: {  	p1 =	seq.s32 s29, $0x1E000;
	v8 =	vld [tilespmem:s0+$0x0];
	s0 =	sand.u32 $0x1FFFFFF0, s1  }
0x4d: {  	s1 =	spop (v2sf);
	s3 =	smov.u32 s19;
	s19 =	smov.u32 s29  }
0x4e: {  	s0 =	sadd.s32 s4, s0;
	s1 =	sand.u32 $0x1FFFFFF0, s1;
	s10 =	spop (v2sf)  }
0x4f: {  	[tilespmem:s30], [sflag:$0x1] =	stream.linear.gather [hbm4b:s0+s2], $0x80, $0x38;
	[tilespmem:$0x10680] =	vst v63  }
0x50: {  	s0 =	sadd.s32 s4, s1;
	s1 =	sand.u32 $0x1FFFFFF0, s10;
	s10 =	spop (v2sf)  }
0x51: {  	[tilespmem:s28], [sflag:$0x2] =	stream.linear.gather [hbm4b:s0+s2], $0x80, $0x38;
	[tilespmem:$0x10680] =	vst v63  }
0x52: {  	s0 =	sadd.s32 s4, s1;
	s1 =	sand.u32 $0x1FFFFFF0, s10;
	v8 =	vshll.u32 v8, $0x4;
	s10 =	spop (v2sf)  }
0x53: {  	(v2sf) =	vpush v8, $0x0;
	[tilespmem:s26], [sflag:$0x3] =	stream.linear.gather [hbm4b:s0+s2], $0x80, $0x38;
	[tilespmem:$0x10680] =	vst v63  }
0x54: {  	s0 =	sadd.s32 s4, s1;
	s1 =	sand.u32 $0x1FFFFFF0, s10;
	(v2sf) =	vpush v8, $0x1;
	s10 =	spop (v2sf)  }
0x55: {  	(v2sf) =	vpush v8, $0x2;
	[tilespmem:s25], [sflag:$0x4] =	stream.linear.gather [hbm4b:s0+s2], $0x80, $0x38;
	[tilespmem:$0x10680] =	vst v63  }
0x56: {  	s0 =	sadd.s32 s4, s1;
	s1 =	sand.u32 $0x1FFFFFF0, s10;
	s10 =	spop (v2sf)  }
0x57: {  	(v2sf) =	vpush v8, $0x3;
	[tilespmem:s23], [sflag:$0x1] =	stream.linear.gather [hbm4b:s0+s2], $0x80, $0x38;
	[tilespmem:$0x10680] =	vst v63  }
0x58: {  	s0 =	sadd.s32 s4, s1;
	s1 =	sand.u32 $0x1FFFFFF0, s10;
	s10 =	spop (v2sf)  }
0x59: {  	(v2sf) =	vpush v8, $0x4;
	[tilespmem:s22], [sflag:$0x2] =	stream.linear.gather [hbm4b:s0+s2], $0x80, $0x38;
	[tilespmem:$0x10680] =	vst v63  }
0x5a: {  	s1 =	sadd.s32 s4, s1;
	s0 =	sadd.s32 $0xB00, s20;
	s10 =	sand.u32 $0x1FFFFFF0, s10  }
0x5b: {  	(v2sf) =	vpush v8, $0x5;
	[tilespmem:s0], [sflag:$0x3] =	stream.linear.gather [hbm4b:s1+s2], $0x80, $0x38;
	[tilespmem:$0x10680] =	vst v63  }
0x5c: {  	s0 =	sadd.s32 $0xB80, s20;
	s20 =	sshra.s32 s3, $0x2;
	s1 =	sadd.s32 s4, s10  }
0x5d: {  	(v2sf) =	vpush v8, $0x6;
	[tilespmem:s0], [sflag:$0x4] =	stream.linear.gather [hbm4b:s1+s2], $0x80, $0x38;
	[tilespmem:$0x10680] =	vst v63  }
0x5e: {  	s24 =	sadd.s32 $0x10, s24;
	s23 =	sadd.s32 $0xA00, s20;
	s22 =	sadd.s32 $0xA80, s20  }
0x5f: {  	s28 =	sadd.s32 $0x880, s20;
	s26 =	sadd.s32 $0x900, s20;
	s25 =	sadd.s32 $0x980, s20;
	(v2sf) =	vpush v8, $0x7  }
0x60: {  	s31 =	sadd.s32 $0x780, s20;
	s30 =	sadd.s32 $0x800, s20;
	s1 =	sadd.s32 $0x700, s20  }
0x61: {  	s3 =	sadd.s32 $0x600, s20;
	s10 =	sadd.s32 $0x680, s20;
	s0 =	sadd.s32 $0x580, s20  }
0x62: {  	s12 =	sadd.s32 $0x480, s20;
	s17 =	sadd.s32 $0x500, s20;
	s6 =	spop (v2sf)  }
0x63: {  	s7 =	sadd.s32 $0x400, s20;
	s6 =	sand.u32 $0x1FFFFFF0, s6;
	s8 =	spop (v2sf)  }
0x64: {  	s6 =	sadd.s32 s4, s6;
	s8 =	sand.u32 $0x1FFFFFF0, s8;
	s9 =	spop (v2sf)  }
0x65: {  	[tilespmem:s7], [sflag:$0x1] =	stream.linear.gather [hbm4b:s6+s2], $0x80, $0x38;
	(v2sf) =	vpush v8, $0x8;
	[tilespmem:$0x10680] =	vst v63  }
0x66: {  	s6 =	sadd.s32 s4, s8;
	s7 =	sand.u32 $0x1FFFFFF0, s9;
	s8 =	spop (v2sf);
	(v2sf) =	vpush v8, $0x9  }
0x67: {  	[tilespmem:s12], [sflag:$0x2] =	stream.linear.gather [hbm4b:s6+s2], $0x80, $0x38;
	(v2sf) =	vpush v8, $0xA;
	[tilespmem:$0x10680] =	vst v63  }
0x68: {  	s6 =	sadd.s32 s4, s7;
	s7 =	sand.u32 $0x1FFFFFF0, s8;
	s8 =	spop (v2sf)  }
0x69: {  	[tilespmem:s17], [sflag:$0x3] =	stream.linear.gather [hbm4b:s6+s2], $0x80, $0x38;
	(v2sf) =	vpush v8, $0xB;
	[tilespmem:$0x10680] =	vst v63  }
0x6a: {  	s6 =	sadd.s32 s4, s7;
	s7 =	sand.u32 $0x1FFFFFF0, s8;
	s8 =	spop (v2sf)  }
0x6b: {  	[tilespmem:s0], [sflag:$0x4] =	stream.linear.gather [hbm4b:s6+s2], $0x80, $0x38;
	(v2sf) =	vpush v8, $0xC;
	[tilespmem:$0x10680] =	vst v63  }
0x6c: {  	s0 =	sadd.s32 s4, s7;
	s6 =	sand.u32 $0x1FFFFFF0, s8;
	s7 =	spop (v2sf)  }
0x6d: {  	[tilespmem:s3], [sflag:$0x1] =	stream.linear.gather [hbm4b:s0+s2], $0x80, $0x38;
	[tilespmem:$0x10680] =	vst v63  }
0x6e: {  	(v2sf) =	vpush v8, $0xD;
	s3 =	sand.u32 $0x1FFFFFF0, s7  }
0x6f: {  	s0 =	sadd.s32 s4, s6;
	s6 =	spop (v2sf);
	s3 =	sadd.s32 s4, s3  }
0x70: {  	[tilespmem:s10], [sflag:$0x2] =	stream.linear.gather [hbm4b:s0+s2], $0x80, $0x38;
	(v2sf) =	vpush v8, $0xE;
	[tilespmem:$0x10680] =	vst v63  }
.Ltmp0:
0x71: {  	s0 =	sand.u32 $0x80, s24;
	s6 =	sand.u32 $0x1FFFFFF0, s6;
	(pc) =	sbr.rel @!p1 .LBB2_3-.Ltmp0, $4  }
0x72: {  	[tilespmem:s1], [sflag:$0x3] =	stream.linear.gather [hbm4b:s3+s2], $0x80, $0x38;
	(v2sf) =	vpush v8, $0xF;
	[tilespmem:$0x10680] =	vst v63  }
0x73: {  	s0 =	sadd.s32 s0, s21;
	s1 =	sand.u32 $0x70, s24;
	s3 =	sadd.s32 s4, s6  }
0x74: {  	[tilespmem:s31], [sflag:$0x4] =	stream.linear.gather [hbm4b:s3+s2], $0x80, $0x38;
	[tilespmem:$0x10680] =	vst v63  }
0x75: {  	s29 =	sadd.s32 $0x2000, s29;
	s0 =	sadd.s32 s1, s0;
	s1 =	spop (v2sf)  }
0x76: {  	v8 =	vld [tilespmem:s0+$0x0];
	_ =	sdelay $0x1  }
0x77: {  	s8 =	sand.u32 $0x1FFFFFF0, s1;
	s9 =	spop (v2sf)  }
0x78: {  	s0 =	sadd.s32 s4, s8;
	s1 =	sand.u32 $0x1FFFFFF0, s9;
	s3 =	spop (v2sf)  }
0x79: {  	[tilespmem:s30], [sflag:$0x1] =	stream.linear.gather [hbm4b:s0+s2], $0x80, $0x38;
	[tilespmem:$0x10680] =	vst v63  }
0x7a: {  	s10 =	sadd.s32 s4, s1;
	s12 =	spop (v2sf);
	v8 =	vshll.u32 v8, $0x4  }
0x7b: {  	[tilespmem:s28], [sflag:$0x2] =	stream.linear.gather [hbm4b:s10+s2], $0x80, $0x38;
	(v2sf) =	vpush v8, $0x0;
	[tilespmem:$0x10680] =	vst v63  }
0x7c: {  	s19 =	sshra.s32 s19, $0x2;
	s11 =	sand.u32 $0x1FFFFFF0, s3;
	s24 =	spop (v2sf);
	(v2sf) =	vpush v8, $0x1  }
0x7d: {  	s0 =	sadd.s32 $0x580, s19;
	s17 =	sadd.s32 s4, s11;
	s18 =	sand.u32 $0x1FFFFFF0, s12;
	(v2sf) =	vpush v8, $0x2  }
0x7e: {  	[tilespmem:s26], [sflag:$0x3] =	stream.linear.gather [hbm4b:s17+s2], $0x80, $0x38;
	[tilespmem:$0x10680] =	vst v63  }
0x7f: {  	s1 =	sadd.s32 s4, s18;
	s6 =	sand.u32 $0x1FFFFFF0, s24;
	s7 =	spop (v2sf);
	(v2sf) =	vpush v8, $0x3  }
0x80: {  	s18 =	sadd.s32 $0xB00, s20;
	s8 =	sadd.s32 s4, s6;
	s10 =	spop (v2sf);
	(v2sf) =	vpush v8, $0x4  }
0x81: {  	[tilespmem:s25], [sflag:$0x4] =	stream.linear.gather [hbm4b:s1+s2], $0x80, $0x38;
	[tilespmem:$0x10680] =	vst v63  }
0x82: {  	s6 =	sadd.s32 $0x480, s19;
	s9 =	sand.u32 $0x1FFFFFF0, s7;
	s7 =	sadd.s32 $0x500, s19  }
0x83: {  	[tilespmem:s23], [sflag:$0x1] =	stream.linear.gather [hbm4b:s8+s2], $0x80, $0x38;
	[tilespmem:$0x10680] =	vst v63  }
0x84: {  	s11 =	sadd.s32 s4, s9;
	s12 =	sand.u32 $0x1FFFFFF0, s10;
	s17 =	spop (v2sf);
	(v2sf) =	vpush v8, $0x5  }
0x85: {  	[tilespmem:s22], [sflag:$0x2] =	stream.linear.gather [hbm4b:s11+s2], $0x80, $0x38;
	[tilespmem:$0x10680] =	vst v63  }
0x86: {  	s9 =	sadd.s32 $0x400, s19;
	s1 =	sadd.s32 s4, s12;
	s3 =	sand.u32 $0x1FFFFFF0, s17;
	(v2sf) =	vpush v8, $0x6  }
0x87: {  	[tilespmem:s18], [sflag:$0x3] =	stream.linear.gather [hbm4b:s1+s2], $0x80, $0x38;
	[tilespmem:$0x10680] =	vst v63  }
0x88: {  	s22 =	sadd.s32 $0xB80, s20;
	s20 =	sadd.s32 $0xA80, s19;
	s23 =	sadd.s32 s4, s3;
	(v2sf) =	vpush v8, $0x7  }
0x89: {  	[tilespmem:s22], [sflag:$0x4] =	stream.linear.gather [hbm4b:s23+s2], $0x80, $0x38;
	[tilespmem:$0x10680] =	vst v63  }
0x8a: {  	s3 =	sadd.s32 $0x680, s19;
	s1 =	sadd.s32 $0x600, s19;
	s8 =	spop (v2sf)  }
0x8b: {  	s22 =	sadd.s32 $0xA00, s19;
	s8 =	sand.u32 $0x1FFFFFF0, s8;
	s10 =	spop (v2sf)  }
0x8c: {  	(v2sf) =	vpush v8, $0x8;
	s8 =	sadd.s32 s4, s8;
	s10 =	sand.u32 $0x1FFFFFF0, s10;
	s12 =	spop (v2sf)  }
0x8d: {  	[tilespmem:s9], [sflag:$0x1] =	stream.linear.gather [hbm4b:s8+s2], $0x80, $0x38;
	[tilespmem:$0x10680] =	vst v63  }
0x8e: {  	s24 =	sadd.s32 s4, s10;
	s25 =	sand.u32 $0x1FFFFFF0, s12;
	s26 =	spop (v2sf);
	(v2sf) =	vpush v8, $0x9  }
0x8f: {  	s10 =	sadd.s32 $0x700, s19;
	(v2sf) =	vpush v8, $0xA;
	s11 =	sand.u32 $0x1FFFFFF0, s26;
	s12 =	spop (v2sf)  }
0x90: {  	[tilespmem:s6], [sflag:$0x2] =	stream.linear.gather [hbm4b:s24+s2], $0x80, $0x38;
	[tilespmem:$0x10680] =	vst v63  }
0x91: {  	s9 =	sadd.s32 s4, s25;
	(v2sf) =	vpush v8, $0xB;
	s17 =	sadd.s32 s4, s11;
	s18 =	sand.u32 $0x1FFFFFF0, s12  }
0x92: {  	[tilespmem:s7], [sflag:$0x3] =	stream.linear.gather [hbm4b:s9+s2], $0x80, $0x38;
	[tilespmem:$0x10680] =	vst v63  }
0x93: {  	s23 =	spop (v2sf);
	s12 =	sadd.s32 $0x880, s19;
	(v2sf) =	vpush v8, $0xC;
	s24 =	sadd.s32 s4, s18  }
0x94: {  	[tilespmem:s0], [sflag:$0x4] =	stream.linear.gather [hbm4b:s17+s2], $0x80, $0x38;
	[tilespmem:$0x10680] =	vst v63  }
0x95: {  	s25 =	sand.u32 $0x1FFFFFF0, s23;
	s26 =	spop (v2sf);
	s18 =	sadd.s32 $0x900, s19;
	(v2sf) =	vpush v8, $0xD  }
0x96: {  	[tilespmem:s1], [sflag:$0x1] =	stream.linear.gather [hbm4b:s24+s2], $0x80, $0x38;
	[tilespmem:$0x10680] =	vst v63  }
0x97: {  	s6 =	sadd.s32 s4, s25;
	s8 =	sand.u32 $0x1FFFFFF0, s26;
	s9 =	spop (v2sf);
	(v2sf) =	vpush v8, $0xE  }
0x98: {  	[tilespmem:s3], [sflag:$0x2] =	stream.linear.gather [hbm4b:s6+s2], $0x80, $0x38;
	[tilespmem:$0x10680] =	vst v63  }
0x99: {  	s11 =	sand.u32 $0x1FFFFFF0, s9;
	(v2sf) =	vpush v8, $0xF;
	s17 =	sadd.s32 $0x780, s19;
	s1 =	sadd.s32 s4, s8  }
0x9a: {  	[tilespmem:s10], [sflag:$0x3] =	stream.linear.gather [hbm4b:s1+s2], $0x80, $0x38;
	[tilespmem:$0x10680] =	vst v63  }
0x9b: {  	s24 =	sadd.s32 $0x800, s19;
	s3 =	sadd.s32 s4, s11;
	s23 =	spop (v2sf)  }
0x9c: {  	[tilespmem:s17], [sflag:$0x4] =	stream.linear.gather [hbm4b:s3+s2], $0x80, $0x38;
	[tilespmem:$0x10680] =	vst v63  }
0x9d: {  	s3 =	sadd.s32 $0x980, s19;
	s6 =	sand.u32 $0x1FFFFFF0, s23;
	s25 =	spop (v2sf)  }
0x9e: {  	s6 =	sadd.s32 s4, s6;
	s8 =	sand.u32 $0x1FFFFFF0, s25;
	s26 =	spop (v2sf)  }
0x9f: {  	[tilespmem:s24], [sflag:$0x1] =	stream.linear.gather [hbm4b:s6+s2], $0x80, $0x38;
	[tilespmem:$0x10680] =	vst v63  }
0xa0: {  	s7 =	sadd.s32 s4, s8;
	s8 =	sand.u32 $0x1FFFFFF0, s26;
	s9 =	spop (v2sf)  }
0xa1: {  	[tilespmem:s12], [sflag:$0x2] =	stream.linear.gather [hbm4b:s7+s2], $0x80, $0x38;
	[tilespmem:$0x10680] =	vst v63  }
0xa2: {  	s10 =	sadd.s32 s4, s8;
	s11 =	sand.u32 $0x1FFFFFF0, s9;
	s12 =	spop (v2sf)  }
0xa3: {  	[tilespmem:s18], [sflag:$0x3] =	stream.linear.gather [hbm4b:s10+s2], $0x80, $0x38;
	[tilespmem:$0x10680] =	vst v63  }
0xa4: {  	s17 =	sadd.s32 s4, s11;
	s23 =	spop (v2sf);
	s18 =	sand.u32 $0x1FFFFFF0, s12  }
0xa5: {  	[tilespmem:s3], [sflag:$0x4] =	stream.linear.gather [hbm4b:s17+s2], $0x80, $0x38;
	[tilespmem:$0x10680] =	vst v63  }
0xa6: {  	s25 =	sand.u32 $0x1FFFFFF0, s23;
	s26 =	spop (v2sf);
	s24 =	sadd.s32 s4, s18  }
0xa7: {  	[tilespmem:s22], [sflag:$0x1] =	stream.linear.gather [hbm4b:s24+s2], $0x80, $0x38;
	[tilespmem:$0x10680] =	vst v63  }
0xa8: {  	s1 =	sadd.s32 s4, s25;
	s6 =	sand.u32 $0x1FFFFFF0, s26;
	s7 =	spop (v2sf)  }
0xa9: {  	[tilespmem:s20], [sflag:$0x2] =	stream.linear.gather [hbm4b:s1+s2], $0x80, $0x38;
	[tilespmem:$0x10680] =	vst v63  }
0xaa: {  	s8 =	sadd.s32 $0xB00, s19;
	s3 =	sand.u32 $0x1FFFFFF0, s7;
	s1 =	sadd.s32 s4, s6  }
0xab: {  	[tilespmem:s8], [sflag:$0x3] =	stream.linear.gather [hbm4b:s1+s2], $0x80, $0x38;
	[tilespmem:$0x10680] =	vst v63  }
0xac: {  	s9 =	sadd.s32 $0xB80, s19;
	s11 =	sadd.s32 $0x200, s21;
	s10 =	sadd.s32 s4, s3  }
0xad: {  	[tilespmem:s9], [sflag:$0x4] =	stream.linear.gather [hbm4b:s10+s2], $0x80, $0x38;
	[tilespmem:$0x10680] =	vst v63  }
0xae: {  	s12 =	simm.s32 $0x0;
	[dreg:$0x6] =	wrdreg s11  }
0xaf: {  	s17 =	sand.u32 $0x80, s12;
	s1 =	rddreg [dreg:$0x6]  }
0xb0: {  	s0 =	sand.u32 $0x70, s12;
	s1 =	sadd.s32 s17, s1  }
0xb1: {  	s0 =	sadd.s32 s0, s1  }
0xb2: {  	v8 =	vld [tilespmem:s0+$0x0];
	_ =	sdelay $0x4  }
0xb3: {  	v8 =	vshll.u32 v8, $0x4  }
0xb4: {  	(v2sf) =	vpush v8, $0x0  }
0xb5: {  	(v2sf) =	vpush v8, $0x1  }
0xb6: {  	(v2sf) =	vpush v8, $0x2;
	_ =	sdelay $0x2  }
0xb7: {  	(v2sf) =	vpush v8, $0x3;
	_ =	sdelay $0x1  }
0xb8: {  	(v2sf) =	vpush v8, $0x4;
	_ =	sdelay $0x1  }
0xb9: {  	(v2sf) =	vpush v8, $0x5  }
0xba: {  	s30 =	simm.s32 $0x8780;
	s28 =	simm.s32 $0x8880;
	s19 =	simm.s32 $0x2000  }
0xbb: {  	s23 =	simm.s32 $0x10;
	s26 =	simm.s32 $0x8900;
	s25 =	simm.s32 $0x8980;
	(v2sf) =	vpush v8, $0x6  }
0xbc: {  	s18 =	simm.s32 $0x8400;
	s7 =	simm.s32 $0x8680;
	s3 =	simm.s32 $0x8580  }
0xbd: {  	s24 =	simm.s32 $0x8A00;
	s22 =	simm.s32 $0x8A80;
	s20 =	simm.s32 $0x0;
	(v2sf) =	vpush v8, $0x9  }
0xbe: {  	s6 =	simm.s32 $0x8600;
	s9 =	simm.s32 $0x8480;
	s10 =	simm.s32 $0x8500  }
0xbf: {  	s17 =	sand.u32 $0x80, s23;
	s1 =	simm.s32 $0x8700;
	(v2sf) =	vpush v8, $0x7;
	s11 =	spop (v2sf)  }
0xc0: {  	s0 =	rddreg [dreg:$0x6];
	s12 =	sand.u32 $0x1FFFFFF0, s11;
	s29 =	spop (v2sf)  }
0xc1: {  	(v2sf) =	vpush v8, $0x8;
	s12 =	sadd.s32 s5, s12;
	s29 =	sand.u32 $0x1FFFFFF0, s29;
	s31 =	spop (v2sf)  }
0xc2: {  	[tilespmem:s18], [sflag:$0x1] =	stream.linear.gather [hbm4b:s12+s2], $0x80, $0x38;
	[tilespmem:$0x10680] =	vst v63  }
0xc3: {  	s0 =	sadd.s32 s17, s0;
	s12 =	sadd.s32 s5, s29;
	s18 =	sand.u32 $0x1FFFFFF0, s31  }
0xc4: {  	s29 =	spop (v2sf);
	s31 =	simm.s32 $0x8800;
	s11 =	sadd.s32 s5, s18  }
0xc5: {  	[tilespmem:s9], [sflag:$0x2] =	stream.linear.gather [hbm4b:s12+s2], $0x80, $0x38;
	[tilespmem:$0x10680] =	vst v63  }
0xc6: {  	s18 =	spop (v2sf);
	s12 =	sand.u32 $0x1FFFFFF0, s29;
	s29 =	simm.s32 $0x4000  }
0xc7: {  	[tilespmem:s10], [sflag:$0x3] =	stream.linear.gather [hbm4b:s11+s2], $0x80, $0x38;
	[tilespmem:$0x10680] =	vst v63  }
0xc8: {  	s11 =	sadd.s32 s5, s12;
	s12 =	sand.u32 $0x1FFFFFF0, s18;
	s18 =	spop (v2sf)  }
0xc9: {  	[tilespmem:s3], [sflag:$0x4] =	stream.linear.gather [hbm4b:s11+s2], $0x80, $0x38;
	[tilespmem:$0x10680] =	vst v63  }
0xca: {  	s11 =	sadd.s32 s5, s12;
	s12 =	sand.u32 $0x1FFFFFF0, s18;
	s18 =	spop (v2sf)  }
0xcb: {  	(v2sf) =	vpush v8, $0xA;
	[tilespmem:s6], [sflag:$0x1] =	stream.linear.gather [hbm4b:s11+s2], $0x80, $0x38;
	[tilespmem:$0x10680] =	vst v63  }
0xcc: {  	(v2sf) =	vpush v8, $0xB;
	s3 =	spop (v2sf);
	s11 =	sadd.s32 s5, s12;
	s12 =	sand.u32 $0x1FFFFFF0, s18  }
0xcd: {  	(v2sf) =	vpush v8, $0xC;
	[tilespmem:s7], [sflag:$0x2] =	stream.linear.gather [hbm4b:s11+s2], $0x80, $0x38;
	[tilespmem:$0x10680] =	vst v63  }
0xce: {  	s10 =	sand.u32 $0x70, s23;
	(v2sf) =	vpush v8, $0xD;
	s18 =	spop (v2sf);
	s17 =	sadd.s32 s5, s12  }
0xcf: {  	(v2sf) =	vpush v8, $0xE;
	[tilespmem:s1], [sflag:$0x3] =	stream.linear.gather [hbm4b:s17+s2], $0x80, $0x38;
	[tilespmem:$0x10680] =	vst v63  }
0xd0: {  	s0 =	sadd.s32 s10, s0;
	(v2sf) =	vpush v8, $0xF;
	s1 =	sand.u32 $0x1FFFFFF0, s18;
	s10 =	spop (v2sf)  }
.LBB2_5:
0xd1: {  	_ =	sdelay $0x2  }
0xd2: {  	s1 =	sadd.s32 s5, s1;
	s6 =	sand.u32 $0x1FFFFFF0, s10  }
0xd3: {  	[tilespmem:s30], [sflag:$0x4] =	stream.linear.gather [hbm4b:s1+s2], $0x80, $0x38;
	[tilespmem:$0x10680] =	vst v63  }
0xd4: {  	s3 =	sand.u32 $0x1FFFFFF0, s3;
	s17 =	sadd.s32 s5, s6  }
0xd5: {  	v8 =	vld [tilespmem:s0+$0x0];
	[tilespmem:s31], [sflag:$0x1] =	stream.linear.gather [hbm4b:s17+s2], $0x80, $0x38  }
0xd6: {  	s7 =	sadd.s32 s5, s3  }
0xd7: {  	[tilespmem:s28], [sflag:$0x2] =	stream.linear.gather [hbm4b:s7+s2], $0x80, $0x38;
	[tilespmem:$0x10680] =	vst v63  }
0xd8: {  	s18 =	spop (v2sf)  }
0xd9: {  	p1 =	sne.s32 s29, $0x1E000;
	s8 =	sand.u32 $0x1FFFFFF0, s18;
	s9 =	spop (v2sf)  }
0xda: {  	s10 =	sadd.s32 s5, s8;
	s11 =	sand.u32 $0x1FFFFFF0, s9;
	s12 =	spop (v2sf)  }
0xdb: {  	v8 =	vshll.u32 v8, $0x4;
	[tilespmem:s26], [sflag:$0x3] =	stream.linear.gather [hbm4b:s10+s2], $0x80, $0x38;
	[tilespmem:$0x10680] =	vst v63  }
0xdc: {  	s23 =	sadd.s32 $0x10, s23;
	s17 =	sadd.s32 s5, s11;
	s26 =	spop (v2sf);
	(v2sf) =	vpush v8, $0x0  }
0xdd: {  	s18 =	sand.u32 $0x1FFFFFF0, s12;
	s11 =	sadd.s32 $0x8B00, s20;
	s12 =	sadd.s32 $0x8B80, s20;
	(v2sf) =	vpush v8, $0x1  }
0xde: {  	s20 =	sshra.s32 s19, $0x2;
	s19 =	smov.u32 s29;
	s7 =	spop (v2sf);
	(v2sf) =	vpush v8, $0x2  }
0xdf: {  	s29 =	sadd.s32 $0x2000, s29;
	s1 =	sadd.s32 s5, s18;
	s6 =	sand.u32 $0x1FFFFFF0, s26  }
0xe0: {  	s18 =	rddreg [dreg:$0x6];
	s28 =	sadd.s32 $0x8880, s20;
	s10 =	spop (v2sf);
	(v2sf) =	vpush v8, $0x3  }
0xe1: {  	s26 =	sadd.s32 $0x8900, s20;
	s30 =	sadd.s32 $0x8780, s20;
	s31 =	sadd.s32 $0x8800, s20  }
0xe2: {  	[tilespmem:s25], [sflag:$0x4] =	stream.linear.gather [hbm4b:s17+s2], $0x80, $0x38;
	(v2sf) =	vpush v8, $0x4;
	[tilespmem:$0x10680] =	vst v63  }
0xe3: {  	s8 =	sadd.s32 s5, s6;
	s9 =	sand.u32 $0x1FFFFFF0, s7;
	s25 =	sadd.s32 $0x8980, s20  }
0xe4: {  	[tilespmem:s24], [sflag:$0x1] =	stream.linear.gather [hbm4b:s1+s2], $0x80, $0x38;
	(v2sf) =	vpush v8, $0x5;
	[tilespmem:$0x10680] =	vst v63  }
0xe5: {  	s6 =	sadd.s32 $0x8600, s20;
	s7 =	sadd.s32 $0x8680, s20;
	s3 =	sand.u32 $0x1FFFFFF0, s10  }
0xe6: {  	[tilespmem:s22], [sflag:$0x2] =	stream.linear.gather [hbm4b:s8+s2], $0x80, $0x38;
	[tilespmem:$0x10680] =	vst v63  }
0xe7: {  	s10 =	sadd.s32 $0x8500, s20;
	s1 =	sadd.s32 s5, s9;
	s17 =	sadd.s32 s5, s3;
	(v2sf) =	vpush v8, $0x6  }
0xe8: {  	[tilespmem:s11], [sflag:$0x3] =	stream.linear.gather [hbm4b:s1+s2], $0x80, $0x38;
	[tilespmem:$0x10680] =	vst v63  }
0xe9: {  	s24 =	sadd.s32 $0x8A00, s20;
	s3 =	sadd.s32 $0x8580, s20;
	s9 =	sadd.s32 $0x8480, s20;
	(v2sf) =	vpush v8, $0x9  }
0xea: {  	[tilespmem:s12], [sflag:$0x4] =	stream.linear.gather [hbm4b:s17+s2], $0x80, $0x38;
	[tilespmem:$0x10680] =	vst v63  }
0xeb: {  	s8 =	sadd.s32 $0x8400, s20;
	(v2sf) =	vpush v8, $0x7;
	s12 =	sand.u32 $0x80, s23;
	s11 =	spop (v2sf)  }
0xec: {  	s0 =	sadd.s32 s12, s18;
	s11 =	sand.u32 $0x1FFFFFF0, s11;
	s18 =	spop (v2sf)  }
0xed: {  	(v2sf) =	vpush v8, $0x8;
	s11 =	sadd.s32 s5, s11;
	s12 =	sand.u32 $0x1FFFFFF0, s18;
	s18 =	spop (v2sf)  }
0xee: {  	[tilespmem:s8], [sflag:$0x1] =	stream.linear.gather [hbm4b:s11+s2], $0x80, $0x38;
	[tilespmem:$0x10680] =	vst v63  }
0xef: {  	s11 =	sadd.s32 s5, s12;
	s12 =	sand.u32 $0x1FFFFFF0, s18;
	s18 =	spop (v2sf)  }
0xf0: {  	[tilespmem:s9], [sflag:$0x2] =	stream.linear.gather [hbm4b:s11+s2], $0x80, $0x38;
	[tilespmem:$0x10680] =	vst v63  }
0xf1: {  	s11 =	sadd.s32 s5, s12;
	s12 =	sand.u32 $0x1FFFFFF0, s18;
	s18 =	spop (v2sf)  }
0xf2: {  	[tilespmem:s10], [sflag:$0x3] =	stream.linear.gather [hbm4b:s11+s2], $0x80, $0x38;
	[tilespmem:$0x10680] =	vst v63  }
0xf3: {  	s10 =	sadd.s32 s5, s12;
	s12 =	sand.u32 $0x1FFFFFF0, s18;
	s18 =	spop (v2sf)  }
0xf4: {  	s1 =	sadd.s32 $0x8700, s20;
	s17 =	sand.u32 $0x70, s23;
	s9 =	sand.u32 $0x1FFFFFF0, s18  }
0xf5: {  	[tilespmem:s3], [sflag:$0x4] =	stream.linear.gather [hbm4b:s10+s2], $0x80, $0x38;
	[tilespmem:$0x10680] =	vst v63  }
0xf6: {  	s8 =	sadd.s32 s5, s12;
	s10 =	spop (v2sf);
	s11 =	sadd.s32 s5, s9  }
0xf7: {  	(v2sf) =	vpush v8, $0xA;
	[tilespmem:s6], [sflag:$0x1] =	stream.linear.gather [hbm4b:s8+s2], $0x80, $0x38;
	[tilespmem:$0x10680] =	vst v63  }
.Ltmp1:
0xf8: {  	(v2sf) =	vpush v8, $0xB;
	s12 =	sand.u32 $0x1FFFFFF0, s10;
	s3 =	spop (v2sf);
	(pc) =	sbr.rel @p1 .LBB2_5-.Ltmp1, $4  }
0xf9: {  	(v2sf) =	vpush v8, $0xC;
	[tilespmem:s7], [sflag:$0x2] =	stream.linear.gather [hbm4b:s11+s2], $0x80, $0x38;
	[tilespmem:$0x10680] =	vst v63  }
0xfa: {  	s0 =	sadd.s32 s17, s0;
	(v2sf) =	vpush v8, $0xD;
	s17 =	sadd.s32 s5, s12;
	s18 =	spop (v2sf)  }
0xfb: {  	(v2sf) =	vpush v8, $0xE;
	[tilespmem:s1], [sflag:$0x3] =	stream.linear.gather [hbm4b:s17+s2], $0x80, $0x38;
	[tilespmem:$0x10680] =	vst v63  }
0xfc: {  	s22 =	sadd.s32 $0x8A80, s20;
	(v2sf) =	vpush v8, $0xF;
	s1 =	sand.u32 $0x1FFFFFF0, s18;
	s10 =	spop (v2sf)  }
0xfd: {  	_ =	sdelay $0x2  }
0xfe: {  	s1 =	sadd.s32 s5, s1;
	s6 =	sand.u32 $0x1FFFFFF0, s10  }
0xff: {  	[tilespmem:s30], [sflag:$0x4] =	stream.linear.gather [hbm4b:s1+s2], $0x80, $0x38;
	[tilespmem:$0x10680] =	vst v63  }
0x100: {  	v8 =	vld [tilespmem:s0+$0x0];
	s18 =	sand.u32 $0x1FFFFFF0, s3;
	s17 =	sadd.s32 s5, s6  }
0x101: {  	[tilespmem:s31], [sflag:$0x1] =	stream.linear.gather [hbm4b:s17+s2], $0x80, $0x38;
	[tilespmem:$0x10680] =	vst v63  }
0x102: {  	s29 =	sadd.s32 s5, s18  }
0x103: {  	[tilespmem:s28], [sflag:$0x2] =	stream.linear.gather [hbm4b:s29+s2], $0x80, $0x38;
	[tilespmem:$0x10680] =	vst v63  }
0x104: {  	s23 =	spop (v2sf)  }
0x105: {  	v8 =	vshll.u32 v8, $0x4;
	s31 =	spop (v2sf)  }
0x106: {  	(v2sf) =	vpush v8, $0x0;
	s6 =	spop (v2sf)  }
0x107: {  	s30 =	sand.u32 $0x1FFFFFF0, s23;
	s9 =	spop (v2sf);
	(v2sf) =	vpush v8, $0x1  }
0x108: {  	s19 =	sshra.s32 s19, $0x2;
	s1 =	sadd.s32 s5, s30;
	s3 =	sand.u32 $0x1FFFFFF0, s31;
	(v2sf) =	vpush v8, $0x2  }
0x109: {  	[tilespmem:s26], [sflag:$0x3] =	stream.linear.gather [hbm4b:s1+s2], $0x80, $0x38;
	[tilespmem:$0x10680] =	vst v63  }
0x10a: {  	s0 =	sadd.s32 $0x8880, s19;
	s7 =	sadd.s32 s5, s3;
	s12 =	spop (v2sf);
	(v2sf) =	vpush v8, $0x3  }
0x10b: {  	[tilespmem:s25], [sflag:$0x4] =	stream.linear.gather [hbm4b:s7+s2], $0x80, $0x38;
	[tilespmem:$0x10680] =	vst v63  }
0x10c: {  	s8 =	sand.u32 $0x1FFFFFF0, s6;
	s6 =	sadd.s32 $0x8600, s19;
	s23 =	spop (v2sf);
	(v2sf) =	vpush v8, $0x4  }
0x10d: {  	s10 =	sadd.s32 s5, s8;
	s11 =	sand.u32 $0x1FFFFFF0, s9;
	s8 =	sadd.s32 $0x8400, s19;
	(v2sf) =	vpush v8, $0x5  }
0x10e: {  	[tilespmem:s24], [sflag:$0x1] =	stream.linear.gather [hbm4b:s10+s2], $0x80, $0x38;
	[tilespmem:$0x10680] =	vst v63  }
0x10f: {  	s9 =	sadd.s32 $0x8480, s19;
	s17 =	sadd.s32 s5, s11;
	s18 =	sand.u32 $0x1FFFFFF0, s12;
	(v2sf) =	vpush v8, $0x6  }
0x110: {  	[tilespmem:s22], [sflag:$0x2] =	stream.linear.gather [hbm4b:s17+s2], $0x80, $0x38;
	[tilespmem:$0x10680] =	vst v63  }
0x111: {  	s1 =	sadd.s32 s5, s18;
	s3 =	sand.u32 $0x1FFFFFF0, s23;
	s24 =	sadd.s32 $0x8B00, s20;
	(v2sf) =	vpush v8, $0x9  }
0x112: {  	[tilespmem:s24], [sflag:$0x3] =	stream.linear.gather [hbm4b:s1+s2], $0x80, $0x38;
	[tilespmem:$0x10680] =	vst v63  }
0x113: {  	s25 =	sadd.s32 $0x8B80, s20;
	s7 =	sadd.s32 $0x8680, s19;
	s26 =	sadd.s32 s5, s3;
	(v2sf) =	vpush v8, $0x7  }
0x114: {  	[tilespmem:s25], [sflag:$0x4] =	stream.linear.gather [hbm4b:s26+s2], $0x80, $0x38;
	[tilespmem:$0x10680] =	vst v63  }
0x115: {  	s11 =	sadd.s32 $0x8500, s19;
	s23 =	sadd.s32 $0x8900, s19;
	s28 =	spop (v2sf)  }
0x116: {  	s20 =	sadd.s32 $0x8A80, s19;
	s10 =	sand.u32 $0x1FFFFFF0, s28;
	s12 =	spop (v2sf)  }
0x117: {  	(v2sf) =	vpush v8, $0x8;
	s10 =	sadd.s32 s5, s10;
	s12 =	sand.u32 $0x1FFFFFF0, s12;
	s17 =	spop (v2sf)  }
0x118: {  	[tilespmem:s8], [sflag:$0x1] =	stream.linear.gather [hbm4b:s10+s2], $0x80, $0x38;
	[tilespmem:$0x10680] =	vst v63  }
0x119: {  	s3 =	sadd.s32 $0x8580, s19;
	s29 =	sadd.s32 s5, s12;
	s31 =	spop (v2sf)  }
0x11a: {  	(v2sf) =	vpush v8, $0xA;
	[tilespmem:s9], [sflag:$0x2] =	stream.linear.gather [hbm4b:s29+s2], $0x80, $0x38;
	[tilespmem:$0x10680] =	vst v63  }
0x11b: {  	s22 =	sadd.s32 $0x8A00, s19;
	s30 =	sand.u32 $0x1FFFFFF0, s17;
	s24 =	spop (v2sf)  }
0x11c: {  	s17 =	sadd.s32 s5, s30;
	s18 =	sand.u32 $0x1FFFFFF0, s31;
	(v2sf) =	vpush v8, $0xB;
	s28 =	spop (v2sf)  }
0x11d: {  	[tilespmem:s11], [sflag:$0x3] =	stream.linear.gather [hbm4b:s17+s2], $0x80, $0x38;
	[tilespmem:$0x10680] =	vst v63  }
0x11e: {  	s25 =	sadd.s32 s5, s18;
	s26 =	sand.u32 $0x1FFFFFF0, s24;
	(v2sf) =	vpush v8, $0xC;
	s31 =	spop (v2sf)  }
0x11f: {  	[tilespmem:s3], [sflag:$0x4] =	stream.linear.gather [hbm4b:s25+s2], $0x80, $0x38;
	[tilespmem:$0x10680] =	vst v63  }
0x120: {  	s29 =	sadd.s32 s5, s26;
	s30 =	sand.u32 $0x1FFFFFF0, s28;
	(v2sf) =	vpush v8, $0xD;
	s9 =	spop (v2sf)  }
0x121: {  	[tilespmem:s6], [sflag:$0x1] =	stream.linear.gather [hbm4b:s29+s2], $0x80, $0x38;
	[tilespmem:$0x10680] =	vst v63  }
0x122: {  	s8 =	sand.u32 $0x1FFFFFF0, s31;
	(v2sf) =	vpush v8, $0xE;
	s11 =	spop (v2sf);
	s6 =	sadd.s32 s5, s30  }
0x123: {  	[tilespmem:s7], [sflag:$0x2] =	stream.linear.gather [hbm4b:s6+s2], $0x80, $0x38;
	[tilespmem:$0x10680] =	vst v63  }
0x124: {  	s10 =	sadd.s32 $0x8700, s19;
	(v2sf) =	vpush v8, $0xF;
	s17 =	sand.u32 $0x1FFFFFF0, s11;
	s6 =	sadd.s32 s5, s8  }
0x125: {  	[tilespmem:s10], [sflag:$0x3] =	stream.linear.gather [hbm4b:s6+s2], $0x80, $0x38;
	[tilespmem:$0x10680] =	vst v63  }
0x126: {  	s12 =	sadd.s32 $0x8780, s19;
	s6 =	sadd.s32 s5, s17;
	s18 =	spop (v2sf)  }
0x127: {  	[tilespmem:s12], [sflag:$0x4] =	stream.linear.gather [hbm4b:s6+s2], $0x80, $0x38;
	[tilespmem:$0x10680] =	vst v63  }
0x128: {  	s1 =	sadd.s32 $0x8980, s19;
	s24 =	sadd.s32 $0x8800, s19;
	s7 =	sand.u32 $0x1FFFFFF0, s18  }
0x129: {  	s26 =	sand.u32 $0x1FFFFFF0, s9;
	s25 =	sadd.s32 s5, s7;
	s28 =	spop (v2sf)  }
0x12a: {  	[tilespmem:s24], [sflag:$0x1] =	stream.linear.gather [hbm4b:s25+s2], $0x80, $0x38;
	[tilespmem:$0x10680] =	vst v63  }
0x12b: {  	s29 =	sadd.s32 s5, s26;
	s30 =	sand.u32 $0x1FFFFFF0, s28;
	s31 =	spop (v2sf)  }
0x12c: {  	[tilespmem:s0], [sflag:$0x2] =	stream.linear.gather [hbm4b:s29+s2], $0x80, $0x38;
	[tilespmem:$0x10680] =	vst v63  }
0x12d: {  	s8 =	sadd.s32 s5, s30;
	s9 =	sand.u32 $0x1FFFFFF0, s31;
	s10 =	spop (v2sf)  }
0x12e: {  	[tilespmem:s23], [sflag:$0x3] =	stream.linear.gather [hbm4b:s8+s2], $0x80, $0x38;
	[tilespmem:$0x10680] =	vst v63  }
0x12f: {  	s11 =	sadd.s32 s5, s9;
	s12 =	sand.u32 $0x1FFFFFF0, s10;
	s17 =	spop (v2sf)  }
0x130: {  	[tilespmem:s1], [sflag:$0x4] =	stream.linear.gather [hbm4b:s11+s2], $0x80, $0x38;
	[tilespmem:$0x10680] =	vst v63  }
0x131: {  	s18 =	sadd.s32 s5, s12;
	s24 =	spop (v2sf);
	s23 =	sand.u32 $0x1FFFFFF0, s17  }
0x132: {  	[tilespmem:s22], [sflag:$0x1] =	stream.linear.gather [hbm4b:s18+s2], $0x80, $0x38;
	[tilespmem:$0x10680] =	vst v63  }
0x133: {  	s26 =	sand.u32 $0x1FFFFFF0, s24;
	s28 =	spop (v2sf);
	s25 =	sadd.s32 s5, s23  }
0x134: {  	[tilespmem:s20], [sflag:$0x2] =	stream.linear.gather [hbm4b:s25+s2], $0x80, $0x38;
	[tilespmem:$0x10680] =	vst v63  }
0x135: {  	s29 =	sadd.s32 $0x8B00, s19;
	s3 =	sand.u32 $0x1FFFFFF0, s28;
	s1 =	sadd.s32 s5, s26  }
0x136: {  	[tilespmem:s29], [sflag:$0x3] =	stream.linear.gather [hbm4b:s1+s2], $0x80, $0x38;
	[tilespmem:$0x10680] =	vst v63  }
0x137: {  	s30 =	sadd.s32 $0x8B80, s19;
	s31 =	sadd.s32 s5, s3  }
0x138: {  	[tilespmem:s30], [sflag:$0x4] =	stream.linear.gather [hbm4b:s31+s2], $0x80, $0x38;
	[tilespmem:$0x10680] =	vst v63  }
0x139: {  	_ =	swait.ge [sflag:s13], $0x4000  }
0x13a: {  	[sflag:s13] =	ssyncset.done $0x0  }
0x13b: {  	[sflag:s13] =	ssyncadd.s32 $0xFFFFC000  }
0x13c: {  	_ =	swait.ge [sflag:s14], $0x4000  }
0x13d: {  	[sflag:s14] =	ssyncset.done $0x0  }
0x13e: {  	[sflag:s14] =	ssyncadd.s32 $0xFFFFC000  }
0x13f: {  	_ =	swait.ge [sflag:s15], $0x4000  }
0x140: {  	[sflag:s15] =	ssyncset.done $0x0  }
0x141: {  	[sflag:s15] =	ssyncadd.s32 $0xFFFFC000  }
0x142: {  	_ =	swait.ge [sflag:s16], $0x4000  }
0x143: {  	[sflag:s16] =	ssyncset.done $0x0  }
0x144: {  	s19 =	simm.s32 $0x8800;
	[sflag:s16] =	ssyncadd.s32 $0xFFFFC000  }
0x145: {  	s20 =	simm.s32 $0x800;
	v8 =	vld [tilespmem:s19+$0x3B0]  }
0x146: {  	v9 =	vld [tilespmem:s20+$0x3B0]  }
0x147: {  	v10 =	vld [tilespmem:s19+$0x330]  }
0x148: {  	v11 =	vld [tilespmem:s20+$0x330]  }
0x149: {  	v13 =	vld [tilespmem:s19+$0x380]  }
0x14a: {  	v12 =	vld [tilespmem:s19+$0x390]  }
0x14b: {  	v15 =	vld [tilespmem:s20+$0x390]  }
0x14c: {  	v17 =	vld [tilespmem:s20+$0x380]  }
0x14d: {  	v18 =	vld [tilespmem:s20+$0x3A0];
	v16 =	vmul.f32 v8, v9;
	v8 =	vmul.f32 v8, v8  }
0x14e: {  	v30 =	vld [tilespmem:s20+$0x290];
	v9 =	vmul.f32 v9, v9;
	v19 =	vmul.f32 v13, v13  }
0x14f: {  	v14 =	vld [tilespmem:s19+$0x3A0];
	v20 =	vmul.f32 v12, v12;
	v21 =	vmul.f32 v10, v11  }
0x150: {  	v57 =	vld [tilespmem:s20+$0x130];
	v10 =	vmul.f32 v10, v10;
	v22 =	vmul.f32 v15, v15  }
0x151: {  	v13 =	vmul.f32 v13, v17;
	v17 =	vmul.f32 v17, v17  }
0x152: {  	v58 =	vld [tilespmem:s19+$0x190];
	v11 =	vmul.f32 v11, v11;
	v25 =	vmul.f32 v18, v18  }
0x153: {  	v23 =	vld [tilespmem:s19+$0x2B0];
	v12 =	vmul.f32 v12, v15;
	v35 =	vmul.f32 v30, v30  }
0x154: {  	v24 =	vld [tilespmem:s20+$0x2B0];
	v19 =	vadd.f32 v20, v19;
	v20 =	vmul.f32 v14, v14;
	v13 =	vmul.f32 v13, v4  }
0x155: {  	v38 =	vmul.f32 v57, v57;
	v15 =	vadd.f32 v22, v17;
	v17 =	vld [tilespmem:s19+$0x320];
	v14 =	vmul.f32 v14, v18  }
0x156: {  	v18 =	vld [tilespmem:s20+$0x320];
	v12 =	vmul.f32 v12, v5;
	v19 =	vadd.f32 v20, v19;
	v13 =	vadd.f32 $0.0e+00, v13  }
0x157: {  	v43 =	vmul.f32 v58, v58;
	v16 =	vmul.f32 v16, v7;
	v15 =	vadd.f32 v25, v15;
	v25 =	vld [tilespmem:s19+$0x300]  }
0x158: {  	v14 =	vmul.f32 v14, v6;
	v8 =	vadd.f32 v8, v19;
	v19 =	vld [tilespmem:s19+$0x310];
	v12 =	vadd.f32 v12, v13  }
0x159: {  	v22 =	vmul.f32 v23, v24;
	v20 =	vmul.f32 v21, v7;
	v9 =	vadd.f32 v9, v15  }
0x15a: {  	v13 =	vmul.f32 v24, v24;
	v15 =	vld [tilespmem:s20+$0x300];
	v21 =	vperm.xlane v8, v0;
	v12 =	vadd.f32 v14, v12  }
0x15b: {  	v24 =	vmul.f32 v22, v7;
	v14 =	vperm.xlane v9, v0  }
0x15c: {  	v26 =	vld [tilespmem:s20+$0x310];
	v27 =	vmul.f32 v17, v18;
	v8 =	vadd.f32 v21, v8;
	v12 =	vadd.f32 v16, v12  }
0x15d: {  	v9 =	vadd.f32 v14, v9;
	v14 =	vmul.f32 v25, v25;
	v16 =	vmul.f32 v19, v19  }
0x15e: {  	v21 =	vmul.f32 v17, v17;
	v22 =	vperm.xlane v8, v1  }
0x15f: {  	v25 =	vmul.f32 v25, v15;
	v17 =	vperm.xlane v12, v0;
	v14 =	vadd.f32 v16, v14  }
0x160: {  	v16 =	vmul.f32 v18, v18;
	v8 =	vadd.f32 v22, v8;
	v22 =	vperm.xlane v9, v1  }
0x161: {  	v41 =	vld [tilespmem:s20+$0x190];
	v12 =	vadd.f32 v12, v17;
	v17 =	vmul.f32 v19, v26;
	v14 =	vadd.f32 v21, v14  }
0x162: {  	v19 =	vmul.f32 v26, v26;
	v18 =	vperm.xlane v8, v2;
	v9 =	vadd.f32 v22, v9  }
0x163: {  	v21 =	vmul.f32 v25, v4;
	v22 =	vmul.f32 v15, v15;
	v10 =	vadd.f32 v10, v14  }
0x164: {  	v48 =	vld [tilespmem:s19+$0x120];
	v14 =	vperm.xlane v12, v1;
	v15 =	vadd.f32 v18, v8;
	v18 =	vperm.xlane v9, v2  }
0x165: {  	v26 =	vmul.f32 v17, v5;
	v21 =	vadd.f32 $0.0e+00, v21;
	v19 =	vadd.f32 v19, v22  }
0x166: {  	v45 =	vmul.f32 v41, v41;
	v25 =	vld [tilespmem:s20+$0x230];
	v14 =	vadd.f32 v12, v14;
	v17 =	vadd.f32 v18, v9  }
0x167: {  	v12 =	vmul.f32 v27, v6;
	v9 =	vadd.f32 v26, v21;
	v18 =	vadd.f32 v16, v19  }
0x168: {  	v63 =	vmul.f32 v58, v41;
	v8 =	vld [tilespmem:s19+$0x230];
	v22 =	vperm.xlane v10, v0  }
0x169: {  	v58 =	vmul.f32 v48, v48;
	v21 =	vld [tilespmem:s19+$0x2A0];
	v9 =	vadd.f32 v12, v9;
	v11 =	vadd.f32 v11, v18  }
0x16a: {  	v23 =	vmul.f32 v23, v23;
	v16 =	vperm.xlane v15, v3;
	v10 =	vadd.f32 v22, v10;
	v22 =	vld [tilespmem:s20+$0x2A0]  }
0x16b: {  	v28 =	vmul.f32 v25, v25;
	v9 =	vadd.f32 v20, v9;
	v20 =	vperm.xlane v11, v0  }
0x16c: {  	v27 =	vld [tilespmem:s19+$0x280];
	v19 =	vperm.xlane v14, v2;
	v26 =	vperm.xlane v10, v1  }
0x16d: {  	v18 =	vperm.xlane v17, v3;
	v12 =	vmul.f32 v8, v25;
	v25 =	vld [tilespmem:s19+$0x290];
	v11 =	vadd.f32 v20, v11  }
0x16e: {  	v10 =	vadd.f32 v26, v10;
	v26 =	vmul.f32 v21, v21;
	v29 =	vperm.xlane v9, v0  }
0x16f: {  	v31 =	vld [tilespmem:s20+$0x280];
	v20 =	vmul.f32 v21, v22;
	v21 =	vperm.xlane v11, v1  }
0x170: {  	v8 =	vmul.f32 v8, v8;
	v9 =	vadd.f32 v9, v29;
	v29 =	vperm.xlane v10, v2  }
0x171: {  	v12 =	vmul.f32 v12, v7;
	v32 =	vmul.f32 v20, v6;
	v11 =	vadd.f32 v21, v11  }
0x172: {  	v20 =	vadd.f32 v29, v10;
	v10 =	vmul.f32 v27, v27;
	v29 =	vmul.f32 v25, v25  }
0x173: {  	v33 =	vmul.f32 v22, v22;
	v22 =	vperm.xlane v9, v1  }
0x174: {  	v36 =	vld [tilespmem:s20+$0x1B0];
	v27 =	vmul.f32 v27, v31;
	v34 =	vperm.xlane v11, v2;
	v10 =	vadd.f32 v29, v10  }
0x175: {  	v31 =	vmul.f32 v31, v31;
	v25 =	vmul.f32 v25, v30;
	v9 =	vadd.f32 v9, v22  }
0x176: {  	v29 =	vld [tilespmem:s19+$0x1B0];
	v10 =	vadd.f32 v26, v10;
	v22 =	vadd.f32 v34, v11;
	v11 =	vmul.f32 v27, v4  }
0x177: {  	v30 =	vld [tilespmem:s19+$0x220];
	v21 =	vperm.xlane v20, v3;
	v26 =	vperm.xlane v9, v2;
	v27 =	vadd.f32 v35, v31  }
0x178: {  	v52 =	vld [tilespmem:s19+$0x200];
	v25 =	vmul.f32 v25, v5;
	v10 =	vadd.f32 v23, v10;
	v11 =	vadd.f32 $0.0e+00, v11  }
0x179: {  	v35 =	vmul.f32 v36, v36;
	v49 =	vadd.f32 v9, v26;
	v9 =	vld [tilespmem:s20+$0x220];
	v26 =	vadd.f32 v33, v27  }
0x17a: {  	v23 =	vperm.xlane v22, v3;
	v27 =	vld [tilespmem:s19+$0x210];
	v31 =	vperm.xlane v10, v0;
	v11 =	vadd.f32 v25, v11  }
0x17b: {  	v51 =	vmul.f32 v29, v36;
	v53 =	vmul.f32 v29, v29;
	v13 =	vadd.f32 v13, v26;
	v26 =	vld [tilespmem:s20+$0x200]  }
0x17c: {  	v29 =	vmul.f32 v30, v30;
	v10 =	vadd.f32 v31, v10;
	v11 =	vadd.f32 v32, v11  }
0x17d: {  	v54 =	vld [tilespmem:s20+$0x210];
	v50 =	vperm.xlane v49, v3;
	v25 =	vperm.xlane v13, v0  }
0x17e: {  	v30 =	vmul.f32 v30, v9;
	v31 =	vperm.xlane v10, v1;
	v11 =	vadd.f32 v24, v11  }
0x17f: {  	v13 =	vadd.f32 v25, v13;
	v24 =	vmul.f32 v52, v52;
	v25 =	vmul.f32 v27, v27  }
0x180: {  	v34 =	vmul.f32 v52, v26;
	v10 =	vadd.f32 v31, v10;
	v31 =	vperm.xlane v11, v0  }
0x181: {  	v9 =	vmul.f32 v9, v9;
	v55 =	vperm.xlane v13, v1;
	v24 =	vadd.f32 v25, v24  }
0x182: {  	v59 =	vld [tilespmem:s19+$0x180];
	v27 =	vmul.f32 v27, v54;
	v56 =	vmul.f32 v34, v4;
	v11 =	vadd.f32 v11, v31  }
0x183: {  	v60 =	vld [tilespmem:s20+$0x180];
	v26 =	vmul.f32 v26, v26;
	v13 =	vadd.f32 v55, v13;
	v24 =	vadd.f32 v29, v24  }
0x184: {  	v61 =	vld [tilespmem:s19+$0xB0];
	v25 =	vperm.xlane v10, v2;
	v31 =	vmul.f32 v54, v54;
	v32 =	vadd.f32 $0.0e+00, v56  }
0x185: {  	v46 =	vld [tilespmem:s20+$0xB0];
	v8 =	vadd.f32 v8, v24;
	v24 =	vperm.xlane v11, v1;
	v33 =	vperm.xlane v13, v2  }
0x186: {  	v27 =	vmul.f32 v27, v5;
	v29 =	vadd.f32 v25, v10;
	v26 =	vadd.f32 v31, v26  }
0x187: {  	v37 =	vmul.f32 v51, v7;
	v10 =	vld [tilespmem:s19+$0x130];
	v25 =	vadd.f32 v11, v24;
	v24 =	vadd.f32 v33, v13  }
0x188: {  	v11 =	vadd.f32 v27, v32;
	v13 =	vmul.f32 v30, v6;
	v9 =	vadd.f32 v9, v26  }
0x189: {  	v34 =	vmul.f32 v59, v60;
	v31 =	vperm.xlane v8, v0  }
0x18a: {  	v54 =	vmul.f32 v61, v46;
	v30 =	vld [tilespmem:s19+$0x1A0];
	v11 =	vadd.f32 v13, v11;
	v9 =	vadd.f32 v28, v9  }
0x18b: {  	v33 =	vperm.xlane v29, v3;
	v8 =	vadd.f32 v31, v8;
	v27 =	vperm.xlane v25, v2;
	v31 =	vld [tilespmem:s20+$0x1A0]  }
0x18c: {  	v13 =	vmul.f32 v10, v57;
	v11 =	vadd.f32 v12, v11;
	v12 =	vperm.xlane v9, v0  }
0x18d: {  	v26 =	vperm.xlane v24, v3;
	v28 =	vperm.xlane v8, v1  }
0x18e: {  	v55 =	vld [tilespmem:s19+$0x100];
	v10 =	vmul.f32 v10, v10;
	v13 =	vmul.f32 v13, v7;
	v9 =	vadd.f32 v12, v9  }
0x18f: {  	v40 =	vmul.f32 v30, v30;
	v39 =	vperm.xlane v11, v0;
	v8 =	vadd.f32 v28, v8  }
0x190: {  	v12 =	vmul.f32 v30, v31;
	v28 =	vperm.xlane v9, v1  }
0x191: {  	v42 =	vmul.f32 v31, v31;
	v30 =	vperm.xlane v8, v2  }
0x192: {  	v11 =	vadd.f32 v11, v39;
	v39 =	vmul.f32 v60, v60;
	v9 =	vadd.f32 v28, v9  }
0x193: {  	v60 =	vmul.f32 v55, v55;
	v28 =	vadd.f32 v30, v8;
	v8 =	vmul.f32 v59, v59  }
0x194: {  	v31 =	vperm.xlane v11, v1;
	v44 =	vperm.xlane v9, v2  }
0x195: {  	v51 =	vld [tilespmem:s19+$0x110];
	v12 =	vmul.f32 v12, v6;
	v39 =	vadd.f32 v45, v39;
	v8 =	vadd.f32 v43, v8  }
0x196: {  	v57 =	vld [tilespmem:s20+$0x100];
	v11 =	vadd.f32 v11, v31;
	v31 =	vadd.f32 v44, v9;
	v9 =	vmul.f32 v34, v4  }
0x197: {  	v45 =	vmul.f32 v46, v46;
	v46 =	vmul.f32 v54, v7;
	v59 =	vld [tilespmem:s20+$0x110];
	v8 =	vadd.f32 v40, v8  }
0x198: {  	v30 =	vperm.xlane v28, v3;
	v34 =	vmul.f32 v63, v5;
	v9 =	vadd.f32 $0.0e+00, v9  }
0x199: {  	[tilespmem:$0x1FE70] =	vst v50;
	v50 =	vadd.f32 v42, v39;
	v43 =	vmul.f32 v61, v61;
	v8 =	vadd.f32 v53, v8  }
0x19a: {  	v61 =	vmul.f32 v51, v51;
	v62 =	vperm.xlane v11, v2;
	v9 =	vadd.f32 v34, v9  }
0x19b: {  	v56 =	vadd.f32 v35, v50;
	v44 =	vmul.f32 v55, v57;
	v52 =	vperm.xlane v8, v0  }
0x19c: {  	v35 =	vmul.f32 v57, v57;
	v39 =	vmul.f32 v51, v59;
	v9 =	vadd.f32 v12, v9  }
0x19d: {  	[tilespmem:$0x1FE60] =	vst v49;
	v49 =	vadd.f32 v11, v62;
	v11 =	vld [tilespmem:s20+$0x120];
	v8 =	vadd.f32 v52, v8;
	v12 =	vperm.xlane v56, v0  }
0x19e: {  	v32 =	vperm.xlane v31, v3;
	v39 =	vmul.f32 v39, v5;
	v9 =	vadd.f32 v37, v9  }
0x19f: {  	v34 =	vadd.f32 v61, v60;
	v40 =	vperm.xlane v8, v1;
	v12 =	vadd.f32 v12, v56  }
0x1a0: {  	v53 =	vperm.xlane v49, v3;
	v62 =	vperm.xlane v9, v0  }
0x1a1: {  	v34 =	vadd.f32 v58, v34;
	v8 =	vadd.f32 v40, v8;
	v47 =	vperm.xlane v12, v1  }
0x1a2: {  	v41 =	vmul.f32 v48, v11;
	v48 =	vmul.f32 v59, v59;
	v9 =	vadd.f32 v9, v62  }
0x1a3: {  	[tilespmem:$0x1FE80] =	vst v49;
	v49 =	vmul.f32 v44, v4;
	v52 =	vld [tilespmem:s20+$0x30];
	v63 =	vperm.xlane v8, v2;
	v12 =	vadd.f32 v47, v12  }
0x1a4: {  	v10 =	vadd.f32 v10, v34;
	v35 =	vadd.f32 v48, v35;
	v48 =	vld [tilespmem:s19+$0x90];
	v50 =	vperm.xlane v9, v1  }
0x1a5: {  	v42 =	vadd.f32 $0.0e+00, v49;
	v36 =	vadd.f32 v63, v8;
	v8 =	vld [tilespmem:s19+$0x30];
	v51 =	vperm.xlane v12, v2  }
0x1a6: {  	[tilespmem:$0x1FE90] =	vst v53;
	v11 =	vmul.f32 v11, v11;
	v53 =	vperm.xlane v10, v0;
	v37 =	vadd.f32 v9, v50  }
0x1a7: {  	v34 =	vadd.f32 v51, v12;
	v9 =	vadd.f32 v39, v42;
	v12 =	vmul.f32 v41, v6  }
0x1a8: {  	v55 =	vld [tilespmem:s20+$0xA0];
	v11 =	vadd.f32 v11, v35;
	v10 =	vadd.f32 v53, v10;
	v47 =	vmul.f32 v52, v52  }
0x1a9: {  	v53 =	vmul.f32 v48, v48;
	v42 =	vperm.xlane v36, v3;
	v50 =	vld [tilespmem:s20+$0x90];
	v9 =	vadd.f32 v12, v9  }
0x1aa: {  	v54 =	vld [tilespmem:s19+$0xA0];
	v11 =	vadd.f32 v38, v11;
	v41 =	vperm.xlane v37, v2;
	v12 =	vmul.f32 v8, v52  }
0x1ab: {  	v44 =	vmul.f32 v8, v8;
	v8 =	vadd.f32 v13, v9;
	v13 =	vperm.xlane v10, v1  }
0x1ac: {  	v49 =	vld [tilespmem:s19+$0x80];
	v35 =	vperm.xlane v34, v3;
	v9 =	vperm.xlane v11, v0  }
0x1ad: {  	v52 =	vmul.f32 v55, v55;
	v12 =	vmul.f32 v12, v7;
	v10 =	vadd.f32 v13, v10  }
0x1ae: {  	v51 =	vld [tilespmem:s20+$0x80];
	v48 =	vmul.f32 v48, v50;
	v56 =	vperm.xlane v8, v0;
	v9 =	vadd.f32 v9, v11  }
0x1af: {  	v60 =	vld [tilespmem:s19+$0xFFFFFFB0];
	v11 =	vmul.f32 v54, v55;
	v58 =	vperm.xlane v10, v2  }
0x1b0: {  	v13 =	vmul.f32 v54, v54;
	v8 =	vadd.f32 v8, v56;
	v57 =	vperm.xlane v9, v1;
	v56 =	vld [tilespmem:s20+$0xFFFFFFB0]  }
0x1b1: {  	v55 =	vmul.f32 v50, v50;
	v38 =	vadd.f32 v58, v10;
	v10 =	vmul.f32 v49, v49  }
0x1b2: {  	v50 =	vld [tilespmem:s19+$0x20];
	v11 =	vmul.f32 v11, v6;
	v59 =	vperm.xlane v8, v1;
	v9 =	vadd.f32 v57, v9  }
0x1b3: {  	v49 =	vmul.f32 v49, v51;
	v51 =	vmul.f32 v51, v51;
	v10 =	vadd.f32 v53, v10  }
0x1b4: {  	v54 =	vperm.xlane v9, v2;
	v39 =	vperm.xlane v38, v3;
	v8 =	vadd.f32 v8, v59  }
0x1b5: {  	v61 =	vadd.f32 v55, v51;
	v59 =	vmul.f32 v60, v56;
	v10 =	vadd.f32 v13, v10  }
0x1b6: {  	v13 =	vperm.xlane v8, v2;
	v40 =	vadd.f32 v54, v9;
	v9 =	vmul.f32 v49, v4;
	v49 =	vld [tilespmem:s19+$0x10]  }
0x1b7: {  	v53 =	vmul.f32 v60, v60;
	v63 =	vadd.f32 v52, v61;
	v52 =	vmul.f32 v50, v50;
	v61 =	vld [tilespmem:s20+$0x10]  }
0x1b8: {  	v51 =	vmul.f32 v59, v7;
	v10 =	vadd.f32 v43, v10;
	v62 =	vadd.f32 v8, v13  }
0x1b9: {  	v43 =	vperm.xlane v40, v3;
	v8 =	vld [tilespmem:s20+$0x20];
	v9 =	vadd.f32 $0.0e+00, v9;
	v13 =	vmul.f32 v48, v5  }
0x1ba: {  	v54 =	vld [tilespmem:s19+$0x0];
	v48 =	vmul.f32 v56, v56;
	v57 =	vperm.xlane v10, v0  }
0x1bb: {  	v58 =	vperm.xlane v62, v3;
	v9 =	vadd.f32 v13, v9;
	v13 =	vadd.f32 v45, v63;
	v45 =	vld [tilespmem:s20+$0x0]  }
0x1bc: {  	[tilespmem:$0x1FEA0] =	vst v62;
	v62 =	vmul.f32 v49, v49;
	v59 =	vmul.f32 v61, v61;
	v10 =	vadd.f32 v57, v10  }
0x1bd: {  	v49 =	vmul.f32 v49, v61;
	v9 =	vadd.f32 v11, v9;
	v11 =	vperm.xlane v13, v0  }
0x1be: {  	v15 =	vadd.f32 v16, v15;
	v50 =	vmul.f32 v50, v8;
	v60 =	vperm.xlane v10, v1  }
0x1bf: {  	v9 =	vadd.f32 v46, v9;
	v11 =	vadd.f32 v11, v13;
	v13 =	vmul.f32 v54, v54  }
0x1c0: {  	v14 =	vadd.f32 v14, v19;
	v46 =	vmul.f32 v8, v8;
	v54 =	vmul.f32 v54, v45  }
0x1c1: {  	v17 =	vadd.f32 v18, v17;
	v45 =	vmul.f32 v45, v45;
	v63 =	vperm.xlane v9, v0  }
0x1c2: {  	v10 =	vadd.f32 v60, v10;
	v57 =	vperm.xlane v11, v1;
	v13 =	vadd.f32 v62, v13  }
0x1c3: {  	v60 =	vmul.f32 v54, v4;
	v61 =	vadd.f32 v59, v45;
	v9 =	vadd.f32 v9, v63  }
0x1c4: {  	v8 =	vperm.xlane v10, v2;
	v11 =	vadd.f32 v57, v11;
	v13 =	vadd.f32 v52, v13  }
0x1c5: {  	v49 =	vmul.f32 v49, v5;
	v63 =	vld [tilespmem:s20+$0xFFFFFF30];
	v52 =	vadd.f32 $0.0e+00, v60;
	v46 =	vadd.f32 v46, v61  }
0x1c6: {  	v50 =	vmul.f32 v50, v6;
	v8 =	vadd.f32 v8, v10;
	v10 =	vld [tilespmem:s19+$0xFFFFFF30];
	v13 =	vadd.f32 v44, v13  }
0x1c7: {  	v20 =	vadd.f32 v21, v20;
	v54 =	vld [tilespmem:s20+$0xFFFFFFA0];
	v44 =	vperm.xlane v9, v1;
	v62 =	vperm.xlane v11, v2  }
0x1c8: {  	v57 =	vld [tilespmem:s19+$0xFFFFFF80];
	v49 =	vadd.f32 v49, v52;
	v47 =	vadd.f32 v47, v46;
	v60 =	vperm.xlane v13, v0  }
0x1c9: {  	v52 =	vld [tilespmem:s19+$0xFFFFFFA0];
	v45 =	vadd.f32 v9, v44;
	v44 =	vadd.f32 v62, v11;
	v11 =	vperm.xlane v8, v3  }
0x1ca: {  	[tilespmem:$0x1FEB0] =	vst v58;
	v49 =	vadd.f32 v50, v49;
	v50 =	vld [tilespmem:s19+$0xFFFFFF90];
	v58 =	vperm.xlane v47, v0;
	v56 =	vmul.f32 v63, v63  }
0x1cb: {  	v13 =	vadd.f32 v60, v13;
	v9 =	vperm.xlane v45, v2;
	v60 =	vld [tilespmem:s20+$0xFFFFFF90];
	v61 =	vmul.f32 v10, v63  }
0x1cc: {  	v46 =	vperm.xlane v44, v3;
	v59 =	vmul.f32 v10, v10;
	v10 =	vadd.f32 v12, v49;
	v49 =	vld [tilespmem:s20+$0xFFFFFF80]  }
0x1cd: {  	v47 =	vadd.f32 v58, v47;
	v12 =	vperm.xlane v13, v1;
	v55 =	vmul.f32 v61, v7  }
0x1ce: {  	[tilespmem:$0x1FEF0] =	vst v20;
	v20 =	vadd.f32 v23, v22;
	v58 =	vperm.xlane v10, v0;
	v61 =	vmul.f32 v52, v54  }
0x1cf: {  	v12 =	vadd.f32 v12, v13;
	v13 =	vmul.f32 v52, v52;
	v52 =	vperm.xlane v47, v1  }
0x1d0: {  	v62 =	vmul.f32 v50, v50;
	v10 =	vadd.f32 v10, v58;
	v58 =	vmul.f32 v57, v57  }
0x1d1: {  	v23 =	vadd.f32 v33, v29;
	v50 =	vmul.f32 v50, v60;
	v57 =	vmul.f32 v57, v49  }
0x1d2: {  	v63 =	vperm.xlane v12, v2;
	v49 =	vmul.f32 v49, v49;
	v16 =	vadd.f32 v62, v58  }
0x1d3: {  	[tilespmem:$0x1FEC0] =	vst v15;
	v47 =	vadd.f32 v52, v47;
	v15 =	vperm.xlane v10, v1;
	v62 =	vmul.f32 v57, v4  }
0x1d4: {  	v50 =	vmul.f32 v50, v5;
	v57 =	vmul.f32 v60, v60;
	v13 =	vadd.f32 v13, v16  }
0x1d5: {  	v58 =	vperm.xlane v47, v2;
	v60 =	vld [tilespmem:s20+$0xFFFFFEB0];
	v15 =	vadd.f32 v10, v15;
	v52 =	vadd.f32 $0.0e+00, v62  }
0x1d6: {  	v16 =	vmul.f32 v54, v54;
	v54 =	vld [tilespmem:s19+$0xFFFFFEB0];
	v49 =	vadd.f32 v57, v49;
	v53 =	vadd.f32 v53, v13  }
0x1d7: {  	v61 =	vmul.f32 v61, v6;
	v10 =	vadd.f32 v58, v47;
	v47 =	vld [tilespmem:s19+$0xFFFFFF20];
	v13 =	vadd.f32 v50, v52  }
0x1d8: {  	v12 =	vadd.f32 v63, v12;
	v58 =	vld [tilespmem:s19+$0xFFFFFF10];
	v16 =	vadd.f32 v16, v49;
	v62 =	vperm.xlane v53, v0  }
0x1d9: {  	v57 =	vld [tilespmem:s20+$0xFFFFFF20];
	v52 =	vperm.xlane v15, v2;
	v50 =	vadd.f32 v61, v13;
	v13 =	vperm.xlane v10, v3  }
0x1da: {  	v48 =	vadd.f32 v48, v16;
	v16 =	vperm.xlane v12, v3;
	v61 =	vld [tilespmem:s20+$0xFFFFFF10];
	v49 =	vadd.f32 v62, v53  }
0x1db: {  	[tilespmem:$0x1FED0] =	vst v14;
	v14 =	vld [tilespmem:s20+$0xFFFFFF00];
	v53 =	vmul.f32 v54, v60;
	v62 =	vadd.f32 v15, v52;
	v54 =	vmul.f32 v54, v54  }
0x1dc: {  	v15 =	vld [tilespmem:s19+$0xFFFFFF00];
	v60 =	vmul.f32 v60, v60;
	v50 =	vadd.f32 v51, v50;
	v51 =	vperm.xlane v48, v0  }
0x1dd: {  	v24 =	vadd.f32 v26, v24;
	v21 =	vmul.f32 v58, v58;
	v52 =	vperm.xlane v49, v1  }
0x1de: {  	v19 =	vperm.xlane v50, v0;
	v48 =	vadd.f32 v51, v48;
	v51 =	vmul.f32 v47, v47  }
0x1df: {  	[tilespmem:$0x1FEE0] =	vst v17;
	v26 =	vadd.f32 v30, v28;
	v47 =	vmul.f32 v47, v57;
	v22 =	vmul.f32 v58, v61  }
0x1e0: {  	[tilespmem:$0x1FF10] =	vst v23;
	v28 =	vld [tilespmem:s20+$0xFFFFFE80];
	v49 =	vadd.f32 v52, v49;
	v23 =	vmul.f32 v61, v61;
	v58 =	vmul.f32 v57, v57  }
0x1e1: {  	[tilespmem:$0x1FF00] =	vst v20;
	v63 =	vld [tilespmem:s19+$0xFFFFFE30];
	v19 =	vadd.f32 v50, v19;
	v17 =	vperm.xlane v48, v1;
	v20 =	vmul.f32 v15, v14  }
0x1e2: {  	v25 =	vadd.f32 v25, v27;
	v61 =	vld [tilespmem:s19+$0xFFFFFE80];
	v15 =	vmul.f32 v15, v15;
	v14 =	vmul.f32 v14, v14  }
0x1e3: {  	v18 =	vperm.xlane v49, v2;
	v50 =	vperm.xlane v19, v1;
	v17 =	vadd.f32 v17, v48  }
0x1e4: {  	v29 =	vmul.f32 v20, v4;
	v15 =	vadd.f32 v21, v15;
	v14 =	vadd.f32 v23, v14  }
0x1e5: {  	v22 =	vmul.f32 v22, v5;
	v20 =	vadd.f32 v18, v49;
	v18 =	vadd.f32 v19, v50  }
0x1e6: {  	v19 =	vperm.xlane v17, v2;
	v29 =	vadd.f32 $0.0e+00, v29;
	v15 =	vadd.f32 v51, v15  }
0x1e7: {  	v21 =	vld [tilespmem:s20+$0xFFFFFE30];
	v14 =	vadd.f32 v58, v14;
	v50 =	vmul.f32 v63, v63;
	v57 =	vmul.f32 v61, v28  }
0x1e8: {  	v27 =	vld [tilespmem:s19+$0xFFFFFE90];
	v28 =	vmul.f32 v28, v28;
	v51 =	vperm.xlane v20, v3;
	v33 =	vadd.f32 v19, v17  }
0x1e9: {  	v23 =	vld [tilespmem:s19+$0xFFFFFEA0];
	v17 =	vadd.f32 v22, v29;
	v19 =	vmul.f32 v47, v6;
	v14 =	vadd.f32 v56, v14  }
0x1ea: {  	v22 =	vmul.f32 v53, v7;
	v15 =	vadd.f32 v59, v15;
	v49 =	vperm.xlane v18, v2;
	v29 =	vld [tilespmem:s20+$0xFFFFFEA0]  }
0x1eb: {  	[tilespmem:$0x1FF20] =	vst v25;
	v17 =	vadd.f32 v19, v17;
	v48 =	vperm.xlane v33, v3;
	v25 =	vperm.xlane v14, v0  }
0x1ec: {  	v19 =	vmul.f32 v63, v21;
	v59 =	vperm.xlane v15, v0  }
0x1ed: {  	v21 =	vmul.f32 v21, v21;
	v17 =	vadd.f32 v55, v17;
	v14 =	vadd.f32 v25, v14;
	v25 =	vld [tilespmem:s20+$0xFFFFFE90]  }
0x1ee: {  	v47 =	vmul.f32 v19, v7;
	v55 =	vmul.f32 v27, v27  }
0x1ef: {  	[tilespmem:$0x1FF30] =	vst v24;
	v15 =	vadd.f32 v59, v15;
	v24 =	vmul.f32 v23, v29;
	v19 =	vperm.xlane v17, v0  }
0x1f0: {  	[tilespmem:$0x1FF40] =	vst v26;
	v8 =	vadd.f32 v11, v8;
	v53 =	vld [tilespmem:s19+$0xFFFFFE10];
	v23 =	vmul.f32 v23, v23;
	v26 =	vperm.xlane v14, v1  }
0x1f1: {  	v30 =	vmul.f32 v29, v29;
	v17 =	vadd.f32 v17, v19;
	v19 =	vperm.xlane v15, v1  }
0x1f2: {  	v14 =	vadd.f32 v26, v14;
	v56 =	vmul.f32 v25, v25;
	v25 =	vmul.f32 v27, v25  }
0x1f3: {  	v15 =	vadd.f32 v19, v15;
	v19 =	vadd.f32 v32, v31;
	v31 =	vmul.f32 v61, v61  }
0x1f4: {  	v63 =	vperm.xlane v17, v1;
	v58 =	vperm.xlane v14, v2;
	v27 =	vadd.f32 v56, v28  }
0x1f5: {  	v59 =	vld [tilespmem:s20+$0xFFFFFDB0];
	v11 =	vmul.f32 v53, v53;
	[tilespmem:$0x1FF50] =	vst v19;
	v19 =	vadd.f32 v42, v36;
	v31 =	vadd.f32 v55, v31  }
0x1f6: {  	v24 =	vmul.f32 v24, v6;
	v17 =	vadd.f32 v17, v63;
	v42 =	vadd.f32 v58, v14  }
0x1f7: {  	v26 =	vperm.xlane v15, v2;
	v36 =	vadd.f32 v46, v44;
	v27 =	vadd.f32 v30, v27  }
0x1f8: {  	v25 =	vmul.f32 v25, v5;
	v63 =	vld [tilespmem:s20+$0xFFFFFE00];
	[tilespmem:$0x1FF60] =	vst v19;
	v19 =	vadd.f32 v37, v41;
	v23 =	vadd.f32 v23, v31  }
0x1f9: {  	v15 =	vadd.f32 v26, v15;
	v26 =	vld [tilespmem:s19+$0xFFFFFDB0];
	v31 =	vmul.f32 v57, v4;
	v28 =	vperm.xlane v17, v2  }
0x1fa: {  	v55 =	vmul.f32 v59, v59;
	v37 =	vld [tilespmem:s19+$0xFFFFFE00];
	v27 =	vadd.f32 v60, v27;
	v14 =	vadd.f32 v54, v23  }
0x1fb: {  	v32 =	vld [tilespmem:s20+$0xFFFFFE20];
	v52 =	vperm.xlane v42, v3;
	v31 =	vadd.f32 $0.0e+00, v31;
	v30 =	vadd.f32 v17, v28  }
0x1fc: {  	[tilespmem:$0x1FF70] =	vst v19;
	v17 =	vperm.xlane v15, v3;
	v28 =	vld [tilespmem:s19+$0xFFFFFE20];
	v19 =	vadd.f32 v35, v34;
	v61 =	vperm.xlane v27, v0  }
0x1fd: {  	v58 =	vmul.f32 v63, v63;
	v25 =	vadd.f32 v25, v31;
	v31 =	vperm.xlane v14, v0  }
0x1fe: {  	[tilespmem:$0x1FFB0] =	vst v8;
	v35 =	vadd.f32 v51, v20;
	v60 =	vmul.f32 v26, v59;
	v26 =	vmul.f32 v26, v26  }
0x1ff: {  	[tilespmem:$0x1FF80] =	vst v19;
	v19 =	vadd.f32 v39, v38;
	v38 =	vld [tilespmem:s20+$0xFFFFFE10];
	v8 =	vmul.f32 v37, v37;
	v63 =	vmul.f32 v37, v63  }
0x200: {  	v37 =	vadd.f32 v16, v12;
	v25 =	vadd.f32 v24, v25;
	v24 =	vmul.f32 v60, v7  }
0x201: {  	v14 =	vadd.f32 v31, v14;
	v54 =	vmul.f32 v28, v32;
	v28 =	vmul.f32 v28, v28  }
0x202: {  	v8 =	vadd.f32 v11, v8;
	v32 =	vmul.f32 v32, v32;
	v22 =	vadd.f32 v22, v25  }
0x203: {  	v16 =	vmul.f32 v63, v4;
	v25 =	vadd.f32 v61, v27;
	v27 =	vperm.xlane v14, v1  }
0x204: {  	[tilespmem:$0x1FF90] =	vst v19;
	v19 =	vadd.f32 v43, v40;
	v11 =	vld [tilespmem:s19+$0xFFFFFD30];
	v59 =	vmul.f32 v38, v38;
	v56 =	vperm.xlane v22, v0  }
0x205: {  	v61 =	vld [tilespmem:s20+$0xFFFFFD30];
	v8 =	vadd.f32 v28, v8;
	v12 =	vmul.f32 v53, v38;
	v38 =	vadd.f32 v13, v10  }
0x206: {  	v28 =	vmul.f32 v54, v6;
	v16 =	vadd.f32 $0.0e+00, v16;
	v22 =	vadd.f32 v22, v56  }
0x207: {  	v57 =	vperm.xlane v25, v1;
	v14 =	vadd.f32 v27, v14;
	v40 =	vadd.f32 v59, v58  }
0x208: {  	v46 =	vld [tilespmem:s19+$0xFFFFFD90];
	v8 =	vadd.f32 v50, v8;
	v12 =	vmul.f32 v12, v5;
	v60 =	vperm.xlane v22, v1  }
0x209: {  	v25 =	vadd.f32 v57, v25;
	v27 =	vperm.xlane v14, v2;
	v57 =	vmul.f32 v11, v11  }
0x20a: {  	v59 =	vld [tilespmem:s19+$0xFFFFFDA0];
	v11 =	vmul.f32 v11, v61;
	v43 =	vadd.f32 v22, v60;
	v22 =	vadd.f32 v32, v40  }
0x20b: {  	v39 =	vld [tilespmem:s20+$0xFFFFFDA0];
	v12 =	vadd.f32 v12, v16;
	v14 =	vadd.f32 v27, v14;
	v27 =	vperm.xlane v25, v2  }
0x20c: {  	v63 =	vld [tilespmem:s19+$0xFFFFFC30];
	v50 =	vmul.f32 v61, v61;
	v21 =	vadd.f32 v21, v22;
	v22 =	vperm.xlane v8, v0  }
0x20d: {  	v16 =	vmul.f32 v46, v46;
	v12 =	vadd.f32 v28, v12;
	v28 =	vld [tilespmem:s20+$0xFFFFFC30];
	v25 =	vadd.f32 v27, v25  }
0x20e: {  	v56 =	vperm.xlane v14, v3;
	v54 =	vperm.xlane v21, v0;
	v8 =	vadd.f32 v22, v8;
	v22 =	vld [tilespmem:s19+$0xFFFFFD80]  }
0x20f: {  	v27 =	vadd.f32 v45, v9;
	v60 =	vmul.f32 v59, v59;
	v45 =	vmul.f32 v11, v7  }
0x210: {  	v20 =	vld [tilespmem:s20+$0xFFFFFD80];
	v11 =	vmul.f32 v59, v39;
	v10 =	vadd.f32 v54, v21;
	v13 =	vperm.xlane v8, v1  }
0x211: {  	v23 =	vadd.f32 v17, v15;
	v40 =	vperm.xlane v62, v3;
	v9 =	vperm.xlane v43, v2;
	v21 =	vld [tilespmem:s20+$0xFFFFFD90]  }
0x212: {  	v11 =	vmul.f32 v11, v6;
	v61 =	vperm.xlane v10, v1;
	v8 =	vadd.f32 v13, v8  }
0x213: {  	v32 =	vadd.f32 v18, v49;
	v15 =	vmul.f32 v63, v28;
	v13 =	vmul.f32 v22, v22  }
0x214: {  	v54 =	vmul.f32 v63, v63;
	v10 =	vadd.f32 v61, v10;
	v18 =	vperm.xlane v8, v2  }
0x215: {  	v53 =	vld [tilespmem:s19+$0xFFFFFD10];
	v13 =	vadd.f32 v16, v13;
	v16 =	vmul.f32 v20, v20;
	v20 =	vmul.f32 v22, v20  }
0x216: {  	v59 =	vld [tilespmem:s19+$0xFFFFFD00];
	v61 =	vmul.f32 v39, v39;
	v8 =	vadd.f32 v18, v8;
	v18 =	vmul.f32 v21, v21  }
0x217: {  	v39 =	vadd.f32 v47, v12;
	v13 =	vadd.f32 v60, v13;
	v20 =	vmul.f32 v20, v4  }
0x218: {  	v12 =	vld [tilespmem:s19+$0xFFFFFD20];
	v21 =	vmul.f32 v46, v21;
	v16 =	vadd.f32 v18, v16;
	v18 =	vperm.xlane v10, v2  }
0x219: {  	v46 =	vmul.f32 v15, v7;
	v13 =	vadd.f32 v26, v13;
	v15 =	vadd.f32 $0.0e+00, v20  }
0x21a: {  	v63 =	vld [tilespmem:s20+$0xFFFFFD20];
	v20 =	vmul.f32 v21, v5;
	v26 =	vadd.f32 v18, v10;
	v10 =	vadd.f32 v61, v16  }
0x21b: {  	v44 =	vld [tilespmem:s20+$0xFFFFFD00];
	v17 =	vmul.f32 v59, v59;
	v47 =	vadd.f32 v52, v42;
	v18 =	vmul.f32 v53, v53  }
0x21c: {  	v52 =	vld [tilespmem:s20+$0xFFFFFC20];
	v16 =	vperm.xlane v13, v0;
	v15 =	vadd.f32 v20, v15;
	v10 =	vadd.f32 v55, v10  }
0x21d: {  	v22 =	vld [tilespmem:s19+$0xFFFFFCB0];
	v60 =	vmul.f32 v28, v28;
	v28 =	vmul.f32 v12, v12;
	v17 =	vadd.f32 v18, v17  }
0x21e: {  	v13 =	vadd.f32 v16, v13;
	v16 =	vld [tilespmem:s20+$0xFFFFFCB0];
	v11 =	vadd.f32 v11, v15;
	v18 =	vperm.xlane v10, v0  }
0x21f: {  	v58 =	vperm.xlane v25, v3;
	v12 =	vmul.f32 v12, v63;
	v17 =	vadd.f32 v28, v17  }
0x220: {  	v51 =	vadd.f32 v24, v11;
	v11 =	vmul.f32 v59, v44;
	v18 =	vadd.f32 v18, v10  }
0x221: {  	v49 =	vadd.f32 v56, v14;
	v28 =	vld [tilespmem:s19+$0xFFFFFC20];
	v24 =	vmul.f32 v52, v52;
	v10 =	vperm.xlane v13, v1  }
0x222: {  	v42 =	vld [tilespmem:s20+$0xFFFFFD10];
	v17 =	vadd.f32 v57, v17;
	v56 =	vperm.xlane v51, v0;
	v21 =	vperm.xlane v18, v1  }
0x223: {  	v13 =	vadd.f32 v10, v13;
	v10 =	vmul.f32 v22, v22;
	v22 =	vmul.f32 v22, v16  }
0x224: {  	v41 =	vadd.f32 v48, v33;
	v20 =	vmul.f32 v16, v16;
	v14 =	vperm.xlane v17, v0  }
0x225: {  	v16 =	vadd.f32 v21, v18;
	v18 =	vperm.xlane v13, v2;
	v48 =	vmul.f32 v22, v7  }
0x226: {  	v21 =	vmul.f32 v63, v63;
	v33 =	vadd.f32 v14, v17;
	v14 =	vmul.f32 v28, v28  }
0x227: {  	v31 =	vmov v62;
	v62 =	vld [tilespmem:s19+$0xFFFFFC00];
	v22 =	vmul.f32 v53, v42;
	v17 =	vmul.f32 v42, v42  }
0x228: {  	v61 =	vld [tilespmem:s20+$0xFFFFFC10];
	v15 =	vperm.xlane v16, v2;
	v13 =	vadd.f32 v18, v13;
	v18 =	vmul.f32 v12, v6  }
0x229: {  	v57 =	vld [tilespmem:s19+$0xFFFFFC10];
	v42 =	vadd.f32 v43, v9;
	v12 =	vmul.f32 v28, v52;
	v9 =	vperm.xlane v33, v1  }
0x22a: {  	v53 =	vld [tilespmem:s19+$0xFFFFFC90];
	v63 =	vadd.f32 v15, v16;
	v15 =	vmul.f32 v11, v4;
	v11 =	vperm.xlane v8, v3  }
0x22b: {  	v52 =	vadd.f32 v58, v25;
	v58 =	vld [tilespmem:s20+$0xFFFFFC90];
	v25 =	vadd.f32 v9, v33;
	v9 =	vperm.xlane v26, v3  }
0x22c: {  	v43 =	vperm.xlane v39, v0;
	v16 =	vperm.xlane v13, v3;
	v55 =	vadd.f32 v11, v8;
	v11 =	vld [tilespmem:s20+$0xFFFFFC00]  }
0x22d: {  	v28 =	vmul.f32 v44, v44;
	v44 =	vperm.xlane v30, v3;
	v59 =	vadd.f32 v9, v26;
	v8 =	vld [tilespmem:s19+$0xFFFFFC80]  }
0x22e: {  	s21 =	sadd.s32 $0x10480, s21;
	s23 =	simm.s32 $0x10;
	s22 =	simm.s32 $0x0;
	[tilespmem:$0x1FFA0] =	vst v19;
	v9 =	vadd.f32 v16, v13;
	v16 =	vperm.xlane v63, v3;
	v26 =	vperm.xlane v25, v2;
	v13 =	vld [tilespmem:s20+$0xFFFFFC80]  }
.LBB2_7:
0x22f: {  	v33 =	vld [tilespmem:$0x1FFD0]  }
0x230: {  	v29 =	vld [tilespmem:s19+$0xFFFFFCA0];
	v17 =	vadd.f32 v17, v28  }
0x231: {  	v25 =	vadd.f32 v26, v25;
	v26 =	vmul.f32 v61, v61;
	v28 =	vmul.f32 v57, v57  }
0x232: {  	v4 =	vmul.f32 v58, v58;
	v5 =	vmul.f32 v53, v53  }
0x233: {  	v19 =	vld [tilespmem:s20+$0xFFFFFCA0];
	v17 =	vadd.f32 v21, v17;
	v21 =	vmul.f32 v11, v11;
	v6 =	vmul.f32 v62, v62  }
0x234: {  	v15 =	vadd.f32 $0.0e+00, v15;
	v7 =	vmul.f32 v8, v8;
	v22 =	vmul.f32 v22, v33  }
0x235: {  	v21 =	vadd.f32 v26, v21;
	v6 =	vadd.f32 v28, v6;
	v26 =	vmul.f32 v29, v29  }
0x236: {  	v5 =	vadd.f32 v5, v7;
	v15 =	vadd.f32 v22, v15;
	v22 =	vmul.f32 v13, v13  }
0x237: {  	v6 =	vadd.f32 v14, v6  }
0x238: {  	v7 =	vmul.f32 v19, v19;
	v5 =	vadd.f32 v26, v5;
	v4 =	vadd.f32 v4, v22  }
0x239: {  	v21 =	vadd.f32 v24, v21;
	v6 =	vadd.f32 v54, v6  }
0x23a: {  	v22 =	vld [tilespmem:$0x1FFE0];
	v5 =	vadd.f32 v10, v5;
	v4 =	vadd.f32 v7, v4  }
0x23b: {  	v17 =	vadd.f32 v50, v17;
	v7 =	vadd.f32 v60, v21  }
0x23c: {  	v21 =	vperm.xlane v5, v0;
	v4 =	vadd.f32 v20, v4;
	v20 =	vperm.xlane v6, v0  }
0x23d: {  	v14 =	vmul.f32 v29, v19;
	v19 =	vperm.xlane v17, v0  }
0x23e: {  	v10 =	vperm.xlane v7, v0;
	v5 =	vadd.f32 v21, v5;
	v6 =	vadd.f32 v20, v6  }
0x23f: {  	v17 =	vadd.f32 v19, v17;
	v12 =	vmul.f32 v12, v22;
	v19 =	vperm.xlane v4, v0  }
0x240: {  	v21 =	vperm.xlane v5, v1;
	v20 =	vperm.xlane v6, v1  }
0x241: {  	v7 =	vadd.f32 v10, v7;
	v10 =	vperm.xlane v17, v1;
	v4 =	vadd.f32 v19, v4  }
0x242: {  	v14 =	vmul.f32 v14, v22;
	v5 =	vadd.f32 v21, v5;
	v6 =	vadd.f32 v20, v6  }
0x243: {  	v19 =	vperm.xlane v7, v1;
	v10 =	vadd.f32 v10, v17;
	v17 =	vperm.xlane v4, v1  }
0x244: {  	v60 =	vmov v22;
	v22 =	vperm.xlane v5, v2;
	v21 =	vperm.xlane v6, v2  }
0x245: {  	v7 =	vadd.f32 v19, v7;
	v19 =	vperm.xlane v10, v2;
	v4 =	vadd.f32 v17, v4  }
0x246: {  	v5 =	vadd.f32 v22, v5;
	v6 =	vadd.f32 v21, v6  }
0x247: {  	v20 =	vperm.xlane v7, v2;
	v10 =	vadd.f32 v19, v10;
	v19 =	vperm.xlane v4, v2  }
0x248: {  	v15 =	vadd.f32 v18, v15;
	v28 =	vperm.xlane v5, v3;
	v22 =	vperm.xlane v6, v3  }
0x249: {  	v18 =	vperm.xlane v25, v3;
	v7 =	vadd.f32 v20, v7;
	v4 =	vadd.f32 v19, v4  }
0x24a: {  	v34 =	vld [tilespmem:$0x1FFC0];
	v5 =	vadd.f32 v28, v5;
	v6 =	vadd.f32 v22, v6  }
0x24b: {  	v18 =	vadd.f32 v18, v25;
	v19 =	vperm.xlane v7, v3;
	v26 =	vperm.xlane v4, v3  }
0x24c: {  	v8 =	vmul.f32 v8, v13;
	v20 =	vperm.xlane v10, v3;
	v5 =	vsel vm0, v6, v5  }
0x24d: {  	v7 =	vadd.f32 v19, v7;
	v4 =	vadd.f32 v26, v4;
	v5 =	vsel vm1, v5, v18  }
0x24e: {  	v10 =	vadd.f32 v20, v10;
	v5 =	vsel vm2, v5, v9  }
0x24f: {  	v4 =	vsel vm0, v7, v4;
	v7 =	vmul.f32 v8, v34;
	v8 =	vld [tilespmem:$0x1FFB0];
	v5 =	vsel vm3, v5, v55  }
0x250: {  	v16 =	vadd.f32 v16, v63;
	v5 =	vsel vm4, v5, v49  }
0x251: {  	v4 =	vsel vm1, v4, v10;
	v5 =	vsel vm5, v5, v23  }
0x252: {  	v4 =	vsel vm2, v4, v16;
	v5 =	vsel vm6, v5, v35  }
0x253: {  	v4 =	vsel vm3, v4, v59;
	v5 =	vsel vm7, v5, v37  }
0x254: {  	v4 =	vsel vm4, v4, v52;
	v5 =	vsel vm8, v5, v8;
	v8 =	vld [tilespmem:$0x1FFA0]  }
0x255: {  	v4 =	vsel vm5, v4, v47  }
0x256: {  	v4 =	vsel vm6, v4, v41  }
0x257: {  	v4 =	vsel vm7, v4, v38  }
0x258: {  	v4 =	vsel vm8, v4, v36  }
0x259: {  	v4 =	vsel vm9, v4, v8;
	v8 =	vld [tilespmem:$0x1FF90];
	_ =	sdelay $0x2  }
0x25a: {  	v11 =	vmul.f32 v62, v11;
	_ =	sdelay $0x1  }
0x25b: {  	v21 =	vmul.f32 v57, v61;
	v6 =	vmul.f32 v11, v34;
	v5 =	vsel vm9, v5, v8;
	v8 =	vld [tilespmem:$0x1FF80];
	_ =	sdelay $0x1  }
0x25c: {  	v21 =	vmul.f32 v21, v33;
	v6 =	vadd.f32 $0.0e+00, v6;
	_ =	sdelay $0x1  }
0x25d: {  	v6 =	vadd.f32 v21, v6  }
0x25e: {  	v4 =	vsel vm10, v4, v8;
	v8 =	vld [tilespmem:$0x1FF60]  }
0x25f: {  	v6 =	vadd.f32 v12, v6;
	_ =	sdelay $0x1  }
0x260: {  	v6 =	vadd.f32 v46, v6;
	_ =	sdelay $0x1  }
0x261: {  	v9 =	vld [tilespmem:$0x1FF50];
	v5 =	vsel vm10, v5, v8;
	v8 =	vperm.xlane v6, v0  }
0x262: {  	v10 =	vld [tilespmem:$0x1FF30]  }
0x263: {  	v6 =	vadd.f32 v6, v8;
	v8 =	vld [tilespmem:$0x1FF00];
	_ =	sdelay $0x2  }
0x264: {  	v4 =	vsel vm11, v4, v9;
	v9 =	vld [tilespmem:$0x1FF40]  }
0x265: {  	v4 =	vsel vm12, v4, v10;
	v10 =	vld [tilespmem:$0x1FF10]  }
0x266: {  	v4 =	vsel vm13, v4, v8;
	v8 =	vld [tilespmem:$0x1FEF0];
	_ =	sdelay $0x2  }
0x267: {  	v19 =	vmul.f32 v53, v58;
	v5 =	vsel vm11, v5, v9  }
0x268: {  	v5 =	vsel vm12, v5, v10  }
0x269: {  	v19 =	vmul.f32 v19, v33;
	v7 =	vadd.f32 $0.0e+00, v7;
	v5 =	vsel vm13, v5, v8;
	v8 =	vld [tilespmem:$0x1FEE0];
	_ =	sdelay $0x1  }
0x26a: {  	v7 =	vadd.f32 v19, v7;
	_ =	sdelay $0x1  }
0x26b: {  	v7 =	vadd.f32 v14, v7  }
0x26c: {  	v4 =	vsel vm14, v4, v8;
	v8 =	vld [tilespmem:$0x1FEC0]  }
0x26d: {  	v7 =	vadd.f32 v48, v7  }
0x26e: {  	v15 =	vadd.f32 v45, v15  }
0x26f: {  	v9 =	vperm.xlane v7, v0  }
0x270: {  	v24 =	vadd.f32 v51, v56;
	v17 =	vperm.xlane v15, v0  }
0x271: {  	v7 =	vadd.f32 v7, v9;
	v5 =	vsel vm14, v5, v8  }
0x272: {  	v9 =	vperm.xlane v24, v1;
	v8 =	vadd.f32 v15, v17;
	v4 =	vmul.f32 v5, v4  }
0x273: {  	v11 =	vadd.f32 v39, v43;
	v10 =	vperm.xlane v7, v1;
	v5 =	vperm.xlane v6, v1  }
0x274: {  	v12 =	vperm.xlane v8, v1;
	v13 =	vshra.s32 v4, $0x1;
	v4 =	vmul.f32 $5.000000000e-01, v4  }
0x275: {  	v5 =	vadd.f32 v6, v5;
	v6 =	vadd.f32 v7, v10;
	v7 =	vsub.s32 $0x5F3759DF, v13  }
0x276: {  	v10 =	vperm.xlane v11, v1;
	v8 =	vadd.f32 v8, v12;
	v12 =	vmul.f32 v7, v4  }
0x277: {  	v9 =	vadd.f32 v24, v9;
	v13 =	vperm.xlane v5, v2;
	v14 =	vperm.xlane v6, v2  }
0x278: {  	v10 =	vadd.f32 v11, v10;
	v15 =	vperm.xlane v8, v2;
	v11 =	vmul.f32 v7, v12  }
0x279: {  	v5 =	vadd.f32 v5, v13;
	v6 =	vadd.f32 v6, v14;
	v12 =	vperm.xlane v9, v2  }
0x27a: {  	v13 =	vperm.xlane v10, v2;
	v8 =	vadd.f32 v8, v15;
	v11 =	vsub.f32 $1.500000000e+00, v11  }
0x27b: {  	v14 =	vperm.xlane v5, v3;
	v15 =	vperm.xlane v6, v3;
	v9 =	vadd.f32 v9, v12  }
0x27c: {  	v10 =	vadd.f32 v10, v13;
	v12 =	vperm.xlane v8, v3;
	v7 =	vmul.f32 v7, v11  }
0x27d: {  	v5 =	vadd.f32 v5, v14;
	v6 =	vadd.f32 v6, v15;
	v11 =	vperm.xlane v9, v3  }
0x27e: {  	v8 =	vadd.f32 v8, v12;
	v12 =	vperm.xlane v10, v3;
	v13 =	vmul.f32 v7, v4  }
0x27f: {  	v5 =	vsel vm0, v5, v6;
	v6 =	vadd.f32 v9, v11;
	v9 =	vperm.xlane v42, v3  }
0x280: {  	v5 =	vsel vm1, v5, v8;
	v8 =	vadd.f32 v10, v12;
	v10 =	vmul.f32 v13, v7  }
0x281: {  	v5 =	vsel vm2, v5, v6;
	v6 =	vadd.f32 v42, v9;
	v9 =	vperm.xlane v32, v3  }
0x282: {  	v5 =	vsel vm3, v5, v8;
	v8 =	vadd.f32 v30, v44  }
0x283: {  	v10 =	vsub.f32 $1.500000000e+00, v10;
	v5 =	vsel vm4, v5, v6;
	v6 =	vadd.f32 v32, v9  }
0x284: {  	v11 =	vld [tilespmem:$0x1FF70];
	v5 =	vsel vm5, v5, v8;
	v8 =	vadd.f32 v31, v40  }
0x285: {  	v7 =	vmul.f32 v10, v7;
	v5 =	vsel vm6, v5, v6;
	v10 =	vld [tilespmem:$0x1FEB0]  }
0x286: {  	v5 =	vsel vm7, v5, v8;
	v8 =	vld [tilespmem:$0x1FEA0]  }
0x287: {  	v9 =	vperm.xlane v27, v3;
	_ =	sdelay $0x1  }
0x288: {  	v6 =	vadd.f32 v27, v9;
	v9 =	vperm.xlane v11, v3;
	_ =	sdelay $0x1  }
0x289: {  	v5 =	vsel vm8, v5, v6;
	v6 =	vadd.f32 v11, v9;
	v11 =	vld [tilespmem:$0x1FF20];
	v8 =	vadd.f32 v8, v10  }
0x28a: {  	v10 =	vld [tilespmem:$0x1FE90]  }
0x28b: {  	v5 =	vsel vm9, v5, v8;
	v8 =	vld [tilespmem:$0x1FE80];
	_ =	sdelay $0x2  }
0x28c: {  	v9 =	vperm.xlane v11, v3;
	_ =	sdelay $0x1  }
0x28d: {  	v5 =	vsel vm10, v5, v6;
	v6 =	vadd.f32 v11, v9;
	v11 =	vld [tilespmem:$0x1FED0];
	v8 =	vadd.f32 v8, v10  }
0x28e: {  	v10 =	vld [tilespmem:$0x1FE70]  }
0x28f: {  	v5 =	vsel vm11, v5, v8;
	v8 =	vld [tilespmem:$0x1FE60]  }
0x290: {  	v4 =	vmul.f32 v7, v4;
	_ =	sdelay $0x1  }
0x291: {  	v4 =	vmul.f32 v4, v7  }
0x292: {  	v9 =	vperm.xlane v11, v3  }
0x293: {  	v4 =	vsub.f32 $1.500000000e+00, v4;
	v8 =	vadd.f32 v8, v10  }
0x294: {  	v5 =	vsel vm12, v5, v6;
	v6 =	vadd.f32 v11, v9  }
0x295: {  	v4 =	vmul.f32 v4, v7;
	v5 =	vsel vm13, v5, v8  }
0x296: {  	s0 =	sand.u32 $0x80, s22;
	v5 =	vsel vm14, v5, v6  }
0x297: {  	s1 =	sand.u32 $0x70, s22;
	s0 =	sadd.s32 s0, s21;
	v4 =	vmul.f32 v4, v5  }
0x298: {  	s0 =	sadd.s32 s1, s0  }
0x299: {  	s19 =	sadd.s32 $0x800, s19;
	[tilespmem:s0+$0x0] =	vst v4  }
0x29a: {  	s20 =	sadd.s32 $0x800, s20;
	v4 =	vld [tilespmem:s19+$0x3B0]  }
0x29b: {  	v5 =	vld [tilespmem:s20+$0x3B0]  }
0x29c: {  	v6 =	vld [tilespmem:s19+$0x330]  }
0x29d: {  	v7 =	vld [tilespmem:s20+$0x330]  }
0x29e: {  	v8 =	vld [tilespmem:s19+$0x390]  }
0x29f: {  	v9 =	vld [tilespmem:s19+$0x380]  }
0x2a0: {  	v11 =	vld [tilespmem:s20+$0x390]  }
0x2a1: {  	v13 =	vld [tilespmem:s20+$0x380]  }
0x2a2: {  	v12 =	vmul.f32 v4, v5  }
0x2a3: {  	v14 =	vld [tilespmem:s20+$0x3A0];
	v4 =	vmul.f32 v4, v4;
	v5 =	vmul.f32 v5, v5  }
0x2a4: {  	v10 =	vld [tilespmem:s19+$0x3A0];
	v15 =	vmul.f32 v9, v9;
	v16 =	vmul.f32 v8, v8  }
0x2a5: {  	v19 =	vld [tilespmem:s19+$0x2B0];
	v17 =	vmul.f32 v6, v7;
	v6 =	vmul.f32 v6, v6  }
0x2a6: {  	v44 =	vld [tilespmem:$0x1FFF0];
	v18 =	vmul.f32 v11, v11;
	v9 =	vmul.f32 v9, v13  }
0x2a7: {  	v13 =	vmul.f32 v13, v13;
	v7 =	vmul.f32 v7, v7  }
0x2a8: {  	v21 =	vmul.f32 v14, v14;
	v8 =	vmul.f32 v8, v11  }
0x2a9: {  	v20 =	vld [tilespmem:s20+$0x2B0];
	v15 =	vadd.f32 v16, v15;
	v16 =	vmul.f32 v10, v10;
	v11 =	vadd.f32 v18, v13  }
0x2aa: {  	v23 =	vmul.f32 v19, v19;
	v9 =	vmul.f32 v9, v34  }
0x2ab: {  	v12 =	vmul.f32 v12, v44;
	v13 =	vld [tilespmem:s19+$0x320];
	v15 =	vadd.f32 v16, v15;
	v11 =	vadd.f32 v21, v11  }
0x2ac: {  	v10 =	vmul.f32 v10, v14;
	v8 =	vmul.f32 v8, v33;
	v18 =	vld [tilespmem:s19+$0x300];
	v9 =	vadd.f32 $0.0e+00, v9  }
0x2ad: {  	v22 =	vmul.f32 v17, v44;
	v4 =	vadd.f32 v4, v15;
	v15 =	vld [tilespmem:s19+$0x310];
	v5 =	vadd.f32 v5, v11  }
0x2ae: {  	v17 =	vmul.f32 v19, v20;
	v10 =	vmul.f32 v10, v60;
	v21 =	vadd.f32 v8, v9  }
0x2af: {  	v14 =	vld [tilespmem:s20+$0x320];
	v16 =	vperm.xlane v4, v0;
	v11 =	vperm.xlane v5, v0  }
0x2b0: {  	v9 =	vmul.f32 v20, v20;
	v8 =	vmul.f32 v17, v44;
	v10 =	vadd.f32 v10, v21  }
0x2b1: {  	v17 =	vmul.f32 v13, v13;
	v4 =	vadd.f32 v16, v4;
	v16 =	vld [tilespmem:s20+$0x300];
	v5 =	vadd.f32 v11, v5  }
0x2b2: {  	v20 =	vld [tilespmem:s20+$0x310];
	v10 =	vadd.f32 v12, v10;
	v11 =	vmul.f32 v18, v18;
	v12 =	vmul.f32 v15, v15  }
0x2b3: {  	v19 =	vperm.xlane v4, v1;
	v21 =	vperm.xlane v5, v1  }
0x2b4: {  	v13 =	vmul.f32 v13, v14;
	v11 =	vadd.f32 v12, v11;
	v12 =	vmul.f32 v14, v14  }
0x2b5: {  	v4 =	vadd.f32 v19, v4;
	v19 =	vperm.xlane v10, v0;
	v5 =	vadd.f32 v21, v5  }
0x2b6: {  	v18 =	vmul.f32 v18, v16;
	v11 =	vadd.f32 v17, v11;
	v16 =	vmul.f32 v16, v16  }
0x2b7: {  	v14 =	vperm.xlane v4, v2;
	v10 =	vadd.f32 v10, v19;
	v19 =	vmul.f32 v15, v20  }
0x2b8: {  	v47 =	vld [tilespmem:s19+$0x180];
	v20 =	vmul.f32 v20, v20;
	v17 =	vmul.f32 v18, v34;
	v6 =	vadd.f32 v6, v11  }
0x2b9: {  	v48 =	vld [tilespmem:s20+$0x190];
	v18 =	vperm.xlane v5, v2;
	v15 =	vadd.f32 v14, v4;
	v11 =	vperm.xlane v10, v1  }
0x2ba: {  	v21 =	vld [tilespmem:s20+$0x230];
	v19 =	vmul.f32 v19, v33;
	v16 =	vadd.f32 v20, v16;
	v24 =	vadd.f32 $0.0e+00, v17  }
0x2bb: {  	v4 =	vld [tilespmem:s19+$0x230];
	v20 =	vperm.xlane v6, v0;
	v17 =	vadd.f32 v18, v5;
	v14 =	vadd.f32 v10, v11  }
0x2bc: {  	v49 =	vld [tilespmem:s20+$0x180];
	v10 =	vmul.f32 v13, v60;
	v11 =	vadd.f32 v12, v16;
	v5 =	vadd.f32 v19, v24  }
0x2bd: {  	v13 =	vld [tilespmem:s19+$0x2A0];
	v6 =	vadd.f32 v20, v6  }
0x2be: {  	v20 =	vld [tilespmem:s20+$0x2A0];
	v7 =	vadd.f32 v7, v11;
	v5 =	vadd.f32 v10, v5;
	v10 =	vperm.xlane v17, v3  }
0x2bf: {  	v55 =	vmul.f32 v48, v48;
	v24 =	vperm.xlane v6, v1  }
0x2c0: {  	v25 =	vld [tilespmem:s19+$0x280];
	[tilespmem:$0x1FE40] =	vst v10;
	v10 =	vmul.f32 v4, v21;
	v5 =	vadd.f32 v22, v5;
	v22 =	vperm.xlane v7, v0  }
0x2c1: {  	v27 =	vld [tilespmem:s20+$0x280];
	v35 =	vmul.f32 v47, v49;
	v12 =	vmul.f32 v21, v21;
	v6 =	vadd.f32 v24, v6  }
0x2c2: {  	v11 =	vmul.f32 v10, v44;
	v10 =	vld [tilespmem:s19+$0x290];
	v21 =	vperm.xlane v5, v0;
	v7 =	vadd.f32 v22, v7  }
0x2c3: {  	v22 =	vmul.f32 v13, v20;
	v26 =	vperm.xlane v6, v2  }
0x2c4: {  	v24 =	vld [tilespmem:s20+$0x290];
	v29 =	vmul.f32 v20, v20;
	v5 =	vadd.f32 v5, v21;
	v21 =	vperm.xlane v7, v1  }
0x2c5: {  	v13 =	vmul.f32 v13, v13;
	v28 =	vmul.f32 v22, v60;
	v20 =	vadd.f32 v26, v6  }
0x2c6: {  	v6 =	vmul.f32 v25, v25;
	v25 =	vmul.f32 v25, v27;
	v7 =	vadd.f32 v21, v7  }
0x2c7: {  	v22 =	vperm.xlane v5, v1;
	v26 =	vmul.f32 v10, v10  }
0x2c8: {  	v27 =	vmul.f32 v27, v27;
	v30 =	vperm.xlane v7, v2  }
0x2c9: {  	v31 =	vmul.f32 v24, v24;
	v5 =	vadd.f32 v5, v22;
	v6 =	vadd.f32 v26, v6  }
0x2ca: {  	v50 =	vld [tilespmem:s20+$0x1B0];
	v10 =	vmul.f32 v10, v24;
	v22 =	vadd.f32 v30, v7;
	v7 =	vmul.f32 v25, v34  }
0x2cb: {  	v37 =	vmul.f32 v49, v49;
	v26 =	vld [tilespmem:s19+$0x1B0];
	v6 =	vadd.f32 v13, v6;
	v13 =	vperm.xlane v5, v2  }
0x2cc: {  	v24 =	vadd.f32 v31, v27;
	v10 =	vmul.f32 v10, v33;
	v25 =	vld [tilespmem:s19+$0x220];
	v7 =	vadd.f32 $0.0e+00, v7  }
0x2cd: {  	v16 =	vperm.xlane v15, v3;
	v6 =	vadd.f32 v23, v6;
	v30 =	vadd.f32 v5, v13;
	v5 =	vld [tilespmem:s20+$0x220]  }
0x2ce: {  	v4 =	vmul.f32 v4, v4;
	v13 =	vadd.f32 v29, v24;
	v24 =	vld [tilespmem:s19+$0x210];
	v7 =	vadd.f32 v10, v7  }
0x2cf: {  	v27 =	vperm.xlane v6, v0;
	[tilespmem:$0x1FE60] =	vst v30;
	v29 =	vperm.xlane v30, v3;
	v30 =	vld [tilespmem:s19+$0x200]  }
0x2d0: {  	v51 =	vmul.f32 v26, v26;
	v13 =	vadd.f32 v9, v13;
	v7 =	vadd.f32 v28, v7  }
0x2d1: {  	v28 =	vmul.f32 v25, v25;
	[tilespmem:$0x1FE70] =	vst v29;
	v29 =	vmul.f32 v26, v50;
	v6 =	vadd.f32 v27, v6;
	v27 =	vld [tilespmem:s20+$0x200]  }
0x2d2: {  	v31 =	vld [tilespmem:s20+$0x210];
	v26 =	vperm.xlane v13, v0;
	v45 =	vmul.f32 v25, v5  }
0x2d3: {  	v7 =	vadd.f32 v8, v7;
	v9 =	vmul.f32 v29, v44;
	v29 =	vperm.xlane v6, v1  }
0x2d4: {  	v25 =	vmul.f32 v24, v24;
	v8 =	vadd.f32 v26, v13;
	v13 =	vmul.f32 v30, v30  }
0x2d5: {  	v5 =	vmul.f32 v5, v5;
	v26 =	vperm.xlane v7, v0;
	v6 =	vadd.f32 v29, v6  }
0x2d6: {  	v29 =	vperm.xlane v8, v1;
	v13 =	vadd.f32 v25, v13;
	v30 =	vmul.f32 v30, v27  }
0x2d7: {  	v7 =	vadd.f32 v7, v26;
	v26 =	vmul.f32 v31, v31;
	v27 =	vmul.f32 v27, v27  }
0x2d8: {  	v25 =	vperm.xlane v6, v2;
	v8 =	vadd.f32 v29, v8;
	v13 =	vadd.f32 v28, v13  }
0x2d9: {  	v24 =	vmul.f32 v24, v31;
	v28 =	vmul.f32 v30, v34;
	v30 =	vld [tilespmem:s20+$0x130];
	v27 =	vadd.f32 v26, v27  }
0x2da: {  	v29 =	vadd.f32 v25, v6;
	v6 =	vld [tilespmem:s19+$0x130];
	v25 =	vperm.xlane v8, v2;
	v4 =	vadd.f32 v4, v13  }
0x2db: {  	v24 =	vmul.f32 v24, v33;
	v13 =	vperm.xlane v7, v1;
	v28 =	vadd.f32 $0.0e+00, v28  }
0x2dc: {  	v5 =	vadd.f32 v5, v27;
	v25 =	vadd.f32 v25, v8;
	v31 =	vperm.xlane v4, v0  }
0x2dd: {  	v8 =	vmul.f32 v45, v60;
	v26 =	vadd.f32 v7, v13;
	v7 =	vadd.f32 v24, v28  }
0x2de: {  	v18 =	vperm.xlane v14, v2;
	v19 =	vperm.xlane v20, v3;
	v4 =	vadd.f32 v31, v4  }
0x2df: {  	v5 =	vadd.f32 v12, v5;
	v7 =	vadd.f32 v8, v7;
	v8 =	vmul.f32 v6, v30  }
0x2e0: {  	v21 =	vperm.xlane v22, v3;
	v24 =	vld [tilespmem:s19+$0x1A0];
	v46 =	vperm.xlane v4, v1  }
0x2e1: {  	v7 =	vadd.f32 v11, v7;
	v11 =	vperm.xlane v5, v0;
	v12 =	vmul.f32 v8, v44;
	v8 =	vld [tilespmem:s19+$0x190]  }
0x2e2: {  	v10 =	vmul.f32 v50, v50;
	v63 =	vperm.xlane v29, v3;
	v31 =	vld [tilespmem:s20+$0x1A0];
	v4 =	vadd.f32 v46, v4  }
0x2e3: {  	v13 =	vmul.f32 v30, v30;
	v30 =	vperm.xlane v7, v0;
	v5 =	vadd.f32 v11, v5  }
0x2e4: {  	v58 =	vadd.f32 v55, v37;
	v27 =	vperm.xlane v25, v3;
	v32 =	vperm.xlane v4, v2  }
0x2e5: {  	v28 =	vperm.xlane v26, v2;
	v7 =	vadd.f32 v7, v30;
	v30 =	vperm.xlane v5, v1  }
0x2e6: {  	v56 =	vld [tilespmem:s19+$0xB0];
	v53 =	vmul.f32 v8, v8;
	v23 =	vadd.f32 v32, v4;
	v4 =	vmul.f32 v47, v47  }
0x2e7: {  	v57 =	vld [tilespmem:s20+$0xB0];
	v11 =	vmul.f32 v24, v31;
	v52 =	vperm.xlane v7, v1;
	v5 =	vadd.f32 v30, v5  }
0x2e8: {  	v6 =	vmul.f32 v6, v6;
	v24 =	vmul.f32 v24, v24;
	v4 =	vadd.f32 v53, v4  }
0x2e9: {  	v50 =	vmul.f32 v11, v60;
	v54 =	vperm.xlane v5, v2;
	v7 =	vadd.f32 v7, v52  }
0x2ea: {  	v11 =	vmul.f32 v31, v31;
	v8 =	vmul.f32 v8, v48;
	v4 =	vadd.f32 v24, v4  }
0x2eb: {  	v59 =	vld [tilespmem:s19+$0x120];
	v24 =	vperm.xlane v7, v2;
	v32 =	vadd.f32 v54, v5;
	v5 =	vmul.f32 v35, v34  }
0x2ec: {  	v47 =	vmul.f32 v56, v57;
	v11 =	vadd.f32 v11, v58;
	v4 =	vadd.f32 v51, v4  }
0x2ed: {  	v8 =	vmul.f32 v8, v33;
	v45 =	vadd.f32 v7, v24;
	v7 =	vld [tilespmem:s20+$0x120];
	v5 =	vadd.f32 $0.0e+00, v5  }
0x2ee: {  	v31 =	vperm.xlane v23, v3;
	v53 =	vmul.f32 v56, v56;
	v10 =	vadd.f32 v10, v11;
	v24 =	vld [tilespmem:s19+$0x110]  }
0x2ef: {  	v48 =	vld [tilespmem:s19+$0x100];
	v11 =	vmul.f32 v57, v57;
	v46 =	vperm.xlane v4, v0;
	v5 =	vadd.f32 v8, v5  }
0x2f0: {  	v54 =	vld [tilespmem:s20+$0x110];
	v49 =	vperm.xlane v10, v0;
	v51 =	vmul.f32 v59, v59  }
0x2f1: {  	v37 =	vperm.xlane v45, v3;
	v4 =	vadd.f32 v46, v4;
	v5 =	vadd.f32 v50, v5;
	v50 =	vld [tilespmem:s20+$0x100]  }
0x2f2: {  	v8 =	vmul.f32 v47, v44;
	v36 =	vmul.f32 v59, v7  }
0x2f3: {  	v55 =	vmul.f32 v24, v24;
	v52 =	vperm.xlane v4, v1;
	v5 =	vadd.f32 v9, v5  }
0x2f4: {  	v7 =	vmul.f32 v7, v7;
	v9 =	vadd.f32 v49, v10;
	v10 =	vmul.f32 v48, v48  }
0x2f5: {  	v59 =	vmul.f32 v54, v54;
	v4 =	vadd.f32 v52, v4;
	v56 =	vperm.xlane v5, v0  }
0x2f6: {  	v57 =	vperm.xlane v9, v1;
	v10 =	vadd.f32 v55, v10;
	v40 =	vmul.f32 v48, v50  }
0x2f7: {  	[tilespmem:$0x1FE80] =	vst v45;
	v45 =	vmul.f32 v50, v50;
	v58 =	vperm.xlane v4, v2;
	v5 =	vadd.f32 v5, v56  }
0x2f8: {  	v24 =	vmul.f32 v24, v54;
	v9 =	vadd.f32 v57, v9;
	v10 =	vadd.f32 v51, v10  }
0x2f9: {  	v47 =	vld [tilespmem:s20+$0x30];
	[tilespmem:$0x1FE90] =	vst v37;
	v62 =	vmul.f32 v40, v34;
	v39 =	vadd.f32 v59, v45;
	v37 =	vadd.f32 v58, v4  }
0x2fa: {  	v4 =	vld [tilespmem:s19+$0x30];
	v6 =	vadd.f32 v6, v10;
	v10 =	vperm.xlane v5, v1;
	v46 =	vperm.xlane v9, v2  }
0x2fb: {  	v24 =	vmul.f32 v24, v33;
	v50 =	vld [tilespmem:s20+$0xA0];
	v48 =	vadd.f32 $0.0e+00, v62;
	v7 =	vadd.f32 v7, v39  }
0x2fc: {  	v49 =	vperm.xlane v6, v0;
	v38 =	vadd.f32 v5, v10;
	v35 =	vadd.f32 v46, v9  }
0x2fd: {  	v9 =	vmul.f32 v36, v60;
	v46 =	vld [tilespmem:s20+$0x90];
	v5 =	vadd.f32 v24, v48;
	v7 =	vadd.f32 v13, v7  }
0x2fe: {  	v61 =	vperm.xlane v32, v3;
	v55 =	vld [tilespmem:s20+$0x80];
	v42 =	vperm.xlane v37, v3;
	v6 =	vadd.f32 v49, v6  }
0x2ff: {  	v45 =	vld [tilespmem:s19+$0x80];
	v5 =	vadd.f32 v9, v5;
	v9 =	vmul.f32 v4, v47;
	v13 =	vperm.xlane v7, v0  }
0x300: {  	v56 =	vmul.f32 v50, v50;
	v24 =	vld [tilespmem:s19+$0xA0];
	v51 =	vperm.xlane v6, v1  }
0x301: {  	v5 =	vadd.f32 v12, v5;
	v10 =	vmul.f32 v9, v44;
	v9 =	vld [tilespmem:s19+$0x90];
	v7 =	vadd.f32 v13, v7  }
0x302: {  	v12 =	vmul.f32 v47, v47;
	v62 =	vmul.f32 v46, v46;
	v6 =	vadd.f32 v51, v6  }
0x303: {  	v52 =	vperm.xlane v5, v0;
	v54 =	vperm.xlane v7, v1  }
0x304: {  	v47 =	vmul.f32 v55, v55;
	v43 =	vperm.xlane v6, v2  }
0x305: {  	v13 =	vmul.f32 v24, v50;
	v5 =	vadd.f32 v5, v52;
	v7 =	vadd.f32 v54, v7  }
0x306: {  	v39 =	vadd.f32 v43, v6;
	v6 =	vmul.f32 v45, v45;
	v58 =	vmul.f32 v9, v9  }
0x307: {  	v49 =	vld [tilespmem:s19+$0xFFFFFFB0];
	v24 =	vmul.f32 v24, v24;
	v57 =	vperm.xlane v5, v1  }
0x308: {  	v52 =	vld [tilespmem:s20+$0xFFFFFFB0];
	v45 =	vmul.f32 v45, v55;
	v59 =	vperm.xlane v7, v2;
	v6 =	vadd.f32 v58, v6  }
0x309: {  	v54 =	vadd.f32 v62, v47;
	v47 =	vld [tilespmem:s20+$0x0];
	v9 =	vmul.f32 v9, v46;
	v5 =	vadd.f32 v5, v57  }
0x30a: {  	v46 =	vld [tilespmem:s19+$0x20];
	v43 =	vadd.f32 v59, v7;
	v7 =	vmul.f32 v45, v34;
	v6 =	vadd.f32 v24, v6  }
0x30b: {  	v4 =	vmul.f32 v4, v4;
	v59 =	vld [tilespmem:s19+$0x0];
	v24 =	vperm.xlane v5, v2  }
0x30c: {  	v9 =	vmul.f32 v9, v33;
	v7 =	vadd.f32 $0.0e+00, v7;
	v6 =	vadd.f32 v53, v6  }
0x30d: {  	v58 =	vmul.f32 v49, v52;
	v55 =	vadd.f32 v5, v24;
	v24 =	vadd.f32 v56, v54  }
0x30e: {  	v13 =	vmul.f32 v13, v60;
	v45 =	vld [tilespmem:s19+$0x10];
	v7 =	vadd.f32 v9, v7;
	v56 =	vperm.xlane v6, v0  }
0x30f: {  	v40 =	vmul.f32 v46, v46;
	v9 =	vmul.f32 v58, v44;
	v24 =	vadd.f32 v11, v24  }
0x310: {  	v5 =	vld [tilespmem:s20+$0x20];
	v50 =	vmul.f32 v59, v47;
	v7 =	vadd.f32 v13, v7;
	v6 =	vadd.f32 v56, v6  }
0x311: {  	v57 =	vperm.xlane v55, v3;
	v13 =	vperm.xlane v24, v0  }
0x312: {  	[tilespmem:$0x1FEA0] =	vst v55;
	v11 =	vmul.f32 v52, v52;
	v56 =	vld [tilespmem:s20+$0x10];
	v7 =	vadd.f32 v8, v7;
	v55 =	vperm.xlane v6, v1  }
0x313: {  	v8 =	vadd.f32 v13, v24;
	v13 =	vmul.f32 v59, v59;
	v24 =	vmul.f32 v45, v45  }
0x314: {  	v52 =	vmul.f32 v49, v49;
	[tilespmem:$0x1FEB0] =	vst v57;
	v57 =	vperm.xlane v7, v0  }
0x315: {  	v46 =	vmul.f32 v46, v5;
	v6 =	vadd.f32 v55, v6;
	v13 =	vadd.f32 v24, v13  }
0x316: {  	v59 =	vmul.f32 v50, v34;
	v58 =	vperm.xlane v8, v1;
	v7 =	vadd.f32 v7, v57  }
0x317: {  	v45 =	vmul.f32 v45, v56;
	v24 =	vperm.xlane v6, v2;
	v13 =	vadd.f32 v40, v13  }
0x318: {  	v53 =	vld [tilespmem:s20+$0xFFFFFF30];
	v49 =	vmul.f32 v56, v56;
	v8 =	vadd.f32 v58, v8;
	v40 =	vmul.f32 v47, v47  }
0x319: {  	v47 =	vadd.f32 v24, v6;
	v6 =	vld [tilespmem:s19+$0xFFFFFF30];
	v4 =	vadd.f32 v4, v13;
	v13 =	vperm.xlane v7, v1  }
0x31a: {  	v57 =	vadd.f32 $0.0e+00, v59;
	v58 =	vmul.f32 v45, v33;
	v24 =	vperm.xlane v8, v2  }
0x31b: {  	v5 =	vmul.f32 v5, v5;
	v49 =	vadd.f32 v49, v40;
	v48 =	vadd.f32 v7, v13  }
0x31c: {  	v45 =	vadd.f32 v24, v8;
	v7 =	vadd.f32 v58, v57;
	v8 =	vmul.f32 v46, v60;
	v13 =	vld [tilespmem:s19+$0xFFFFFFA0]  }
0x31d: {  	v30 =	vperm.xlane v38, v2;
	v59 =	vperm.xlane v4, v0;
	v5 =	vadd.f32 v5, v49;
	v24 =	vld [tilespmem:s20+$0xFFFFFFA0]  }
0x31e: {  	v36 =	vperm.xlane v35, v3;
	v49 =	vld [tilespmem:s19+$0xFFFFFF80];
	v7 =	vadd.f32 v8, v7;
	v8 =	vmul.f32 v6, v53  }
0x31f: {  	v4 =	vadd.f32 v59, v4;
	v5 =	vadd.f32 v12, v5;
	v12 =	vmul.f32 v6, v6;
	v6 =	vld [tilespmem:s19+$0xFFFFFF90]  }
0x320: {  	v56 =	vmul.f32 v53, v53;
	v7 =	vadd.f32 v10, v7;
	v10 =	vmul.f32 v8, v44;
	v8 =	vld [tilespmem:s20+$0xFFFFFF80]  }
0x321: {  	v54 =	vperm.xlane v5, v0;
	v40 =	vperm.xlane v4, v1  }
0x322: {  	v15 =	vadd.f32 v16, v15;
	v55 =	vmul.f32 v13, v24;
	v59 =	vperm.xlane v7, v0  }
0x323: {  	v13 =	vmul.f32 v13, v13;
	v5 =	vadd.f32 v54, v5;
	v4 =	vadd.f32 v40, v4;
	v54 =	vld [tilespmem:s20+$0xFFFFFF90]  }
0x324: {  	v58 =	vmul.f32 v49, v49;
	v40 =	vmul.f32 v6, v6;
	v7 =	vadd.f32 v7, v59  }
0x325: {  	[tilespmem:$0x1FEC0] =	vst v15;
	v14 =	vadd.f32 v14, v18;
	v57 =	vperm.xlane v4, v2;
	v15 =	vmul.f32 v49, v8  }
0x326: {  	v19 =	vadd.f32 v19, v20;
	v8 =	vmul.f32 v8, v8;
	v16 =	vperm.xlane v7, v1  }
0x327: {  	v49 =	vadd.f32 v57, v4;
	v4 =	vadd.f32 v40, v58;
	v15 =	vmul.f32 v15, v34  }
0x328: {  	v6 =	vmul.f32 v6, v54;
	v7 =	vadd.f32 v7, v16;
	v16 =	vmul.f32 v54, v54  }
0x329: {  	v24 =	vmul.f32 v24, v24;
	v53 =	vperm.xlane v5, v1;
	v57 =	vld [tilespmem:s20+$0xFFFFFEB0];
	v4 =	vadd.f32 v13, v4  }
0x32a: {  	v13 =	vld [tilespmem:s19+$0xFFFFFEB0];
	v15 =	vadd.f32 $0.0e+00, v15;
	v6 =	vmul.f32 v6, v33;
	v8 =	vadd.f32 v16, v8  }
0x32b: {  	v5 =	vadd.f32 v53, v5;
	v4 =	vadd.f32 v52, v4;
	v16 =	vperm.xlane v7, v2  }
0x32c: {  	v6 =	vadd.f32 v6, v15;
	v15 =	vmul.f32 v55, v60;
	v8 =	vadd.f32 v24, v8  }
0x32d: {  	[tilespmem:$0x1FED0] =	vst v14;
	v14 =	vld [tilespmem:s20+$0xFFFFFF00];
	v41 =	vperm.xlane v39, v3;
	v24 =	vperm.xlane v4, v0;
	v40 =	vadd.f32 v7, v16  }
0x32e: {  	v53 =	vperm.xlane v5, v2;
	v6 =	vadd.f32 v15, v6;
	v15 =	vld [tilespmem:s19+$0xFFFFFF10];
	v8 =	vadd.f32 v11, v8  }
0x32f: {  	v16 =	vmul.f32 v57, v57;
	v4 =	vadd.f32 v24, v4;
	v24 =	vmul.f32 v13, v57;
	v57 =	vld [tilespmem:$0x1FE40]  }
0x330: {  	v55 =	vmul.f32 v13, v13;
	v6 =	vadd.f32 v9, v6;
	v9 =	vld [tilespmem:s19+$0xFFFFFF00];
	v13 =	vperm.xlane v8, v0  }
0x331: {  	v21 =	vadd.f32 v21, v22;
	v11 =	vperm.xlane v40, v3;
	v58 =	vperm.xlane v4, v1  }
0x332: {  	v62 =	vperm.xlane v43, v3;
	v52 =	vadd.f32 v53, v5;
	v5 =	vld [tilespmem:s19+$0xFFFFFF20];
	v8 =	vadd.f32 v13, v8  }
0x333: {  	v51 =	vperm.xlane v47, v3;
	[tilespmem:$0x1FE50] =	vst v11;
	v11 =	vld [tilespmem:s20+$0xFFFFFF10];
	v18 =	vperm.xlane v6, v0;
	v4 =	vadd.f32 v58, v4  }
0x334: {  	[tilespmem:$0x1FEF0] =	vst v19;
	v19 =	vmul.f32 v15, v15;
	v17 =	vadd.f32 v57, v17;
	v13 =	vperm.xlane v8, v1  }
0x335: {  	[tilespmem:$0x1FF00] =	vst v21;
	v7 =	vld [tilespmem:s20+$0xFFFFFF20];
	v6 =	vadd.f32 v6, v18;
	v18 =	vperm.xlane v4, v2;
	v21 =	vmul.f32 v9, v14  }
0x336: {  	v22 =	vadd.f32 v63, v29;
	v9 =	vmul.f32 v9, v9;
	v14 =	vmul.f32 v14, v14  }
0x337: {  	[tilespmem:$0x1FEE0] =	vst v17;
	v17 =	vmul.f32 v5, v5;
	v20 =	vperm.xlane v6, v1  }
0x338: {  	[tilespmem:$0x1FF10] =	vst v22;
	v15 =	vmul.f32 v15, v11;
	v22 =	vmul.f32 v11, v11  }
0x339: {  	v13 =	vadd.f32 v13, v8;
	v21 =	vmul.f32 v21, v34;
	v11 =	vadd.f32 v18, v4  }
0x33a: {  	v5 =	vmul.f32 v5, v7;
	v4 =	vld [tilespmem:s19+$0xFFFFFE30];
	v9 =	vadd.f32 v19, v9;
	v8 =	vadd.f32 v6, v20  }
0x33b: {  	v19 =	vld [tilespmem:s20+$0xFFFFFE30];
	v15 =	vmul.f32 v15, v33;
	v6 =	vperm.xlane v13, v2;
	v18 =	vadd.f32 $0.0e+00, v21  }
0x33c: {  	v7 =	vmul.f32 v7, v7;
	v14 =	vadd.f32 v22, v14;
	v17 =	vadd.f32 v17, v9  }
0x33d: {  	v5 =	vmul.f32 v5, v60;
	v9 =	vadd.f32 v6, v13;
	v6 =	vadd.f32 v15, v18  }
0x33e: {  	v50 =	vperm.xlane v48, v2;
	v46 =	vperm.xlane v45, v3;
	v7 =	vadd.f32 v7, v14  }
0x33f: {  	v54 =	vperm.xlane v49, v3;
	v59 =	vmul.f32 v4, v4;
	v5 =	vadd.f32 v5, v6  }
0x340: {  	v6 =	vadd.f32 v56, v7;
	v7 =	vmul.f32 v4, v19;
	v4 =	vadd.f32 v26, v28  }
0x341: {  	v53 =	vperm.xlane v52, v3;
	v21 =	vmul.f32 v24, v44;
	v15 =	vadd.f32 v12, v17  }
0x342: {  	v14 =	vld [tilespmem:s19+$0xFFFFFEA0];
	v13 =	vperm.xlane v8, v2;
	[tilespmem:$0x1FF20] =	vst v4;
	v4 =	vadd.f32 v10, v5;
	v5 =	vperm.xlane v6, v0  }
0x343: {  	v29 =	vmovc v60;
	v17 =	vld [tilespmem:s20+$0xFFFFFEA0];
	v60 =	vmul.f32 v19, v19;
	v20 =	vperm.xlane v15, v0;
	v19 =	vadd.f32 v27, v25  }
0x344: {  	v25 =	vadd.f32 v61, v32;
	v10 =	vmul.f32 v7, v44;
	v7 =	vld [tilespmem:s19+$0xFFFFFE90];
	v5 =	vadd.f32 v5, v6  }
0x345: {  	[tilespmem:$0x1FF30] =	vst v19;
	v19 =	vld [tilespmem:s19+$0xFFFFFE80];
	v22 =	vperm.xlane v4, v0;
	v6 =	vadd.f32 v20, v15;
	v20 =	vadd.f32 v31, v23  }
0x346: {  	v12 =	vperm.xlane v9, v3;
	v26 =	vadd.f32 v42, v37;
	v28 =	vadd.f32 v38, v30;
	v23 =	vld [tilespmem:s20+$0xFFFFFE90]  }
0x347: {  	v24 =	vld [tilespmem:s20+$0xFFFFFE80];
	v37 =	vadd.f32 v54, v49;
	[tilespmem:$0x1FF40] =	vst v20;
	v4 =	vadd.f32 v4, v22;
	v20 =	vperm.xlane v5, v1  }
0x348: {  	v38 =	vadd.f32 v53, v52;
	v15 =	vmul.f32 v14, v17;
	v22 =	vperm.xlane v6, v1  }
0x349: {  	[tilespmem:$0x1FF50] =	vst v25;
	v14 =	vmul.f32 v14, v14;
	v25 =	vperm.xlane v4, v1;
	v5 =	vadd.f32 v20, v5  }
0x34a: {  	v6 =	vadd.f32 v22, v6;
	v20 =	vmul.f32 v19, v19;
	v22 =	vmul.f32 v7, v7  }
0x34b: {  	[tilespmem:$0x1FF70] =	vst v28;
	v28 =	vmul.f32 v23, v23;
	v7 =	vmul.f32 v7, v23;
	v23 =	vadd.f32 v41, v39  }
0x34c: {  	v19 =	vmul.f32 v19, v24;
	v41 =	vadd.f32 v12, v9;
	v20 =	vadd.f32 v22, v20  }
0x34d: {  	[tilespmem:$0x1FF60] =	vst v26;
	v26 =	vperm.xlane v5, v2;
	v27 =	vperm.xlane v6, v2;
	v4 =	vadd.f32 v4, v25  }
0x34e: {  	v22 =	vmul.f32 v24, v24;
	v19 =	vmul.f32 v19, v34;
	v14 =	vadd.f32 v14, v20  }
0x34f: {  	v42 =	vadd.f32 v27, v6;
	v6 =	vld [tilespmem:s19+$0xFFFFFDB0];
	v24 =	vperm.xlane v4, v2;
	v20 =	vadd.f32 v26, v5  }
0x350: {  	v17 =	vmul.f32 v17, v17;
	v5 =	vld [tilespmem:s20+$0xFFFFFDB0];
	v22 =	vadd.f32 v28, v22;
	v14 =	vadd.f32 v55, v14  }
0x351: {  	v18 =	vperm.xlane v11, v3;
	v30 =	vadd.f32 v4, v24;
	v4 =	vadd.f32 $0.0e+00, v19  }
0x352: {  	v9 =	vld [tilespmem:s19+$0xFFFFFC30];
	v7 =	vmul.f32 v7, v33;
	v17 =	vadd.f32 v17, v22;
	v22 =	vadd.f32 v36, v35  }
0x353: {  	v32 =	vadd.f32 v8, v13;
	v15 =	vmul.f32 v15, v29;
	v57 =	vperm.xlane v42, v3;
	v19 =	vld [tilespmem:s19+$0xFFFFFE20]  }
0x354: {  	[tilespmem:$0x1FF80] =	vst v22;
	v22 =	vld [tilespmem:s20+$0xFFFFFE20];
	v4 =	vadd.f32 v7, v4;
	v7 =	vadd.f32 v16, v17;
	v16 =	vperm.xlane v14, v0  }
0x355: {  	[tilespmem:$0x1FF90] =	vst v23;
	v23 =	vadd.f32 v51, v47;
	v24 =	vld [tilespmem:s19+$0xFFFFFE00];
	v17 =	vmul.f32 v6, v5;
	v61 =	vmul.f32 v6, v6  }
0x356: {  	v6 =	vld [tilespmem:s19+$0xFFFFFE10];
	v63 =	vmul.f32 v5, v5;
	v4 =	vadd.f32 v15, v4;
	v15 =	vperm.xlane v7, v0  }
0x357: {  	v5 =	vld [tilespmem:s20+$0xFFFFFE10];
	v14 =	vadd.f32 v16, v14;
	v16 =	vmul.f32 v17, v44;
	v17 =	vadd.f32 v62, v43  }
0x358: {  	v56 =	vperm.xlane v20, v3;
	v54 =	vmul.f32 v9, v9;
	v4 =	vadd.f32 v21, v4  }
0x359: {  	v7 =	vadd.f32 v15, v7;
	v15 =	vperm.xlane v14, v1;
	[tilespmem:$0x1FFA0] =	vst v17;
	v17 =	vld [tilespmem:s20+$0xFFFFFE00];
	v21 =	vmul.f32 v19, v22  }
0x35a: {  	v51 =	vadd.f32 v48, v50;
	v19 =	vmul.f32 v19, v19;
	v25 =	vperm.xlane v4, v0  }
0x35b: {  	v26 =	vperm.xlane v7, v1;
	v14 =	vadd.f32 v15, v14;
	v15 =	vmul.f32 v24, v24  }
0x35c: {  	v31 =	vmovc v29;
	v35 =	vadd.f32 v18, v11;
	v28 =	vmul.f32 v6, v6;
	v29 =	vmul.f32 v5, v5  }
0x35d: {  	v4 =	vadd.f32 v4, v25;
	v7 =	vadd.f32 v26, v7;
	v25 =	vperm.xlane v14, v2  }
0x35e: {  	v5 =	vmul.f32 v6, v5;
	v15 =	vadd.f32 v28, v15;
	v26 =	vmul.f32 v17, v17  }
0x35f: {  	v6 =	vld [tilespmem:s19+$0xFFFFFD80];
	v58 =	vperm.xlane v4, v1;
	v62 =	vperm.xlane v7, v2;
	v14 =	vadd.f32 v25, v14  }
0x360: {  	v22 =	vmul.f32 v22, v22;
	v28 =	vld [tilespmem:s19+$0xFFFFFD30];
	v15 =	vadd.f32 v19, v15;
	v26 =	vadd.f32 v29, v26  }
0x361: {  	v27 =	vperm.xlane v30, v3;
	v25 =	vld [tilespmem:s20+$0xFFFFFD30];
	v58 =	vadd.f32 v4, v58;
	v55 =	vadd.f32 v62, v7  }
0x362: {  	v11 =	vld [tilespmem:s20+$0xFFFFFD80];
	v5 =	vmul.f32 v5, v33;
	v7 =	vadd.f32 v59, v15;
	v4 =	vadd.f32 v22, v26  }
0x363: {  	v36 =	vadd.f32 v46, v45;
	v19 =	vmul.f32 v21, v31;
	v17 =	vmul.f32 v24, v17  }
0x364: {  	v13 =	vmul.f32 v6, v6;
	v26 =	vperm.xlane v7, v0;
	v4 =	vadd.f32 v60, v4  }
0x365: {  	v47 =	vadd.f32 v56, v20;
	v17 =	vmul.f32 v17, v34;
	v21 =	vmul.f32 v28, v28  }
0x366: {  	v22 =	vld [tilespmem:s19+$0xFFFFFDA0];
	v28 =	vmul.f32 v28, v25;
	v7 =	vadd.f32 v26, v7;
	v24 =	vperm.xlane v4, v0  }
0x367: {  	v6 =	vmul.f32 v6, v11;
	v15 =	vperm.xlane v14, v3;
	v17 =	vadd.f32 $0.0e+00, v17;
	v26 =	vld [tilespmem:s19+$0xFFFFFD90]  }
0x368: {  	v45 =	vmul.f32 v28, v44;
	v28 =	vld [tilespmem:s20+$0xFFFFFD90];
	v4 =	vadd.f32 v24, v4;
	v24 =	vperm.xlane v7, v1  }
0x369: {  	v6 =	vmul.f32 v6, v34;
	v62 =	vperm.xlane v58, v2;
	v5 =	vadd.f32 v5, v17  }
0x36a: {  	v50 =	vmul.f32 v25, v25;
	v25 =	vld [tilespmem:s20+$0xFFFFFDA0];
	v18 =	vperm.xlane v4, v1;
	v7 =	vadd.f32 v24, v7  }
0x36b: {  	v49 =	vadd.f32 v15, v14;
	v5 =	vadd.f32 v19, v5;
	v29 =	vmul.f32 v22, v22  }
0x36c: {  	v17 =	vmul.f32 v26, v26;
	v4 =	vadd.f32 v18, v4;
	v8 =	vperm.xlane v7, v2  }
0x36d: {  	v39 =	vadd.f32 v10, v5;
	v5 =	vld [tilespmem:s19+$0xFFFFFD00];
	v19 =	vmul.f32 v28, v28;
	v18 =	vmul.f32 v11, v11  }
0x36e: {  	v13 =	vadd.f32 v17, v13;
	v12 =	vperm.xlane v4, v2;
	v7 =	vadd.f32 v8, v7;
	v8 =	vld [tilespmem:s20+$0xFFFFFC30]  }
0x36f: {  	v22 =	vmul.f32 v22, v25;
	v24 =	vmul.f32 v25, v25;
	v17 =	vld [tilespmem:s19+$0xFFFFFD10];
	v10 =	vadd.f32 v19, v18  }
0x370: {  	v59 =	vperm.xlane v55, v3;
	v18 =	vld [tilespmem:s19+$0xFFFFFD20];
	v4 =	vadd.f32 v12, v4;
	v12 =	vadd.f32 v29, v13  }
0x371: {  	v22 =	vmul.f32 v22, v31;
	v43 =	vperm.xlane v39, v0;
	v10 =	vadd.f32 v24, v10  }
0x372: {  	v20 =	vmul.f32 v5, v5;
	v13 =	vperm.xlane v7, v3;
	v12 =	vadd.f32 v61, v12  }
0x373: {  	v14 =	vld [tilespmem:s20+$0xFFFFFCB0];
	v9 =	vmul.f32 v9, v8;
	v60 =	vmul.f32 v8, v8;
	v8 =	vadd.f32 v63, v10  }
0x374: {  	[tilespmem:$0x1FFB0] =	vst v23;
	v23 =	vadd.f32 v57, v42;
	v11 =	vld [tilespmem:s19+$0xFFFFFCB0];
	v24 =	vmul.f32 v17, v17;
	v10 =	vperm.xlane v12, v0  }
0x375: {  	v6 =	vadd.f32 $0.0e+00, v6;
	v15 =	vmul.f32 v18, v18;
	v25 =	vperm.xlane v8, v0  }
0x376: {  	v12 =	vadd.f32 v10, v12;
	v10 =	vadd.f32 v24, v20;
	v20 =	vmul.f32 v26, v28  }
0x377: {  	v42 =	vadd.f32 v58, v62;
	v19 =	vperm.xlane v4, v3;
	v46 =	vmul.f32 v9, v44;
	v24 =	vld [tilespmem:s20+$0xFFFFFD20]  }
0x378: {  	v28 =	vld [tilespmem:s20+$0xFFFFFD00];
	v8 =	vadd.f32 v25, v8;
	v15 =	vadd.f32 v15, v10;
	v20 =	vmul.f32 v20, v33  }
0x379: {  	v52 =	vadd.f32 v59, v55;
	v10 =	vmul.f32 v11, v11;
	v11 =	vmul.f32 v11, v14  }
0x37a: {  	v53 =	vld [tilespmem:s19+$0xFFFFFC90];
	v9 =	vperm.xlane v12, v1;
	v25 =	vperm.xlane v8, v1;
	v15 =	vadd.f32 v21, v15  }
0x37b: {  	v29 =	vld [tilespmem:s20+$0xFFFFFC20];
	v6 =	vadd.f32 v20, v6;
	v20 =	vmul.f32 v14, v14;
	v48 =	vmul.f32 v11, v44  }
0x37c: {  	v57 =	vld [tilespmem:s19+$0xFFFFFC10];
	v9 =	vadd.f32 v9, v12;
	v18 =	vmul.f32 v18, v24;
	v21 =	vmul.f32 v24, v24  }
0x37d: {  	v12 =	vld [tilespmem:s19+$0xFFFFFC20];
	v8 =	vadd.f32 v25, v8;
	v5 =	vmul.f32 v5, v28;
	v11 =	vperm.xlane v15, v0  }
0x37e: {  	v55 =	vadd.f32 v13, v7;
	v26 =	vld [tilespmem:s20+$0xFFFFFD10];
	v28 =	vmul.f32 v28, v28;
	v14 =	vperm.xlane v9, v2  }
0x37f: {  	v58 =	vld [tilespmem:s20+$0xFFFFFC90];
	v6 =	vadd.f32 v22, v6;
	v22 =	vperm.xlane v8, v2;
	v11 =	vadd.f32 v11, v15  }
0x380: {  	p1 =	sne.s32 s23, $0xF0;
	v62 =	vld [tilespmem:s19+$0xFFFFFC00];
	v24 =	vmul.f32 v29, v29;
	v18 =	vmul.f32 v18, v31;
	v9 =	vadd.f32 v14, v9  }
.Ltmp2:
0x381: {  	v61 =	vld [tilespmem:s20+$0xFFFFFC10];
	v44 =	vmovc v27;
	v15 =	vmul.f32 v5, v34;
	v63 =	vadd.f32 v22, v8;
	v8 =	vperm.xlane v11, v1;
	(pc) =	sbr.rel @p1 .LBB2_7-.Ltmp2, $4  }
0x382: {  	v13 =	vld [tilespmem:s20+$0xFFFFFC80];
	v27 =	vmovc v51;
	v51 =	vadd.f32 v16, v6;
	v14 =	vmul.f32 v12, v12;
	v12 =	vmul.f32 v12, v29  }
0x383: {  	v31 =	vmovc v40;
	v40 =	vld [tilespmem:$0x1FE50];
	v22 =	vmul.f32 v17, v26;
	v6 =	vperm.xlane v9, v3;
	v25 =	vadd.f32 v8, v11  }
0x384: {  	v59 =	vadd.f32 v19, v4;
	v17 =	vmul.f32 v26, v26;
	v56 =	vperm.xlane v51, v0;
	v11 =	vld [tilespmem:s20+$0xFFFFFC00]  }
0x385: {  	s22 =	smov.u32 s23;
	s23 =	sadd.s32 $0x10, s23;
	v16 =	vperm.xlane v63, v3;
	v8 =	vld [tilespmem:s19+$0xFFFFFC80];
	v9 =	vadd.f32 v6, v9;
	v26 =	vperm.xlane v25, v2  }
0x386: {  	_ =	sdelay $0x1  }
0x387: {  	v33 =	vld [tilespmem:s20+$0xFFFFFCA0]  }
0x388: {  	v6 =	vmul.f32 v61, v61;
	v7 =	vmul.f32 v11, v11  }
0x389: {  	v19 =	vmul.f32 v57, v57;
	v34 =	vmul.f32 v62, v62  }
0x38a: {  	v5 =	vld [tilespmem:s19+$0xFFFFFCA0];
	v29 =	vmul.f32 v13, v13;
	v6 =	vadd.f32 v6, v7;
	v7 =	vmul.f32 v58, v58  }
0x38b: {  	v17 =	vadd.f32 v17, v28  }
0x38c: {  	v19 =	vadd.f32 v19, v34;
	v7 =	vadd.f32 v7, v29;
	v29 =	vmul.f32 v33, v33  }
0x38d: {  	v34 =	vmul.f32 v53, v53;
	v17 =	vadd.f32 v21, v17;
	v4 =	vmul.f32 v8, v8  }
0x38e: {  	v6 =	vadd.f32 v24, v6;
	v7 =	vadd.f32 v29, v7  }
0x38f: {  	v14 =	vadd.f32 v14, v19;
	v4 =	vadd.f32 v34, v4;
	v34 =	vmul.f32 v5, v5  }
0x390: {  	v6 =	vadd.f32 v60, v6;
	v7 =	vadd.f32 v20, v7  }
0x391: {  	v17 =	vadd.f32 v50, v17;
	v4 =	vadd.f32 v34, v4  }
0x392: {  	v14 =	vadd.f32 v54, v14;
	v21 =	vperm.xlane v6, v0;
	v28 =	vperm.xlane v7, v0  }
0x393: {  	v34 =	vperm.xlane v17, v0;
	v4 =	vadd.f32 v10, v4  }
0x394: {  	v24 =	vperm.xlane v14, v0;
	v6 =	vadd.f32 v21, v6;
	v7 =	vadd.f32 v28, v7  }
0x395: {  	v17 =	vadd.f32 v34, v17;
	v29 =	vperm.xlane v4, v0  }
0x396: {  	v10 =	vadd.f32 v24, v14;
	v50 =	vperm.xlane v6, v1;
	v60 =	vperm.xlane v7, v1  }
0x397: {  	v4 =	vadd.f32 v29, v4;
	v29 =	vperm.xlane v17, v1  }
0x398: {  	v54 =	vperm.xlane v10, v1;
	v6 =	vadd.f32 v50, v6;
	v7 =	vadd.f32 v60, v7  }
0x399: {  	v17 =	vadd.f32 v29, v17  }
0x39a: {  	v10 =	vadd.f32 v54, v10;
	v34 =	vperm.xlane v6, v2;
	v54 =	vperm.xlane v7, v2  }
0x39b: {  	v24 =	vld [tilespmem:$0x1FFD0];
	v20 =	vadd.f32 v26, v25;
	v19 =	vperm.xlane v4, v1;
	v25 =	vperm.xlane v17, v2  }
0x39c: {  	v6 =	vadd.f32 v34, v6;
	v7 =	vadd.f32 v54, v7  }
0x39d: {  	v50 =	vperm.xlane v10, v2;
	v4 =	vadd.f32 v19, v4;
	v17 =	vadd.f32 v25, v17  }
0x39e: {  	v15 =	vadd.f32 $0.0e+00, v15;
	v26 =	vperm.xlane v6, v3;
	v29 =	vperm.xlane v7, v3  }
0x39f: {  	v10 =	vadd.f32 v50, v10;
	v60 =	vperm.xlane v4, v2;
	v54 =	vperm.xlane v17, v3  }
0x3a0: {  	v28 =	vmul.f32 v22, v24;
	v6 =	vadd.f32 v26, v6;
	v7 =	vadd.f32 v29, v7  }
0x3a1: {  	v4 =	vadd.f32 v60, v4;
	v17 =	vadd.f32 v54, v17  }
0x3a2: {  	v16 =	vadd.f32 v16, v63;
	v15 =	vadd.f32 v28, v15;
	v6 =	vsel vm0, v6, v7  }
0x3a3: {  	v28 =	vperm.xlane v10, v3;
	v34 =	vperm.xlane v4, v3;
	v6 =	vsel vm1, v6, v17  }
0x3a4: {  	v50 =	vperm.xlane v20, v3;
	v6 =	vsel vm2, v6, v16;
	v16 =	vld [tilespmem:$0x1FFC0]  }
0x3a5: {  	v10 =	vadd.f32 v28, v10;
	v4 =	vadd.f32 v34, v4  }
0x3a6: {  	v15 =	vadd.f32 v18, v15;
	v18 =	vadd.f32 v50, v20  }
0x3a7: {  	v4 =	vsel vm0, v10, v4;
	v7 =	vmul.f32 v8, v13  }
0x3a8: {  	v57 =	vmul.f32 v57, v61;
	v4 =	vsel vm1, v4, v18;
	v18 =	vld [tilespmem:$0x1FFE0]  }
0x3a9: {  	v61 =	vmul.f32 v53, v58;
	v7 =	vmul.f32 v7, v16  }
0x3aa: {  	v5 =	vmul.f32 v5, v33;
	v60 =	vmul.f32 v62, v11  }
0x3ab: {  	v4 =	vsel vm2, v4, v9;
	v9 =	vmul.f32 v61, v24;
	v7 =	vadd.f32 $0.0e+00, v7  }
0x3ac: {  	v8 =	vmul.f32 v60, v16  }
0x3ad: {  	v5 =	vmul.f32 v5, v18;
	v7 =	vadd.f32 v9, v7  }
0x3ae: {  	v62 =	vmul.f32 v57, v24;
	v8 =	vadd.f32 $0.0e+00, v8  }
0x3af: {  	v4 =	vsel vm3, v4, v55;
	v5 =	vadd.f32 v5, v7;
	v7 =	vld [tilespmem:$0x1FFB0]  }
0x3b0: {  	v4 =	vsel vm4, v4, v49;
	v19 =	vmul.f32 v12, v18;
	v8 =	vadd.f32 v62, v8  }
0x3b1: {  	v4 =	vsel vm5, v4, v23  }
0x3b2: {  	v4 =	vsel vm6, v4, v35;
	v8 =	vadd.f32 v19, v8  }
0x3b3: {  	v6 =	vsel vm3, v6, v59;
	v4 =	vsel vm7, v4, v37  }
0x3b4: {  	v6 =	vsel vm4, v6, v52;
	v4 =	vsel vm8, v4, v7;
	v7 =	vadd.f32 v46, v8;
	v8 =	vld [tilespmem:$0x1FFA0]  }
0x3b5: {  	v6 =	vsel vm5, v6, v47  }
0x3b6: {  	v6 =	vsel vm6, v6, v41  }
0x3b7: {  	v6 =	vsel vm7, v6, v38  }
0x3b8: {  	v6 =	vsel vm8, v6, v36  }
0x3b9: {  	v6 =	vsel vm9, v6, v8;
	v8 =	vld [tilespmem:$0x1FF90];
	_ =	sdelay $0x4  }
0x3ba: {  	v4 =	vsel vm9, v4, v8;
	v8 =	vld [tilespmem:$0x1FF80];
	_ =	sdelay $0x4  }
0x3bb: {  	v6 =	vsel vm10, v6, v8;
	v8 =	vld [tilespmem:$0x1FF60];
	_ =	sdelay $0x4  }
0x3bc: {  	v4 =	vsel vm10, v4, v8;
	v8 =	vld [tilespmem:$0x1FF50];
	_ =	sdelay $0x4  }
0x3bd: {  	v5 =	vadd.f32 v48, v5;
	v6 =	vsel vm11, v6, v8;
	v8 =	vperm.xlane v7, v0;
	_ =	sdelay $0x1  }
0x3be: {  	v22 =	vld [tilespmem:$0x1FF30];
	v7 =	vadd.f32 v7, v8;
	v8 =	vperm.xlane v5, v0  }
0x3bf: {  	v25 =	vld [tilespmem:$0x1FF00]  }
0x3c0: {  	v5 =	vadd.f32 v5, v8;
	v8 =	vld [tilespmem:$0x1FEE0];
	_ =	sdelay $0x1  }
0x3c1: {  	v21 =	vld [tilespmem:$0x1FF40]  }
0x3c2: {  	v23 =	vld [tilespmem:$0x1FF10];
	v6 =	vsel vm12, v6, v22  }
0x3c3: {  	v26 =	vld [tilespmem:$0x1FEF0];
	v6 =	vsel vm13, v6, v25  }
0x3c4: {  	v6 =	vsel vm14, v6, v8;
	v8 =	vld [tilespmem:$0x1FEC0]  }
0x3c5: {  	v63 =	vadd.f32 v45, v15  }
0x3c6: {  	v4 =	vsel vm11, v4, v21  }
0x3c7: {  	v28 =	vperm.xlane v63, v0;
	v4 =	vsel vm12, v4, v23  }
0x3c8: {  	v4 =	vsel vm13, v4, v26  }
0x3c9: {  	v33 =	vperm.xlane v5, v1;
	v4 =	vsel vm14, v4, v8;
	v8 =	vadd.f32 v63, v28  }
0x3ca: {  	v20 =	vadd.f32 v51, v56;
	v4 =	vmul.f32 v4, v6;
	v6 =	vperm.xlane v7, v1  }
0x3cb: {  	v34 =	vadd.f32 v39, v43;
	v35 =	vperm.xlane v8, v1  }
0x3cc: {  	v29 =	vperm.xlane v20, v1;
	v5 =	vadd.f32 v5, v33;
	v6 =	vadd.f32 v7, v6  }
0x3cd: {  	v37 =	vperm.xlane v34, v1;
	v8 =	vadd.f32 v8, v35  }
0x3ce: {  	v9 =	vadd.f32 v20, v29;
	v41 =	vperm.xlane v5, v2;
	v39 =	vperm.xlane v6, v2  }
0x3cf: {  	v11 =	vadd.f32 v34, v37;
	v43 =	vperm.xlane v8, v2  }
0x3d0: {  	v45 =	vperm.xlane v9, v2;
	v5 =	vadd.f32 v5, v41;
	v6 =	vadd.f32 v6, v39  }
0x3d1: {  	v46 =	vperm.xlane v11, v2;
	v8 =	vadd.f32 v8, v43  }
0x3d2: {  	v9 =	vadd.f32 v9, v45;
	v47 =	vperm.xlane v5, v3;
	v14 =	vperm.xlane v6, v3  }
0x3d3: {  	v11 =	vadd.f32 v11, v46;
	v48 =	vperm.xlane v8, v3  }
0x3d4: {  	v49 =	vperm.xlane v9, v3;
	v5 =	vadd.f32 v5, v47;
	v6 =	vadd.f32 v6, v14  }
0x3d5: {  	v50 =	vperm.xlane v11, v3;
	v8 =	vadd.f32 v8, v48  }
0x3d6: {  	v51 =	vperm.xlane v42, v3;
	v5 =	vsel vm0, v6, v5;
	v6 =	vadd.f32 v9, v49  }
0x3d7: {  	v5 =	vsel vm1, v5, v8;
	v8 =	vadd.f32 v11, v50  }
0x3d8: {  	v53 =	vperm.xlane v32, v3;
	v5 =	vsel vm2, v5, v6;
	v6 =	vadd.f32 v42, v51  }
0x3d9: {  	v36 =	vshra.s32 v4, $0x1;
	v5 =	vsel vm3, v5, v8;
	v8 =	vadd.f32 v30, v44  }
0x3da: {  	v4 =	vmul.f32 $5.000000000e-01, v4;
	v5 =	vsel vm4, v5, v6;
	v6 =	vadd.f32 v32, v53  }
0x3db: {  	v7 =	vsub.s32 $0x5F3759DF, v36;
	v5 =	vsel vm5, v5, v8;
	v8 =	vadd.f32 v31, v40  }
0x3dc: {  	v57 =	vld [tilespmem:$0x1FEB0];
	v38 =	vmul.f32 v7, v4;
	v5 =	vsel vm6, v5, v6  }
0x3dd: {  	v5 =	vsel vm7, v5, v8;
	v8 =	vld [tilespmem:$0x1FEA0]  }
0x3de: {  	v13 =	vmul.f32 v7, v38  }
0x3df: {  	v54 =	vperm.xlane v27, v3  }
0x3e0: {  	v13 =	vsub.f32 $1.500000000e+00, v13  }
0x3e1: {  	v55 =	vld [tilespmem:$0x1FF70];
	v6 =	vadd.f32 v27, v54  }
0x3e2: {  	v7 =	vmul.f32 v7, v13;
	v8 =	vadd.f32 v8, v57  }
0x3e3: {  	v60 =	vld [tilespmem:$0x1FE90];
	v5 =	vsel vm8, v5, v6  }
0x3e4: {  	v13 =	vmul.f32 v7, v4;
	v5 =	vsel vm9, v5, v8;
	v8 =	vld [tilespmem:$0x1FE80];
	_ =	sdelay $0x1  }
0x3e5: {  	v56 =	vperm.xlane v55, v3;
	v52 =	vmul.f32 v13, v7;
	_ =	sdelay $0x1  }
0x3e6: {  	v58 =	vld [tilespmem:$0x1FF20];
	v10 =	vsub.f32 $1.500000000e+00, v52;
	v6 =	vadd.f32 v55, v56  }
0x3e7: {  	v61 =	vld [tilespmem:$0x1FED0];
	v8 =	vadd.f32 v8, v60  }
0x3e8: {  	v63 =	vld [tilespmem:$0x1FE70];
	v7 =	vmul.f32 v10, v7;
	v5 =	vsel vm10, v5, v6  }
0x3e9: {  	v5 =	vsel vm11, v5, v8;
	v8 =	vld [tilespmem:$0x1FE60]  }
0x3ea: {  	v4 =	vmul.f32 v7, v4  }
0x3eb: {  	v59 =	vperm.xlane v58, v3  }
0x3ec: {  	v4 =	vmul.f32 v4, v7  }
0x3ed: {  	v62 =	vperm.xlane v61, v3;
	v6 =	vadd.f32 v58, v59  }
0x3ee: {  	v4 =	vsub.f32 $1.500000000e+00, v4;
	v8 =	vadd.f32 v8, v63  }
0x3ef: {  	v5 =	vsel vm12, v5, v6;
	v6 =	vadd.f32 v61, v62  }
0x3f0: {  	v4 =	vmul.f32 v4, v7;
	v5 =	vsel vm13, v5, v8  }
0x3f1: {  	v5 =	vsel vm14, v5, v6  }
.Ltmp3:
0x3f2: {  	v4 =	vmul.f32 v4, v5;
	(pc) =	sbr.rel @p0 .LBB2_2-.Ltmp3, $4  }
0x3f3: {  	s0 =	sand.u32 $0x80, s22  }
0x3f4: {  	s1 =	sand.u32 $0x70, s22;
	s0 =	sadd.s32 s0, s21  }
0x3f5: {  	s0 =	sadd.s32 s1, s0  }
0x3f6: {  	p1 =	por $0x0, $0x0;
	s21 =	simm.s32 $0x100;
	v7 =	vld [tilespmem:$0x1FFF0];
	v6 =	vmov v18;
	[tilespmem:s0+$0x0] =	vst v4;
	v5 =	vmov v24;
	v4 =	vmov v16  }
0x3f7: {  	s0 =	rddreg [dreg:$0x9];
	s1 =	simm.s32 $0x10480;
	s3 =	simm.s32 $0x5  }
0x3f8: {  	[hbm4b:s0+s2] =	stream.linear.scatter [tilespmem:s1], [sflag:$0x5], $0x200, $0x38;
	[tilespmem:$0x10680] =	vst v63  }
0x3f9: {  	_ =	swait.ge [sflag:s3], $0x200  }
0x3fa: {  	s30 =	rddreg [dreg:$0xb]  }
0x3fb: {  	s31 =	rddreg [dreg:$0xa];
	s1 =	sadd.s32 $0x1, s30  }
0x3fc: {  	p0 =	sne.s32 s1, s31  }
.Ltmp4:
0x3fd: {  	_ = 	snop;
	(pc) =	sbr.rel @p0 .LBB2_1-.Ltmp4, $3  }
0x3fe: {  	_ =	sdelay $0x1  }
0x3ff: {  	[sflag:s3] =	ssyncset.done $0x0  }
0x400: {  	[sflag:s3] =	ssyncadd.s32 $0xFFFFFE00  }
0x401: {  	_ =	sfence.sel $0x180000  }
0x402: {  	[bflag:$0x0] =	sbarrier.arrive $0xFFFF  }
0x403: {  	_ =	strace $0x90000047  }
0x404: {  	s0 =	stileid.u32;
	[bflag:$0x2] =	sbarrier.arrive $0xFFFF  }
0x405: {  	p0 =	sne.s32 s0, $0x0;
	s0 =	rddreg [dreg:$0x5]  }
0x406: {  	s0 =	sadd.s32 @!p0 $0x100000, s0  }
0x407: {  	[sflag:s0] =	ssyncadd.tile.s32 @!p0 $0x1;
	_ =	shalt  }
.Lfunc_end2:
_tile_overlayer_lowered:
.L_overlay_start_2:
0x408: {  	(tag) =	ssettag $0x2  }
0x409: {  	s0 =	rddreg [dreg:$0x0];
	s2 =	stileid.u32  }
0x40a: {  	s1 =	rddreg [dreg:$0x1];
	p0 =	sne.s32 s2, $0x0  }
0x40b: {  	s3 =	rddreg [dreg:$0x2];
	[bflag:$0x3] =	sbarrier.arrive $0xFFFF;
	s2 =	simm.s32 @!p0 $0x1C05  }
0x40c: {  	[timem:s3], [sflag:s2] =	dma.local @!p0 [hbm:s0], s1  }
0x40d: {  	s0 =	simm.s32 @!p0 $0x5  }
0x40e: {  	_ =	swait.ge @!p0 [sflag:s0], s1  }
0x40f: {  	s1 =	ssub.s32 @!p0 $0x0, s1;
	[sflag:s0] =	ssyncset.done @!p0 $0x0  }
0x410: {  	[sflag:s0] =	ssyncadd.s32 @!p0 s1  }
0x411: {  	[bflag:$0x3] =	sbarrier.arrive $0xFFFF  }
0x412: {  	_ =	shalt  }

</sc_bundles>
